<compile_context>
chip_gen: v7x
topology: tpu7x:2x2x1
jax: 0.10.2.dev20260603
libtpu: 0.0.44.dev20260713+nightly
codegen_flags: <defaults>
</compile_context>

<pallas_src>
import jax
import jax.numpy as jnp
from jax import lax
from jax.experimental import pallas as pl
from jax.experimental.pallas import tpu as pltpu
from jax.experimental.pallas import tpu_sc as plsc

VOCAB = 100000
D = 128
W = 200
B = 1024

NC, NS = 2, 16
NW = NC * NS
ROWS_PER_W = B // NW
H = 2
WH = W // H
NBUF = 4


def _body(tab_hbm, tok_hbm, pos_hbm, out_hbm, idx_v, pos_s, *scratch):
    bufs = list(scratch[:NBUF])
    sem_idx = scratch[NBUF]
    sem_pos = list(scratch[NBUF + 1:NBUF + 1 + NBUF])
    sem_gat = list(scratch[NBUF + 1 + NBUF:NBUF + 1 + 2 * NBUF])
    sem_out = list(scratch[NBUF + 1 + 2 * NBUF:NBUF + 1 + 3 * NBUF])

    sid = lax.axis_index("s")
    wid = sid * NC + lax.axis_index("c")

    @pl.when(sid == 0)
    def _load_pos():
        pltpu.sync_copy(pos_hbm, pos_s)

    d_idx = pltpu.async_copy(tok_hbm.at[pl.ds(wid * ROWS_PER_W, ROWS_PER_W)],
                             idx_v, sem_idx)
    plsc.subcore_barrier()

    d_pos = [None] * NBUF
    d_out = [None] * NBUF
    d_gat = [None] * NBUF

    def start_pos(jw):
        s = jw % NBUF
        if d_out[s] is not None:
            d_out[s].wait()
            d_out[s] = None
        d_pos[s] = pltpu.async_copy(pos_s, bufs[s], sem_pos[s])

    def start_gather(jw):
        s = jw % NBUF
        d_pos[s].wait()
        d_gat[s] = [
            pltpu.async_copy(
                tab_hbm.at[idx_v.at[jw].at[h]],
                bufs[s].at[pl.ds(h * WH, WH)],
                sem_gat[s], add=True)
            for h in range(H)
        ]

    def finish(jw):
        s = jw % NBUF
        for d in d_gat[s]:
            d.wait()
        row = wid * ROWS_PER_W + jw
        d_out[s] = pltpu.async_copy(bufs[s], out_hbm.at[pl.ds(row * W, W)],
                                    sem_out[s])

    for jw in range(NBUF - 1):
        d_pos[jw] = pltpu.async_copy(pos_s, bufs[jw], sem_pos[jw])
    d_idx.wait()
    start_gather(0)

    for j in range(ROWS_PER_W):
        if j + 1 < ROWS_PER_W:
            start_gather(j + 1)
        if j + NBUF - 1 < ROWS_PER_W:
            start_pos(j + NBUF - 1)
        finish(j)

    for s in range(NBUF):
        if d_out[s] is not None:
            d_out[s].wait()


def kernel(tokens, token_embedding, position_embedding, position_indices):
    del position_indices
    tokens3 = tokens.reshape(B, H, WH).astype(jnp.int32)
    mesh = plsc.VectorSubcoreMesh(
        core_axis_name="c", subcore_axis_name="s",
        num_cores=NC, num_subcores=NS,
    )
    out = pl.kernel(
        _body,
        out_type=jax.ShapeDtypeStruct((B * W, D), jnp.float32),
        mesh=mesh,
        scratch_types=[
            pltpu.VMEM((ROWS_PER_W, H, WH), jnp.int32),
            pltpu.VMEM_SHARED((W, D), jnp.float32),
        ] + [pltpu.VMEM((W, D), jnp.float32)] * NBUF
          + [pltpu.SemaphoreType.DMA] * (1 + 3 * NBUF),
    )(token_embedding, tokens3, position_embedding)
    return out.reshape(B, W, D)

# --- scband reference (transcript-rebuilt; emitter-appended) ---
"""Pipeline reference for scband-clipembedding-69148973465611 (READ-ONLY COPY).

The authoritative reference and input builder live on the scoring server;
editing this copy changes nothing except your own understanding.
"""

import jax, jax.numpy as jnp
import numpy as np

VOCAB_LEN = 100000
EMBEDDING_LEN = 128
WINDOW_LEN = 200
BATCH = 1024


def setup_inputs(seed: int = 0) -> dict:
    key = jax.random.key(seed)
    k_tok, k_te, k_pe = jax.random.split(key, 3)
    tokens = jax.random.randint(k_tok, (BATCH, WINDOW_LEN), 0, VOCAB_LEN, dtype=jnp.int64 if jax.config.jax_enable_x64 else jnp.int32)
    token_embedding = jax.random.normal(k_te, (VOCAB_LEN, EMBEDDING_LEN), dtype=jnp.float32) * 0.02
    position_embedding = jax.random.normal(k_pe, (WINDOW_LEN, EMBEDDING_LEN), dtype=jnp.float32) * 0.02
    position_indices = jnp.arange(WINDOW_LEN)[None, :]
    return {
        "tokens": tokens,
        "token_embedding": token_embedding,
        "position_embedding": position_embedding,
        "position_indices": position_indices,
    }


def reference(tokens, token_embedding, position_embedding, position_indices):
    # embeddings = self.token_embedding(tokens)
    embeddings = jnp.take(token_embedding, tokens, axis=0)  # [B, W, D]
    # positions = self.position_embedding(self.position_indices)
    positions = jnp.take(position_embedding, position_indices, axis=0)  # [1, W, D]
    hidden_states = embeddings + positions
    return hidden_states

if __name__ == "__main__":
    import jax
    _d = setup_inputs()
    print(jax.jit(kernel)(*tuple(_d.values())))

</pallas_src>

<mosaic_0001>
#map = affine_map<(d0, d1) -> (0, 0)>
#map1 = affine_map<(d0, d1) -> (0, 0, 0)>
module attributes {stable_mosaic.version = 14 : i64} {
  func.func @_body(%arg0: i32, %arg1: i32, %arg2: memref<100000x128xf32, #tpu.memory_space<hbm>>, %arg3: memref<1024x2x100xi32, #tpu.memory_space<hbm>>, %arg4: memref<200x128xf32, #tpu.memory_space<hbm>>, %arg5: memref<204800x128xf32, #tpu.memory_space<hbm>>, %arg6: memref<32x2x100xi32, #tpu.memory_space<vmem>>, %arg7: memref<200x128xf32, #tpu.memory_space<vmem_shared>>, %arg8: memref<200x128xf32, #tpu.memory_space<vmem>>, %arg9: memref<200x128xf32, #tpu.memory_space<vmem>>, %arg10: memref<200x128xf32, #tpu.memory_space<vmem>>, %arg11: memref<200x128xf32, #tpu.memory_space<vmem>>, %arg12: memref<!tpu.dma_semaphore, #tpu.memory_space<semaphore_mem>>, %arg13: memref<!tpu.dma_semaphore, #tpu.memory_space<semaphore_mem>>, %arg14: memref<!tpu.dma_semaphore, #tpu.memory_space<semaphore_mem>>, %arg15: memref<!tpu.dma_semaphore, #tpu.memory_space<semaphore_mem>>, %arg16: memref<!tpu.dma_semaphore, #tpu.memory_space<semaphore_mem>>, %arg17: memref<!tpu.dma_semaphore, #tpu.memory_space<semaphore_mem>>, %arg18: memref<!tpu.dma_semaphore, #tpu.memory_space<semaphore_mem>>, %arg19: memref<!tpu.dma_semaphore, #tpu.memory_space<semaphore_mem>>, %arg20: memref<!tpu.dma_semaphore, #tpu.memory_space<semaphore_mem>>, %arg21: memref<!tpu.dma_semaphore, #tpu.memory_space<semaphore_mem>>, %arg22: memref<!tpu.dma_semaphore, #tpu.memory_space<semaphore_mem>>, %arg23: memref<!tpu.dma_semaphore, #tpu.memory_space<semaphore_mem>>, %arg24: memref<!tpu.dma_semaphore, #tpu.memory_space<semaphore_mem>>) attributes {dimension_semantics = [#tpu.dimension_semantics<core_parallel>, #tpu.dimension_semantics<subcore_parallel>], iteration_bounds = array<i64: 2, 16>, scalar_prefetch = 0 : i64, scratch_operands = 19 : i64, tpu.core_type = #tpu.core_type<sc_vector_subcore>, window_params = [{transform_indices = #map}, {transform_indices = #map1}, {transform_indices = #map}, {transform_indices = #map}]} {
    %mul3A = arith.constant 2 : i32
    %mul3A_0 = arith.muli %arg1, %mul3A : i32
    %add3A = arith.addi %mul3A_0, %arg0 : i32
    %eq3A = arith.constant 0 : i32
    %eq3A_1 = arith.cmpi eq, %arg1, %eq3A : i32
    %convert_element_type3A = arith.extui %eq3A_1 : i1 to i32
    %cond3A = arith.constant 0 : i32
    %cond3A_2 = arith.cmpi ne, %convert_element_type3A, %cond3A : i32
    scf.if %cond3A_2 {
      "tpu.region"() ({
        %run_scoped3A = tpu.sem_alloc : memref<!tpu.dma_semaphore, #tpu.memory_space<semaphore_mem>>
        tpu.enqueue_dma source(%arg4 : memref<200x128xf32, #tpu.memory_space<hbm>>) target(%arg7 : memref<200x128xf32, #tpu.memory_space<vmem_shared>>) target_semaphore(%run_scoped3A : memref<!tpu.dma_semaphore, #tpu.memory_space<semaphore_mem>>)
        tpu.wait_dma2 semaphore(%run_scoped3A : memref<!tpu.dma_semaphore, #tpu.memory_space<semaphore_mem>>) src(%arg4 : memref<200x128xf32, #tpu.memory_space<hbm>>) dst(%arg7 : memref<200x128xf32, #tpu.memory_space<vmem_shared>>)
        tpu.yield
      }) : () -> ()
    } else {
    }
    %mul3A_3 = arith.constant 32 : i32
    %mul3A_4 = arith.muli %add3A, %mul3A_3 : i32
    %dma_start3A = arith.constant 0 : i32
    %dma_start3A_5 = arith.constant 0 : i32
    %dma_start3A_6 = tpu.memref_slice %arg3[%mul3A_4, %dma_start3A, %dma_start3A_5] : memref<1024x2x100xi32, #tpu.memory_space<hbm>> -> memref<32x2x100xi32, #tpu.memory_space<hbm>>
    %dma_start3A_7 = arith.constant 0 : i32
    %dma_start3A_8 = arith.constant 0 : i32
    %dma_start3A_9 = tpu.memref_slice %arg3[%mul3A_4, %dma_start3A_7, %dma_start3A_8] : memref<1024x2x100xi32, #tpu.memory_space<hbm>> -> memref<32x2x100xi32, #tpu.memory_space<hbm>>
    tpu.enqueue_dma source(%dma_start3A_9 : memref<32x2x100xi32, #tpu.memory_space<hbm>>) target(%arg6 : memref<32x2x100xi32, #tpu.memory_space<vmem>>) target_semaphore(%arg12 : memref<!tpu.dma_semaphore, #tpu.memory_space<semaphore_mem>>)
    %barrier3A = arith.constant 0 : index
    tpu.barrier barrier_id(%barrier3A)
    tpu.enqueue_dma source(%arg7 : memref<200x128xf32, #tpu.memory_space<vmem_shared>>) target(%arg8 : memref<200x128xf32, #tpu.memory_space<vmem>>) target_semaphore(%arg13 : memref<!tpu.dma_semaphore, #tpu.memory_space<semaphore_mem>>)
    tpu.enqueue_dma source(%arg7 : memref<200x128xf32, #tpu.memory_space<vmem_shared>>) target(%arg9 : memref<200x128xf32, #tpu.memory_space<vmem>>) target_semaphore(%arg14 : memref<!tpu.dma_semaphore, #tpu.memory_space<semaphore_mem>>)
    tpu.enqueue_dma source(%arg7 : memref<200x128xf32, #tpu.memory_space<vmem_shared>>) target(%arg10 : memref<200x128xf32, #tpu.memory_space<vmem>>) target_semaphore(%arg15 : memref<!tpu.dma_semaphore, #tpu.memory_space<semaphore_mem>>)
    %dma_wait3A = arith.constant 0 : i32
    %dma_wait3A_10 = arith.constant 0 : i32
    %dma_wait3A_11 = tpu.memref_slice %arg3[%mul3A_4, %dma_wait3A, %dma_wait3A_10] : memref<1024x2x100xi32, #tpu.memory_space<hbm>> -> memref<32x2x100xi32, #tpu.memory_space<hbm>>
    %dma_wait3A_12 = arith.constant 0 : i32
    %dma_wait3A_13 = arith.constant 0 : i32
    %dma_wait3A_14 = tpu.memref_slice %arg3[%mul3A_4, %dma_wait3A_12, %dma_wait3A_13] : memref<1024x2x100xi32, #tpu.memory_space<hbm>> -> memref<32x2x100xi32, #tpu.memory_space<hbm>>
    tpu.wait_dma2 semaphore(%arg12 : memref<!tpu.dma_semaphore, #tpu.memory_space<semaphore_mem>>) src(%dma_wait3A_14 : memref<32x2x100xi32, #tpu.memory_space<hbm>>) dst(%arg6 : memref<32x2x100xi32, #tpu.memory_space<vmem>>)
    tpu.wait_dma2 semaphore(%arg13 : memref<!tpu.dma_semaphore, #tpu.memory_space<semaphore_mem>>) src(%arg7 : memref<200x128xf32, #tpu.memory_space<vmem_shared>>) dst(%arg8 : memref<200x128xf32, #tpu.memory_space<vmem>>)
    %dma_start3A_15 = arith.constant 0 : i32
    %dma_start3A_16 = arith.constant 0 : i32
    %dma_start3A_17 = arith.constant 0 : i32
    %dma_start3A_18 = arith.constant 0 : i32
    %dma_start3A_19 = tpu.memref_slice %arg8[%dma_start3A_17, %dma_start3A_18] : memref<200x128xf32, #tpu.memory_space<vmem>> -> memref<100x128xf32, #tpu.memory_space<vmem>>
    %dma_start3A_20 = arith.constant 0 : i32
    %dma_start3A_21 = arith.constant 0 : i32
    %dma_start3A_22 = tpu.memref_slice %arg6[%dma_start3A_15, %dma_start3A_20, %dma_start3A_21] : memref<32x2x100xi32, #tpu.memory_space<vmem>> -> memref<1x2x100xi32, #tpu.memory_space<vmem>>
    %dma_start3A_23 = tpu.memref_squeeze %dma_start3A_22 : memref<1x2x100xi32, #tpu.memory_space<vmem>> -> memref<2x100xi32, #tpu.memory_space<vmem>>
    %dma_start3A_24 = arith.constant 0 : i32
    %dma_start3A_25 = tpu.memref_slice %dma_start3A_23[%dma_start3A_16, %dma_start3A_24] : memref<2x100xi32, #tpu.memory_space<vmem>> -> memref<1x100xi32, #tpu.memory_space<vmem>>
    %dma_start3A_26 = tpu.memref_squeeze %dma_start3A_25 : memref<1x100xi32, #tpu.memory_space<vmem>> -> memref<100xi32, #tpu.memory_space<vmem>>
    %dma_start3A_27 = arith.constant 0 : i32
    %dma_start3A_28 = arith.constant 0 : i32
    %dma_start3A_29 = tpu.memref_slice %arg2[%dma_start3A_27, %dma_start3A_28] : memref<100000x128xf32, #tpu.memory_space<hbm>> -> memref<100000x128xf32, #tpu.memory_space<hbm>>
    tpu.enqueue_indirect_dma source(%dma_start3A_29 : memref<100000x128xf32, #tpu.memory_space<hbm>>) target(%dma_start3A_19 : memref<100x128xf32, #tpu.memory_space<vmem>>) offsets(%dma_start3A_26 : memref<100xi32, #tpu.memory_space<vmem>>) semaphore(%arg17 : memref<!tpu.dma_semaphore, #tpu.memory_space<semaphore_mem>>) {add = true}
    %dma_start3A_30 = arith.constant 0 : i32
    %dma_start3A_31 = arith.constant 1 : i32
    %dma_start3A_32 = arith.constant 100 : i32
    %dma_start3A_33 = arith.constant 0 : i32
    %dma_start3A_34 = tpu.memref_slice %arg8[%dma_start3A_32, %dma_start3A_33] : memref<200x128xf32, #tpu.memory_space<vmem>> -> memref<100x128xf32, #tpu.memory_space<vmem>>
    %dma_start3A_35 = arith.constant 0 : i32
    %dma_start3A_36 = arith.constant 0 : i32
    %dma_start3A_37 = tpu.memref_slice %arg6[%dma_start3A_30, %dma_start3A_35, %dma_start3A_36] : memref<32x2x100xi32, #tpu.memory_space<vmem>> -> memref<1x2x100xi32, #tpu.memory_space<vmem>>
    %dma_start3A_38 = tpu.memref_squeeze %dma_start3A_37 : memref<1x2x100xi32, #tpu.memory_space<vmem>> -> memref<2x100xi32, #tpu.memory_space<vmem>>
    %dma_start3A_39 = arith.constant 0 : i32
    %dma_start3A_40 = tpu.memref_slice %dma_start3A_38[%dma_start3A_31, %dma_start3A_39] : memref<2x100xi32, #tpu.memory_space<vmem>> -> memref<1x100xi32, #tpu.memory_space<vmem>>
    %dma_start3A_41 = tpu.memref_squeeze %dma_start3A_40 : memref<1x100xi32, #tpu.memory_space<vmem>> -> memref<100xi32, #tpu.memory_space<vmem>>
    %dma_start3A_42 = arith.constant 0 : i32
    %dma_start3A_43 = arith.constant 0 : i32
    %dma_start3A_44 = tpu.memref_slice %arg2[%dma_start3A_42, %dma_start3A_43] : memref<100000x128xf32, #tpu.memory_space<hbm>> -> memref<100000x128xf32, #tpu.memory_space<hbm>>
    tpu.enqueue_indirect_dma source(%dma_start3A_44 : memref<100000x128xf32, #tpu.memory_space<hbm>>) target(%dma_start3A_34 : memref<100x128xf32, #tpu.memory_space<vmem>>) offsets(%dma_start3A_41 : memref<100xi32, #tpu.memory_space<vmem>>) semaphore(%arg17 : memref<!tpu.dma_semaphore, #tpu.memory_space<semaphore_mem>>) {add = true}
    tpu.wait_dma2 semaphore(%arg14 : memref<!tpu.dma_semaphore, #tpu.memory_space<semaphore_mem>>) src(%arg7 : memref<200x128xf32, #tpu.memory_space<vmem_shared>>) dst(%arg9 : memref<200x128xf32, #tpu.memory_space<vmem>>)
    %dma_start3A_45 = arith.constant 1 : i32
    %dma_start3A_46 = arith.constant 0 : i32
    %dma_start3A_47 = arith.constant 0 : i32
    %dma_start3A_48 = arith.constant 0 : i32
    %dma_start3A_49 = tpu.memref_slice %arg9[%dma_start3A_47, %dma_start3A_48] : memref<200x128xf32, #tpu.memory_space<vmem>> -> memref<100x128xf32, #tpu.memory_space<vmem>>
    %dma_start3A_50 = arith.constant 0 : i32
    %dma_start3A_51 = arith.constant 0 : i32
    %dma_start3A_52 = tpu.memref_slice %arg6[%dma_start3A_45, %dma_start3A_50, %dma_start3A_51] : memref<32x2x100xi32, #tpu.memory_space<vmem>> -> memref<1x2x100xi32, #tpu.memory_space<vmem>>
    %dma_start3A_53 = tpu.memref_squeeze %dma_start3A_52 : memref<1x2x100xi32, #tpu.memory_space<vmem>> -> memref<2x100xi32, #tpu.memory_space<vmem>>
    %dma_start3A_54 = arith.constant 0 : i32
    %dma_start3A_55 = tpu.memref_slice %dma_start3A_53[%dma_start3A_46, %dma_start3A_54] : memref<2x100xi32, #tpu.memory_space<vmem>> -> memref<1x100xi32, #tpu.memory_space<vmem>>
    %dma_start3A_56 = tpu.memref_squeeze %dma_start3A_55 : memref<1x100xi32, #tpu.memory_space<vmem>> -> memref<100xi32, #tpu.memory_space<vmem>>
    %dma_start3A_57 = arith.constant 0 : i32
    %dma_start3A_58 = arith.constant 0 : i32
    %dma_start3A_59 = tpu.memref_slice %arg2[%dma_start3A_57, %dma_start3A_58] : memref<100000x128xf32, #tpu.memory_space<hbm>> -> memref<100000x128xf32, #tpu.memory_space<hbm>>
    tpu.enqueue_indirect_dma source(%dma_start3A_59 : memref<100000x128xf32, #tpu.memory_space<hbm>>) target(%dma_start3A_49 : memref<100x128xf32, #tpu.memory_space<vmem>>) offsets(%dma_start3A_56 : memref<100xi32, #tpu.memory_space<vmem>>) semaphore(%arg18 : memref<!tpu.dma_semaphore, #tpu.memory_space<semaphore_mem>>) {add = true}
    %dma_start3A_60 = arith.constant 1 : i32
    %dma_start3A_61 = arith.constant 1 : i32
    %dma_start3A_62 = arith.constant 100 : i32
    %dma_start3A_63 = arith.constant 0 : i32
    %dma_start3A_64 = tpu.memref_slice %arg9[%dma_start3A_62, %dma_start3A_63] : memref<200x128xf32, #tpu.memory_space<vmem>> -> memref<100x128xf32, #tpu.memory_space<vmem>>
    %dma_start3A_65 = arith.constant 0 : i32
    %dma_start3A_66 = arith.constant 0 : i32
    %dma_start3A_67 = tpu.memref_slice %arg6[%dma_start3A_60, %dma_start3A_65, %dma_start3A_66] : memref<32x2x100xi32, #tpu.memory_space<vmem>> -> memref<1x2x100xi32, #tpu.memory_space<vmem>>
    %dma_start3A_68 = tpu.memref_squeeze %dma_start3A_67 : memref<1x2x100xi32, #tpu.memory_space<vmem>> -> memref<2x100xi32, #tpu.memory_space<vmem>>
    %dma_start3A_69 = arith.constant 0 : i32
    %dma_start3A_70 = tpu.memref_slice %dma_start3A_68[%dma_start3A_61, %dma_start3A_69] : memref<2x100xi32, #tpu.memory_space<vmem>> -> memref<1x100xi32, #tpu.memory_space<vmem>>
    %dma_start3A_71 = tpu.memref_squeeze %dma_start3A_70 : memref<1x100xi32, #tpu.memory_space<vmem>> -> memref<100xi32, #tpu.memory_space<vmem>>
    %dma_start3A_72 = arith.constant 0 : i32
    %dma_start3A_73 = arith.constant 0 : i32
    %dma_start3A_74 = tpu.memref_slice %arg2[%dma_start3A_72, %dma_start3A_73] : memref<100000x128xf32, #tpu.memory_space<hbm>> -> memref<100000x128xf32, #tpu.memory_space<hbm>>
    tpu.enqueue_indirect_dma source(%dma_start3A_74 : memref<100000x128xf32, #tpu.memory_space<hbm>>) target(%dma_start3A_64 : memref<100x128xf32, #tpu.memory_space<vmem>>) offsets(%dma_start3A_71 : memref<100xi32, #tpu.memory_space<vmem>>) semaphore(%arg18 : memref<!tpu.dma_semaphore, #tpu.memory_space<semaphore_mem>>) {add = true}
    tpu.enqueue_dma source(%arg7 : memref<200x128xf32, #tpu.memory_space<vmem_shared>>) target(%arg11 : memref<200x128xf32, #tpu.memory_space<vmem>>) target_semaphore(%arg16 : memref<!tpu.dma_semaphore, #tpu.memory_space<semaphore_mem>>)
    %dma_wait3A_75 = arith.constant 0 : i32
    %dma_wait3A_76 = arith.constant 0 : i32
    %dma_wait3A_77 = arith.constant 0 : i32
    %dma_wait3A_78 = arith.constant 0 : i32
    %dma_wait3A_79 = tpu.memref_slice %arg8[%dma_wait3A_77, %dma_wait3A_78] : memref<200x128xf32, #tpu.memory_space<vmem>> -> memref<100x128xf32, #tpu.memory_space<vmem>>
    %dma_wait3A_80 = arith.constant 0 : i32
    %dma_wait3A_81 = arith.constant 0 : i32
    %dma_wait3A_82 = tpu.memref_slice %arg6[%dma_wait3A_75, %dma_wait3A_80, %dma_wait3A_81] : memref<32x2x100xi32, #tpu.memory_space<vmem>> -> memref<1x2x100xi32, #tpu.memory_space<vmem>>
    %dma_wait3A_83 = tpu.memref_squeeze %dma_wait3A_82 : memref<1x2x100xi32, #tpu.memory_space<vmem>> -> memref<2x100xi32, #tpu.memory_space<vmem>>
    %dma_wait3A_84 = arith.constant 0 : i32
    %dma_wait3A_85 = tpu.memref_slice %dma_wait3A_83[%dma_wait3A_76, %dma_wait3A_84] : memref<2x100xi32, #tpu.memory_space<vmem>> -> memref<1x100xi32, #tpu.memory_space<vmem>>
    %dma_wait3A_86 = tpu.memref_squeeze %dma_wait3A_85 : memref<1x100xi32, #tpu.memory_space<vmem>> -> memref<100xi32, #tpu.memory_space<vmem>>
    %dma_wait3A_87 = arith.constant 0 : i32
    %dma_wait3A_88 = arith.constant 0 : i32
    %dma_wait3A_89 = tpu.memref_slice %arg2[%dma_wait3A_87, %dma_wait3A_88] : memref<100000x128xf32, #tpu.memory_space<hbm>> -> memref<100000x128xf32, #tpu.memory_space<hbm>>
    tpu.wait_indirect_dma semaphore(%arg17 : memref<!tpu.dma_semaphore, #tpu.memory_space<semaphore_mem>>) src(%dma_wait3A_89 : memref<100000x128xf32, #tpu.memory_space<hbm>>) dst(%dma_wait3A_79 : memref<100x128xf32, #tpu.memory_space<vmem>>)
    %dma_wait3A_90 = arith.constant 0 : i32
    %dma_wait3A_91 = arith.constant 1 : i32
    %dma_wait3A_92 = arith.constant 100 : i32
    %dma_wait3A_93 = arith.constant 0 : i32
    %dma_wait3A_94 = tpu.memref_slice %arg8[%dma_wait3A_92, %dma_wait3A_93] : memref<200x128xf32, #tpu.memory_space<vmem>> -> memref<100x128xf32, #tpu.memory_space<vmem>>
    %dma_wait3A_95 = arith.constant 0 : i32
    %dma_wait3A_96 = arith.constant 0 : i32
    %dma_wait3A_97 = tpu.memref_slice %arg6[%dma_wait3A_90, %dma_wait3A_95, %dma_wait3A_96] : memref<32x2x100xi32, #tpu.memory_space<vmem>> -> memref<1x2x100xi32, #tpu.memory_space<vmem>>
    %dma_wait3A_98 = tpu.memref_squeeze %dma_wait3A_97 : memref<1x2x100xi32, #tpu.memory_space<vmem>> -> memref<2x100xi32, #tpu.memory_space<vmem>>
    %dma_wait3A_99 = arith.constant 0 : i32
    %dma_wait3A_100 = tpu.memref_slice %dma_wait3A_98[%dma_wait3A_91, %dma_wait3A_99] : memref<2x100xi32, #tpu.memory_space<vmem>> -> memref<1x100xi32, #tpu.memory_space<vmem>>
    %dma_wait3A_101 = tpu.memref_squeeze %dma_wait3A_100 : memref<1x100xi32, #tpu.memory_space<vmem>> -> memref<100xi32, #tpu.memory_space<vmem>>
    %dma_wait3A_102 = arith.constant 0 : i32
    %dma_wait3A_103 = arith.constant 0 : i32
    %dma_wait3A_104 = tpu.memref_slice %arg2[%dma_wait3A_102, %dma_wait3A_103] : memref<100000x128xf32, #tpu.memory_space<hbm>> -> memref<100000x128xf32, #tpu.memory_space<hbm>>
    tpu.wait_indirect_dma semaphore(%arg17 : memref<!tpu.dma_semaphore, #tpu.memory_space<semaphore_mem>>) src(%dma_wait3A_104 : memref<100000x128xf32, #tpu.memory_space<hbm>>) dst(%dma_wait3A_94 : memref<100x128xf32, #tpu.memory_space<vmem>>)
    %mul3A_105 = arith.constant 32 : i32
    %mul3A_106 = arith.muli %add3A, %mul3A_105 : i32
    %add3A_107 = arith.constant 0 : i32
    %add3A_108 = arith.addi %mul3A_106, %add3A_107 : i32
    %mul3A_109 = arith.constant 200 : i32
    %mul3A_110 = arith.muli %add3A_108, %mul3A_109 : i32
    %dma_start3A_111 = arith.constant 0 : i32
    %dma_start3A_112 = tpu.memref_slice %arg5[%mul3A_110, %dma_start3A_111] : memref<204800x128xf32, #tpu.memory_space<hbm>> -> memref<200x128xf32, #tpu.memory_space<hbm>>
    %dma_start3A_113 = arith.constant 0 : i32
    %dma_start3A_114 = tpu.memref_slice %arg5[%mul3A_110, %dma_start3A_113] : memref<204800x128xf32, #tpu.memory_space<hbm>> -> memref<200x128xf32, #tpu.memory_space<hbm>>
    tpu.enqueue_dma source(%arg8 : memref<200x128xf32, #tpu.memory_space<vmem>>) target(%dma_start3A_114 : memref<200x128xf32, #tpu.memory_space<hbm>>) target_semaphore(%arg21 : memref<!tpu.dma_semaphore, #tpu.memory_space<semaphore_mem>>)
    tpu.wait_dma2 semaphore(%arg15 : memref<!tpu.dma_semaphore, #tpu.memory_space<semaphore_mem>>) src(%arg7 : memref<200x128xf32, #tpu.memory_space<vmem_shared>>) dst(%arg10 : memref<200x128xf32, #tpu.memory_space<vmem>>)
    %dma_start3A_115 = arith.constant 2 : i32
    %dma_start3A_116 = arith.constant 0 : i32
    %dma_start3A_117 = arith.constant 0 : i32
    %dma_start3A_118 = arith.constant 0 : i32
    %dma_start3A_119 = tpu.memref_slice %arg10[%dma_start3A_117, %dma_start3A_118] : memref<200x128xf32, #tpu.memory_space<vmem>> -> memref<100x128xf32, #tpu.memory_space<vmem>>
    %dma_start3A_120 = arith.constant 0 : i32
    %dma_start3A_121 = arith.constant 0 : i32
    %dma_start3A_122 = tpu.memref_slice %arg6[%dma_start3A_115, %dma_start3A_120, %dma_start3A_121] : memref<32x2x100xi32, #tpu.memory_space<vmem>> -> memref<1x2x100xi32, #tpu.memory_space<vmem>>
    %dma_start3A_123 = tpu.memref_squeeze %dma_start3A_122 : memref<1x2x100xi32, #tpu.memory_space<vmem>> -> memref<2x100xi32, #tpu.memory_space<vmem>>
    %dma_start3A_124 = arith.constant 0 : i32
    %dma_start3A_125 = tpu.memref_slice %dma_start3A_123[%dma_start3A_116, %dma_start3A_124] : memref<2x100xi32, #tpu.memory_space<vmem>> -> memref<1x100xi32, #tpu.memory_space<vmem>>
    %dma_start3A_126 = tpu.memref_squeeze %dma_start3A_125 : memref<1x100xi32, #tpu.memory_space<vmem>> -> memref<100xi32, #tpu.memory_space<vmem>>
    %dma_start3A_127 = arith.constant 0 : i32
    %dma_start3A_128 = arith.constant 0 : i32
    %dma_start3A_129 = tpu.memref_slice %arg2[%dma_start3A_127, %dma_start3A_128] : memref<100000x128xf32, #tpu.memory_space<hbm>> -> memref<100000x128xf32, #tpu.memory_space<hbm>>
    tpu.enqueue_indirect_dma source(%dma_start3A_129 : memref<100000x128xf32, #tpu.memory_space<hbm>>) target(%dma_start3A_119 : memref<100x128xf32, #tpu.memory_space<vmem>>) offsets(%dma_start3A_126 : memref<100xi32, #tpu.memory_space<vmem>>) semaphore(%arg19 : memref<!tpu.dma_semaphore, #tpu.memory_space<semaphore_mem>>) {add = true}
    %dma_start3A_130 = arith.constant 2 : i32
    %dma_start3A_131 = arith.constant 1 : i32
    %dma_start3A_132 = arith.constant 100 : i32
    %dma_start3A_133 = arith.constant 0 : i32
    %dma_start3A_134 = tpu.memref_slice %arg10[%dma_start3A_132, %dma_start3A_133] : memref<200x128xf32, #tpu.memory_space<vmem>> -> memref<100x128xf32, #tpu.memory_space<vmem>>
    %dma_start3A_135 = arith.constant 0 : i32
    %dma_start3A_136 = arith.constant 0 : i32
    %dma_start3A_137 = tpu.memref_slice %arg6[%dma_start3A_130, %dma_start3A_135, %dma_start3A_136] : memref<32x2x100xi32, #tpu.memory_space<vmem>> -> memref<1x2x100xi32, #tpu.memory_space<vmem>>
    %dma_start3A_138 = tpu.memref_squeeze %dma_start3A_137 : memref<1x2x100xi32, #tpu.memory_space<vmem>> -> memref<2x100xi32, #tpu.memory_space<vmem>>
    %dma_start3A_139 = arith.constant 0 : i32
    %dma_start3A_140 = tpu.memref_slice %dma_start3A_138[%dma_start3A_131, %dma_start3A_139] : memref<2x100xi32, #tpu.memory_space<vmem>> -> memref<1x100xi32, #tpu.memory_space<vmem>>
    %dma_start3A_141 = tpu.memref_squeeze %dma_start3A_140 : memref<1x100xi32, #tpu.memory_space<vmem>> -> memref<100xi32, #tpu.memory_space<vmem>>
    %dma_start3A_142 = arith.constant 0 : i32
    %dma_start3A_143 = arith.constant 0 : i32
    %dma_start3A_144 = tpu.memref_slice %arg2[%dma_start3A_142, %dma_start3A_143] : memref<100000x128xf32, #tpu.memory_space<hbm>> -> memref<100000x128xf32, #tpu.memory_space<hbm>>
    tpu.enqueue_indirect_dma source(%dma_start3A_144 : memref<100000x128xf32, #tpu.memory_space<hbm>>) target(%dma_start3A_134 : memref<100x128xf32, #tpu.memory_space<vmem>>) offsets(%dma_start3A_141 : memref<100xi32, #tpu.memory_space<vmem>>) semaphore(%arg19 : memref<!tpu.dma_semaphore, #tpu.memory_space<semaphore_mem>>) {add = true}
    %dma_wait3A_145 = arith.constant 0 : i32
    %dma_wait3A_146 = tpu.memref_slice %arg5[%mul3A_110, %dma_wait3A_145] : memref<204800x128xf32, #tpu.memory_space<hbm>> -> memref<200x128xf32, #tpu.memory_space<hbm>>
    %dma_wait3A_147 = arith.constant 0 : i32
    %dma_wait3A_148 = tpu.memref_slice %arg5[%mul3A_110, %dma_wait3A_147] : memref<204800x128xf32, #tpu.memory_space<hbm>> -> memref<200x128xf32, #tpu.memory_space<hbm>>
    tpu.wait_dma2 semaphore(%arg21 : memref<!tpu.dma_semaphore, #tpu.memory_space<semaphore_mem>>) src(%arg8 : memref<200x128xf32, #tpu.memory_space<vmem>>) dst(%dma_wait3A_148 : memref<200x128xf32, #tpu.memory_space<hbm>>)
    tpu.enqueue_dma source(%arg7 : memref<200x128xf32, #tpu.memory_space<vmem_shared>>) target(%arg8 : memref<200x128xf32, #tpu.memory_space<vmem>>) target_semaphore(%arg13 : memref<!tpu.dma_semaphore, #tpu.memory_space<semaphore_mem>>)
    %dma_wait3A_149 = arith.constant 1 : i32
    %dma_wait3A_150 = arith.constant 0 : i32
    %dma_wait3A_151 = arith.constant 0 : i32
    %dma_wait3A_152 = arith.constant 0 : i32
    %dma_wait3A_153 = tpu.memref_slice %arg9[%dma_wait3A_151, %dma_wait3A_152] : memref<200x128xf32, #tpu.memory_space<vmem>> -> memref<100x128xf32, #tpu.memory_space<vmem>>
    %dma_wait3A_154 = arith.constant 0 : i32
    %dma_wait3A_155 = arith.constant 0 : i32
    %dma_wait3A_156 = tpu.memref_slice %arg6[%dma_wait3A_149, %dma_wait3A_154, %dma_wait3A_155] : memref<32x2x100xi32, #tpu.memory_space<vmem>> -> memref<1x2x100xi32, #tpu.memory_space<vmem>>
    %dma_wait3A_157 = tpu.memref_squeeze %dma_wait3A_156 : memref<1x2x100xi32, #tpu.memory_space<vmem>> -> memref<2x100xi32, #tpu.memory_space<vmem>>
    %dma_wait3A_158 = arith.constant 0 : i32
    %dma_wait3A_159 = tpu.memref_slice %dma_wait3A_157[%dma_wait3A_150, %dma_wait3A_158] : memref<2x100xi32, #tpu.memory_space<vmem>> -> memref<1x100xi32, #tpu.memory_space<vmem>>
    %dma_wait3A_160 = tpu.memref_squeeze %dma_wait3A_159 : memref<1x100xi32, #tpu.memory_space<vmem>> -> memref<100xi32, #tpu.memory_space<vmem>>
    %dma_wait3A_161 = arith.constant 0 : i32
    %dma_wait3A_162 = arith.constant 0 : i32
    %dma_wait3A_163 = tpu.memref_slice %arg2[%dma_wait3A_161, %dma_wait3A_162] : memref<100000x128xf32, #tpu.memory_space<hbm>> -> memref<100000x128xf32, #tpu.memory_space<hbm>>
    tpu.wait_indirect_dma semaphore(%arg18 : memref<!tpu.dma_semaphore, #tpu.memory_space<semaphore_mem>>) src(%dma_wait3A_163 : memref<100000x128xf32, #tpu.memory_space<hbm>>) dst(%dma_wait3A_153 : memref<100x128xf32, #tpu.memory_space<vmem>>)
    %dma_wait3A_164 = arith.constant 1 : i32
    %dma_wait3A_165 = arith.constant 1 : i32
    %dma_wait3A_166 = arith.constant 100 : i32
    %dma_wait3A_167 = arith.constant 0 : i32
    %dma_wait3A_168 = tpu.memref_slice %arg9[%dma_wait3A_166, %dma_wait3A_167] : memref<200x128xf32, #tpu.memory_space<vmem>> -> memref<100x128xf32, #tpu.memory_space<vmem>>
    %dma_wait3A_169 = arith.constant 0 : i32
    %dma_wait3A_170 = arith.constant 0 : i32
    %dma_wait3A_171 = tpu.memref_slice %arg6[%dma_wait3A_164, %dma_wait3A_169, %dma_wait3A_170] : memref<32x2x100xi32, #tpu.memory_space<vmem>> -> memref<1x2x100xi32, #tpu.memory_space<vmem>>
    %dma_wait3A_172 = tpu.memref_squeeze %dma_wait3A_171 : memref<1x2x100xi32, #tpu.memory_space<vmem>> -> memref<2x100xi32, #tpu.memory_space<vmem>>
    %dma_wait3A_173 = arith.constant 0 : i32
    %dma_wait3A_174 = tpu.memref_slice %dma_wait3A_172[%dma_wait3A_165, %dma_wait3A_173] : memref<2x100xi32, #tpu.memory_space<vmem>> -> memref<1x100xi32, #tpu.memory_space<vmem>>
    %dma_wait3A_175 = tpu.memref_squeeze %dma_wait3A_174 : memref<1x100xi32, #tpu.memory_space<vmem>> -> memref<100xi32, #tpu.memory_space<vmem>>
    %dma_wait3A_176 = arith.constant 0 : i32
    %dma_wait3A_177 = arith.constant 0 : i32
    %dma_wait3A_178 = tpu.memref_slice %arg2[%dma_wait3A_176, %dma_wait3A_177] : memref<100000x128xf32, #tpu.memory_space<hbm>> -> memref<100000x128xf32, #tpu.memory_space<hbm>>
    tpu.wait_indirect_dma semaphore(%arg18 : memref<!tpu.dma_semaphore, #tpu.memory_space<semaphore_mem>>) src(%dma_wait3A_178 : memref<100000x128xf32, #tpu.memory_space<hbm>>) dst(%dma_wait3A_168 : memref<100x128xf32, #tpu.memory_space<vmem>>)
    %mul3A_179 = arith.constant 32 : i32
    %mul3A_180 = arith.muli %add3A, %mul3A_179 : i32
    %add3A_181 = arith.constant 1 : i32
    %add3A_182 = arith.addi %mul3A_180, %add3A_181 : i32
    %mul3A_183 = arith.constant 200 : i32
    %mul3A_184 = arith.muli %add3A_182, %mul3A_183 : i32
    %dma_start3A_185 = arith.constant 0 : i32
    %dma_start3A_186 = tpu.memref_slice %arg5[%mul3A_184, %dma_start3A_185] : memref<204800x128xf32, #tpu.memory_space<hbm>> -> memref<200x128xf32, #tpu.memory_space<hbm>>
    %dma_start3A_187 = arith.constant 0 : i32
    %dma_start3A_188 = tpu.memref_slice %arg5[%mul3A_184, %dma_start3A_187] : memref<204800x128xf32, #tpu.memory_space<hbm>> -> memref<200x128xf32, #tpu.memory_space<hbm>>
    tpu.enqueue_dma source(%arg9 : memref<200x128xf32, #tpu.memory_space<vmem>>) target(%dma_start3A_188 : memref<200x128xf32, #tpu.memory_space<hbm>>) target_semaphore(%arg22 : memref<!tpu.dma_semaphore, #tpu.memory_space<semaphore_mem>>)
    tpu.wait_dma2 semaphore(%arg16 : memref<!tpu.dma_semaphore, #tpu.memory_space<semaphore_mem>>) src(%arg7 : memref<200x128xf32, #tpu.memory_space<vmem_shared>>) dst(%arg11 : memref<200x128xf32, #tpu.memory_space<vmem>>)
    %dma_start3A_189 = arith.constant 3 : i32
    %dma_start3A_190 = arith.constant 0 : i32
    %dma_start3A_191 = arith.constant 0 : i32
    %dma_start3A_192 = arith.constant 0 : i32
    %dma_start3A_193 = tpu.memref_slice %arg11[%dma_start3A_191, %dma_start3A_192] : memref<200x128xf32, #tpu.memory_space<vmem>> -> memref<100x128xf32, #tpu.memory_space<vmem>>
    %dma_start3A_194 = arith.constant 0 : i32
    %dma_start3A_195 = arith.constant 0 : i32
    %dma_start3A_196 = tpu.memref_slice %arg6[%dma_start3A_189, %dma_start3A_194, %dma_start3A_195] : memref<32x2x100xi32, #tpu.memory_space<vmem>> -> memref<1x2x100xi32, #tpu.memory_space<vmem>>
    %dma_start3A_197 = tpu.memref_squeeze %dma_start3A_196 : memref<1x2x100xi32, #tpu.memory_space<vmem>> -> memref<2x100xi32, #tpu.memory_space<vmem>>
    %dma_start3A_198 = arith.constant 0 : i32
    %dma_start3A_199 = tpu.memref_slice %dma_start3A_197[%dma_start3A_190, %dma_start3A_198] : memref<2x100xi32, #tpu.memory_space<vmem>> -> memref<1x100xi32, #tpu.memory_space<vmem>>
    %dma_start3A_200 = tpu.memref_squeeze %dma_start3A_199 : memref<1x100xi32, #tpu.memory_space<vmem>> -> memref<100xi32, #tpu.memory_space<vmem>>
    %dma_start3A_201 = arith.constant 0 : i32
    %dma_start3A_202 = arith.constant 0 : i32
    %dma_start3A_203 = tpu.memref_slice %arg2[%dma_start3A_201, %dma_start3A_202] : memref<100000x128xf32, #tpu.memory_space<hbm>> -> memref<100000x128xf32, #tpu.memory_space<hbm>>
    tpu.enqueue_indirect_dma source(%dma_start3A_203 : memref<100000x128xf32, #tpu.memory_space<hbm>>) target(%dma_start3A_193 : memref<100x128xf32, #tpu.memory_space<vmem>>) offsets(%dma_start3A_200 : memref<100xi32, #tpu.memory_space<vmem>>) semaphore(%arg20 : memref<!tpu.dma_semaphore, #tpu.memory_space<semaphore_mem>>) {add = true}
    %dma_start3A_204 = arith.constant 3 : i32
    %dma_start3A_205 = arith.constant 1 : i32
    %dma_start3A_206 = arith.constant 100 : i32
    %dma_start3A_207 = arith.constant 0 : i32
    %dma_start3A_208 = tpu.memref_slice %arg11[%dma_start3A_206, %dma_start3A_207] : memref<200x128xf32, #tpu.memory_space<vmem>> -> memref<100x128xf32, #tpu.memory_space<vmem>>
    %dma_start3A_209 = arith.constant 0 : i32
    %dma_start3A_210 = arith.constant 0 : i32
    %dma_start3A_211 = tpu.memref_slice %arg6[%dma_start3A_204, %dma_start3A_209, %dma_start3A_210] : memref<32x2x100xi32, #tpu.memory_space<vmem>> -> memref<1x2x100xi32, #tpu.memory_space<vmem>>
    %dma_start3A_212 = tpu.memref_squeeze %dma_start3A_211 : memref<1x2x100xi32, #tpu.memory_space<vmem>> -> memref<2x100xi32, #tpu.memory_space<vmem>>
    %dma_start3A_213 = arith.constant 0 : i32
    %dma_start3A_214 = tpu.memref_slice %dma_start3A_212[%dma_start3A_205, %dma_start3A_213] : memref<2x100xi32, #tpu.memory_space<vmem>> -> memref<1x100xi32, #tpu.memory_space<vmem>>
    %dma_start3A_215 = tpu.memref_squeeze %dma_start3A_214 : memref<1x100xi32, #tpu.memory_space<vmem>> -> memref<100xi32, #tpu.memory_space<vmem>>
    %dma_start3A_216 = arith.constant 0 : i32
    %dma_start3A_217 = arith.constant 0 : i32
    %dma_start3A_218 = tpu.memref_slice %arg2[%dma_start3A_216, %dma_start3A_217] : memref<100000x128xf32, #tpu.memory_space<hbm>> -> memref<100000x128xf32, #tpu.memory_space<hbm>>
    tpu.enqueue_indirect_dma source(%dma_start3A_218 : memref<100000x128xf32, #tpu.memory_space<hbm>>) target(%dma_start3A_208 : memref<100x128xf32, #tpu.memory_space<vmem>>) offsets(%dma_start3A_215 : memref<100xi32, #tpu.memory_space<vmem>>) semaphore(%arg20 : memref<!tpu.dma_semaphore, #tpu.memory_space<semaphore_mem>>) {add = true}
    %dma_wait3A_219 = arith.constant 0 : i32
    %dma_wait3A_220 = tpu.memref_slice %arg5[%mul3A_184, %dma_wait3A_219] : memref<204800x128xf32, #tpu.memory_space<hbm>> -> memref<200x128xf32, #tpu.memory_space<hbm>>
    %dma_wait3A_221 = arith.constant 0 : i32
    %dma_wait3A_222 = tpu.memref_slice %arg5[%mul3A_184, %dma_wait3A_221] : memref<204800x128xf32, #tpu.memory_space<hbm>> -> memref<200x128xf32, #tpu.memory_space<hbm>>
    tpu.wait_dma2 semaphore(%arg22 : memref<!tpu.dma_semaphore, #tpu.memory_space<semaphore_mem>>) src(%arg9 : memref<200x128xf32, #tpu.memory_space<vmem>>) dst(%dma_wait3A_222 : memref<200x128xf32, #tpu.memory_space<hbm>>)
    tpu.enqueue_dma source(%arg7 : memref<200x128xf32, #tpu.memory_space<vmem_shared>>) target(%arg9 : memref<200x128xf32, #tpu.memory_space<vmem>>) target_semaphore(%arg14 : memref<!tpu.dma_semaphore, #tpu.memory_space<semaphore_mem>>)
    %dma_wait3A_223 = arith.constant 2 : i32
    %dma_wait3A_224 = arith.constant 0 : i32
    %dma_wait3A_225 = arith.constant 0 : i32
    %dma_wait3A_226 = arith.constant 0 : i32
    %dma_wait3A_227 = tpu.memref_slice %arg10[%dma_wait3A_225, %dma_wait3A_226] : memref<200x128xf32, #tpu.memory_space<vmem>> -> memref<100x128xf32, #tpu.memory_space<vmem>>
    %dma_wait3A_228 = arith.constant 0 : i32
    %dma_wait3A_229 = arith.constant 0 : i32
    %dma_wait3A_230 = tpu.memref_slice %arg6[%dma_wait3A_223, %dma_wait3A_228, %dma_wait3A_229] : memref<32x2x100xi32, #tpu.memory_space<vmem>> -> memref<1x2x100xi32, #tpu.memory_space<vmem>>
    %dma_wait3A_231 = tpu.memref_squeeze %dma_wait3A_230 : memref<1x2x100xi32, #tpu.memory_space<vmem>> -> memref<2x100xi32, #tpu.memory_space<vmem>>
    %dma_wait3A_232 = arith.constant 0 : i32
    %dma_wait3A_233 = tpu.memref_slice %dma_wait3A_231[%dma_wait3A_224, %dma_wait3A_232] : memref<2x100xi32, #tpu.memory_space<vmem>> -> memref<1x100xi32, #tpu.memory_space<vmem>>
    %dma_wait3A_234 = tpu.memref_squeeze %dma_wait3A_233 : memref<1x100xi32, #tpu.memory_space<vmem>> -> memref<100xi32, #tpu.memory_space<vmem>>
    %dma_wait3A_235 = arith.constant 0 : i32
    %dma_wait3A_236 = arith.constant 0 : i32
    %dma_wait3A_237 = tpu.memref_slice %arg2[%dma_wait3A_235, %dma_wait3A_236] : memref<100000x128xf32, #tpu.memory_space<hbm>> -> memref<100000x128xf32, #tpu.memory_space<hbm>>
    tpu.wait_indirect_dma semaphore(%arg19 : memref<!tpu.dma_semaphore, #tpu.memory_space<semaphore_mem>>) src(%dma_wait3A_237 : memref<100000x128xf32, #tpu.memory_space<hbm>>) dst(%dma_wait3A_227 : memref<100x128xf32, #tpu.memory_space<vmem>>)
    %dma_wait3A_238 = arith.constant 2 : i32
    %dma_wait3A_239 = arith.constant 1 : i32
    %dma_wait3A_240 = arith.constant 100 : i32
    %dma_wait3A_241 = arith.constant 0 : i32
    %dma_wait3A_242 = tpu.memref_slice %arg10[%dma_wait3A_240, %dma_wait3A_241] : memref<200x128xf32, #tpu.memory_space<vmem>> -> memref<100x128xf32, #tpu.memory_space<vmem>>
    %dma_wait3A_243 = arith.constant 0 : i32
    %dma_wait3A_244 = arith.constant 0 : i32
    %dma_wait3A_245 = tpu.memref_slice %arg6[%dma_wait3A_238, %dma_wait3A_243, %dma_wait3A_244] : memref<32x2x100xi32, #tpu.memory_space<vmem>> -> memref<1x2x100xi32, #tpu.memory_space<vmem>>
    %dma_wait3A_246 = tpu.memref_squeeze %dma_wait3A_245 : memref<1x2x100xi32, #tpu.memory_space<vmem>> -> memref<2x100xi32, #tpu.memory_space<vmem>>
    %dma_wait3A_247 = arith.constant 0 : i32
    %dma_wait3A_248 = tpu.memref_slice %dma_wait3A_246[%dma_wait3A_239, %dma_wait3A_247] : memref<2x100xi32, #tpu.memory_space<vmem>> -> memref<1x100xi32, #tpu.memory_space<vmem>>
    %dma_wait3A_249 = tpu.memref_squeeze %dma_wait3A_248 : memref<1x100xi32, #tpu.memory_space<vmem>> -> memref<100xi32, #tpu.memory_space<vmem>>
    %dma_wait3A_250 = arith.constant 0 : i32
    %dma_wait3A_251 = arith.constant 0 : i32
    %dma_wait3A_252 = tpu.memref_slice %arg2[%dma_wait3A_250, %dma_wait3A_251] : memref<100000x128xf32, #tpu.memory_space<hbm>> -> memref<100000x128xf32, #tpu.memory_space<hbm>>
    tpu.wait_indirect_dma semaphore(%arg19 : memref<!tpu.dma_semaphore, #tpu.memory_space<semaphore_mem>>) src(%dma_wait3A_252 : memref<100000x128xf32, #tpu.memory_space<hbm>>) dst(%dma_wait3A_242 : memref<100x128xf32, #tpu.memory_space<vmem>>)
    %mul3A_253 = arith.constant 32 : i32
    %mul3A_254 = arith.muli %add3A, %mul3A_253 : i32
    %add3A_255 = arith.constant 2 : i32
    %add3A_256 = arith.addi %mul3A_254, %add3A_255 : i32
    %mul3A_257 = arith.constant 200 : i32
    %mul3A_258 = arith.muli %add3A_256, %mul3A_257 : i32
    %dma_start3A_259 = arith.constant 0 : i32
    %dma_start3A_260 = tpu.memref_slice %arg5[%mul3A_258, %dma_start3A_259] : memref<204800x128xf32, #tpu.memory_space<hbm>> -> memref<200x128xf32, #tpu.memory_space<hbm>>
    %dma_start3A_261 = arith.constant 0 : i32
    %dma_start3A_262 = tpu.memref_slice %arg5[%mul3A_258, %dma_start3A_261] : memref<204800x128xf32, #tpu.memory_space<hbm>> -> memref<200x128xf32, #tpu.memory_space<hbm>>
    tpu.enqueue_dma source(%arg10 : memref<200x128xf32, #tpu.memory_space<vmem>>) target(%dma_start3A_262 : memref<200x128xf32, #tpu.memory_space<hbm>>) target_semaphore(%arg23 : memref<!tpu.dma_semaphore, #tpu.memory_space<semaphore_mem>>)
    tpu.wait_dma2 semaphore(%arg13 : memref<!tpu.dma_semaphore, #tpu.memory_space<semaphore_mem>>) src(%arg7 : memref<200x128xf32, #tpu.memory_space<vmem_shared>>) dst(%arg8 : memref<200x128xf32, #tpu.memory_space<vmem>>)
    %dma_start3A_263 = arith.constant 4 : i32
    %dma_start3A_264 = arith.constant 0 : i32
    %dma_start3A_265 = arith.constant 0 : i32
    %dma_start3A_266 = arith.constant 0 : i32
    %dma_start3A_267 = tpu.memref_slice %arg8[%dma_start3A_265, %dma_start3A_266] : memref<200x128xf32, #tpu.memory_space<vmem>> -> memref<100x128xf32, #tpu.memory_space<vmem>>
    %dma_start3A_268 = arith.constant 0 : i32
    %dma_start3A_269 = arith.constant 0 : i32
    %dma_start3A_270 = tpu.memref_slice %arg6[%dma_start3A_263, %dma_start3A_268, %dma_start3A_269] : memref<32x2x100xi32, #tpu.memory_space<vmem>> -> memref<1x2x100xi32, #tpu.memory_space<vmem>>
    %dma_start3A_271 = tpu.memref_squeeze %dma_start3A_270 : memref<1x2x100xi32, #tpu.memory_space<vmem>> -> memref<2x100xi32, #tpu.memory_space<vmem>>
    %dma_start3A_272 = arith.constant 0 : i32
    %dma_start3A_273 = tpu.memref_slice %dma_start3A_271[%dma_start3A_264, %dma_start3A_272] : memref<2x100xi32, #tpu.memory_space<vmem>> -> memref<1x100xi32, #tpu.memory_space<vmem>>
    %dma_start3A_274 = tpu.memref_squeeze %dma_start3A_273 : memref<1x100xi32, #tpu.memory_space<vmem>> -> memref<100xi32, #tpu.memory_space<vmem>>
    %dma_start3A_275 = arith.constant 0 : i32
    %dma_start3A_276 = arith.constant 0 : i32
    %dma_start3A_277 = tpu.memref_slice %arg2[%dma_start3A_275, %dma_start3A_276] : memref<100000x128xf32, #tpu.memory_space<hbm>> -> memref<100000x128xf32, #tpu.memory_space<hbm>>
    tpu.enqueue_indirect_dma source(%dma_start3A_277 : memref<100000x128xf32, #tpu.memory_space<hbm>>) target(%dma_start3A_267 : memref<100x128xf32, #tpu.memory_space<vmem>>) offsets(%dma_start3A_274 : memref<100xi32, #tpu.memory_space<vmem>>) semaphore(%arg17 : memref<!tpu.dma_semaphore, #tpu.memory_space<semaphore_mem>>) {add = true}
    %dma_start3A_278 = arith.constant 4 : i32
    %dma_start3A_279 = arith.constant 1 : i32
    %dma_start3A_280 = arith.constant 100 : i32
    %dma_start3A_281 = arith.constant 0 : i32
    %dma_start3A_282 = tpu.memref_slice %arg8[%dma_start3A_280, %dma_start3A_281] : memref<200x128xf32, #tpu.memory_space<vmem>> -> memref<100x128xf32, #tpu.memory_space<vmem>>
    %dma_start3A_283 = arith.constant 0 : i32
    %dma_start3A_284 = arith.constant 0 : i32
    %dma_start3A_285 = tpu.memref_slice %arg6[%dma_start3A_278, %dma_start3A_283, %dma_start3A_284] : memref<32x2x100xi32, #tpu.memory_space<vmem>> -> memref<1x2x100xi32, #tpu.memory_space<vmem>>
    %dma_start3A_286 = tpu.memref_squeeze %dma_start3A_285 : memref<1x2x100xi32, #tpu.memory_space<vmem>> -> memref<2x100xi32, #tpu.memory_space<vmem>>
    %dma_start3A_287 = arith.constant 0 : i32
    %dma_start3A_288 = tpu.memref_slice %dma_start3A_286[%dma_start3A_279, %dma_start3A_287] : memref<2x100xi32, #tpu.memory_space<vmem>> -> memref<1x100xi32, #tpu.memory_space<vmem>>
    %dma_start3A_289 = tpu.memref_squeeze %dma_start3A_288 : memref<1x100xi32, #tpu.memory_space<vmem>> -> memref<100xi32, #tpu.memory_space<vmem>>
    %dma_start3A_290 = arith.constant 0 : i32
    %dma_start3A_291 = arith.constant 0 : i32
    %dma_start3A_292 = tpu.memref_slice %arg2[%dma_start3A_290, %dma_start3A_291] : memref<100000x128xf32, #tpu.memory_space<hbm>> -> memref<100000x128xf32, #tpu.memory_space<hbm>>
    tpu.enqueue_indirect_dma source(%dma_start3A_292 : memref<100000x128xf32, #tpu.memory_space<hbm>>) target(%dma_start3A_282 : memref<100x128xf32, #tpu.memory_space<vmem>>) offsets(%dma_start3A_289 : memref<100xi32, #tpu.memory_space<vmem>>) semaphore(%arg17 : memref<!tpu.dma_semaphore, #tpu.memory_space<semaphore_mem>>) {add = true}
    %dma_wait3A_293 = arith.constant 0 : i32
    %dma_wait3A_294 = tpu.memref_slice %arg5[%mul3A_258, %dma_wait3A_293] : memref<204800x128xf32, #tpu.memory_space<hbm>> -> memref<200x128xf32, #tpu.memory_space<hbm>>
    %dma_wait3A_295 = arith.constant 0 : i32
    %dma_wait3A_296 = tpu.memref_slice %arg5[%mul3A_258, %dma_wait3A_295] : memref<204800x128xf32, #tpu.memory_space<hbm>> -> memref<200x128xf32, #tpu.memory_space<hbm>>
    tpu.wait_dma2 semaphore(%arg23 : memref<!tpu.dma_semaphore, #tpu.memory_space<semaphore_mem>>) src(%arg10 : memref<200x128xf32, #tpu.memory_space<vmem>>) dst(%dma_wait3A_296 : memref<200x128xf32, #tpu.memory_space<hbm>>)
    tpu.enqueue_dma source(%arg7 : memref<200x128xf32, #tpu.memory_space<vmem_shared>>) target(%arg10 : memref<200x128xf32, #tpu.memory_space<vmem>>) target_semaphore(%arg15 : memref<!tpu.dma_semaphore, #tpu.memory_space<semaphore_mem>>)
    %dma_wait3A_297 = arith.constant 3 : i32
    %dma_wait3A_298 = arith.constant 0 : i32
    %dma_wait3A_299 = arith.constant 0 : i32
    %dma_wait3A_300 = arith.constant 0 : i32
    %dma_wait3A_301 = tpu.memref_slice %arg11[%dma_wait3A_299, %dma_wait3A_300] : memref<200x128xf32, #tpu.memory_space<vmem>> -> memref<100x128xf32, #tpu.memory_space<vmem>>
    %dma_wait3A_302 = arith.constant 0 : i32
    %dma_wait3A_303 = arith.constant 0 : i32
    %dma_wait3A_304 = tpu.memref_slice %arg6[%dma_wait3A_297, %dma_wait3A_302, %dma_wait3A_303] : memref<32x2x100xi32, #tpu.memory_space<vmem>> -> memref<1x2x100xi32, #tpu.memory_space<vmem>>
    %dma_wait3A_305 = tpu.memref_squeeze %dma_wait3A_304 : memref<1x2x100xi32, #tpu.memory_space<vmem>> -> memref<2x100xi32, #tpu.memory_space<vmem>>
    %dma_wait3A_306 = arith.constant 0 : i32
    %dma_wait3A_307 = tpu.memref_slice %dma_wait3A_305[%dma_wait3A_298, %dma_wait3A_306] : memref<2x100xi32, #tpu.memory_space<vmem>> -> memref<1x100xi32, #tpu.memory_space<vmem>>
    %dma_wait3A_308 = tpu.memref_squeeze %dma_wait3A_307 : memref<1x100xi32, #tpu.memory_space<vmem>> -> memref<100xi32, #tpu.memory_space<vmem>>
    %dma_wait3A_309 = arith.constant 0 : i32
    %dma_wait3A_310 = arith.constant 0 : i32
    %dma_wait3A_311 = tpu.memref_slice %arg2[%dma_wait3A_309, %dma_wait3A_310] : memref<100000x128xf32, #tpu.memory_space<hbm>> -> memref<100000x128xf32, #tpu.memory_space<hbm>>
    tpu.wait_indirect_dma semaphore(%arg20 : memref<!tpu.dma_semaphore, #tpu.memory_space<semaphore_mem>>) src(%dma_wait3A_311 : memref<100000x128xf32, #tpu.memory_space<hbm>>) dst(%dma_wait3A_301 : memref<100x128xf32, #tpu.memory_space<vmem>>)
    %dma_wait3A_312 = arith.constant 3 : i32
    %dma_wait3A_313 = arith.constant 1 : i32
    %dma_wait3A_314 = arith.constant 100 : i32
    %dma_wait3A_315 = arith.constant 0 : i32
    %dma_wait3A_316 = tpu.memref_slice %arg11[%dma_wait3A_314, %dma_wait3A_315] : memref<200x128xf32, #tpu.memory_space<vmem>> -> memref<100x128xf32, #tpu.memory_space<vmem>>
    %dma_wait3A_317 = arith.constant 0 : i32
    %dma_wait3A_318 = arith.constant 0 : i32
    %dma_wait3A_319 = tpu.memref_slice %arg6[%dma_wait3A_312, %dma_wait3A_317, %dma_wait3A_318] : memref<32x2x100xi32, #tpu.memory_space<vmem>> -> memref<1x2x100xi32, #tpu.memory_space<vmem>>
    %dma_wait3A_320 = tpu.memref_squeeze %dma_wait3A_319 : memref<1x2x100xi32, #tpu.memory_space<vmem>> -> memref<2x100xi32, #tpu.memory_space<vmem>>
    %dma_wait3A_321 = arith.constant 0 : i32
    %dma_wait3A_322 = tpu.memref_slice %dma_wait3A_320[%dma_wait3A_313, %dma_wait3A_321] : memref<2x100xi32, #tpu.memory_space<vmem>> -> memref<1x100xi32, #tpu.memory_space<vmem>>
    %dma_wait3A_323 = tpu.memref_squeeze %dma_wait3A_322 : memref<1x100xi32, #tpu.memory_space<vmem>> -> memref<100xi32, #tpu.memory_space<vmem>>
    %dma_wait3A_324 = arith.constant 0 : i32
    %dma_wait3A_325 = arith.constant 0 : i32
    %dma_wait3A_326 = tpu.memref_slice %arg2[%dma_wait3A_324, %dma_wait3A_325] : memref<100000x128xf32, #tpu.memory_space<hbm>> -> memref<100000x128xf32, #tpu.memory_space<hbm>>
    tpu.wait_indirect_dma semaphore(%arg20 : memref<!tpu.dma_semaphore, #tpu.memory_space<semaphore_mem>>) src(%dma_wait3A_326 : memref<100000x128xf32, #tpu.memory_space<hbm>>) dst(%dma_wait3A_316 : memref<100x128xf32, #tpu.memory_space<vmem>>)
    %mul3A_327 = arith.constant 32 : i32
    %mul3A_328 = arith.muli %add3A, %mul3A_327 : i32
    %add3A_329 = arith.constant 3 : i32
    %add3A_330 = arith.addi %mul3A_328, %add3A_329 : i32
    %mul3A_331 = arith.constant 200 : i32
    %mul3A_332 = arith.muli %add3A_330, %mul3A_331 : i32
    %dma_start3A_333 = arith.constant 0 : i32
    %dma_start3A_334 = tpu.memref_slice %arg5[%mul3A_332, %dma_start3A_333] : memref<204800x128xf32, #tpu.memory_space<hbm>> -> memref<200x128xf32, #tpu.memory_space<hbm>>
    %dma_start3A_335 = arith.constant 0 : i32
    %dma_start3A_336 = tpu.memref_slice %arg5[%mul3A_332, %dma_start3A_335] : memref<204800x128xf32, #tpu.memory_space<hbm>> -> memref<200x128xf32, #tpu.memory_space<hbm>>
    tpu.enqueue_dma source(%arg11 : memref<200x128xf32, #tpu.memory_space<vmem>>) target(%dma_start3A_336 : memref<200x128xf32, #tpu.memory_space<hbm>>) target_semaphore(%arg24 : memref<!tpu.dma_semaphore, #tpu.memory_space<semaphore_mem>>)
    tpu.wait_dma2 semaphore(%arg14 : memref<!tpu.dma_semaphore, #tpu.memory_space<semaphore_mem>>) src(%arg7 : memref<200x128xf32, #tpu.memory_space<vmem_shared>>) dst(%arg9 : memref<200x128xf32, #tpu.memory_space<vmem>>)
    %dma_start3A_337 = arith.constant 5 : i32
    %dma_start3A_338 = arith.constant 0 : i32
    %dma_start3A_339 = arith.constant 0 : i32
    %dma_start3A_340 = arith.constant 0 : i32
    %dma_start3A_341 = tpu.memref_slice %arg9[%dma_start3A_339, %dma_start3A_340] : memref<200x128xf32, #tpu.memory_space<vmem>> -> memref<100x128xf32, #tpu.memory_space<vmem>>
    %dma_start3A_342 = arith.constant 0 : i32
    %dma_start3A_343 = arith.constant 0 : i32
    %dma_start3A_344 = tpu.memref_slice %arg6[%dma_start3A_337, %dma_start3A_342, %dma_start3A_343] : memref<32x2x100xi32, #tpu.memory_space<vmem>> -> memref<1x2x100xi32, #tpu.memory_space<vmem>>
    %dma_start3A_345 = tpu.memref_squeeze %dma_start3A_344 : memref<1x2x100xi32, #tpu.memory_space<vmem>> -> memref<2x100xi32, #tpu.memory_space<vmem>>
    %dma_start3A_346 = arith.constant 0 : i32
    %dma_start3A_347 = tpu.memref_slice %dma_start3A_345[%dma_start3A_338, %dma_start3A_346] : memref<2x100xi32, #tpu.memory_space<vmem>> -> memref<1x100xi32, #tpu.memory_space<vmem>>
    %dma_start3A_348 = tpu.memref_squeeze %dma_start3A_347 : memref<1x100xi32, #tpu.memory_space<vmem>> -> memref<100xi32, #tpu.memory_space<vmem>>
    %dma_start3A_349 = arith.constant 0 : i32
    %dma_start3A_350 = arith.constant 0 : i32
    %dma_start3A_351 = tpu.memref_slice %arg2[%dma_start3A_349, %dma_start3A_350] : memref<100000x128xf32, #tpu.memory_space<hbm>> -> memref<100000x128xf32, #tpu.memory_space<hbm>>
    tpu.enqueue_indirect_dma source(%dma_start3A_351 : memref<100000x128xf32, #tpu.memory_space<hbm>>) target(%dma_start3A_341 : memref<100x128xf32, #tpu.memory_space<vmem>>) offsets(%dma_start3A_348 : memref<100xi32, #tpu.memory_space<vmem>>) semaphore(%arg18 : memref<!tpu.dma_semaphore, #tpu.memory_space<semaphore_mem>>) {add = true}
    %dma_start3A_352 = arith.constant 5 : i32
    %dma_start3A_353 = arith.constant 1 : i32
    %dma_start3A_354 = arith.constant 100 : i32
    %dma_start3A_355 = arith.constant 0 : i32
    %dma_start3A_356 = tpu.memref_slice %arg9[%dma_start3A_354, %dma_start3A_355] : memref<200x128xf32, #tpu.memory_space<vmem>> -> memref<100x128xf32, #tpu.memory_space<vmem>>
    %dma_start3A_357 = arith.constant 0 : i32
    %dma_start3A_358 = arith.constant 0 : i32
    %dma_start3A_359 = tpu.memref_slice %arg6[%dma_start3A_352, %dma_start3A_357, %dma_start3A_358] : memref<32x2x100xi32, #tpu.memory_space<vmem>> -> memref<1x2x100xi32, #tpu.memory_space<vmem>>
    %dma_start3A_360 = tpu.memref_squeeze %dma_start3A_359 : memref<1x2x100xi32, #tpu.memory_space<vmem>> -> memref<2x100xi32, #tpu.memory_space<vmem>>
    %dma_start3A_361 = arith.constant 0 : i32
    %dma_start3A_362 = tpu.memref_slice %dma_start3A_360[%dma_start3A_353, %dma_start3A_361] : memref<2x100xi32, #tpu.memory_space<vmem>> -> memref<1x100xi32, #tpu.memory_space<vmem>>
    %dma_start3A_363 = tpu.memref_squeeze %dma_start3A_362 : memref<1x100xi32, #tpu.memory_space<vmem>> -> memref<100xi32, #tpu.memory_space<vmem>>
    %dma_start3A_364 = arith.constant 0 : i32
    %dma_start3A_365 = arith.constant 0 : i32
    %dma_start3A_366 = tpu.memref_slice %arg2[%dma_start3A_364, %dma_start3A_365] : memref<100000x128xf32, #tpu.memory_space<hbm>> -> memref<100000x128xf32, #tpu.memory_space<hbm>>
    tpu.enqueue_indirect_dma source(%dma_start3A_366 : memref<100000x128xf32, #tpu.memory_space<hbm>>) target(%dma_start3A_356 : memref<100x128xf32, #tpu.memory_space<vmem>>) offsets(%dma_start3A_363 : memref<100xi32, #tpu.memory_space<vmem>>) semaphore(%arg18 : memref<!tpu.dma_semaphore, #tpu.memory_space<semaphore_mem>>) {add = true}
    %dma_wait3A_367 = arith.constant 0 : i32
    %dma_wait3A_368 = tpu.memref_slice %arg5[%mul3A_332, %dma_wait3A_367] : memref<204800x128xf32, #tpu.memory_space<hbm>> -> memref<200x128xf32, #tpu.memory_space<hbm>>
    %dma_wait3A_369 = arith.constant 0 : i32
    %dma_wait3A_370 = tpu.memref_slice %arg5[%mul3A_332, %dma_wait3A_369] : memref<204800x128xf32, #tpu.memory_space<hbm>> -> memref<200x128xf32, #tpu.memory_space<hbm>>
    tpu.wait_dma2 semaphore(%arg24 : memref<!tpu.dma_semaphore, #tpu.memory_space<semaphore_mem>>) src(%arg11 : memref<200x128xf32, #tpu.memory_space<vmem>>) dst(%dma_wait3A_370 : memref<200x128xf32, #tpu.memory_space<hbm>>)
    tpu.enqueue_dma source(%arg7 : memref<200x128xf32, #tpu.memory_space<vmem_shared>>) target(%arg11 : memref<200x128xf32, #tpu.memory_space<vmem>>) target_semaphore(%arg16 : memref<!tpu.dma_semaphore, #tpu.memory_space<semaphore_mem>>)
    %dma_wait3A_371 = arith.constant 4 : i32
    %dma_wait3A_372 = arith.constant 0 : i32
    %dma_wait3A_373 = arith.constant 0 : i32
    %dma_wait3A_374 = arith.constant 0 : i32
    %dma_wait3A_375 = tpu.memref_slice %arg8[%dma_wait3A_373, %dma_wait3A_374] : memref<200x128xf32, #tpu.memory_space<vmem>> -> memref<100x128xf32, #tpu.memory_space<vmem>>
    %dma_wait3A_376 = arith.constant 0 : i32
    %dma_wait3A_377 = arith.constant 0 : i32
    %dma_wait3A_378 = tpu.memref_slice %arg6[%dma_wait3A_371, %dma_wait3A_376, %dma_wait3A_377] : memref<32x2x100xi32, #tpu.memory_space<vmem>> -> memref<1x2x100xi32, #tpu.memory_space<vmem>>
    %dma_wait3A_379 = tpu.memref_squeeze %dma_wait3A_378 : memref<1x2x100xi32, #tpu.memory_space<vmem>> -> memref<2x100xi32, #tpu.memory_space<vmem>>
    %dma_wait3A_380 = arith.constant 0 : i32
    %dma_wait3A_381 = tpu.memref_slice %dma_wait3A_379[%dma_wait3A_372, %dma_wait3A_380] : memref<2x100xi32, #tpu.memory_space<vmem>> -> memref<1x100xi32, #tpu.memory_space<vmem>>
    %dma_wait3A_382 = tpu.memref_squeeze %dma_wait3A_381 : memref<1x100xi32, #tpu.memory_space<vmem>> -> memref<100xi32, #tpu.memory_space<vmem>>
    %dma_wait3A_383 = arith.constant 0 : i32
    %dma_wait3A_384 = arith.constant 0 : i32
    %dma_wait3A_385 = tpu.memref_slice %arg2[%dma_wait3A_383, %dma_wait3A_384] : memref<100000x128xf32, #tpu.memory_space<hbm>> -> memref<100000x128xf32, #tpu.memory_space<hbm>>
    tpu.wait_indirect_dma semaphore(%arg17 : memref<!tpu.dma_semaphore, #tpu.memory_space<semaphore_mem>>) src(%dma_wait3A_385 : memref<100000x128xf32, #tpu.memory_space<hbm>>) dst(%dma_wait3A_375 : memref<100x128xf32, #tpu.memory_space<vmem>>)
    %dma_wait3A_386 = arith.constant 4 : i32
    %dma_wait3A_387 = arith.constant 1 : i32
    %dma_wait3A_388 = arith.constant 100 : i32
    %dma_wait3A_389 = arith.constant 0 : i32
    %dma_wait3A_390 = tpu.memref_slice %arg8[%dma_wait3A_388, %dma_wait3A_389] : memref<200x128xf32, #tpu.memory_space<vmem>> -> memref<100x128xf32, #tpu.memory_space<vmem>>
    %dma_wait3A_391 = arith.constant 0 : i32
    %dma_wait3A_392 = arith.constant 0 : i32
    %dma_wait3A_393 = tpu.memref_slice %arg6[%dma_wait3A_386, %dma_wait3A_391, %dma_wait3A_392] : memref<32x2x100xi32, #tpu.memory_space<vmem>> -> memref<1x2x100xi32, #tpu.memory_space<vmem>>
    %dma_wait3A_394 = tpu.memref_squeeze %dma_wait3A_393 : memref<1x2x100xi32, #tpu.memory_space<vmem>> -> memref<2x100xi32, #tpu.memory_space<vmem>>
    %dma_wait3A_395 = arith.constant 0 : i32
    %dma_wait3A_396 = tpu.memref_slice %dma_wait3A_394[%dma_wait3A_387, %dma_wait3A_395] : memref<2x100xi32, #tpu.memory_space<vmem>> -> memref<1x100xi32, #tpu.memory_space<vmem>>
    %dma_wait3A_397 = tpu.memref_squeeze %dma_wait3A_396 : memref<1x100xi32, #tpu.memory_space<vmem>> -> memref<100xi32, #tpu.memory_space<vmem>>
    %dma_wait3A_398 = arith.constant 0 : i32
    %dma_wait3A_399 = arith.constant 0 : i32
    %dma_wait3A_400 = tpu.memref_slice %arg2[%dma_wait3A_398, %dma_wait3A_399] : memref<100000x128xf32, #tpu.memory_space<hbm>> -> memref<100000x128xf32, #tpu.memory_space<hbm>>
    tpu.wait_indirect_dma semaphore(%arg17 : memref<!tpu.dma_semaphore, #tpu.memory_space<semaphore_mem>>) src(%dma_wait3A_400 : memref<100000x128xf32, #tpu.memory_space<hbm>>) dst(%dma_wait3A_390 : memref<100x128xf32, #tpu.memory_space<vmem>>)
    %mul3A_401 = arith.constant 32 : i32
    %mul3A_402 = arith.muli %add3A, %mul3A_401 : i32
    %add3A_403 = arith.constant 4 : i32
    %add3A_404 = arith.addi %mul3A_402, %add3A_403 : i32
    %mul3A_405 = arith.constant 200 : i32
    %mul3A_406 = arith.muli %add3A_404, %mul3A_405 : i32
    %dma_start3A_407 = arith.constant 0 : i32
    %dma_start3A_408 = tpu.memref_slice %arg5[%mul3A_406, %dma_start3A_407] : memref<204800x128xf32, #tpu.memory_space<hbm>> -> memref<200x128xf32, #tpu.memory_space<hbm>>
    %dma_start3A_409 = arith.constant 0 : i32
    %dma_start3A_410 = tpu.memref_slice %arg5[%mul3A_406, %dma_start3A_409] : memref<204800x128xf32, #tpu.memory_space<hbm>> -> memref<200x128xf32, #tpu.memory_space<hbm>>
    tpu.enqueue_dma source(%arg8 : memref<200x128xf32, #tpu.memory_space<vmem>>) target(%dma_start3A_410 : memref<200x128xf32, #tpu.memory_space<hbm>>) target_semaphore(%arg21 : memref<!tpu.dma_semaphore, #tpu.memory_space<semaphore_mem>>)
    tpu.wait_dma2 semaphore(%arg15 : memref<!tpu.dma_semaphore, #tpu.memory_space<semaphore_mem>>) src(%arg7 : memref<200x128xf32, #tpu.memory_space<vmem_shared>>) dst(%arg10 : memref<200x128xf32, #tpu.memory_space<vmem>>)
    %dma_start3A_411 = arith.constant 6 : i32
    %dma_start3A_412 = arith.constant 0 : i32
    %dma_start3A_413 = arith.constant 0 : i32
    %dma_start3A_414 = arith.constant 0 : i32
    %dma_start3A_415 = tpu.memref_slice %arg10[%dma_start3A_413, %dma_start3A_414] : memref<200x128xf32, #tpu.memory_space<vmem>> -> memref<100x128xf32, #tpu.memory_space<vmem>>
    %dma_start3A_416 = arith.constant 0 : i32
    %dma_start3A_417 = arith.constant 0 : i32
    %dma_start3A_418 = tpu.memref_slice %arg6[%dma_start3A_411, %dma_start3A_416, %dma_start3A_417] : memref<32x2x100xi32, #tpu.memory_space<vmem>> -> memref<1x2x100xi32, #tpu.memory_space<vmem>>
    %dma_start3A_419 = tpu.memref_squeeze %dma_start3A_418 : memref<1x2x100xi32, #tpu.memory_space<vmem>> -> memref<2x100xi32, #tpu.memory_space<vmem>>
    %dma_start3A_420 = arith.constant 0 : i32
    %dma_start3A_421 = tpu.memref_slice %dma_start3A_419[%dma_start3A_412, %dma_start3A_420] : memref<2x100xi32, #tpu.memory_space<vmem>> -> memref<1x100xi32, #tpu.memory_space<vmem>>
    %dma_start3A_422 = tpu.memref_squeeze %dma_start3A_421 : memref<1x100xi32, #tpu.memory_space<vmem>> -> memref<100xi32, #tpu.memory_space<vmem>>
    %dma_start3A_423 = arith.constant 0 : i32
    %dma_start3A_424 = arith.constant 0 : i32
    %dma_start3A_425 = tpu.memref_slice %arg2[%dma_start3A_423, %dma_start3A_424] : memref<100000x128xf32, #tpu.memory_space<hbm>> -> memref<100000x128xf32, #tpu.memory_space<hbm>>
    tpu.enqueue_indirect_dma source(%dma_start3A_425 : memref<100000x128xf32, #tpu.memory_space<hbm>>) target(%dma_start3A_415 : memref<100x128xf32, #tpu.memory_space<vmem>>) offsets(%dma_start3A_422 : memref<100xi32, #tpu.memory_space<vmem>>) semaphore(%arg19 : memref<!tpu.dma_semaphore, #tpu.memory_space<semaphore_mem>>) {add = true}
    %dma_start3A_426 = arith.constant 6 : i32
    %dma_start3A_427 = arith.constant 1 : i32
    %dma_start3A_428 = arith.constant 100 : i32
    %dma_start3A_429 = arith.constant 0 : i32
    %dma_start3A_430 = tpu.memref_slice %arg10[%dma_start3A_428, %dma_start3A_429] : memref<200x128xf32, #tpu.memory_space<vmem>> -> memref<100x128xf32, #tpu.memory_space<vmem>>
    %dma_start3A_431 = arith.constant 0 : i32
    %dma_start3A_432 = arith.constant 0 : i32
    %dma_start3A_433 = tpu.memref_slice %arg6[%dma_start3A_426, %dma_start3A_431, %dma_start3A_432] : memref<32x2x100xi32, #tpu.memory_space<vmem>> -> memref<1x2x100xi32, #tpu.memory_space<vmem>>
    %dma_start3A_434 = tpu.memref_squeeze %dma_start3A_433 : memref<1x2x100xi32, #tpu.memory_space<vmem>> -> memref<2x100xi32, #tpu.memory_space<vmem>>
    %dma_start3A_435 = arith.constant 0 : i32
    %dma_start3A_436 = tpu.memref_slice %dma_start3A_434[%dma_start3A_427, %dma_start3A_435] : memref<2x100xi32, #tpu.memory_space<vmem>> -> memref<1x100xi32, #tpu.memory_space<vmem>>
    %dma_start3A_437 = tpu.memref_squeeze %dma_start3A_436 : memref<1x100xi32, #tpu.memory_space<vmem>> -> memref<100xi32, #tpu.memory_space<vmem>>
    %dma_start3A_438 = arith.constant 0 : i32
    %dma_start3A_439 = arith.constant 0 : i32
    %dma_start3A_440 = tpu.memref_slice %arg2[%dma_start3A_438, %dma_start3A_439] : memref<100000x128xf32, #tpu.memory_space<hbm>> -> memref<100000x128xf32, #tpu.memory_space<hbm>>
    tpu.enqueue_indirect_dma source(%dma_start3A_440 : memref<100000x128xf32, #tpu.memory_space<hbm>>) target(%dma_start3A_430 : memref<100x128xf32, #tpu.memory_space<vmem>>) offsets(%dma_start3A_437 : memref<100xi32, #tpu.memory_space<vmem>>) semaphore(%arg19 : memref<!tpu.dma_semaphore, #tpu.memory_space<semaphore_mem>>) {add = true}
    %dma_wait3A_441 = arith.constant 0 : i32
    %dma_wait3A_442 = tpu.memref_slice %arg5[%mul3A_406, %dma_wait3A_441] : memref<204800x128xf32, #tpu.memory_space<hbm>> -> memref<200x128xf32, #tpu.memory_space<hbm>>
    %dma_wait3A_443 = arith.constant 0 : i32
    %dma_wait3A_444 = tpu.memref_slice %arg5[%mul3A_406, %dma_wait3A_443] : memref<204800x128xf32, #tpu.memory_space<hbm>> -> memref<200x128xf32, #tpu.memory_space<hbm>>
    tpu.wait_dma2 semaphore(%arg21 : memref<!tpu.dma_semaphore, #tpu.memory_space<semaphore_mem>>) src(%arg8 : memref<200x128xf32, #tpu.memory_space<vmem>>) dst(%dma_wait3A_444 : memref<200x128xf32, #tpu.memory_space<hbm>>)
    tpu.enqueue_dma source(%arg7 : memref<200x128xf32, #tpu.memory_space<vmem_shared>>) target(%arg8 : memref<200x128xf32, #tpu.memory_space<vmem>>) target_semaphore(%arg13 : memref<!tpu.dma_semaphore, #tpu.memory_space<semaphore_mem>>)
    %dma_wait3A_445 = arith.constant 5 : i32
    %dma_wait3A_446 = arith.constant 0 : i32
    %dma_wait3A_447 = arith.constant 0 : i32
    %dma_wait3A_448 = arith.constant 0 : i32
    %dma_wait3A_449 = tpu.memref_slice %arg9[%dma_wait3A_447, %dma_wait3A_448] : memref<200x128xf32, #tpu.memory_space<vmem>> -> memref<100x128xf32, #tpu.memory_space<vmem>>
    %dma_wait3A_450 = arith.constant 0 : i32
    %dma_wait3A_451 = arith.constant 0 : i32
    %dma_wait3A_452 = tpu.memref_slice %arg6[%dma_wait3A_445, %dma_wait3A_450, %dma_wait3A_451] : memref<32x2x100xi32, #tpu.memory_space<vmem>> -> memref<1x2x100xi32, #tpu.memory_space<vmem>>
    %dma_wait3A_453 = tpu.memref_squeeze %dma_wait3A_452 : memref<1x2x100xi32, #tpu.memory_space<vmem>> -> memref<2x100xi32, #tpu.memory_space<vmem>>
    %dma_wait3A_454 = arith.constant 0 : i32
    %dma_wait3A_455 = tpu.memref_slice %dma_wait3A_453[%dma_wait3A_446, %dma_wait3A_454] : memref<2x100xi32, #tpu.memory_space<vmem>> -> memref<1x100xi32, #tpu.memory_space<vmem>>
    %dma_wait3A_456 = tpu.memref_squeeze %dma_wait3A_455 : memref<1x100xi32, #tpu.memory_space<vmem>> -> memref<100xi32, #tpu.memory_space<vmem>>
    %dma_wait3A_457 = arith.constant 0 : i32
    %dma_wait3A_458 = arith.constant 0 : i32
    %dma_wait3A_459 = tpu.memref_slice %arg2[%dma_wait3A_457, %dma_wait3A_458] : memref<100000x128xf32, #tpu.memory_space<hbm>> -> memref<100000x128xf32, #tpu.memory_space<hbm>>
    tpu.wait_indirect_dma semaphore(%arg18 : memref<!tpu.dma_semaphore, #tpu.memory_space<semaphore_mem>>) src(%dma_wait3A_459 : memref<100000x128xf32, #tpu.memory_space<hbm>>) dst(%dma_wait3A_449 : memref<100x128xf32, #tpu.memory_space<vmem>>)
    %dma_wait3A_460 = arith.constant 5 : i32
    %dma_wait3A_461 = arith.constant 1 : i32
    %dma_wait3A_462 = arith.constant 100 : i32
    %dma_wait3A_463 = arith.constant 0 : i32
    %dma_wait3A_464 = tpu.memref_slice %arg9[%dma_wait3A_462, %dma_wait3A_463] : memref<200x128xf32, #tpu.memory_space<vmem>> -> memref<100x128xf32, #tpu.memory_space<vmem>>
    %dma_wait3A_465 = arith.constant 0 : i32
    %dma_wait3A_466 = arith.constant 0 : i32
    %dma_wait3A_467 = tpu.memref_slice %arg6[%dma_wait3A_460, %dma_wait3A_465, %dma_wait3A_466] : memref<32x2x100xi32, #tpu.memory_space<vmem>> -> memref<1x2x100xi32, #tpu.memory_space<vmem>>
    %dma_wait3A_468 = tpu.memref_squeeze %dma_wait3A_467 : memref<1x2x100xi32, #tpu.memory_space<vmem>> -> memref<2x100xi32, #tpu.memory_space<vmem>>
    %dma_wait3A_469 = arith.constant 0 : i32
    %dma_wait3A_470 = tpu.memref_slice %dma_wait3A_468[%dma_wait3A_461, %dma_wait3A_469] : memref<2x100xi32, #tpu.memory_space<vmem>> -> memref<1x100xi32, #tpu.memory_space<vmem>>
    %dma_wait3A_471 = tpu.memref_squeeze %dma_wait3A_470 : memref<1x100xi32, #tpu.memory_space<vmem>> -> memref<100xi32, #tpu.memory_space<vmem>>
    %dma_wait3A_472 = arith.constant 0 : i32
    %dma_wait3A_473 = arith.constant 0 : i32
    %dma_wait3A_474 = tpu.memref_slice %arg2[%dma_wait3A_472, %dma_wait3A_473] : memref<100000x128xf32, #tpu.memory_space<hbm>> -> memref<100000x128xf32, #tpu.memory_space<hbm>>
    tpu.wait_indirect_dma semaphore(%arg18 : memref<!tpu.dma_semaphore, #tpu.memory_space<semaphore_mem>>) src(%dma_wait3A_474 : memref<100000x128xf32, #tpu.memory_space<hbm>>) dst(%dma_wait3A_464 : memref<100x128xf32, #tpu.memory_space<vmem>>)
    %mul3A_475 = arith.constant 32 : i32
    %mul3A_476 = arith.muli %add3A, %mul3A_475 : i32
    %add3A_477 = arith.constant 5 : i32
    %add3A_478 = arith.addi %mul3A_476, %add3A_477 : i32
    %mul3A_479 = arith.constant 200 : i32
    %mul3A_480 = arith.muli %add3A_478, %mul3A_479 : i32
    %dma_start3A_481 = arith.constant 0 : i32
    %dma_start3A_482 = tpu.memref_slice %arg5[%mul3A_480, %dma_start3A_481] : memref<204800x128xf32, #tpu.memory_space<hbm>> -> memref<200x128xf32, #tpu.memory_space<hbm>>
    %dma_start3A_483 = arith.constant 0 : i32
    %dma_start3A_484 = tpu.memref_slice %arg5[%mul3A_480, %dma_start3A_483] : memref<204800x128xf32, #tpu.memory_space<hbm>> -> memref<200x128xf32, #tpu.memory_space<hbm>>
    tpu.enqueue_dma source(%arg9 : memref<200x128xf32, #tpu.memory_space<vmem>>) target(%dma_start3A_484 : memref<200x128xf32, #tpu.memory_space<hbm>>) target_semaphore(%arg22 : memref<!tpu.dma_semaphore, #tpu.memory_space<semaphore_mem>>)
    tpu.wait_dma2 semaphore(%arg16 : memref<!tpu.dma_semaphore, #tpu.memory_space<semaphore_mem>>) src(%arg7 : memref<200x128xf32, #tpu.memory_space<vmem_shared>>) dst(%arg11 : memref<200x128xf32, #tpu.memory_space<vmem>>)
    %dma_start3A_485 = arith.constant 7 : i32
    %dma_start3A_486 = arith.constant 0 : i32
    %dma_start3A_487 = arith.constant 0 : i32
    %dma_start3A_488 = arith.constant 0 : i32
    %dma_start3A_489 = tpu.memref_slice %arg11[%dma_start3A_487, %dma_start3A_488] : memref<200x128xf32, #tpu.memory_space<vmem>> -> memref<100x128xf32, #tpu.memory_space<vmem>>
    %dma_start3A_490 = arith.constant 0 : i32
    %dma_start3A_491 = arith.constant 0 : i32
    %dma_start3A_492 = tpu.memref_slice %arg6[%dma_start3A_485, %dma_start3A_490, %dma_start3A_491] : memref<32x2x100xi32, #tpu.memory_space<vmem>> -> memref<1x2x100xi32, #tpu.memory_space<vmem>>
    %dma_start3A_493 = tpu.memref_squeeze %dma_start3A_492 : memref<1x2x100xi32, #tpu.memory_space<vmem>> -> memref<2x100xi32, #tpu.memory_space<vmem>>
    %dma_start3A_494 = arith.constant 0 : i32
    %dma_start3A_495 = tpu.memref_slice %dma_start3A_493[%dma_start3A_486, %dma_start3A_494] : memref<2x100xi32, #tpu.memory_space<vmem>> -> memref<1x100xi32, #tpu.memory_space<vmem>>
    %dma_start3A_496 = tpu.memref_squeeze %dma_start3A_495 : memref<1x100xi32, #tpu.memory_space<vmem>> -> memref<100xi32, #tpu.memory_space<vmem>>
    %dma_start3A_497 = arith.constant 0 : i32
    %dma_start3A_498 = arith.constant 0 : i32
    %dma_start3A_499 = tpu.memref_slice %arg2[%dma_start3A_497, %dma_start3A_498] : memref<100000x128xf32, #tpu.memory_space<hbm>> -> memref<100000x128xf32, #tpu.memory_space<hbm>>
    tpu.enqueue_indirect_dma source(%dma_start3A_499 : memref<100000x128xf32, #tpu.memory_space<hbm>>) target(%dma_start3A_489 : memref<100x128xf32, #tpu.memory_space<vmem>>) offsets(%dma_start3A_496 : memref<100xi32, #tpu.memory_space<vmem>>) semaphore(%arg20 : memref<!tpu.dma_semaphore, #tpu.memory_space<semaphore_mem>>) {add = true}
    %dma_start3A_500 = arith.constant 7 : i32
    %dma_start3A_501 = arith.constant 1 : i32
    %dma_start3A_502 = arith.constant 100 : i32
    %dma_start3A_503 = arith.constant 0 : i32
    %dma_start3A_504 = tpu.memref_slice %arg11[%dma_start3A_502, %dma_start3A_503] : memref<200x128xf32, #tpu.memory_space<vmem>> -> memref<100x128xf32, #tpu.memory_space<vmem>>
    %dma_start3A_505 = arith.constant 0 : i32
    %dma_start3A_506 = arith.constant 0 : i32
    %dma_start3A_507 = tpu.memref_slice %arg6[%dma_start3A_500, %dma_start3A_505, %dma_start3A_506] : memref<32x2x100xi32, #tpu.memory_space<vmem>> -> memref<1x2x100xi32, #tpu.memory_space<vmem>>
    %dma_start3A_508 = tpu.memref_squeeze %dma_start3A_507 : memref<1x2x100xi32, #tpu.memory_space<vmem>> -> memref<2x100xi32, #tpu.memory_space<vmem>>
    %dma_start3A_509 = arith.constant 0 : i32
    %dma_start3A_510 = tpu.memref_slice %dma_start3A_508[%dma_start3A_501, %dma_start3A_509] : memref<2x100xi32, #tpu.memory_space<vmem>> -> memref<1x100xi32, #tpu.memory_space<vmem>>
    %dma_start3A_511 = tpu.memref_squeeze %dma_start3A_510 : memref<1x100xi32, #tpu.memory_space<vmem>> -> memref<100xi32, #tpu.memory_space<vmem>>
    %dma_start3A_512 = arith.constant 0 : i32
    %dma_start3A_513 = arith.constant 0 : i32
    %dma_start3A_514 = tpu.memref_slice %arg2[%dma_start3A_512, %dma_start3A_513] : memref<100000x128xf32, #tpu.memory_space<hbm>> -> memref<100000x128xf32, #tpu.memory_space<hbm>>
    tpu.enqueue_indirect_dma source(%dma_start3A_514 : memref<100000x128xf32, #tpu.memory_space<hbm>>) target(%dma_start3A_504 : memref<100x128xf32, #tpu.memory_space<vmem>>) offsets(%dma_start3A_511 : memref<100xi32, #tpu.memory_space<vmem>>) semaphore(%arg20 : memref<!tpu.dma_semaphore, #tpu.memory_space<semaphore_mem>>) {add = true}
    %dma_wait3A_515 = arith.constant 0 : i32
    %dma_wait3A_516 = tpu.memref_slice %arg5[%mul3A_480, %dma_wait3A_515] : memref<204800x128xf32, #tpu.memory_space<hbm>> -> memref<200x128xf32, #tpu.memory_space<hbm>>
    %dma_wait3A_517 = arith.constant 0 : i32
    %dma_wait3A_518 = tpu.memref_slice %arg5[%mul3A_480, %dma_wait3A_517] : memref<204800x128xf32, #tpu.memory_space<hbm>> -> memref<200x128xf32, #tpu.memory_space<hbm>>
    tpu.wait_dma2 semaphore(%arg22 : memref<!tpu.dma_semaphore, #tpu.memory_space<semaphore_mem>>) src(%arg9 : memref<200x128xf32, #tpu.memory_space<vmem>>) dst(%dma_wait3A_518 : memref<200x128xf32, #tpu.memory_space<hbm>>)
    tpu.enqueue_dma source(%arg7 : memref<200x128xf32, #tpu.memory_space<vmem_shared>>) target(%arg9 : memref<200x128xf32, #tpu.memory_space<vmem>>) target_semaphore(%arg14 : memref<!tpu.dma_semaphore, #tpu.memory_space<semaphore_mem>>)
    %dma_wait3A_519 = arith.constant 6 : i32
    %dma_wait3A_520 = arith.constant 0 : i32
    %dma_wait3A_521 = arith.constant 0 : i32
    %dma_wait3A_522 = arith.constant 0 : i32
    %dma_wait3A_523 = tpu.memref_slice %arg10[%dma_wait3A_521, %dma_wait3A_522] : memref<200x128xf32, #tpu.memory_space<vmem>> -> memref<100x128xf32, #tpu.memory_space<vmem>>
    %dma_wait3A_524 = arith.constant 0 : i32
    %dma_wait3A_525 = arith.constant 0 : i32
    %dma_wait3A_526 = tpu.memref_slice %arg6[%dma_wait3A_519, %dma_wait3A_524, %dma_wait3A_525] : memref<32x2x100xi32, #tpu.memory_space<vmem>> -> memref<1x2x100xi32, #tpu.memory_space<vmem>>
    %dma_wait3A_527 = tpu.memref_squeeze %dma_wait3A_526 : memref<1x2x100xi32, #tpu.memory_space<vmem>> -> memref<2x100xi32, #tpu.memory_space<vmem>>
    %dma_wait3A_528 = arith.constant 0 : i32
    %dma_wait3A_529 = tpu.memref_slice %dma_wait3A_527[%dma_wait3A_520, %dma_wait3A_528] : memref<2x100xi32, #tpu.memory_space<vmem>> -> memref<1x100xi32, #tpu.memory_space<vmem>>
    %dma_wait3A_530 = tpu.memref_squeeze %dma_wait3A_529 : memref<1x100xi32, #tpu.memory_space<vmem>> -> memref<100xi32, #tpu.memory_space<vmem>>
    %dma_wait3A_531 = arith.constant 0 : i32
    %dma_wait3A_532 = arith.constant 0 : i32
    %dma_wait3A_533 = tpu.memref_slice %arg2[%dma_wait3A_531, %dma_wait3A_532] : memref<100000x128xf32, #tpu.memory_space<hbm>> -> memref<100000x128xf32, #tpu.memory_space<hbm>>
    tpu.wait_indirect_dma semaphore(%arg19 : memref<!tpu.dma_semaphore, #tpu.memory_space<semaphore_mem>>) src(%dma_wait3A_533 : memref<100000x128xf32, #tpu.memory_space<hbm>>) dst(%dma_wait3A_523 : memref<100x128xf32, #tpu.memory_space<vmem>>)
    %dma_wait3A_534 = arith.constant 6 : i32
    %dma_wait3A_535 = arith.constant 1 : i32
    %dma_wait3A_536 = arith.constant 100 : i32
    %dma_wait3A_537 = arith.constant 0 : i32
    %dma_wait3A_538 = tpu.memref_slice %arg10[%dma_wait3A_536, %dma_wait3A_537] : memref<200x128xf32, #tpu.memory_space<vmem>> -> memref<100x128xf32, #tpu.memory_space<vmem>>
    %dma_wait3A_539 = arith.constant 0 : i32
    %dma_wait3A_540 = arith.constant 0 : i32
    %dma_wait3A_541 = tpu.memref_slice %arg6[%dma_wait3A_534, %dma_wait3A_539, %dma_wait3A_540] : memref<32x2x100xi32, #tpu.memory_space<vmem>> -> memref<1x2x100xi32, #tpu.memory_space<vmem>>
    %dma_wait3A_542 = tpu.memref_squeeze %dma_wait3A_541 : memref<1x2x100xi32, #tpu.memory_space<vmem>> -> memref<2x100xi32, #tpu.memory_space<vmem>>
    %dma_wait3A_543 = arith.constant 0 : i32
    %dma_wait3A_544 = tpu.memref_slice %dma_wait3A_542[%dma_wait3A_535, %dma_wait3A_543] : memref<2x100xi32, #tpu.memory_space<vmem>> -> memref<1x100xi32, #tpu.memory_space<vmem>>
    %dma_wait3A_545 = tpu.memref_squeeze %dma_wait3A_544 : memref<1x100xi32, #tpu.memory_space<vmem>> -> memref<100xi32, #tpu.memory_space<vmem>>
    %dma_wait3A_546 = arith.constant 0 : i32
    %dma_wait3A_547 = arith.constant 0 : i32
    %dma_wait3A_548 = tpu.memref_slice %arg2[%dma_wait3A_546, %dma_wait3A_547] : memref<100000x128xf32, #tpu.memory_space<hbm>> -> memref<100000x128xf32, #tpu.memory_space<hbm>>
    tpu.wait_indirect_dma semaphore(%arg19 : memref<!tpu.dma_semaphore, #tpu.memory_space<semaphore_mem>>) src(%dma_wait3A_548 : memref<100000x128xf32, #tpu.memory_space<hbm>>) dst(%dma_wait3A_538 : memref<100x128xf32, #tpu.memory_space<vmem>>)
    %mul3A_549 = arith.constant 32 : i32
    %mul3A_550 = arith.muli %add3A, %mul3A_549 : i32
    %add3A_551 = arith.constant 6 : i32
    %add3A_552 = arith.addi %mul3A_550, %add3A_551 : i32
    %mul3A_553 = arith.constant 200 : i32
    %mul3A_554 = arith.muli %add3A_552, %mul3A_553 : i32
    %dma_start3A_555 = arith.constant 0 : i32
    %dma_start3A_556 = tpu.memref_slice %arg5[%mul3A_554, %dma_start3A_555] : memref<204800x128xf32, #tpu.memory_space<hbm>> -> memref<200x128xf32, #tpu.memory_space<hbm>>
    %dma_start3A_557 = arith.constant 0 : i32
    %dma_start3A_558 = tpu.memref_slice %arg5[%mul3A_554, %dma_start3A_557] : memref<204800x128xf32, #tpu.memory_space<hbm>> -> memref<200x128xf32, #tpu.memory_space<hbm>>
    tpu.enqueue_dma source(%arg10 : memref<200x128xf32, #tpu.memory_space<vmem>>) target(%dma_start3A_558 : memref<200x128xf32, #tpu.memory_space<hbm>>) target_semaphore(%arg23 : memref<!tpu.dma_semaphore, #tpu.memory_space<semaphore_mem>>)
    tpu.wait_dma2 semaphore(%arg13 : memref<!tpu.dma_semaphore, #tpu.memory_space<semaphore_mem>>) src(%arg7 : memref<200x128xf32, #tpu.memory_space<vmem_shared>>) dst(%arg8 : memref<200x128xf32, #tpu.memory_space<vmem>>)
    %dma_start3A_559 = arith.constant 8 : i32
    %dma_start3A_560 = arith.constant 0 : i32
    %dma_start3A_561 = arith.constant 0 : i32
    %dma_start3A_562 = arith.constant 0 : i32
    %dma_start3A_563 = tpu.memref_slice %arg8[%dma_start3A_561, %dma_start3A_562] : memref<200x128xf32, #tpu.memory_space<vmem>> -> memref<100x128xf32, #tpu.memory_space<vmem>>
    %dma_start3A_564 = arith.constant 0 : i32
    %dma_start3A_565 = arith.constant 0 : i32
    %dma_start3A_566 = tpu.memref_slice %arg6[%dma_start3A_559, %dma_start3A_564, %dma_start3A_565] : memref<32x2x100xi32, #tpu.memory_space<vmem>> -> memref<1x2x100xi32, #tpu.memory_space<vmem>>
    %dma_start3A_567 = tpu.memref_squeeze %dma_start3A_566 : memref<1x2x100xi32, #tpu.memory_space<vmem>> -> memref<2x100xi32, #tpu.memory_space<vmem>>
    %dma_start3A_568 = arith.constant 0 : i32
    %dma_start3A_569 = tpu.memref_slice %dma_start3A_567[%dma_start3A_560, %dma_start3A_568] : memref<2x100xi32, #tpu.memory_space<vmem>> -> memref<1x100xi32, #tpu.memory_space<vmem>>
    %dma_start3A_570 = tpu.memref_squeeze %dma_start3A_569 : memref<1x100xi32, #tpu.memory_space<vmem>> -> memref<100xi32, #tpu.memory_space<vmem>>
    %dma_start3A_571 = arith.constant 0 : i32
    %dma_start3A_572 = arith.constant 0 : i32
    %dma_start3A_573 = tpu.memref_slice %arg2[%dma_start3A_571, %dma_start3A_572] : memref<100000x128xf32, #tpu.memory_space<hbm>> -> memref<100000x128xf32, #tpu.memory_space<hbm>>
    tpu.enqueue_indirect_dma source(%dma_start3A_573 : memref<100000x128xf32, #tpu.memory_space<hbm>>) target(%dma_start3A_563 : memref<100x128xf32, #tpu.memory_space<vmem>>) offsets(%dma_start3A_570 : memref<100xi32, #tpu.memory_space<vmem>>) semaphore(%arg17 : memref<!tpu.dma_semaphore, #tpu.memory_space<semaphore_mem>>) {add = true}
    %dma_start3A_574 = arith.constant 8 : i32
    %dma_start3A_575 = arith.constant 1 : i32
    %dma_start3A_576 = arith.constant 100 : i32
    %dma_start3A_577 = arith.constant 0 : i32
    %dma_start3A_578 = tpu.memref_slice %arg8[%dma_start3A_576, %dma_start3A_577] : memref<200x128xf32, #tpu.memory_space<vmem>> -> memref<100x128xf32, #tpu.memory_space<vmem>>
    %dma_start3A_579 = arith.constant 0 : i32
    %dma_start3A_580 = arith.constant 0 : i32
    %dma_start3A_581 = tpu.memref_slice %arg6[%dma_start3A_574, %dma_start3A_579, %dma_start3A_580] : memref<32x2x100xi32, #tpu.memory_space<vmem>> -> memref<1x2x100xi32, #tpu.memory_space<vmem>>
    %dma_start3A_582 = tpu.memref_squeeze %dma_start3A_581 : memref<1x2x100xi32, #tpu.memory_space<vmem>> -> memref<2x100xi32, #tpu.memory_space<vmem>>
    %dma_start3A_583 = arith.constant 0 : i32
    %dma_start3A_584 = tpu.memref_slice %dma_start3A_582[%dma_start3A_575, %dma_start3A_583] : memref<2x100xi32, #tpu.memory_space<vmem>> -> memref<1x100xi32, #tpu.memory_space<vmem>>
    %dma_start3A_585 = tpu.memref_squeeze %dma_start3A_584 : memref<1x100xi32, #tpu.memory_space<vmem>> -> memref<100xi32, #tpu.memory_space<vmem>>
    %dma_start3A_586 = arith.constant 0 : i32
    %dma_start3A_587 = arith.constant 0 : i32
    %dma_start3A_588 = tpu.memref_slice %arg2[%dma_start3A_586, %dma_start3A_587] : memref<100000x128xf32, #tpu.memory_space<hbm>> -> memref<100000x128xf32, #tpu.memory_space<hbm>>
    tpu.enqueue_indirect_dma source(%dma_start3A_588 : memref<100000x128xf32, #tpu.memory_space<hbm>>) target(%dma_start3A_578 : memref<100x128xf32, #tpu.memory_space<vmem>>) offsets(%dma_start3A_585 : memref<100xi32, #tpu.memory_space<vmem>>) semaphore(%arg17 : memref<!tpu.dma_semaphore, #tpu.memory_space<semaphore_mem>>) {add = true}
    %dma_wait3A_589 = arith.constant 0 : i32
    %dma_wait3A_590 = tpu.memref_slice %arg5[%mul3A_554, %dma_wait3A_589] : memref<204800x128xf32, #tpu.memory_space<hbm>> -> memref<200x128xf32, #tpu.memory_space<hbm>>
    %dma_wait3A_591 = arith.constant 0 : i32
    %dma_wait3A_592 = tpu.memref_slice %arg5[%mul3A_554, %dma_wait3A_591] : memref<204800x128xf32, #tpu.memory_space<hbm>> -> memref<200x128xf32, #tpu.memory_space<hbm>>
    tpu.wait_dma2 semaphore(%arg23 : memref<!tpu.dma_semaphore, #tpu.memory_space<semaphore_mem>>) src(%arg10 : memref<200x128xf32, #tpu.memory_space<vmem>>) dst(%dma_wait3A_592 : memref<200x128xf32, #tpu.memory_space<hbm>>)
    tpu.enqueue_dma source(%arg7 : memref<200x128xf32, #tpu.memory_space<vmem_shared>>) target(%arg10 : memref<200x128xf32, #tpu.memory_space<vmem>>) target_semaphore(%arg15 : memref<!tpu.dma_semaphore, #tpu.memory_space<semaphore_mem>>)
    %dma_wait3A_593 = arith.constant 7 : i32
    %dma_wait3A_594 = arith.constant 0 : i32
    %dma_wait3A_595 = arith.constant 0 : i32
    %dma_wait3A_596 = arith.constant 0 : i32
    %dma_wait3A_597 = tpu.memref_slice %arg11[%dma_wait3A_595, %dma_wait3A_596] : memref<200x128xf32, #tpu.memory_space<vmem>> -> memref<100x128xf32, #tpu.memory_space<vmem>>
    %dma_wait3A_598 = arith.constant 0 : i32
    %dma_wait3A_599 = arith.constant 0 : i32
    %dma_wait3A_600 = tpu.memref_slice %arg6[%dma_wait3A_593, %dma_wait3A_598, %dma_wait3A_599] : memref<32x2x100xi32, #tpu.memory_space<vmem>> -> memref<1x2x100xi32, #tpu.memory_space<vmem>>
    %dma_wait3A_601 = tpu.memref_squeeze %dma_wait3A_600 : memref<1x2x100xi32, #tpu.memory_space<vmem>> -> memref<2x100xi32, #tpu.memory_space<vmem>>
    %dma_wait3A_602 = arith.constant 0 : i32
    %dma_wait3A_603 = tpu.memref_slice %dma_wait3A_601[%dma_wait3A_594, %dma_wait3A_602] : memref<2x100xi32, #tpu.memory_space<vmem>> -> memref<1x100xi32, #tpu.memory_space<vmem>>
    %dma_wait3A_604 = tpu.memref_squeeze %dma_wait3A_603 : memref<1x100xi32, #tpu.memory_space<vmem>> -> memref<100xi32, #tpu.memory_space<vmem>>
    %dma_wait3A_605 = arith.constant 0 : i32
    %dma_wait3A_606 = arith.constant 0 : i32
    %dma_wait3A_607 = tpu.memref_slice %arg2[%dma_wait3A_605, %dma_wait3A_606] : memref<100000x128xf32, #tpu.memory_space<hbm>> -> memref<100000x128xf32, #tpu.memory_space<hbm>>
    tpu.wait_indirect_dma semaphore(%arg20 : memref<!tpu.dma_semaphore, #tpu.memory_space<semaphore_mem>>) src(%dma_wait3A_607 : memref<100000x128xf32, #tpu.memory_space<hbm>>) dst(%dma_wait3A_597 : memref<100x128xf32, #tpu.memory_space<vmem>>)
    %dma_wait3A_608 = arith.constant 7 : i32
    %dma_wait3A_609 = arith.constant 1 : i32
    %dma_wait3A_610 = arith.constant 100 : i32
    %dma_wait3A_611 = arith.constant 0 : i32
    %dma_wait3A_612 = tpu.memref_slice %arg11[%dma_wait3A_610, %dma_wait3A_611] : memref<200x128xf32, #tpu.memory_space<vmem>> -> memref<100x128xf32, #tpu.memory_space<vmem>>
    %dma_wait3A_613 = arith.constant 0 : i32
    %dma_wait3A_614 = arith.constant 0 : i32
    %dma_wait3A_615 = tpu.memref_slice %arg6[%dma_wait3A_608, %dma_wait3A_613, %dma_wait3A_614] : memref<32x2x100xi32, #tpu.memory_space<vmem>> -> memref<1x2x100xi32, #tpu.memory_space<vmem>>
    %dma_wait3A_616 = tpu.memref_squeeze %dma_wait3A_615 : memref<1x2x100xi32, #tpu.memory_space<vmem>> -> memref<2x100xi32, #tpu.memory_space<vmem>>
    %dma_wait3A_617 = arith.constant 0 : i32
    %dma_wait3A_618 = tpu.memref_slice %dma_wait3A_616[%dma_wait3A_609, %dma_wait3A_617] : memref<2x100xi32, #tpu.memory_space<vmem>> -> memref<1x100xi32, #tpu.memory_space<vmem>>
    %dma_wait3A_619 = tpu.memref_squeeze %dma_wait3A_618 : memref<1x100xi32, #tpu.memory_space<vmem>> -> memref<100xi32, #tpu.memory_space<vmem>>
    %dma_wait3A_620 = arith.constant 0 : i32
    %dma_wait3A_621 = arith.constant 0 : i32
    %dma_wait3A_622 = tpu.memref_slice %arg2[%dma_wait3A_620, %dma_wait3A_621] : memref<100000x128xf32, #tpu.memory_space<hbm>> -> memref<100000x128xf32, #tpu.memory_space<hbm>>
    tpu.wait_indirect_dma semaphore(%arg20 : memref<!tpu.dma_semaphore, #tpu.memory_space<semaphore_mem>>) src(%dma_wait3A_622 : memref<100000x128xf32, #tpu.memory_space<hbm>>) dst(%dma_wait3A_612 : memref<100x128xf32, #tpu.memory_space<vmem>>)
    %mul3A_623 = arith.constant 32 : i32
    %mul3A_624 = arith.muli %add3A, %mul3A_623 : i32
    %add3A_625 = arith.constant 7 : i32
    %add3A_626 = arith.addi %mul3A_624, %add3A_625 : i32
    %mul3A_627 = arith.constant 200 : i32
    %mul3A_628 = arith.muli %add3A_626, %mul3A_627 : i32
    %dma_start3A_629 = arith.constant 0 : i32
    %dma_start3A_630 = tpu.memref_slice %arg5[%mul3A_628, %dma_start3A_629] : memref<204800x128xf32, #tpu.memory_space<hbm>> -> memref<200x128xf32, #tpu.memory_space<hbm>>
    %dma_start3A_631 = arith.constant 0 : i32
    %dma_start3A_632 = tpu.memref_slice %arg5[%mul3A_628, %dma_start3A_631] : memref<204800x128xf32, #tpu.memory_space<hbm>> -> memref<200x128xf32, #tpu.memory_space<hbm>>
    tpu.enqueue_dma source(%arg11 : memref<200x128xf32, #tpu.memory_space<vmem>>) target(%dma_start3A_632 : memref<200x128xf32, #tpu.memory_space<hbm>>) target_semaphore(%arg24 : memref<!tpu.dma_semaphore, #tpu.memory_space<semaphore_mem>>)
    tpu.wait_dma2 semaphore(%arg14 : memref<!tpu.dma_semaphore, #tpu.memory_space<semaphore_mem>>) src(%arg7 : memref<200x128xf32, #tpu.memory_space<vmem_shared>>) dst(%arg9 : memref<200x128xf32, #tpu.memory_space<vmem>>)
    %dma_start3A_633 = arith.constant 9 : i32
    %dma_start3A_634 = arith.constant 0 : i32
    %dma_start3A_635 = arith.constant 0 : i32
    %dma_start3A_636 = arith.constant 0 : i32
    %dma_start3A_637 = tpu.memref_slice %arg9[%dma_start3A_635, %dma_start3A_636] : memref<200x128xf32, #tpu.memory_space<vmem>> -> memref<100x128xf32, #tpu.memory_space<vmem>>
    %dma_start3A_638 = arith.constant 0 : i32
    %dma_start3A_639 = arith.constant 0 : i32
    %dma_start3A_640 = tpu.memref_slice %arg6[%dma_start3A_633, %dma_start3A_638, %dma_start3A_639] : memref<32x2x100xi32, #tpu.memory_space<vmem>> -> memref<1x2x100xi32, #tpu.memory_space<vmem>>
    %dma_start3A_641 = tpu.memref_squeeze %dma_start3A_640 : memref<1x2x100xi32, #tpu.memory_space<vmem>> -> memref<2x100xi32, #tpu.memory_space<vmem>>
    %dma_start3A_642 = arith.constant 0 : i32
    %dma_start3A_643 = tpu.memref_slice %dma_start3A_641[%dma_start3A_634, %dma_start3A_642] : memref<2x100xi32, #tpu.memory_space<vmem>> -> memref<1x100xi32, #tpu.memory_space<vmem>>
    %dma_start3A_644 = tpu.memref_squeeze %dma_start3A_643 : memref<1x100xi32, #tpu.memory_space<vmem>> -> memref<100xi32, #tpu.memory_space<vmem>>
    %dma_start3A_645 = arith.constant 0 : i32
    %dma_start3A_646 = arith.constant 0 : i32
    %dma_start3A_647 = tpu.memref_slice %arg2[%dma_start3A_645, %dma_start3A_646] : memref<100000x128xf32, #tpu.memory_space<hbm>> -> memref<100000x128xf32, #tpu.memory_space<hbm>>
    tpu.enqueue_indirect_dma source(%dma_start3A_647 : memref<100000x128xf32, #tpu.memory_space<hbm>>) target(%dma_start3A_637 : memref<100x128xf32, #tpu.memory_space<vmem>>) offsets(%dma_start3A_644 : memref<100xi32, #tpu.memory_space<vmem>>) semaphore(%arg18 : memref<!tpu.dma_semaphore, #tpu.memory_space<semaphore_mem>>) {add = true}
    %dma_start3A_648 = arith.constant 9 : i32
    %dma_start3A_649 = arith.constant 1 : i32
    %dma_start3A_650 = arith.constant 100 : i32
    %dma_start3A_651 = arith.constant 0 : i32
    %dma_start3A_652 = tpu.memref_slice %arg9[%dma_start3A_650, %dma_start3A_651] : memref<200x128xf32, #tpu.memory_space<vmem>> -> memref<100x128xf32, #tpu.memory_space<vmem>>
    %dma_start3A_653 = arith.constant 0 : i32
    %dma_start3A_654 = arith.constant 0 : i32
    %dma_start3A_655 = tpu.memref_slice %arg6[%dma_start3A_648, %dma_start3A_653, %dma_start3A_654] : memref<32x2x100xi32, #tpu.memory_space<vmem>> -> memref<1x2x100xi32, #tpu.memory_space<vmem>>
    %dma_start3A_656 = tpu.memref_squeeze %dma_start3A_655 : memref<1x2x100xi32, #tpu.memory_space<vmem>> -> memref<2x100xi32, #tpu.memory_space<vmem>>
    %dma_start3A_657 = arith.constant 0 : i32
    %dma_start3A_658 = tpu.memref_slice %dma_start3A_656[%dma_start3A_649, %dma_start3A_657] : memref<2x100xi32, #tpu.memory_space<vmem>> -> memref<1x100xi32, #tpu.memory_space<vmem>>
    %dma_start3A_659 = tpu.memref_squeeze %dma_start3A_658 : memref<1x100xi32, #tpu.memory_space<vmem>> -> memref<100xi32, #tpu.memory_space<vmem>>
    %dma_start3A_660 = arith.constant 0 : i32
    %dma_start3A_661 = arith.constant 0 : i32
    %dma_start3A_662 = tpu.memref_slice %arg2[%dma_start3A_660, %dma_start3A_661] : memref<100000x128xf32, #tpu.memory_space<hbm>> -> memref<100000x128xf32, #tpu.memory_space<hbm>>
    tpu.enqueue_indirect_dma source(%dma_start3A_662 : memref<100000x128xf32, #tpu.memory_space<hbm>>) target(%dma_start3A_652 : memref<100x128xf32, #tpu.memory_space<vmem>>) offsets(%dma_start3A_659 : memref<100xi32, #tpu.memory_space<vmem>>) semaphore(%arg18 : memref<!tpu.dma_semaphore, #tpu.memory_space<semaphore_mem>>) {add = true}
    %dma_wait3A_663 = arith.constant 0 : i32
    %dma_wait3A_664 = tpu.memref_slice %arg5[%mul3A_628, %dma_wait3A_663] : memref<204800x128xf32, #tpu.memory_space<hbm>> -> memref<200x128xf32, #tpu.memory_space<hbm>>
    %dma_wait3A_665 = arith.constant 0 : i32
    %dma_wait3A_666 = tpu.memref_slice %arg5[%mul3A_628, %dma_wait3A_665] : memref<204800x128xf32, #tpu.memory_space<hbm>> -> memref<200x128xf32, #tpu.memory_space<hbm>>
    tpu.wait_dma2 semaphore(%arg24 : memref<!tpu.dma_semaphore, #tpu.memory_space<semaphore_mem>>) src(%arg11 : memref<200x128xf32, #tpu.memory_space<vmem>>) dst(%dma_wait3A_666 : memref<200x128xf32, #tpu.memory_space<hbm>>)
    tpu.enqueue_dma source(%arg7 : memref<200x128xf32, #tpu.memory_space<vmem_shared>>) target(%arg11 : memref<200x128xf32, #tpu.memory_space<vmem>>) target_semaphore(%arg16 : memref<!tpu.dma_semaphore, #tpu.memory_space<semaphore_mem>>)
    %dma_wait3A_667 = arith.constant 8 : i32
    %dma_wait3A_668 = arith.constant 0 : i32
    %dma_wait3A_669 = arith.constant 0 : i32
    %dma_wait3A_670 = arith.constant 0 : i32
    %dma_wait3A_671 = tpu.memref_slice %arg8[%dma_wait3A_669, %dma_wait3A_670] : memref<200x128xf32, #tpu.memory_space<vmem>> -> memref<100x128xf32, #tpu.memory_space<vmem>>
    %dma_wait3A_672 = arith.constant 0 : i32
    %dma_wait3A_673 = arith.constant 0 : i32
    %dma_wait3A_674 = tpu.memref_slice %arg6[%dma_wait3A_667, %dma_wait3A_672, %dma_wait3A_673] : memref<32x2x100xi32, #tpu.memory_space<vmem>> -> memref<1x2x100xi32, #tpu.memory_space<vmem>>
    %dma_wait3A_675 = tpu.memref_squeeze %dma_wait3A_674 : memref<1x2x100xi32, #tpu.memory_space<vmem>> -> memref<2x100xi32, #tpu.memory_space<vmem>>
    %dma_wait3A_676 = arith.constant 0 : i32
    %dma_wait3A_677 = tpu.memref_slice %dma_wait3A_675[%dma_wait3A_668, %dma_wait3A_676] : memref<2x100xi32, #tpu.memory_space<vmem>> -> memref<1x100xi32, #tpu.memory_space<vmem>>
    %dma_wait3A_678 = tpu.memref_squeeze %dma_wait3A_677 : memref<1x100xi32, #tpu.memory_space<vmem>> -> memref<100xi32, #tpu.memory_space<vmem>>
    %dma_wait3A_679 = arith.constant 0 : i32
    %dma_wait3A_680 = arith.constant 0 : i32
    %dma_wait3A_681 = tpu.memref_slice %arg2[%dma_wait3A_679, %dma_wait3A_680] : memref<100000x128xf32, #tpu.memory_space<hbm>> -> memref<100000x128xf32, #tpu.memory_space<hbm>>
    tpu.wait_indirect_dma semaphore(%arg17 : memref<!tpu.dma_semaphore, #tpu.memory_space<semaphore_mem>>) src(%dma_wait3A_681 : memref<100000x128xf32, #tpu.memory_space<hbm>>) dst(%dma_wait3A_671 : memref<100x128xf32, #tpu.memory_space<vmem>>)
    %dma_wait3A_682 = arith.constant 8 : i32
    %dma_wait3A_683 = arith.constant 1 : i32
    %dma_wait3A_684 = arith.constant 100 : i32
    %dma_wait3A_685 = arith.constant 0 : i32
    %dma_wait3A_686 = tpu.memref_slice %arg8[%dma_wait3A_684, %dma_wait3A_685] : memref<200x128xf32, #tpu.memory_space<vmem>> -> memref<100x128xf32, #tpu.memory_space<vmem>>
    %dma_wait3A_687 = arith.constant 0 : i32
    %dma_wait3A_688 = arith.constant 0 : i32
    %dma_wait3A_689 = tpu.memref_slice %arg6[%dma_wait3A_682, %dma_wait3A_687, %dma_wait3A_688] : memref<32x2x100xi32, #tpu.memory_space<vmem>> -> memref<1x2x100xi32, #tpu.memory_space<vmem>>
    %dma_wait3A_690 = tpu.memref_squeeze %dma_wait3A_689 : memref<1x2x100xi32, #tpu.memory_space<vmem>> -> memref<2x100xi32, #tpu.memory_space<vmem>>
    %dma_wait3A_691 = arith.constant 0 : i32
    %dma_wait3A_692 = tpu.memref_slice %dma_wait3A_690[%dma_wait3A_683, %dma_wait3A_691] : memref<2x100xi32, #tpu.memory_space<vmem>> -> memref<1x100xi32, #tpu.memory_space<vmem>>
    %dma_wait3A_693 = tpu.memref_squeeze %dma_wait3A_692 : memref<1x100xi32, #tpu.memory_space<vmem>> -> memref<100xi32, #tpu.memory_space<vmem>>
    %dma_wait3A_694 = arith.constant 0 : i32
    %dma_wait3A_695 = arith.constant 0 : i32
    %dma_wait3A_696 = tpu.memref_slice %arg2[%dma_wait3A_694, %dma_wait3A_695] : memref<100000x128xf32, #tpu.memory_space<hbm>> -> memref<100000x128xf32, #tpu.memory_space<hbm>>
    tpu.wait_indirect_dma semaphore(%arg17 : memref<!tpu.dma_semaphore, #tpu.memory_space<semaphore_mem>>) src(%dma_wait3A_696 : memref<100000x128xf32, #tpu.memory_space<hbm>>) dst(%dma_wait3A_686 : memref<100x128xf32, #tpu.memory_space<vmem>>)
    %mul3A_697 = arith.constant 32 : i32
    %mul3A_698 = arith.muli %add3A, %mul3A_697 : i32
    %add3A_699 = arith.constant 8 : i32
    %add3A_700 = arith.addi %mul3A_698, %add3A_699 : i32
    %mul3A_701 = arith.constant 200 : i32
    %mul3A_702 = arith.muli %add3A_700, %mul3A_701 : i32
    %dma_start3A_703 = arith.constant 0 : i32
    %dma_start3A_704 = tpu.memref_slice %arg5[%mul3A_702, %dma_start3A_703] : memref<204800x128xf32, #tpu.memory_space<hbm>> -> memref<200x128xf32, #tpu.memory_space<hbm>>
    %dma_start3A_705 = arith.constant 0 : i32
    %dma_start3A_706 = tpu.memref_slice %arg5[%mul3A_702, %dma_start3A_705] : memref<204800x128xf32, #tpu.memory_space<hbm>> -> memref<200x128xf32, #tpu.memory_space<hbm>>
    tpu.enqueue_dma source(%arg8 : memref<200x128xf32, #tpu.memory_space<vmem>>) target(%dma_start3A_706 : memref<200x128xf32, #tpu.memory_space<hbm>>) target_semaphore(%arg21 : memref<!tpu.dma_semaphore, #tpu.memory_space<semaphore_mem>>)
    tpu.wait_dma2 semaphore(%arg15 : memref<!tpu.dma_semaphore, #tpu.memory_space<semaphore_mem>>) src(%arg7 : memref<200x128xf32, #tpu.memory_space<vmem_shared>>) dst(%arg10 : memref<200x128xf32, #tpu.memory_space<vmem>>)
    %dma_start3A_707 = arith.constant 10 : i32
    %dma_start3A_708 = arith.constant 0 : i32
    %dma_start3A_709 = arith.constant 0 : i32
    %dma_start3A_710 = arith.constant 0 : i32
    %dma_start3A_711 = tpu.memref_slice %arg10[%dma_start3A_709, %dma_start3A_710] : memref<200x128xf32, #tpu.memory_space<vmem>> -> memref<100x128xf32, #tpu.memory_space<vmem>>
    %dma_start3A_712 = arith.constant 0 : i32
    %dma_start3A_713 = arith.constant 0 : i32
    %dma_start3A_714 = tpu.memref_slice %arg6[%dma_start3A_707, %dma_start3A_712, %dma_start3A_713] : memref<32x2x100xi32, #tpu.memory_space<vmem>> -> memref<1x2x100xi32, #tpu.memory_space<vmem>>
    %dma_start3A_715 = tpu.memref_squeeze %dma_start3A_714 : memref<1x2x100xi32, #tpu.memory_space<vmem>> -> memref<2x100xi32, #tpu.memory_space<vmem>>
    %dma_start3A_716 = arith.constant 0 : i32
    %dma_start3A_717 = tpu.memref_slice %dma_start3A_715[%dma_start3A_708, %dma_start3A_716] : memref<2x100xi32, #tpu.memory_space<vmem>> -> memref<1x100xi32, #tpu.memory_space<vmem>>
    %dma_start3A_718 = tpu.memref_squeeze %dma_start3A_717 : memref<1x100xi32, #tpu.memory_space<vmem>> -> memref<100xi32, #tpu.memory_space<vmem>>
    %dma_start3A_719 = arith.constant 0 : i32
    %dma_start3A_720 = arith.constant 0 : i32
    %dma_start3A_721 = tpu.memref_slice %arg2[%dma_start3A_719, %dma_start3A_720] : memref<100000x128xf32, #tpu.memory_space<hbm>> -> memref<100000x128xf32, #tpu.memory_space<hbm>>
    tpu.enqueue_indirect_dma source(%dma_start3A_721 : memref<100000x128xf32, #tpu.memory_space<hbm>>) target(%dma_start3A_711 : memref<100x128xf32, #tpu.memory_space<vmem>>) offsets(%dma_start3A_718 : memref<100xi32, #tpu.memory_space<vmem>>) semaphore(%arg19 : memref<!tpu.dma_semaphore, #tpu.memory_space<semaphore_mem>>) {add = true}
    %dma_start3A_722 = arith.constant 10 : i32
    %dma_start3A_723 = arith.constant 1 : i32
    %dma_start3A_724 = arith.constant 100 : i32
    %dma_start3A_725 = arith.constant 0 : i32
    %dma_start3A_726 = tpu.memref_slice %arg10[%dma_start3A_724, %dma_start3A_725] : memref<200x128xf32, #tpu.memory_space<vmem>> -> memref<100x128xf32, #tpu.memory_space<vmem>>
    %dma_start3A_727 = arith.constant 0 : i32
    %dma_start3A_728 = arith.constant 0 : i32
    %dma_start3A_729 = tpu.memref_slice %arg6[%dma_start3A_722, %dma_start3A_727, %dma_start3A_728] : memref<32x2x100xi32, #tpu.memory_space<vmem>> -> memref<1x2x100xi32, #tpu.memory_space<vmem>>
    %dma_start3A_730 = tpu.memref_squeeze %dma_start3A_729 : memref<1x2x100xi32, #tpu.memory_space<vmem>> -> memref<2x100xi32, #tpu.memory_space<vmem>>
    %dma_start3A_731 = arith.constant 0 : i32
    %dma_start3A_732 = tpu.memref_slice %dma_start3A_730[%dma_start3A_723, %dma_start3A_731] : memref<2x100xi32, #tpu.memory_space<vmem>> -> memref<1x100xi32, #tpu.memory_space<vmem>>
    %dma_start3A_733 = tpu.memref_squeeze %dma_start3A_732 : memref<1x100xi32, #tpu.memory_space<vmem>> -> memref<100xi32, #tpu.memory_space<vmem>>
    %dma_start3A_734 = arith.constant 0 : i32
    %dma_start3A_735 = arith.constant 0 : i32
    %dma_start3A_736 = tpu.memref_slice %arg2[%dma_start3A_734, %dma_start3A_735] : memref<100000x128xf32, #tpu.memory_space<hbm>> -> memref<100000x128xf32, #tpu.memory_space<hbm>>
    tpu.enqueue_indirect_dma source(%dma_start3A_736 : memref<100000x128xf32, #tpu.memory_space<hbm>>) target(%dma_start3A_726 : memref<100x128xf32, #tpu.memory_space<vmem>>) offsets(%dma_start3A_733 : memref<100xi32, #tpu.memory_space<vmem>>) semaphore(%arg19 : memref<!tpu.dma_semaphore, #tpu.memory_space<semaphore_mem>>) {add = true}
    %dma_wait3A_737 = arith.constant 0 : i32
    %dma_wait3A_738 = tpu.memref_slice %arg5[%mul3A_702, %dma_wait3A_737] : memref<204800x128xf32, #tpu.memory_space<hbm>> -> memref<200x128xf32, #tpu.memory_space<hbm>>
    %dma_wait3A_739 = arith.constant 0 : i32
    %dma_wait3A_740 = tpu.memref_slice %arg5[%mul3A_702, %dma_wait3A_739] : memref<204800x128xf32, #tpu.memory_space<hbm>> -> memref<200x128xf32, #tpu.memory_space<hbm>>
    tpu.wait_dma2 semaphore(%arg21 : memref<!tpu.dma_semaphore, #tpu.memory_space<semaphore_mem>>) src(%arg8 : memref<200x128xf32, #tpu.memory_space<vmem>>) dst(%dma_wait3A_740 : memref<200x128xf32, #tpu.memory_space<hbm>>)
    tpu.enqueue_dma source(%arg7 : memref<200x128xf32, #tpu.memory_space<vmem_shared>>) target(%arg8 : memref<200x128xf32, #tpu.memory_space<vmem>>) target_semaphore(%arg13 : memref<!tpu.dma_semaphore, #tpu.memory_space<semaphore_mem>>)
    %dma_wait3A_741 = arith.constant 9 : i32
    %dma_wait3A_742 = arith.constant 0 : i32
    %dma_wait3A_743 = arith.constant 0 : i32
    %dma_wait3A_744 = arith.constant 0 : i32
    %dma_wait3A_745 = tpu.memref_slice %arg9[%dma_wait3A_743, %dma_wait3A_744] : memref<200x128xf32, #tpu.memory_space<vmem>> -> memref<100x128xf32, #tpu.memory_space<vmem>>
    %dma_wait3A_746 = arith.constant 0 : i32
    %dma_wait3A_747 = arith.constant 0 : i32
    %dma_wait3A_748 = tpu.memref_slice %arg6[%dma_wait3A_741, %dma_wait3A_746, %dma_wait3A_747] : memref<32x2x100xi32, #tpu.memory_space<vmem>> -> memref<1x2x100xi32, #tpu.memory_space<vmem>>
    %dma_wait3A_749 = tpu.memref_squeeze %dma_wait3A_748 : memref<1x2x100xi32, #tpu.memory_space<vmem>> -> memref<2x100xi32, #tpu.memory_space<vmem>>
    %dma_wait3A_750 = arith.constant 0 : i32
    %dma_wait3A_751 = tpu.memref_slice %dma_wait3A_749[%dma_wait3A_742, %dma_wait3A_750] : memref<2x100xi32, #tpu.memory_space<vmem>> -> memref<1x100xi32, #tpu.memory_space<vmem>>
    %dma_wait3A_752 = tpu.memref_squeeze %dma_wait3A_751 : memref<1x100xi32, #tpu.memory_space<vmem>> -> memref<100xi32, #tpu.memory_space<vmem>>
    %dma_wait3A_753 = arith.constant 0 : i32
    %dma_wait3A_754 = arith.constant 0 : i32
    %dma_wait3A_755 = tpu.memref_slice %arg2[%dma_wait3A_753, %dma_wait3A_754] : memref<100000x128xf32, #tpu.memory_space<hbm>> -> memref<100000x128xf32, #tpu.memory_space<hbm>>
    tpu.wait_indirect_dma semaphore(%arg18 : memref<!tpu.dma_semaphore, #tpu.memory_space<semaphore_mem>>) src(%dma_wait3A_755 : memref<100000x128xf32, #tpu.memory_space<hbm>>) dst(%dma_wait3A_745 : memref<100x128xf32, #tpu.memory_space<vmem>>)
    %dma_wait3A_756 = arith.constant 9 : i32
    %dma_wait3A_757 = arith.constant 1 : i32
    %dma_wait3A_758 = arith.constant 100 : i32
    %dma_wait3A_759 = arith.constant 0 : i32
    %dma_wait3A_760 = tpu.memref_slice %arg9[%dma_wait3A_758, %dma_wait3A_759] : memref<200x128xf32, #tpu.memory_space<vmem>> -> memref<100x128xf32, #tpu.memory_space<vmem>>
    %dma_wait3A_761 = arith.constant 0 : i32
    %dma_wait3A_762 = arith.constant 0 : i32
    %dma_wait3A_763 = tpu.memref_slice %arg6[%dma_wait3A_756, %dma_wait3A_761, %dma_wait3A_762] : memref<32x2x100xi32, #tpu.memory_space<vmem>> -> memref<1x2x100xi32, #tpu.memory_space<vmem>>
    %dma_wait3A_764 = tpu.memref_squeeze %dma_wait3A_763 : memref<1x2x100xi32, #tpu.memory_space<vmem>> -> memref<2x100xi32, #tpu.memory_space<vmem>>
    %dma_wait3A_765 = arith.constant 0 : i32
    %dma_wait3A_766 = tpu.memref_slice %dma_wait3A_764[%dma_wait3A_757, %dma_wait3A_765] : memref<2x100xi32, #tpu.memory_space<vmem>> -> memref<1x100xi32, #tpu.memory_space<vmem>>
    %dma_wait3A_767 = tpu.memref_squeeze %dma_wait3A_766 : memref<1x100xi32, #tpu.memory_space<vmem>> -> memref<100xi32, #tpu.memory_space<vmem>>
    %dma_wait3A_768 = arith.constant 0 : i32
    %dma_wait3A_769 = arith.constant 0 : i32
    %dma_wait3A_770 = tpu.memref_slice %arg2[%dma_wait3A_768, %dma_wait3A_769] : memref<100000x128xf32, #tpu.memory_space<hbm>> -> memref<100000x128xf32, #tpu.memory_space<hbm>>
    tpu.wait_indirect_dma semaphore(%arg18 : memref<!tpu.dma_semaphore, #tpu.memory_space<semaphore_mem>>) src(%dma_wait3A_770 : memref<100000x128xf32, #tpu.memory_space<hbm>>) dst(%dma_wait3A_760 : memref<100x128xf32, #tpu.memory_space<vmem>>)
    %mul3A_771 = arith.constant 32 : i32
    %mul3A_772 = arith.muli %add3A, %mul3A_771 : i32
    %add3A_773 = arith.constant 9 : i32
    %add3A_774 = arith.addi %mul3A_772, %add3A_773 : i32
    %mul3A_775 = arith.constant 200 : i32
    %mul3A_776 = arith.muli %add3A_774, %mul3A_775 : i32
    %dma_start3A_777 = arith.constant 0 : i32
    %dma_start3A_778 = tpu.memref_slice %arg5[%mul3A_776, %dma_start3A_777] : memref<204800x128xf32, #tpu.memory_space<hbm>> -> memref<200x128xf32, #tpu.memory_space<hbm>>
    %dma_start3A_779 = arith.constant 0 : i32
    %dma_start3A_780 = tpu.memref_slice %arg5[%mul3A_776, %dma_start3A_779] : memref<204800x128xf32, #tpu.memory_space<hbm>> -> memref<200x128xf32, #tpu.memory_space<hbm>>
    tpu.enqueue_dma source(%arg9 : memref<200x128xf32, #tpu.memory_space<vmem>>) target(%dma_start3A_780 : memref<200x128xf32, #tpu.memory_space<hbm>>) target_semaphore(%arg22 : memref<!tpu.dma_semaphore, #tpu.memory_space<semaphore_mem>>)
    tpu.wait_dma2 semaphore(%arg16 : memref<!tpu.dma_semaphore, #tpu.memory_space<semaphore_mem>>) src(%arg7 : memref<200x128xf32, #tpu.memory_space<vmem_shared>>) dst(%arg11 : memref<200x128xf32, #tpu.memory_space<vmem>>)
    %dma_start3A_781 = arith.constant 11 : i32
    %dma_start3A_782 = arith.constant 0 : i32
    %dma_start3A_783 = arith.constant 0 : i32
    %dma_start3A_784 = arith.constant 0 : i32
    %dma_start3A_785 = tpu.memref_slice %arg11[%dma_start3A_783, %dma_start3A_784] : memref<200x128xf32, #tpu.memory_space<vmem>> -> memref<100x128xf32, #tpu.memory_space<vmem>>
    %dma_start3A_786 = arith.constant 0 : i32
    %dma_start3A_787 = arith.constant 0 : i32
    %dma_start3A_788 = tpu.memref_slice %arg6[%dma_start3A_781, %dma_start3A_786, %dma_start3A_787] : memref<32x2x100xi32, #tpu.memory_space<vmem>> -> memref<1x2x100xi32, #tpu.memory_space<vmem>>
    %dma_start3A_789 = tpu.memref_squeeze %dma_start3A_788 : memref<1x2x100xi32, #tpu.memory_space<vmem>> -> memref<2x100xi32, #tpu.memory_space<vmem>>
    %dma_start3A_790 = arith.constant 0 : i32
    %dma_start3A_791 = tpu.memref_slice %dma_start3A_789[%dma_start3A_782, %dma_start3A_790] : memref<2x100xi32, #tpu.memory_space<vmem>> -> memref<1x100xi32, #tpu.memory_space<vmem>>
    %dma_start3A_792 = tpu.memref_squeeze %dma_start3A_791 : memref<1x100xi32, #tpu.memory_space<vmem>> -> memref<100xi32, #tpu.memory_space<vmem>>
    %dma_start3A_793 = arith.constant 0 : i32
    %dma_start3A_794 = arith.constant 0 : i32
    %dma_start3A_795 = tpu.memref_slice %arg2[%dma_start3A_793, %dma_start3A_794] : memref<100000x128xf32, #tpu.memory_space<hbm>> -> memref<100000x128xf32, #tpu.memory_space<hbm>>
    tpu.enqueue_indirect_dma source(%dma_start3A_795 : memref<100000x128xf32, #tpu.memory_space<hbm>>) target(%dma_start3A_785 : memref<100x128xf32, #tpu.memory_space<vmem>>) offsets(%dma_start3A_792 : memref<100xi32, #tpu.memory_space<vmem>>) semaphore(%arg20 : memref<!tpu.dma_semaphore, #tpu.memory_space<semaphore_mem>>) {add = true}
    %dma_start3A_796 = arith.constant 11 : i32
    %dma_start3A_797 = arith.constant 1 : i32
    %dma_start3A_798 = arith.constant 100 : i32
    %dma_start3A_799 = arith.constant 0 : i32
    %dma_start3A_800 = tpu.memref_slice %arg11[%dma_start3A_798, %dma_start3A_799] : memref<200x128xf32, #tpu.memory_space<vmem>> -> memref<100x128xf32, #tpu.memory_space<vmem>>
    %dma_start3A_801 = arith.constant 0 : i32
    %dma_start3A_802 = arith.constant 0 : i32
    %dma_start3A_803 = tpu.memref_slice %arg6[%dma_start3A_796, %dma_start3A_801, %dma_start3A_802] : memref<32x2x100xi32, #tpu.memory_space<vmem>> -> memref<1x2x100xi32, #tpu.memory_space<vmem>>
    %dma_start3A_804 = tpu.memref_squeeze %dma_start3A_803 : memref<1x2x100xi32, #tpu.memory_space<vmem>> -> memref<2x100xi32, #tpu.memory_space<vmem>>
    %dma_start3A_805 = arith.constant 0 : i32
    %dma_start3A_806 = tpu.memref_slice %dma_start3A_804[%dma_start3A_797, %dma_start3A_805] : memref<2x100xi32, #tpu.memory_space<vmem>> -> memref<1x100xi32, #tpu.memory_space<vmem>>
    %dma_start3A_807 = tpu.memref_squeeze %dma_start3A_806 : memref<1x100xi32, #tpu.memory_space<vmem>> -> memref<100xi32, #tpu.memory_space<vmem>>
    %dma_start3A_808 = arith.constant 0 : i32
    %dma_start3A_809 = arith.constant 0 : i32
    %dma_start3A_810 = tpu.memref_slice %arg2[%dma_start3A_808, %dma_start3A_809] : memref<100000x128xf32, #tpu.memory_space<hbm>> -> memref<100000x128xf32, #tpu.memory_space<hbm>>
    tpu.enqueue_indirect_dma source(%dma_start3A_810 : memref<100000x128xf32, #tpu.memory_space<hbm>>) target(%dma_start3A_800 : memref<100x128xf32, #tpu.memory_space<vmem>>) offsets(%dma_start3A_807 : memref<100xi32, #tpu.memory_space<vmem>>) semaphore(%arg20 : memref<!tpu.dma_semaphore, #tpu.memory_space<semaphore_mem>>) {add = true}
    %dma_wait3A_811 = arith.constant 0 : i32
    %dma_wait3A_812 = tpu.memref_slice %arg5[%mul3A_776, %dma_wait3A_811] : memref<204800x128xf32, #tpu.memory_space<hbm>> -> memref<200x128xf32, #tpu.memory_space<hbm>>
    %dma_wait3A_813 = arith.constant 0 : i32
    %dma_wait3A_814 = tpu.memref_slice %arg5[%mul3A_776, %dma_wait3A_813] : memref<204800x128xf32, #tpu.memory_space<hbm>> -> memref<200x128xf32, #tpu.memory_space<hbm>>
    tpu.wait_dma2 semaphore(%arg22 : memref<!tpu.dma_semaphore, #tpu.memory_space<semaphore_mem>>) src(%arg9 : memref<200x128xf32, #tpu.memory_space<vmem>>) dst(%dma_wait3A_814 : memref<200x128xf32, #tpu.memory_space<hbm>>)
    tpu.enqueue_dma source(%arg7 : memref<200x128xf32, #tpu.memory_space<vmem_shared>>) target(%arg9 : memref<200x128xf32, #tpu.memory_space<vmem>>) target_semaphore(%arg14 : memref<!tpu.dma_semaphore, #tpu.memory_space<semaphore_mem>>)
    %dma_wait3A_815 = arith.constant 10 : i32
    %dma_wait3A_816 = arith.constant 0 : i32
    %dma_wait3A_817 = arith.constant 0 : i32
    %dma_wait3A_818 = arith.constant 0 : i32
    %dma_wait3A_819 = tpu.memref_slice %arg10[%dma_wait3A_817, %dma_wait3A_818] : memref<200x128xf32, #tpu.memory_space<vmem>> -> memref<100x128xf32, #tpu.memory_space<vmem>>
    %dma_wait3A_820 = arith.constant 0 : i32
    %dma_wait3A_821 = arith.constant 0 : i32
    %dma_wait3A_822 = tpu.memref_slice %arg6[%dma_wait3A_815, %dma_wait3A_820, %dma_wait3A_821] : memref<32x2x100xi32, #tpu.memory_space<vmem>> -> memref<1x2x100xi32, #tpu.memory_space<vmem>>
    %dma_wait3A_823 = tpu.memref_squeeze %dma_wait3A_822 : memref<1x2x100xi32, #tpu.memory_space<vmem>> -> memref<2x100xi32, #tpu.memory_space<vmem>>
    %dma_wait3A_824 = arith.constant 0 : i32
    %dma_wait3A_825 = tpu.memref_slice %dma_wait3A_823[%dma_wait3A_816, %dma_wait3A_824] : memref<2x100xi32, #tpu.memory_space<vmem>> -> memref<1x100xi32, #tpu.memory_space<vmem>>
    %dma_wait3A_826 = tpu.memref_squeeze %dma_wait3A_825 : memref<1x100xi32, #tpu.memory_space<vmem>> -> memref<100xi32, #tpu.memory_space<vmem>>
    %dma_wait3A_827 = arith.constant 0 : i32
    %dma_wait3A_828 = arith.constant 0 : i32
    %dma_wait3A_829 = tpu.memref_slice %arg2[%dma_wait3A_827, %dma_wait3A_828] : memref<100000x128xf32, #tpu.memory_space<hbm>> -> memref<100000x128xf32, #tpu.memory_space<hbm>>
    tpu.wait_indirect_dma semaphore(%arg19 : memref<!tpu.dma_semaphore, #tpu.memory_space<semaphore_mem>>) src(%dma_wait3A_829 : memref<100000x128xf32, #tpu.memory_space<hbm>>) dst(%dma_wait3A_819 : memref<100x128xf32, #tpu.memory_space<vmem>>)
    %dma_wait3A_830 = arith.constant 10 : i32
    %dma_wait3A_831 = arith.constant 1 : i32
    %dma_wait3A_832 = arith.constant 100 : i32
    %dma_wait3A_833 = arith.constant 0 : i32
    %dma_wait3A_834 = tpu.memref_slice %arg10[%dma_wait3A_832, %dma_wait3A_833] : memref<200x128xf32, #tpu.memory_space<vmem>> -> memref<100x128xf32, #tpu.memory_space<vmem>>
    %dma_wait3A_835 = arith.constant 0 : i32
    %dma_wait3A_836 = arith.constant 0 : i32
    %dma_wait3A_837 = tpu.memref_slice %arg6[%dma_wait3A_830, %dma_wait3A_835, %dma_wait3A_836] : memref<32x2x100xi32, #tpu.memory_space<vmem>> -> memref<1x2x100xi32, #tpu.memory_space<vmem>>
    %dma_wait3A_838 = tpu.memref_squeeze %dma_wait3A_837 : memref<1x2x100xi32, #tpu.memory_space<vmem>> -> memref<2x100xi32, #tpu.memory_space<vmem>>
    %dma_wait3A_839 = arith.constant 0 : i32
    %dma_wait3A_840 = tpu.memref_slice %dma_wait3A_838[%dma_wait3A_831, %dma_wait3A_839] : memref<2x100xi32, #tpu.memory_space<vmem>> -> memref<1x100xi32, #tpu.memory_space<vmem>>
    %dma_wait3A_841 = tpu.memref_squeeze %dma_wait3A_840 : memref<1x100xi32, #tpu.memory_space<vmem>> -> memref<100xi32, #tpu.memory_space<vmem>>
    %dma_wait3A_842 = arith.constant 0 : i32
    %dma_wait3A_843 = arith.constant 0 : i32
    %dma_wait3A_844 = tpu.memref_slice %arg2[%dma_wait3A_842, %dma_wait3A_843] : memref<100000x128xf32, #tpu.memory_space<hbm>> -> memref<100000x128xf32, #tpu.memory_space<hbm>>
    tpu.wait_indirect_dma semaphore(%arg19 : memref<!tpu.dma_semaphore, #tpu.memory_space<semaphore_mem>>) src(%dma_wait3A_844 : memref<100000x128xf32, #tpu.memory_space<hbm>>) dst(%dma_wait3A_834 : memref<100x128xf32, #tpu.memory_space<vmem>>)
    %mul3A_845 = arith.constant 32 : i32
    %mul3A_846 = arith.muli %add3A, %mul3A_845 : i32
    %add3A_847 = arith.constant 10 : i32
    %add3A_848 = arith.addi %mul3A_846, %add3A_847 : i32
    %mul3A_849 = arith.constant 200 : i32
    %mul3A_850 = arith.muli %add3A_848, %mul3A_849 : i32
    %dma_start3A_851 = arith.constant 0 : i32
    %dma_start3A_852 = tpu.memref_slice %arg5[%mul3A_850, %dma_start3A_851] : memref<204800x128xf32, #tpu.memory_space<hbm>> -> memref<200x128xf32, #tpu.memory_space<hbm>>
    %dma_start3A_853 = arith.constant 0 : i32
    %dma_start3A_854 = tpu.memref_slice %arg5[%mul3A_850, %dma_start3A_853] : memref<204800x128xf32, #tpu.memory_space<hbm>> -> memref<200x128xf32, #tpu.memory_space<hbm>>
    tpu.enqueue_dma source(%arg10 : memref<200x128xf32, #tpu.memory_space<vmem>>) target(%dma_start3A_854 : memref<200x128xf32, #tpu.memory_space<hbm>>) target_semaphore(%arg23 : memref<!tpu.dma_semaphore, #tpu.memory_space<semaphore_mem>>)
    tpu.wait_dma2 semaphore(%arg13 : memref<!tpu.dma_semaphore, #tpu.memory_space<semaphore_mem>>) src(%arg7 : memref<200x128xf32, #tpu.memory_space<vmem_shared>>) dst(%arg8 : memref<200x128xf32, #tpu.memory_space<vmem>>)
    %dma_start3A_855 = arith.constant 12 : i32
    %dma_start3A_856 = arith.constant 0 : i32
    %dma_start3A_857 = arith.constant 0 : i32
    %dma_start3A_858 = arith.constant 0 : i32
    %dma_start3A_859 = tpu.memref_slice %arg8[%dma_start3A_857, %dma_start3A_858] : memref<200x128xf32, #tpu.memory_space<vmem>> -> memref<100x128xf32, #tpu.memory_space<vmem>>
    %dma_start3A_860 = arith.constant 0 : i32
    %dma_start3A_861 = arith.constant 0 : i32
    %dma_start3A_862 = tpu.memref_slice %arg6[%dma_start3A_855, %dma_start3A_860, %dma_start3A_861] : memref<32x2x100xi32, #tpu.memory_space<vmem>> -> memref<1x2x100xi32, #tpu.memory_space<vmem>>
    %dma_start3A_863 = tpu.memref_squeeze %dma_start3A_862 : memref<1x2x100xi32, #tpu.memory_space<vmem>> -> memref<2x100xi32, #tpu.memory_space<vmem>>
    %dma_start3A_864 = arith.constant 0 : i32
    %dma_start3A_865 = tpu.memref_slice %dma_start3A_863[%dma_start3A_856, %dma_start3A_864] : memref<2x100xi32, #tpu.memory_space<vmem>> -> memref<1x100xi32, #tpu.memory_space<vmem>>
    %dma_start3A_866 = tpu.memref_squeeze %dma_start3A_865 : memref<1x100xi32, #tpu.memory_space<vmem>> -> memref<100xi32, #tpu.memory_space<vmem>>
    %dma_start3A_867 = arith.constant 0 : i32
    %dma_start3A_868 = arith.constant 0 : i32
    %dma_start3A_869 = tpu.memref_slice %arg2[%dma_start3A_867, %dma_start3A_868] : memref<100000x128xf32, #tpu.memory_space<hbm>> -> memref<100000x128xf32, #tpu.memory_space<hbm>>
    tpu.enqueue_indirect_dma source(%dma_start3A_869 : memref<100000x128xf32, #tpu.memory_space<hbm>>) target(%dma_start3A_859 : memref<100x128xf32, #tpu.memory_space<vmem>>) offsets(%dma_start3A_866 : memref<100xi32, #tpu.memory_space<vmem>>) semaphore(%arg17 : memref<!tpu.dma_semaphore, #tpu.memory_space<semaphore_mem>>) {add = true}
    %dma_start3A_870 = arith.constant 12 : i32
    %dma_start3A_871 = arith.constant 1 : i32
    %dma_start3A_872 = arith.constant 100 : i32
    %dma_start3A_873 = arith.constant 0 : i32
    %dma_start3A_874 = tpu.memref_slice %arg8[%dma_start3A_872, %dma_start3A_873] : memref<200x128xf32, #tpu.memory_space<vmem>> -> memref<100x128xf32, #tpu.memory_space<vmem>>
    %dma_start3A_875 = arith.constant 0 : i32
    %dma_start3A_876 = arith.constant 0 : i32
    %dma_start3A_877 = tpu.memref_slice %arg6[%dma_start3A_870, %dma_start3A_875, %dma_start3A_876] : memref<32x2x100xi32, #tpu.memory_space<vmem>> -> memref<1x2x100xi32, #tpu.memory_space<vmem>>
    %dma_start3A_878 = tpu.memref_squeeze %dma_start3A_877 : memref<1x2x100xi32, #tpu.memory_space<vmem>> -> memref<2x100xi32, #tpu.memory_space<vmem>>
    %dma_start3A_879 = arith.constant 0 : i32
    %dma_start3A_880 = tpu.memref_slice %dma_start3A_878[%dma_start3A_871, %dma_start3A_879] : memref<2x100xi32, #tpu.memory_space<vmem>> -> memref<1x100xi32, #tpu.memory_space<vmem>>
    %dma_start3A_881 = tpu.memref_squeeze %dma_start3A_880 : memref<1x100xi32, #tpu.memory_space<vmem>> -> memref<100xi32, #tpu.memory_space<vmem>>
    %dma_start3A_882 = arith.constant 0 : i32
    %dma_start3A_883 = arith.constant 0 : i32
    %dma_start3A_884 = tpu.memref_slice %arg2[%dma_start3A_882, %dma_start3A_883] : memref<100000x128xf32, #tpu.memory_space<hbm>> -> memref<100000x128xf32, #tpu.memory_space<hbm>>
    tpu.enqueue_indirect_dma source(%dma_start3A_884 : memref<100000x128xf32, #tpu.memory_space<hbm>>) target(%dma_start3A_874 : memref<100x128xf32, #tpu.memory_space<vmem>>) offsets(%dma_start3A_881 : memref<100xi32, #tpu.memory_space<vmem>>) semaphore(%arg17 : memref<!tpu.dma_semaphore, #tpu.memory_space<semaphore_mem>>) {add = true}
    %dma_wait3A_885 = arith.constant 0 : i32
    %dma_wait3A_886 = tpu.memref_slice %arg5[%mul3A_850, %dma_wait3A_885] : memref<204800x128xf32, #tpu.memory_space<hbm>> -> memref<200x128xf32, #tpu.memory_space<hbm>>
    %dma_wait3A_887 = arith.constant 0 : i32
    %dma_wait3A_888 = tpu.memref_slice %arg5[%mul3A_850, %dma_wait3A_887] : memref<204800x128xf32, #tpu.memory_space<hbm>> -> memref<200x128xf32, #tpu.memory_space<hbm>>
    tpu.wait_dma2 semaphore(%arg23 : memref<!tpu.dma_semaphore, #tpu.memory_space<semaphore_mem>>) src(%arg10 : memref<200x128xf32, #tpu.memory_space<vmem>>) dst(%dma_wait3A_888 : memref<200x128xf32, #tpu.memory_space<hbm>>)
    tpu.enqueue_dma source(%arg7 : memref<200x128xf32, #tpu.memory_space<vmem_shared>>) target(%arg10 : memref<200x128xf32, #tpu.memory_space<vmem>>) target_semaphore(%arg15 : memref<!tpu.dma_semaphore, #tpu.memory_space<semaphore_mem>>)
    %dma_wait3A_889 = arith.constant 11 : i32
    %dma_wait3A_890 = arith.constant 0 : i32
    %dma_wait3A_891 = arith.constant 0 : i32
    %dma_wait3A_892 = arith.constant 0 : i32
    %dma_wait3A_893 = tpu.memref_slice %arg11[%dma_wait3A_891, %dma_wait3A_892] : memref<200x128xf32, #tpu.memory_space<vmem>> -> memref<100x128xf32, #tpu.memory_space<vmem>>
    %dma_wait3A_894 = arith.constant 0 : i32
    %dma_wait3A_895 = arith.constant 0 : i32
    %dma_wait3A_896 = tpu.memref_slice %arg6[%dma_wait3A_889, %dma_wait3A_894, %dma_wait3A_895] : memref<32x2x100xi32, #tpu.memory_space<vmem>> -> memref<1x2x100xi32, #tpu.memory_space<vmem>>
    %dma_wait3A_897 = tpu.memref_squeeze %dma_wait3A_896 : memref<1x2x100xi32, #tpu.memory_space<vmem>> -> memref<2x100xi32, #tpu.memory_space<vmem>>
    %dma_wait3A_898 = arith.constant 0 : i32
    %dma_wait3A_899 = tpu.memref_slice %dma_wait3A_897[%dma_wait3A_890, %dma_wait3A_898] : memref<2x100xi32, #tpu.memory_space<vmem>> -> memref<1x100xi32, #tpu.memory_space<vmem>>
    %dma_wait3A_900 = tpu.memref_squeeze %dma_wait3A_899 : memref<1x100xi32, #tpu.memory_space<vmem>> -> memref<100xi32, #tpu.memory_space<vmem>>
    %dma_wait3A_901 = arith.constant 0 : i32
    %dma_wait3A_902 = arith.constant 0 : i32
    %dma_wait3A_903 = tpu.memref_slice %arg2[%dma_wait3A_901, %dma_wait3A_902] : memref<100000x128xf32, #tpu.memory_space<hbm>> -> memref<100000x128xf32, #tpu.memory_space<hbm>>
    tpu.wait_indirect_dma semaphore(%arg20 : memref<!tpu.dma_semaphore, #tpu.memory_space<semaphore_mem>>) src(%dma_wait3A_903 : memref<100000x128xf32, #tpu.memory_space<hbm>>) dst(%dma_wait3A_893 : memref<100x128xf32, #tpu.memory_space<vmem>>)
    %dma_wait3A_904 = arith.constant 11 : i32
    %dma_wait3A_905 = arith.constant 1 : i32
    %dma_wait3A_906 = arith.constant 100 : i32
    %dma_wait3A_907 = arith.constant 0 : i32
    %dma_wait3A_908 = tpu.memref_slice %arg11[%dma_wait3A_906, %dma_wait3A_907] : memref<200x128xf32, #tpu.memory_space<vmem>> -> memref<100x128xf32, #tpu.memory_space<vmem>>
    %dma_wait3A_909 = arith.constant 0 : i32
    %dma_wait3A_910 = arith.constant 0 : i32
    %dma_wait3A_911 = tpu.memref_slice %arg6[%dma_wait3A_904, %dma_wait3A_909, %dma_wait3A_910] : memref<32x2x100xi32, #tpu.memory_space<vmem>> -> memref<1x2x100xi32, #tpu.memory_space<vmem>>
    %dma_wait3A_912 = tpu.memref_squeeze %dma_wait3A_911 : memref<1x2x100xi32, #tpu.memory_space<vmem>> -> memref<2x100xi32, #tpu.memory_space<vmem>>
    %dma_wait3A_913 = arith.constant 0 : i32
    %dma_wait3A_914 = tpu.memref_slice %dma_wait3A_912[%dma_wait3A_905, %dma_wait3A_913] : memref<2x100xi32, #tpu.memory_space<vmem>> -> memref<1x100xi32, #tpu.memory_space<vmem>>
    %dma_wait3A_915 = tpu.memref_squeeze %dma_wait3A_914 : memref<1x100xi32, #tpu.memory_space<vmem>> -> memref<100xi32, #tpu.memory_space<vmem>>
    %dma_wait3A_916 = arith.constant 0 : i32
    %dma_wait3A_917 = arith.constant 0 : i32
    %dma_wait3A_918 = tpu.memref_slice %arg2[%dma_wait3A_916, %dma_wait3A_917] : memref<100000x128xf32, #tpu.memory_space<hbm>> -> memref<100000x128xf32, #tpu.memory_space<hbm>>
    tpu.wait_indirect_dma semaphore(%arg20 : memref<!tpu.dma_semaphore, #tpu.memory_space<semaphore_mem>>) src(%dma_wait3A_918 : memref<100000x128xf32, #tpu.memory_space<hbm>>) dst(%dma_wait3A_908 : memref<100x128xf32, #tpu.memory_space<vmem>>)
    %mul3A_919 = arith.constant 32 : i32
    %mul3A_920 = arith.muli %add3A, %mul3A_919 : i32
    %add3A_921 = arith.constant 11 : i32
    %add3A_922 = arith.addi %mul3A_920, %add3A_921 : i32
    %mul3A_923 = arith.constant 200 : i32
    %mul3A_924 = arith.muli %add3A_922, %mul3A_923 : i32
    %dma_start3A_925 = arith.constant 0 : i32
    %dma_start3A_926 = tpu.memref_slice %arg5[%mul3A_924, %dma_start3A_925] : memref<204800x128xf32, #tpu.memory_space<hbm>> -> memref<200x128xf32, #tpu.memory_space<hbm>>
    %dma_start3A_927 = arith.constant 0 : i32
    %dma_start3A_928 = tpu.memref_slice %arg5[%mul3A_924, %dma_start3A_927] : memref<204800x128xf32, #tpu.memory_space<hbm>> -> memref<200x128xf32, #tpu.memory_space<hbm>>
    tpu.enqueue_dma source(%arg11 : memref<200x128xf32, #tpu.memory_space<vmem>>) target(%dma_start3A_928 : memref<200x128xf32, #tpu.memory_space<hbm>>) target_semaphore(%arg24 : memref<!tpu.dma_semaphore, #tpu.memory_space<semaphore_mem>>)
    tpu.wait_dma2 semaphore(%arg14 : memref<!tpu.dma_semaphore, #tpu.memory_space<semaphore_mem>>) src(%arg7 : memref<200x128xf32, #tpu.memory_space<vmem_shared>>) dst(%arg9 : memref<200x128xf32, #tpu.memory_space<vmem>>)
    %dma_start3A_929 = arith.constant 13 : i32
    %dma_start3A_930 = arith.constant 0 : i32
    %dma_start3A_931 = arith.constant 0 : i32
    %dma_start3A_932 = arith.constant 0 : i32
    %dma_start3A_933 = tpu.memref_slice %arg9[%dma_start3A_931, %dma_start3A_932] : memref<200x128xf32, #tpu.memory_space<vmem>> -> memref<100x128xf32, #tpu.memory_space<vmem>>
    %dma_start3A_934 = arith.constant 0 : i32
    %dma_start3A_935 = arith.constant 0 : i32
    %dma_start3A_936 = tpu.memref_slice %arg6[%dma_start3A_929, %dma_start3A_934, %dma_start3A_935] : memref<32x2x100xi32, #tpu.memory_space<vmem>> -> memref<1x2x100xi32, #tpu.memory_space<vmem>>
    %dma_start3A_937 = tpu.memref_squeeze %dma_start3A_936 : memref<1x2x100xi32, #tpu.memory_space<vmem>> -> memref<2x100xi32, #tpu.memory_space<vmem>>
    %dma_start3A_938 = arith.constant 0 : i32
    %dma_start3A_939 = tpu.memref_slice %dma_start3A_937[%dma_start3A_930, %dma_start3A_938] : memref<2x100xi32, #tpu.memory_space<vmem>> -> memref<1x100xi32, #tpu.memory_space<vmem>>
    %dma_start3A_940 = tpu.memref_squeeze %dma_start3A_939 : memref<1x100xi32, #tpu.memory_space<vmem>> -> memref<100xi32, #tpu.memory_space<vmem>>
    %dma_start3A_941 = arith.constant 0 : i32
    %dma_start3A_942 = arith.constant 0 : i32
    %dma_start3A_943 = tpu.memref_slice %arg2[%dma_start3A_941, %dma_start3A_942] : memref<100000x128xf32, #tpu.memory_space<hbm>> -> memref<100000x128xf32, #tpu.memory_space<hbm>>
    tpu.enqueue_indirect_dma source(%dma_start3A_943 : memref<100000x128xf32, #tpu.memory_space<hbm>>) target(%dma_start3A_933 : memref<100x128xf32, #tpu.memory_space<vmem>>) offsets(%dma_start3A_940 : memref<100xi32, #tpu.memory_space<vmem>>) semaphore(%arg18 : memref<!tpu.dma_semaphore, #tpu.memory_space<semaphore_mem>>) {add = true}
    %dma_start3A_944 = arith.constant 13 : i32
    %dma_start3A_945 = arith.constant 1 : i32
    %dma_start3A_946 = arith.constant 100 : i32
    %dma_start3A_947 = arith.constant 0 : i32
    %dma_start3A_948 = tpu.memref_slice %arg9[%dma_start3A_946, %dma_start3A_947] : memref<200x128xf32, #tpu.memory_space<vmem>> -> memref<100x128xf32, #tpu.memory_space<vmem>>
    %dma_start3A_949 = arith.constant 0 : i32
    %dma_start3A_950 = arith.constant 0 : i32
    %dma_start3A_951 = tpu.memref_slice %arg6[%dma_start3A_944, %dma_start3A_949, %dma_start3A_950] : memref<32x2x100xi32, #tpu.memory_space<vmem>> -> memref<1x2x100xi32, #tpu.memory_space<vmem>>
    %dma_start3A_952 = tpu.memref_squeeze %dma_start3A_951 : memref<1x2x100xi32, #tpu.memory_space<vmem>> -> memref<2x100xi32, #tpu.memory_space<vmem>>
    %dma_start3A_953 = arith.constant 0 : i32
    %dma_start3A_954 = tpu.memref_slice %dma_start3A_952[%dma_start3A_945, %dma_start3A_953] : memref<2x100xi32, #tpu.memory_space<vmem>> -> memref<1x100xi32, #tpu.memory_space<vmem>>
    %dma_start3A_955 = tpu.memref_squeeze %dma_start3A_954 : memref<1x100xi32, #tpu.memory_space<vmem>> -> memref<100xi32, #tpu.memory_space<vmem>>
    %dma_start3A_956 = arith.constant 0 : i32
    %dma_start3A_957 = arith.constant 0 : i32
    %dma_start3A_958 = tpu.memref_slice %arg2[%dma_start3A_956, %dma_start3A_957] : memref<100000x128xf32, #tpu.memory_space<hbm>> -> memref<100000x128xf32, #tpu.memory_space<hbm>>
    tpu.enqueue_indirect_dma source(%dma_start3A_958 : memref<100000x128xf32, #tpu.memory_space<hbm>>) target(%dma_start3A_948 : memref<100x128xf32, #tpu.memory_space<vmem>>) offsets(%dma_start3A_955 : memref<100xi32, #tpu.memory_space<vmem>>) semaphore(%arg18 : memref<!tpu.dma_semaphore, #tpu.memory_space<semaphore_mem>>) {add = true}
    %dma_wait3A_959 = arith.constant 0 : i32
    %dma_wait3A_960 = tpu.memref_slice %arg5[%mul3A_924, %dma_wait3A_959] : memref<204800x128xf32, #tpu.memory_space<hbm>> -> memref<200x128xf32, #tpu.memory_space<hbm>>
    %dma_wait3A_961 = arith.constant 0 : i32
    %dma_wait3A_962 = tpu.memref_slice %arg5[%mul3A_924, %dma_wait3A_961] : memref<204800x128xf32, #tpu.memory_space<hbm>> -> memref<200x128xf32, #tpu.memory_space<hbm>>
    tpu.wait_dma2 semaphore(%arg24 : memref<!tpu.dma_semaphore, #tpu.memory_space<semaphore_mem>>) src(%arg11 : memref<200x128xf32, #tpu.memory_space<vmem>>) dst(%dma_wait3A_962 : memref<200x128xf32, #tpu.memory_space<hbm>>)
    tpu.enqueue_dma source(%arg7 : memref<200x128xf32, #tpu.memory_space<vmem_shared>>) target(%arg11 : memref<200x128xf32, #tpu.memory_space<vmem>>) target_semaphore(%arg16 : memref<!tpu.dma_semaphore, #tpu.memory_space<semaphore_mem>>)
    %dma_wait3A_963 = arith.constant 12 : i32
    %dma_wait3A_964 = arith.constant 0 : i32
    %dma_wait3A_965 = arith.constant 0 : i32
    %dma_wait3A_966 = arith.constant 0 : i32
    %dma_wait3A_967 = tpu.memref_slice %arg8[%dma_wait3A_965, %dma_wait3A_966] : memref<200x128xf32, #tpu.memory_space<vmem>> -> memref<100x128xf32, #tpu.memory_space<vmem>>
    %dma_wait3A_968 = arith.constant 0 : i32
    %dma_wait3A_969 = arith.constant 0 : i32
    %dma_wait3A_970 = tpu.memref_slice %arg6[%dma_wait3A_963, %dma_wait3A_968, %dma_wait3A_969] : memref<32x2x100xi32, #tpu.memory_space<vmem>> -> memref<1x2x100xi32, #tpu.memory_space<vmem>>
    %dma_wait3A_971 = tpu.memref_squeeze %dma_wait3A_970 : memref<1x2x100xi32, #tpu.memory_space<vmem>> -> memref<2x100xi32, #tpu.memory_space<vmem>>
    %dma_wait3A_972 = arith.constant 0 : i32
    %dma_wait3A_973 = tpu.memref_slice %dma_wait3A_971[%dma_wait3A_964, %dma_wait3A_972] : memref<2x100xi32, #tpu.memory_space<vmem>> -> memref<1x100xi32, #tpu.memory_space<vmem>>
    %dma_wait3A_974 = tpu.memref_squeeze %dma_wait3A_973 : memref<1x100xi32, #tpu.memory_space<vmem>> -> memref<100xi32, #tpu.memory_space<vmem>>
    %dma_wait3A_975 = arith.constant 0 : i32
    %dma_wait3A_976 = arith.constant 0 : i32
    %dma_wait3A_977 = tpu.memref_slice %arg2[%dma_wait3A_975, %dma_wait3A_976] : memref<100000x128xf32, #tpu.memory_space<hbm>> -> memref<100000x128xf32, #tpu.memory_space<hbm>>
    tpu.wait_indirect_dma semaphore(%arg17 : memref<!tpu.dma_semaphore, #tpu.memory_space<semaphore_mem>>) src(%dma_wait3A_977 : memref<100000x128xf32, #tpu.memory_space<hbm>>) dst(%dma_wait3A_967 : memref<100x128xf32, #tpu.memory_space<vmem>>)
    %dma_wait3A_978 = arith.constant 12 : i32
    %dma_wait3A_979 = arith.constant 1 : i32
    %dma_wait3A_980 = arith.constant 100 : i32
    %dma_wait3A_981 = arith.constant 0 : i32
    %dma_wait3A_982 = tpu.memref_slice %arg8[%dma_wait3A_980, %dma_wait3A_981] : memref<200x128xf32, #tpu.memory_space<vmem>> -> memref<100x128xf32, #tpu.memory_space<vmem>>
    %dma_wait3A_983 = arith.constant 0 : i32
    %dma_wait3A_984 = arith.constant 0 : i32
    %dma_wait3A_985 = tpu.memref_slice %arg6[%dma_wait3A_978, %dma_wait3A_983, %dma_wait3A_984] : memref<32x2x100xi32, #tpu.memory_space<vmem>> -> memref<1x2x100xi32, #tpu.memory_space<vmem>>
    %dma_wait3A_986 = tpu.memref_squeeze %dma_wait3A_985 : memref<1x2x100xi32, #tpu.memory_space<vmem>> -> memref<2x100xi32, #tpu.memory_space<vmem>>
    %dma_wait3A_987 = arith.constant 0 : i32
    %dma_wait3A_988 = tpu.memref_slice %dma_wait3A_986[%dma_wait3A_979, %dma_wait3A_987] : memref<2x100xi32, #tpu.memory_space<vmem>> -> memref<1x100xi32, #tpu.memory_space<vmem>>
    %dma_wait3A_989 = tpu.memref_squeeze %dma_wait3A_988 : memref<1x100xi32, #tpu.memory_space<vmem>> -> memref<100xi32, #tpu.memory_space<vmem>>
    %dma_wait3A_990 = arith.constant 0 : i32
    %dma_wait3A_991 = arith.constant 0 : i32
    %dma_wait3A_992 = tpu.memref_slice %arg2[%dma_wait3A_990, %dma_wait3A_991] : memref<100000x128xf32, #tpu.memory_space<hbm>> -> memref<100000x128xf32, #tpu.memory_space<hbm>>
    tpu.wait_indirect_dma semaphore(%arg17 : memref<!tpu.dma_semaphore, #tpu.memory_space<semaphore_mem>>) src(%dma_wait3A_992 : memref<100000x128xf32, #tpu.memory_space<hbm>>) dst(%dma_wait3A_982 : memref<100x128xf32, #tpu.memory_space<vmem>>)
    %mul3A_993 = arith.constant 32 : i32
    %mul3A_994 = arith.muli %add3A, %mul3A_993 : i32
    %add3A_995 = arith.constant 12 : i32
    %add3A_996 = arith.addi %mul3A_994, %add3A_995 : i32
    %mul3A_997 = arith.constant 200 : i32
    %mul3A_998 = arith.muli %add3A_996, %mul3A_997 : i32
    %dma_start3A_999 = arith.constant 0 : i32
    %dma_start3A_1000 = tpu.memref_slice %arg5[%mul3A_998, %dma_start3A_999] : memref<204800x128xf32, #tpu.memory_space<hbm>> -> memref<200x128xf32, #tpu.memory_space<hbm>>
    %dma_start3A_1001 = arith.constant 0 : i32
    %dma_start3A_1002 = tpu.memref_slice %arg5[%mul3A_998, %dma_start3A_1001] : memref<204800x128xf32, #tpu.memory_space<hbm>> -> memref<200x128xf32, #tpu.memory_space<hbm>>
    tpu.enqueue_dma source(%arg8 : memref<200x128xf32, #tpu.memory_space<vmem>>) target(%dma_start3A_1002 : memref<200x128xf32, #tpu.memory_space<hbm>>) target_semaphore(%arg21 : memref<!tpu.dma_semaphore, #tpu.memory_space<semaphore_mem>>)
    tpu.wait_dma2 semaphore(%arg15 : memref<!tpu.dma_semaphore, #tpu.memory_space<semaphore_mem>>) src(%arg7 : memref<200x128xf32, #tpu.memory_space<vmem_shared>>) dst(%arg10 : memref<200x128xf32, #tpu.memory_space<vmem>>)
    %dma_start3A_1003 = arith.constant 14 : i32
    %dma_start3A_1004 = arith.constant 0 : i32
    %dma_start3A_1005 = arith.constant 0 : i32
    %dma_start3A_1006 = arith.constant 0 : i32
    %dma_start3A_1007 = tpu.memref_slice %arg10[%dma_start3A_1005, %dma_start3A_1006] : memref<200x128xf32, #tpu.memory_space<vmem>> -> memref<100x128xf32, #tpu.memory_space<vmem>>
    %dma_start3A_1008 = arith.constant 0 : i32
    %dma_start3A_1009 = arith.constant 0 : i32
    %dma_start3A_1010 = tpu.memref_slice %arg6[%dma_start3A_1003, %dma_start3A_1008, %dma_start3A_1009] : memref<32x2x100xi32, #tpu.memory_space<vmem>> -> memref<1x2x100xi32, #tpu.memory_space<vmem>>
    %dma_start3A_1011 = tpu.memref_squeeze %dma_start3A_1010 : memref<1x2x100xi32, #tpu.memory_space<vmem>> -> memref<2x100xi32, #tpu.memory_space<vmem>>
    %dma_start3A_1012 = arith.constant 0 : i32
    %dma_start3A_1013 = tpu.memref_slice %dma_start3A_1011[%dma_start3A_1004, %dma_start3A_1012] : memref<2x100xi32, #tpu.memory_space<vmem>> -> memref<1x100xi32, #tpu.memory_space<vmem>>
    %dma_start3A_1014 = tpu.memref_squeeze %dma_start3A_1013 : memref<1x100xi32, #tpu.memory_space<vmem>> -> memref<100xi32, #tpu.memory_space<vmem>>
    %dma_start3A_1015 = arith.constant 0 : i32
    %dma_start3A_1016 = arith.constant 0 : i32
    %dma_start3A_1017 = tpu.memref_slice %arg2[%dma_start3A_1015, %dma_start3A_1016] : memref<100000x128xf32, #tpu.memory_space<hbm>> -> memref<100000x128xf32, #tpu.memory_space<hbm>>
    tpu.enqueue_indirect_dma source(%dma_start3A_1017 : memref<100000x128xf32, #tpu.memory_space<hbm>>) target(%dma_start3A_1007 : memref<100x128xf32, #tpu.memory_space<vmem>>) offsets(%dma_start3A_1014 : memref<100xi32, #tpu.memory_space<vmem>>) semaphore(%arg19 : memref<!tpu.dma_semaphore, #tpu.memory_space<semaphore_mem>>) {add = true}
    %dma_start3A_1018 = arith.constant 14 : i32
    %dma_start3A_1019 = arith.constant 1 : i32
    %dma_start3A_1020 = arith.constant 100 : i32
    %dma_start3A_1021 = arith.constant 0 : i32
    %dma_start3A_1022 = tpu.memref_slice %arg10[%dma_start3A_1020, %dma_start3A_1021] : memref<200x128xf32, #tpu.memory_space<vmem>> -> memref<100x128xf32, #tpu.memory_space<vmem>>
    %dma_start3A_1023 = arith.constant 0 : i32
    %dma_start3A_1024 = arith.constant 0 : i32
    %dma_start3A_1025 = tpu.memref_slice %arg6[%dma_start3A_1018, %dma_start3A_1023, %dma_start3A_1024] : memref<32x2x100xi32, #tpu.memory_space<vmem>> -> memref<1x2x100xi32, #tpu.memory_space<vmem>>
    %dma_start3A_1026 = tpu.memref_squeeze %dma_start3A_1025 : memref<1x2x100xi32, #tpu.memory_space<vmem>> -> memref<2x100xi32, #tpu.memory_space<vmem>>
    %dma_start3A_1027 = arith.constant 0 : i32
    %dma_start3A_1028 = tpu.memref_slice %dma_start3A_1026[%dma_start3A_1019, %dma_start3A_1027] : memref<2x100xi32, #tpu.memory_space<vmem>> -> memref<1x100xi32, #tpu.memory_space<vmem>>
    %dma_start3A_1029 = tpu.memref_squeeze %dma_start3A_1028 : memref<1x100xi32, #tpu.memory_space<vmem>> -> memref<100xi32, #tpu.memory_space<vmem>>
    %dma_start3A_1030 = arith.constant 0 : i32
    %dma_start3A_1031 = arith.constant 0 : i32
    %dma_start3A_1032 = tpu.memref_slice %arg2[%dma_start3A_1030, %dma_start3A_1031] : memref<100000x128xf32, #tpu.memory_space<hbm>> -> memref<100000x128xf32, #tpu.memory_space<hbm>>
    tpu.enqueue_indirect_dma source(%dma_start3A_1032 : memref<100000x128xf32, #tpu.memory_space<hbm>>) target(%dma_start3A_1022 : memref<100x128xf32, #tpu.memory_space<vmem>>) offsets(%dma_start3A_1029 : memref<100xi32, #tpu.memory_space<vmem>>) semaphore(%arg19 : memref<!tpu.dma_semaphore, #tpu.memory_space<semaphore_mem>>) {add = true}
    %dma_wait3A_1033 = arith.constant 0 : i32
    %dma_wait3A_1034 = tpu.memref_slice %arg5[%mul3A_998, %dma_wait3A_1033] : memref<204800x128xf32, #tpu.memory_space<hbm>> -> memref<200x128xf32, #tpu.memory_space<hbm>>
    %dma_wait3A_1035 = arith.constant 0 : i32
    %dma_wait3A_1036 = tpu.memref_slice %arg5[%mul3A_998, %dma_wait3A_1035] : memref<204800x128xf32, #tpu.memory_space<hbm>> -> memref<200x128xf32, #tpu.memory_space<hbm>>
    tpu.wait_dma2 semaphore(%arg21 : memref<!tpu.dma_semaphore, #tpu.memory_space<semaphore_mem>>) src(%arg8 : memref<200x128xf32, #tpu.memory_space<vmem>>) dst(%dma_wait3A_1036 : memref<200x128xf32, #tpu.memory_space<hbm>>)
    tpu.enqueue_dma source(%arg7 : memref<200x128xf32, #tpu.memory_space<vmem_shared>>) target(%arg8 : memref<200x128xf32, #tpu.memory_space<vmem>>) target_semaphore(%arg13 : memref<!tpu.dma_semaphore, #tpu.memory_space<semaphore_mem>>)
    %dma_wait3A_1037 = arith.constant 13 : i32
    %dma_wait3A_1038 = arith.constant 0 : i32
    %dma_wait3A_1039 = arith.constant 0 : i32
    %dma_wait3A_1040 = arith.constant 0 : i32
    %dma_wait3A_1041 = tpu.memref_slice %arg9[%dma_wait3A_1039, %dma_wait3A_1040] : memref<200x128xf32, #tpu.memory_space<vmem>> -> memref<100x128xf32, #tpu.memory_space<vmem>>
    %dma_wait3A_1042 = arith.constant 0 : i32
    %dma_wait3A_1043 = arith.constant 0 : i32
    %dma_wait3A_1044 = tpu.memref_slice %arg6[%dma_wait3A_1037, %dma_wait3A_1042, %dma_wait3A_1043] : memref<32x2x100xi32, #tpu.memory_space<vmem>> -> memref<1x2x100xi32, #tpu.memory_space<vmem>>
    %dma_wait3A_1045 = tpu.memref_squeeze %dma_wait3A_1044 : memref<1x2x100xi32, #tpu.memory_space<vmem>> -> memref<2x100xi32, #tpu.memory_space<vmem>>
    %dma_wait3A_1046 = arith.constant 0 : i32
    %dma_wait3A_1047 = tpu.memref_slice %dma_wait3A_1045[%dma_wait3A_1038, %dma_wait3A_1046] : memref<2x100xi32, #tpu.memory_space<vmem>> -> memref<1x100xi32, #tpu.memory_space<vmem>>
    %dma_wait3A_1048 = tpu.memref_squeeze %dma_wait3A_1047 : memref<1x100xi32, #tpu.memory_space<vmem>> -> memref<100xi32, #tpu.memory_space<vmem>>
    %dma_wait3A_1049 = arith.constant 0 : i32
    %dma_wait3A_1050 = arith.constant 0 : i32
    %dma_wait3A_1051 = tpu.memref_slice %arg2[%dma_wait3A_1049, %dma_wait3A_1050] : memref<100000x128xf32, #tpu.memory_space<hbm>> -> memref<100000x128xf32, #tpu.memory_space<hbm>>
    tpu.wait_indirect_dma semaphore(%arg18 : memref<!tpu.dma_semaphore, #tpu.memory_space<semaphore_mem>>) src(%dma_wait3A_1051 : memref<100000x128xf32, #tpu.memory_space<hbm>>) dst(%dma_wait3A_1041 : memref<100x128xf32, #tpu.memory_space<vmem>>)
    %dma_wait3A_1052 = arith.constant 13 : i32
    %dma_wait3A_1053 = arith.constant 1 : i32
    %dma_wait3A_1054 = arith.constant 100 : i32
    %dma_wait3A_1055 = arith.constant 0 : i32
    %dma_wait3A_1056 = tpu.memref_slice %arg9[%dma_wait3A_1054, %dma_wait3A_1055] : memref<200x128xf32, #tpu.memory_space<vmem>> -> memref<100x128xf32, #tpu.memory_space<vmem>>
    %dma_wait3A_1057 = arith.constant 0 : i32
    %dma_wait3A_1058 = arith.constant 0 : i32
    %dma_wait3A_1059 = tpu.memref_slice %arg6[%dma_wait3A_1052, %dma_wait3A_1057, %dma_wait3A_1058] : memref<32x2x100xi32, #tpu.memory_space<vmem>> -> memref<1x2x100xi32, #tpu.memory_space<vmem>>
    %dma_wait3A_1060 = tpu.memref_squeeze %dma_wait3A_1059 : memref<1x2x100xi32, #tpu.memory_space<vmem>> -> memref<2x100xi32, #tpu.memory_space<vmem>>
    %dma_wait3A_1061 = arith.constant 0 : i32
    %dma_wait3A_1062 = tpu.memref_slice %dma_wait3A_1060[%dma_wait3A_1053, %dma_wait3A_1061] : memref<2x100xi32, #tpu.memory_space<vmem>> -> memref<1x100xi32, #tpu.memory_space<vmem>>
    %dma_wait3A_1063 = tpu.memref_squeeze %dma_wait3A_1062 : memref<1x100xi32, #tpu.memory_space<vmem>> -> memref<100xi32, #tpu.memory_space<vmem>>
    %dma_wait3A_1064 = arith.constant 0 : i32
    %dma_wait3A_1065 = arith.constant 0 : i32
    %dma_wait3A_1066 = tpu.memref_slice %arg2[%dma_wait3A_1064, %dma_wait3A_1065] : memref<100000x128xf32, #tpu.memory_space<hbm>> -> memref<100000x128xf32, #tpu.memory_space<hbm>>
    tpu.wait_indirect_dma semaphore(%arg18 : memref<!tpu.dma_semaphore, #tpu.memory_space<semaphore_mem>>) src(%dma_wait3A_1066 : memref<100000x128xf32, #tpu.memory_space<hbm>>) dst(%dma_wait3A_1056 : memref<100x128xf32, #tpu.memory_space<vmem>>)
    %mul3A_1067 = arith.constant 32 : i32
    %mul3A_1068 = arith.muli %add3A, %mul3A_1067 : i32
    %add3A_1069 = arith.constant 13 : i32
    %add3A_1070 = arith.addi %mul3A_1068, %add3A_1069 : i32
    %mul3A_1071 = arith.constant 200 : i32
    %mul3A_1072 = arith.muli %add3A_1070, %mul3A_1071 : i32
    %dma_start3A_1073 = arith.constant 0 : i32
    %dma_start3A_1074 = tpu.memref_slice %arg5[%mul3A_1072, %dma_start3A_1073] : memref<204800x128xf32, #tpu.memory_space<hbm>> -> memref<200x128xf32, #tpu.memory_space<hbm>>
    %dma_start3A_1075 = arith.constant 0 : i32
    %dma_start3A_1076 = tpu.memref_slice %arg5[%mul3A_1072, %dma_start3A_1075] : memref<204800x128xf32, #tpu.memory_space<hbm>> -> memref<200x128xf32, #tpu.memory_space<hbm>>
    tpu.enqueue_dma source(%arg9 : memref<200x128xf32, #tpu.memory_space<vmem>>) target(%dma_start3A_1076 : memref<200x128xf32, #tpu.memory_space<hbm>>) target_semaphore(%arg22 : memref<!tpu.dma_semaphore, #tpu.memory_space<semaphore_mem>>)
    tpu.wait_dma2 semaphore(%arg16 : memref<!tpu.dma_semaphore, #tpu.memory_space<semaphore_mem>>) src(%arg7 : memref<200x128xf32, #tpu.memory_space<vmem_shared>>) dst(%arg11 : memref<200x128xf32, #tpu.memory_space<vmem>>)
    %dma_start3A_1077 = arith.constant 15 : i32
    %dma_start3A_1078 = arith.constant 0 : i32
    %dma_start3A_1079 = arith.constant 0 : i32
    %dma_start3A_1080 = arith.constant 0 : i32
    %dma_start3A_1081 = tpu.memref_slice %arg11[%dma_start3A_1079, %dma_start3A_1080] : memref<200x128xf32, #tpu.memory_space<vmem>> -> memref<100x128xf32, #tpu.memory_space<vmem>>
    %dma_start3A_1082 = arith.constant 0 : i32
    %dma_start3A_1083 = arith.constant 0 : i32
    %dma_start3A_1084 = tpu.memref_slice %arg6[%dma_start3A_1077, %dma_start3A_1082, %dma_start3A_1083] : memref<32x2x100xi32, #tpu.memory_space<vmem>> -> memref<1x2x100xi32, #tpu.memory_space<vmem>>
    %dma_start3A_1085 = tpu.memref_squeeze %dma_start3A_1084 : memref<1x2x100xi32, #tpu.memory_space<vmem>> -> memref<2x100xi32, #tpu.memory_space<vmem>>
    %dma_start3A_1086 = arith.constant 0 : i32
    %dma_start3A_1087 = tpu.memref_slice %dma_start3A_1085[%dma_start3A_1078, %dma_start3A_1086] : memref<2x100xi32, #tpu.memory_space<vmem>> -> memref<1x100xi32, #tpu.memory_space<vmem>>
    %dma_start3A_1088 = tpu.memref_squeeze %dma_start3A_1087 : memref<1x100xi32, #tpu.memory_space<vmem>> -> memref<100xi32, #tpu.memory_space<vmem>>
    %dma_start3A_1089 = arith.constant 0 : i32
    %dma_start3A_1090 = arith.constant 0 : i32
    %dma_start3A_1091 = tpu.memref_slice %arg2[%dma_start3A_1089, %dma_start3A_1090] : memref<100000x128xf32, #tpu.memory_space<hbm>> -> memref<100000x128xf32, #tpu.memory_space<hbm>>
    tpu.enqueue_indirect_dma source(%dma_start3A_1091 : memref<100000x128xf32, #tpu.memory_space<hbm>>) target(%dma_start3A_1081 : memref<100x128xf32, #tpu.memory_space<vmem>>) offsets(%dma_start3A_1088 : memref<100xi32, #tpu.memory_space<vmem>>) semaphore(%arg20 : memref<!tpu.dma_semaphore, #tpu.memory_space<semaphore_mem>>) {add = true}
    %dma_start3A_1092 = arith.constant 15 : i32
    %dma_start3A_1093 = arith.constant 1 : i32
    %dma_start3A_1094 = arith.constant 100 : i32
    %dma_start3A_1095 = arith.constant 0 : i32
    %dma_start3A_1096 = tpu.memref_slice %arg11[%dma_start3A_1094, %dma_start3A_1095] : memref<200x128xf32, #tpu.memory_space<vmem>> -> memref<100x128xf32, #tpu.memory_space<vmem>>
    %dma_start3A_1097 = arith.constant 0 : i32
    %dma_start3A_1098 = arith.constant 0 : i32
    %dma_start3A_1099 = tpu.memref_slice %arg6[%dma_start3A_1092, %dma_start3A_1097, %dma_start3A_1098] : memref<32x2x100xi32, #tpu.memory_space<vmem>> -> memref<1x2x100xi32, #tpu.memory_space<vmem>>
    %dma_start3A_1100 = tpu.memref_squeeze %dma_start3A_1099 : memref<1x2x100xi32, #tpu.memory_space<vmem>> -> memref<2x100xi32, #tpu.memory_space<vmem>>
    %dma_start3A_1101 = arith.constant 0 : i32
    %dma_start3A_1102 = tpu.memref_slice %dma_start3A_1100[%dma_start3A_1093, %dma_start3A_1101] : memref<2x100xi32, #tpu.memory_space<vmem>> -> memref<1x100xi32, #tpu.memory_space<vmem>>
    %dma_start3A_1103 = tpu.memref_squeeze %dma_start3A_1102 : memref<1x100xi32, #tpu.memory_space<vmem>> -> memref<100xi32, #tpu.memory_space<vmem>>
    %dma_start3A_1104 = arith.constant 0 : i32
    %dma_start3A_1105 = arith.constant 0 : i32
    %dma_start3A_1106 = tpu.memref_slice %arg2[%dma_start3A_1104, %dma_start3A_1105] : memref<100000x128xf32, #tpu.memory_space<hbm>> -> memref<100000x128xf32, #tpu.memory_space<hbm>>
    tpu.enqueue_indirect_dma source(%dma_start3A_1106 : memref<100000x128xf32, #tpu.memory_space<hbm>>) target(%dma_start3A_1096 : memref<100x128xf32, #tpu.memory_space<vmem>>) offsets(%dma_start3A_1103 : memref<100xi32, #tpu.memory_space<vmem>>) semaphore(%arg20 : memref<!tpu.dma_semaphore, #tpu.memory_space<semaphore_mem>>) {add = true}
    %dma_wait3A_1107 = arith.constant 0 : i32
    %dma_wait3A_1108 = tpu.memref_slice %arg5[%mul3A_1072, %dma_wait3A_1107] : memref<204800x128xf32, #tpu.memory_space<hbm>> -> memref<200x128xf32, #tpu.memory_space<hbm>>
    %dma_wait3A_1109 = arith.constant 0 : i32
    %dma_wait3A_1110 = tpu.memref_slice %arg5[%mul3A_1072, %dma_wait3A_1109] : memref<204800x128xf32, #tpu.memory_space<hbm>> -> memref<200x128xf32, #tpu.memory_space<hbm>>
    tpu.wait_dma2 semaphore(%arg22 : memref<!tpu.dma_semaphore, #tpu.memory_space<semaphore_mem>>) src(%arg9 : memref<200x128xf32, #tpu.memory_space<vmem>>) dst(%dma_wait3A_1110 : memref<200x128xf32, #tpu.memory_space<hbm>>)
    tpu.enqueue_dma source(%arg7 : memref<200x128xf32, #tpu.memory_space<vmem_shared>>) target(%arg9 : memref<200x128xf32, #tpu.memory_space<vmem>>) target_semaphore(%arg14 : memref<!tpu.dma_semaphore, #tpu.memory_space<semaphore_mem>>)
    %dma_wait3A_1111 = arith.constant 14 : i32
    %dma_wait3A_1112 = arith.constant 0 : i32
    %dma_wait3A_1113 = arith.constant 0 : i32
    %dma_wait3A_1114 = arith.constant 0 : i32
    %dma_wait3A_1115 = tpu.memref_slice %arg10[%dma_wait3A_1113, %dma_wait3A_1114] : memref<200x128xf32, #tpu.memory_space<vmem>> -> memref<100x128xf32, #tpu.memory_space<vmem>>
    %dma_wait3A_1116 = arith.constant 0 : i32
    %dma_wait3A_1117 = arith.constant 0 : i32
    %dma_wait3A_1118 = tpu.memref_slice %arg6[%dma_wait3A_1111, %dma_wait3A_1116, %dma_wait3A_1117] : memref<32x2x100xi32, #tpu.memory_space<vmem>> -> memref<1x2x100xi32, #tpu.memory_space<vmem>>
    %dma_wait3A_1119 = tpu.memref_squeeze %dma_wait3A_1118 : memref<1x2x100xi32, #tpu.memory_space<vmem>> -> memref<2x100xi32, #tpu.memory_space<vmem>>
    %dma_wait3A_1120 = arith.constant 0 : i32
    %dma_wait3A_1121 = tpu.memref_slice %dma_wait3A_1119[%dma_wait3A_1112, %dma_wait3A_1120] : memref<2x100xi32, #tpu.memory_space<vmem>> -> memref<1x100xi32, #tpu.memory_space<vmem>>
    %dma_wait3A_1122 = tpu.memref_squeeze %dma_wait3A_1121 : memref<1x100xi32, #tpu.memory_space<vmem>> -> memref<100xi32, #tpu.memory_space<vmem>>
    %dma_wait3A_1123 = arith.constant 0 : i32
    %dma_wait3A_1124 = arith.constant 0 : i32
    %dma_wait3A_1125 = tpu.memref_slice %arg2[%dma_wait3A_1123, %dma_wait3A_1124] : memref<100000x128xf32, #tpu.memory_space<hbm>> -> memref<100000x128xf32, #tpu.memory_space<hbm>>
    tpu.wait_indirect_dma semaphore(%arg19 : memref<!tpu.dma_semaphore, #tpu.memory_space<semaphore_mem>>) src(%dma_wait3A_1125 : memref<100000x128xf32, #tpu.memory_space<hbm>>) dst(%dma_wait3A_1115 : memref<100x128xf32, #tpu.memory_space<vmem>>)
    %dma_wait3A_1126 = arith.constant 14 : i32
    %dma_wait3A_1127 = arith.constant 1 : i32
    %dma_wait3A_1128 = arith.constant 100 : i32
    %dma_wait3A_1129 = arith.constant 0 : i32
    %dma_wait3A_1130 = tpu.memref_slice %arg10[%dma_wait3A_1128, %dma_wait3A_1129] : memref<200x128xf32, #tpu.memory_space<vmem>> -> memref<100x128xf32, #tpu.memory_space<vmem>>
    %dma_wait3A_1131 = arith.constant 0 : i32
    %dma_wait3A_1132 = arith.constant 0 : i32
    %dma_wait3A_1133 = tpu.memref_slice %arg6[%dma_wait3A_1126, %dma_wait3A_1131, %dma_wait3A_1132] : memref<32x2x100xi32, #tpu.memory_space<vmem>> -> memref<1x2x100xi32, #tpu.memory_space<vmem>>
    %dma_wait3A_1134 = tpu.memref_squeeze %dma_wait3A_1133 : memref<1x2x100xi32, #tpu.memory_space<vmem>> -> memref<2x100xi32, #tpu.memory_space<vmem>>
    %dma_wait3A_1135 = arith.constant 0 : i32
    %dma_wait3A_1136 = tpu.memref_slice %dma_wait3A_1134[%dma_wait3A_1127, %dma_wait3A_1135] : memref<2x100xi32, #tpu.memory_space<vmem>> -> memref<1x100xi32, #tpu.memory_space<vmem>>
    %dma_wait3A_1137 = tpu.memref_squeeze %dma_wait3A_1136 : memref<1x100xi32, #tpu.memory_space<vmem>> -> memref<100xi32, #tpu.memory_space<vmem>>
    %dma_wait3A_1138 = arith.constant 0 : i32
    %dma_wait3A_1139 = arith.constant 0 : i32
    %dma_wait3A_1140 = tpu.memref_slice %arg2[%dma_wait3A_1138, %dma_wait3A_1139] : memref<100000x128xf32, #tpu.memory_space<hbm>> -> memref<100000x128xf32, #tpu.memory_space<hbm>>
    tpu.wait_indirect_dma semaphore(%arg19 : memref<!tpu.dma_semaphore, #tpu.memory_space<semaphore_mem>>) src(%dma_wait3A_1140 : memref<100000x128xf32, #tpu.memory_space<hbm>>) dst(%dma_wait3A_1130 : memref<100x128xf32, #tpu.memory_space<vmem>>)
    %mul3A_1141 = arith.constant 32 : i32
    %mul3A_1142 = arith.muli %add3A, %mul3A_1141 : i32
    %add3A_1143 = arith.constant 14 : i32
    %add3A_1144 = arith.addi %mul3A_1142, %add3A_1143 : i32
    %mul3A_1145 = arith.constant 200 : i32
    %mul3A_1146 = arith.muli %add3A_1144, %mul3A_1145 : i32
    %dma_start3A_1147 = arith.constant 0 : i32
    %dma_start3A_1148 = tpu.memref_slice %arg5[%mul3A_1146, %dma_start3A_1147] : memref<204800x128xf32, #tpu.memory_space<hbm>> -> memref<200x128xf32, #tpu.memory_space<hbm>>
    %dma_start3A_1149 = arith.constant 0 : i32
    %dma_start3A_1150 = tpu.memref_slice %arg5[%mul3A_1146, %dma_start3A_1149] : memref<204800x128xf32, #tpu.memory_space<hbm>> -> memref<200x128xf32, #tpu.memory_space<hbm>>
    tpu.enqueue_dma source(%arg10 : memref<200x128xf32, #tpu.memory_space<vmem>>) target(%dma_start3A_1150 : memref<200x128xf32, #tpu.memory_space<hbm>>) target_semaphore(%arg23 : memref<!tpu.dma_semaphore, #tpu.memory_space<semaphore_mem>>)
    tpu.wait_dma2 semaphore(%arg13 : memref<!tpu.dma_semaphore, #tpu.memory_space<semaphore_mem>>) src(%arg7 : memref<200x128xf32, #tpu.memory_space<vmem_shared>>) dst(%arg8 : memref<200x128xf32, #tpu.memory_space<vmem>>)
    %dma_start3A_1151 = arith.constant 16 : i32
    %dma_start3A_1152 = arith.constant 0 : i32
    %dma_start3A_1153 = arith.constant 0 : i32
    %dma_start3A_1154 = arith.constant 0 : i32
    %dma_start3A_1155 = tpu.memref_slice %arg8[%dma_start3A_1153, %dma_start3A_1154] : memref<200x128xf32, #tpu.memory_space<vmem>> -> memref<100x128xf32, #tpu.memory_space<vmem>>
    %dma_start3A_1156 = arith.constant 0 : i32
    %dma_start3A_1157 = arith.constant 0 : i32
    %dma_start3A_1158 = tpu.memref_slice %arg6[%dma_start3A_1151, %dma_start3A_1156, %dma_start3A_1157] : memref<32x2x100xi32, #tpu.memory_space<vmem>> -> memref<1x2x100xi32, #tpu.memory_space<vmem>>
    %dma_start3A_1159 = tpu.memref_squeeze %dma_start3A_1158 : memref<1x2x100xi32, #tpu.memory_space<vmem>> -> memref<2x100xi32, #tpu.memory_space<vmem>>
    %dma_start3A_1160 = arith.constant 0 : i32
    %dma_start3A_1161 = tpu.memref_slice %dma_start3A_1159[%dma_start3A_1152, %dma_start3A_1160] : memref<2x100xi32, #tpu.memory_space<vmem>> -> memref<1x100xi32, #tpu.memory_space<vmem>>
    %dma_start3A_1162 = tpu.memref_squeeze %dma_start3A_1161 : memref<1x100xi32, #tpu.memory_space<vmem>> -> memref<100xi32, #tpu.memory_space<vmem>>
    %dma_start3A_1163 = arith.constant 0 : i32
    %dma_start3A_1164 = arith.constant 0 : i32
    %dma_start3A_1165 = tpu.memref_slice %arg2[%dma_start3A_1163, %dma_start3A_1164] : memref<100000x128xf32, #tpu.memory_space<hbm>> -> memref<100000x128xf32, #tpu.memory_space<hbm>>
    tpu.enqueue_indirect_dma source(%dma_start3A_1165 : memref<100000x128xf32, #tpu.memory_space<hbm>>) target(%dma_start3A_1155 : memref<100x128xf32, #tpu.memory_space<vmem>>) offsets(%dma_start3A_1162 : memref<100xi32, #tpu.memory_space<vmem>>) semaphore(%arg17 : memref<!tpu.dma_semaphore, #tpu.memory_space<semaphore_mem>>) {add = true}
    %dma_start3A_1166 = arith.constant 16 : i32
    %dma_start3A_1167 = arith.constant 1 : i32
    %dma_start3A_1168 = arith.constant 100 : i32
    %dma_start3A_1169 = arith.constant 0 : i32
    %dma_start3A_1170 = tpu.memref_slice %arg8[%dma_start3A_1168, %dma_start3A_1169] : memref<200x128xf32, #tpu.memory_space<vmem>> -> memref<100x128xf32, #tpu.memory_space<vmem>>
    %dma_start3A_1171 = arith.constant 0 : i32
    %dma_start3A_1172 = arith.constant 0 : i32
    %dma_start3A_1173 = tpu.memref_slice %arg6[%dma_start3A_1166, %dma_start3A_1171, %dma_start3A_1172] : memref<32x2x100xi32, #tpu.memory_space<vmem>> -> memref<1x2x100xi32, #tpu.memory_space<vmem>>
    %dma_start3A_1174 = tpu.memref_squeeze %dma_start3A_1173 : memref<1x2x100xi32, #tpu.memory_space<vmem>> -> memref<2x100xi32, #tpu.memory_space<vmem>>
    %dma_start3A_1175 = arith.constant 0 : i32
    %dma_start3A_1176 = tpu.memref_slice %dma_start3A_1174[%dma_start3A_1167, %dma_start3A_1175] : memref<2x100xi32, #tpu.memory_space<vmem>> -> memref<1x100xi32, #tpu.memory_space<vmem>>
    %dma_start3A_1177 = tpu.memref_squeeze %dma_start3A_1176 : memref<1x100xi32, #tpu.memory_space<vmem>> -> memref<100xi32, #tpu.memory_space<vmem>>
    %dma_start3A_1178 = arith.constant 0 : i32
    %dma_start3A_1179 = arith.constant 0 : i32
    %dma_start3A_1180 = tpu.memref_slice %arg2[%dma_start3A_1178, %dma_start3A_1179] : memref<100000x128xf32, #tpu.memory_space<hbm>> -> memref<100000x128xf32, #tpu.memory_space<hbm>>
    tpu.enqueue_indirect_dma source(%dma_start3A_1180 : memref<100000x128xf32, #tpu.memory_space<hbm>>) target(%dma_start3A_1170 : memref<100x128xf32, #tpu.memory_space<vmem>>) offsets(%dma_start3A_1177 : memref<100xi32, #tpu.memory_space<vmem>>) semaphore(%arg17 : memref<!tpu.dma_semaphore, #tpu.memory_space<semaphore_mem>>) {add = true}
    %dma_wait3A_1181 = arith.constant 0 : i32
    %dma_wait3A_1182 = tpu.memref_slice %arg5[%mul3A_1146, %dma_wait3A_1181] : memref<204800x128xf32, #tpu.memory_space<hbm>> -> memref<200x128xf32, #tpu.memory_space<hbm>>
    %dma_wait3A_1183 = arith.constant 0 : i32
    %dma_wait3A_1184 = tpu.memref_slice %arg5[%mul3A_1146, %dma_wait3A_1183] : memref<204800x128xf32, #tpu.memory_space<hbm>> -> memref<200x128xf32, #tpu.memory_space<hbm>>
    tpu.wait_dma2 semaphore(%arg23 : memref<!tpu.dma_semaphore, #tpu.memory_space<semaphore_mem>>) src(%arg10 : memref<200x128xf32, #tpu.memory_space<vmem>>) dst(%dma_wait3A_1184 : memref<200x128xf32, #tpu.memory_space<hbm>>)
    tpu.enqueue_dma source(%arg7 : memref<200x128xf32, #tpu.memory_space<vmem_shared>>) target(%arg10 : memref<200x128xf32, #tpu.memory_space<vmem>>) target_semaphore(%arg15 : memref<!tpu.dma_semaphore, #tpu.memory_space<semaphore_mem>>)
    %dma_wait3A_1185 = arith.constant 15 : i32
    %dma_wait3A_1186 = arith.constant 0 : i32
    %dma_wait3A_1187 = arith.constant 0 : i32
    %dma_wait3A_1188 = arith.constant 0 : i32
    %dma_wait3A_1189 = tpu.memref_slice %arg11[%dma_wait3A_1187, %dma_wait3A_1188] : memref<200x128xf32, #tpu.memory_space<vmem>> -> memref<100x128xf32, #tpu.memory_space<vmem>>
    %dma_wait3A_1190 = arith.constant 0 : i32
    %dma_wait3A_1191 = arith.constant 0 : i32
    %dma_wait3A_1192 = tpu.memref_slice %arg6[%dma_wait3A_1185, %dma_wait3A_1190, %dma_wait3A_1191] : memref<32x2x100xi32, #tpu.memory_space<vmem>> -> memref<1x2x100xi32, #tpu.memory_space<vmem>>
    %dma_wait3A_1193 = tpu.memref_squeeze %dma_wait3A_1192 : memref<1x2x100xi32, #tpu.memory_space<vmem>> -> memref<2x100xi32, #tpu.memory_space<vmem>>
    %dma_wait3A_1194 = arith.constant 0 : i32
    %dma_wait3A_1195 = tpu.memref_slice %dma_wait3A_1193[%dma_wait3A_1186, %dma_wait3A_1194] : memref<2x100xi32, #tpu.memory_space<vmem>> -> memref<1x100xi32, #tpu.memory_space<vmem>>
    %dma_wait3A_1196 = tpu.memref_squeeze %dma_wait3A_1195 : memref<1x100xi32, #tpu.memory_space<vmem>> -> memref<100xi32, #tpu.memory_space<vmem>>
    %dma_wait3A_1197 = arith.constant 0 : i32
    %dma_wait3A_1198 = arith.constant 0 : i32
    %dma_wait3A_1199 = tpu.memref_slice %arg2[%dma_wait3A_1197, %dma_wait3A_1198] : memref<100000x128xf32, #tpu.memory_space<hbm>> -> memref<100000x128xf32, #tpu.memory_space<hbm>>
    tpu.wait_indirect_dma semaphore(%arg20 : memref<!tpu.dma_semaphore, #tpu.memory_space<semaphore_mem>>) src(%dma_wait3A_1199 : memref<100000x128xf32, #tpu.memory_space<hbm>>) dst(%dma_wait3A_1189 : memref<100x128xf32, #tpu.memory_space<vmem>>)
    %dma_wait3A_1200 = arith.constant 15 : i32
    %dma_wait3A_1201 = arith.constant 1 : i32
    %dma_wait3A_1202 = arith.constant 100 : i32
    %dma_wait3A_1203 = arith.constant 0 : i32
    %dma_wait3A_1204 = tpu.memref_slice %arg11[%dma_wait3A_1202, %dma_wait3A_1203] : memref<200x128xf32, #tpu.memory_space<vmem>> -> memref<100x128xf32, #tpu.memory_space<vmem>>
    %dma_wait3A_1205 = arith.constant 0 : i32
    %dma_wait3A_1206 = arith.constant 0 : i32
    %dma_wait3A_1207 = tpu.memref_slice %arg6[%dma_wait3A_1200, %dma_wait3A_1205, %dma_wait3A_1206] : memref<32x2x100xi32, #tpu.memory_space<vmem>> -> memref<1x2x100xi32, #tpu.memory_space<vmem>>
    %dma_wait3A_1208 = tpu.memref_squeeze %dma_wait3A_1207 : memref<1x2x100xi32, #tpu.memory_space<vmem>> -> memref<2x100xi32, #tpu.memory_space<vmem>>
    %dma_wait3A_1209 = arith.constant 0 : i32
    %dma_wait3A_1210 = tpu.memref_slice %dma_wait3A_1208[%dma_wait3A_1201, %dma_wait3A_1209] : memref<2x100xi32, #tpu.memory_space<vmem>> -> memref<1x100xi32, #tpu.memory_space<vmem>>
    %dma_wait3A_1211 = tpu.memref_squeeze %dma_wait3A_1210 : memref<1x100xi32, #tpu.memory_space<vmem>> -> memref<100xi32, #tpu.memory_space<vmem>>
    %dma_wait3A_1212 = arith.constant 0 : i32
    %dma_wait3A_1213 = arith.constant 0 : i32
    %dma_wait3A_1214 = tpu.memref_slice %arg2[%dma_wait3A_1212, %dma_wait3A_1213] : memref<100000x128xf32, #tpu.memory_space<hbm>> -> memref<100000x128xf32, #tpu.memory_space<hbm>>
    tpu.wait_indirect_dma semaphore(%arg20 : memref<!tpu.dma_semaphore, #tpu.memory_space<semaphore_mem>>) src(%dma_wait3A_1214 : memref<100000x128xf32, #tpu.memory_space<hbm>>) dst(%dma_wait3A_1204 : memref<100x128xf32, #tpu.memory_space<vmem>>)
    %mul3A_1215 = arith.constant 32 : i32
    %mul3A_1216 = arith.muli %add3A, %mul3A_1215 : i32
    %add3A_1217 = arith.constant 15 : i32
    %add3A_1218 = arith.addi %mul3A_1216, %add3A_1217 : i32
    %mul3A_1219 = arith.constant 200 : i32
    %mul3A_1220 = arith.muli %add3A_1218, %mul3A_1219 : i32
    %dma_start3A_1221 = arith.constant 0 : i32
    %dma_start3A_1222 = tpu.memref_slice %arg5[%mul3A_1220, %dma_start3A_1221] : memref<204800x128xf32, #tpu.memory_space<hbm>> -> memref<200x128xf32, #tpu.memory_space<hbm>>
    %dma_start3A_1223 = arith.constant 0 : i32
    %dma_start3A_1224 = tpu.memref_slice %arg5[%mul3A_1220, %dma_start3A_1223] : memref<204800x128xf32, #tpu.memory_space<hbm>> -> memref<200x128xf32, #tpu.memory_space<hbm>>
    tpu.enqueue_dma source(%arg11 : memref<200x128xf32, #tpu.memory_space<vmem>>) target(%dma_start3A_1224 : memref<200x128xf32, #tpu.memory_space<hbm>>) target_semaphore(%arg24 : memref<!tpu.dma_semaphore, #tpu.memory_space<semaphore_mem>>)
    tpu.wait_dma2 semaphore(%arg14 : memref<!tpu.dma_semaphore, #tpu.memory_space<semaphore_mem>>) src(%arg7 : memref<200x128xf32, #tpu.memory_space<vmem_shared>>) dst(%arg9 : memref<200x128xf32, #tpu.memory_space<vmem>>)
    %dma_start3A_1225 = arith.constant 17 : i32
    %dma_start3A_1226 = arith.constant 0 : i32
    %dma_start3A_1227 = arith.constant 0 : i32
    %dma_start3A_1228 = arith.constant 0 : i32
    %dma_start3A_1229 = tpu.memref_slice %arg9[%dma_start3A_1227, %dma_start3A_1228] : memref<200x128xf32, #tpu.memory_space<vmem>> -> memref<100x128xf32, #tpu.memory_space<vmem>>
    %dma_start3A_1230 = arith.constant 0 : i32
    %dma_start3A_1231 = arith.constant 0 : i32
    %dma_start3A_1232 = tpu.memref_slice %arg6[%dma_start3A_1225, %dma_start3A_1230, %dma_start3A_1231] : memref<32x2x100xi32, #tpu.memory_space<vmem>> -> memref<1x2x100xi32, #tpu.memory_space<vmem>>
    %dma_start3A_1233 = tpu.memref_squeeze %dma_start3A_1232 : memref<1x2x100xi32, #tpu.memory_space<vmem>> -> memref<2x100xi32, #tpu.memory_space<vmem>>
    %dma_start3A_1234 = arith.constant 0 : i32
    %dma_start3A_1235 = tpu.memref_slice %dma_start3A_1233[%dma_start3A_1226, %dma_start3A_1234] : memref<2x100xi32, #tpu.memory_space<vmem>> -> memref<1x100xi32, #tpu.memory_space<vmem>>
    %dma_start3A_1236 = tpu.memref_squeeze %dma_start3A_1235 : memref<1x100xi32, #tpu.memory_space<vmem>> -> memref<100xi32, #tpu.memory_space<vmem>>
    %dma_start3A_1237 = arith.constant 0 : i32
    %dma_start3A_1238 = arith.constant 0 : i32
    %dma_start3A_1239 = tpu.memref_slice %arg2[%dma_start3A_1237, %dma_start3A_1238] : memref<100000x128xf32, #tpu.memory_space<hbm>> -> memref<100000x128xf32, #tpu.memory_space<hbm>>
    tpu.enqueue_indirect_dma source(%dma_start3A_1239 : memref<100000x128xf32, #tpu.memory_space<hbm>>) target(%dma_start3A_1229 : memref<100x128xf32, #tpu.memory_space<vmem>>) offsets(%dma_start3A_1236 : memref<100xi32, #tpu.memory_space<vmem>>) semaphore(%arg18 : memref<!tpu.dma_semaphore, #tpu.memory_space<semaphore_mem>>) {add = true}
    %dma_start3A_1240 = arith.constant 17 : i32
    %dma_start3A_1241 = arith.constant 1 : i32
    %dma_start3A_1242 = arith.constant 100 : i32
    %dma_start3A_1243 = arith.constant 0 : i32
    %dma_start3A_1244 = tpu.memref_slice %arg9[%dma_start3A_1242, %dma_start3A_1243] : memref<200x128xf32, #tpu.memory_space<vmem>> -> memref<100x128xf32, #tpu.memory_space<vmem>>
    %dma_start3A_1245 = arith.constant 0 : i32
    %dma_start3A_1246 = arith.constant 0 : i32
    %dma_start3A_1247 = tpu.memref_slice %arg6[%dma_start3A_1240, %dma_start3A_1245, %dma_start3A_1246] : memref<32x2x100xi32, #tpu.memory_space<vmem>> -> memref<1x2x100xi32, #tpu.memory_space<vmem>>
    %dma_start3A_1248 = tpu.memref_squeeze %dma_start3A_1247 : memref<1x2x100xi32, #tpu.memory_space<vmem>> -> memref<2x100xi32, #tpu.memory_space<vmem>>
    %dma_start3A_1249 = arith.constant 0 : i32
    %dma_start3A_1250 = tpu.memref_slice %dma_start3A_1248[%dma_start3A_1241, %dma_start3A_1249] : memref<2x100xi32, #tpu.memory_space<vmem>> -> memref<1x100xi32, #tpu.memory_space<vmem>>
    %dma_start3A_1251 = tpu.memref_squeeze %dma_start3A_1250 : memref<1x100xi32, #tpu.memory_space<vmem>> -> memref<100xi32, #tpu.memory_space<vmem>>
    %dma_start3A_1252 = arith.constant 0 : i32
    %dma_start3A_1253 = arith.constant 0 : i32
    %dma_start3A_1254 = tpu.memref_slice %arg2[%dma_start3A_1252, %dma_start3A_1253] : memref<100000x128xf32, #tpu.memory_space<hbm>> -> memref<100000x128xf32, #tpu.memory_space<hbm>>
    tpu.enqueue_indirect_dma source(%dma_start3A_1254 : memref<100000x128xf32, #tpu.memory_space<hbm>>) target(%dma_start3A_1244 : memref<100x128xf32, #tpu.memory_space<vmem>>) offsets(%dma_start3A_1251 : memref<100xi32, #tpu.memory_space<vmem>>) semaphore(%arg18 : memref<!tpu.dma_semaphore, #tpu.memory_space<semaphore_mem>>) {add = true}
    %dma_wait3A_1255 = arith.constant 0 : i32
    %dma_wait3A_1256 = tpu.memref_slice %arg5[%mul3A_1220, %dma_wait3A_1255] : memref<204800x128xf32, #tpu.memory_space<hbm>> -> memref<200x128xf32, #tpu.memory_space<hbm>>
    %dma_wait3A_1257 = arith.constant 0 : i32
    %dma_wait3A_1258 = tpu.memref_slice %arg5[%mul3A_1220, %dma_wait3A_1257] : memref<204800x128xf32, #tpu.memory_space<hbm>> -> memref<200x128xf32, #tpu.memory_space<hbm>>
    tpu.wait_dma2 semaphore(%arg24 : memref<!tpu.dma_semaphore, #tpu.memory_space<semaphore_mem>>) src(%arg11 : memref<200x128xf32, #tpu.memory_space<vmem>>) dst(%dma_wait3A_1258 : memref<200x128xf32, #tpu.memory_space<hbm>>)
    tpu.enqueue_dma source(%arg7 : memref<200x128xf32, #tpu.memory_space<vmem_shared>>) target(%arg11 : memref<200x128xf32, #tpu.memory_space<vmem>>) target_semaphore(%arg16 : memref<!tpu.dma_semaphore, #tpu.memory_space<semaphore_mem>>)
    %dma_wait3A_1259 = arith.constant 16 : i32
    %dma_wait3A_1260 = arith.constant 0 : i32
    %dma_wait3A_1261 = arith.constant 0 : i32
    %dma_wait3A_1262 = arith.constant 0 : i32
    %dma_wait3A_1263 = tpu.memref_slice %arg8[%dma_wait3A_1261, %dma_wait3A_1262] : memref<200x128xf32, #tpu.memory_space<vmem>> -> memref<100x128xf32, #tpu.memory_space<vmem>>
    %dma_wait3A_1264 = arith.constant 0 : i32
    %dma_wait3A_1265 = arith.constant 0 : i32
    %dma_wait3A_1266 = tpu.memref_slice %arg6[%dma_wait3A_1259, %dma_wait3A_1264, %dma_wait3A_1265] : memref<32x2x100xi32, #tpu.memory_space<vmem>> -> memref<1x2x100xi32, #tpu.memory_space<vmem>>
    %dma_wait3A_1267 = tpu.memref_squeeze %dma_wait3A_1266 : memref<1x2x100xi32, #tpu.memory_space<vmem>> -> memref<2x100xi32, #tpu.memory_space<vmem>>
    %dma_wait3A_1268 = arith.constant 0 : i32
    %dma_wait3A_1269 = tpu.memref_slice %dma_wait3A_1267[%dma_wait3A_1260, %dma_wait3A_1268] : memref<2x100xi32, #tpu.memory_space<vmem>> -> memref<1x100xi32, #tpu.memory_space<vmem>>
    %dma_wait3A_1270 = tpu.memref_squeeze %dma_wait3A_1269 : memref<1x100xi32, #tpu.memory_space<vmem>> -> memref<100xi32, #tpu.memory_space<vmem>>
    %dma_wait3A_1271 = arith.constant 0 : i32
    %dma_wait3A_1272 = arith.constant 0 : i32
    %dma_wait3A_1273 = tpu.memref_slice %arg2[%dma_wait3A_1271, %dma_wait3A_1272] : memref<100000x128xf32, #tpu.memory_space<hbm>> -> memref<100000x128xf32, #tpu.memory_space<hbm>>
    tpu.wait_indirect_dma semaphore(%arg17 : memref<!tpu.dma_semaphore, #tpu.memory_space<semaphore_mem>>) src(%dma_wait3A_1273 : memref<100000x128xf32, #tpu.memory_space<hbm>>) dst(%dma_wait3A_1263 : memref<100x128xf32, #tpu.memory_space<vmem>>)
    %dma_wait3A_1274 = arith.constant 16 : i32
    %dma_wait3A_1275 = arith.constant 1 : i32
    %dma_wait3A_1276 = arith.constant 100 : i32
    %dma_wait3A_1277 = arith.constant 0 : i32
    %dma_wait3A_1278 = tpu.memref_slice %arg8[%dma_wait3A_1276, %dma_wait3A_1277] : memref<200x128xf32, #tpu.memory_space<vmem>> -> memref<100x128xf32, #tpu.memory_space<vmem>>
    %dma_wait3A_1279 = arith.constant 0 : i32
    %dma_wait3A_1280 = arith.constant 0 : i32
    %dma_wait3A_1281 = tpu.memref_slice %arg6[%dma_wait3A_1274, %dma_wait3A_1279, %dma_wait3A_1280] : memref<32x2x100xi32, #tpu.memory_space<vmem>> -> memref<1x2x100xi32, #tpu.memory_space<vmem>>
    %dma_wait3A_1282 = tpu.memref_squeeze %dma_wait3A_1281 : memref<1x2x100xi32, #tpu.memory_space<vmem>> -> memref<2x100xi32, #tpu.memory_space<vmem>>
    %dma_wait3A_1283 = arith.constant 0 : i32
    %dma_wait3A_1284 = tpu.memref_slice %dma_wait3A_1282[%dma_wait3A_1275, %dma_wait3A_1283] : memref<2x100xi32, #tpu.memory_space<vmem>> -> memref<1x100xi32, #tpu.memory_space<vmem>>
    %dma_wait3A_1285 = tpu.memref_squeeze %dma_wait3A_1284 : memref<1x100xi32, #tpu.memory_space<vmem>> -> memref<100xi32, #tpu.memory_space<vmem>>
    %dma_wait3A_1286 = arith.constant 0 : i32
    %dma_wait3A_1287 = arith.constant 0 : i32
    %dma_wait3A_1288 = tpu.memref_slice %arg2[%dma_wait3A_1286, %dma_wait3A_1287] : memref<100000x128xf32, #tpu.memory_space<hbm>> -> memref<100000x128xf32, #tpu.memory_space<hbm>>
    tpu.wait_indirect_dma semaphore(%arg17 : memref<!tpu.dma_semaphore, #tpu.memory_space<semaphore_mem>>) src(%dma_wait3A_1288 : memref<100000x128xf32, #tpu.memory_space<hbm>>) dst(%dma_wait3A_1278 : memref<100x128xf32, #tpu.memory_space<vmem>>)
    %mul3A_1289 = arith.constant 32 : i32
    %mul3A_1290 = arith.muli %add3A, %mul3A_1289 : i32
    %add3A_1291 = arith.constant 16 : i32
    %add3A_1292 = arith.addi %mul3A_1290, %add3A_1291 : i32
    %mul3A_1293 = arith.constant 200 : i32
    %mul3A_1294 = arith.muli %add3A_1292, %mul3A_1293 : i32
    %dma_start3A_1295 = arith.constant 0 : i32
    %dma_start3A_1296 = tpu.memref_slice %arg5[%mul3A_1294, %dma_start3A_1295] : memref<204800x128xf32, #tpu.memory_space<hbm>> -> memref<200x128xf32, #tpu.memory_space<hbm>>
    %dma_start3A_1297 = arith.constant 0 : i32
    %dma_start3A_1298 = tpu.memref_slice %arg5[%mul3A_1294, %dma_start3A_1297] : memref<204800x128xf32, #tpu.memory_space<hbm>> -> memref<200x128xf32, #tpu.memory_space<hbm>>
    tpu.enqueue_dma source(%arg8 : memref<200x128xf32, #tpu.memory_space<vmem>>) target(%dma_start3A_1298 : memref<200x128xf32, #tpu.memory_space<hbm>>) target_semaphore(%arg21 : memref<!tpu.dma_semaphore, #tpu.memory_space<semaphore_mem>>)
    tpu.wait_dma2 semaphore(%arg15 : memref<!tpu.dma_semaphore, #tpu.memory_space<semaphore_mem>>) src(%arg7 : memref<200x128xf32, #tpu.memory_space<vmem_shared>>) dst(%arg10 : memref<200x128xf32, #tpu.memory_space<vmem>>)
    %dma_start3A_1299 = arith.constant 18 : i32
    %dma_start3A_1300 = arith.constant 0 : i32
    %dma_start3A_1301 = arith.constant 0 : i32
    %dma_start3A_1302 = arith.constant 0 : i32
    %dma_start3A_1303 = tpu.memref_slice %arg10[%dma_start3A_1301, %dma_start3A_1302] : memref<200x128xf32, #tpu.memory_space<vmem>> -> memref<100x128xf32, #tpu.memory_space<vmem>>
    %dma_start3A_1304 = arith.constant 0 : i32
    %dma_start3A_1305 = arith.constant 0 : i32
    %dma_start3A_1306 = tpu.memref_slice %arg6[%dma_start3A_1299, %dma_start3A_1304, %dma_start3A_1305] : memref<32x2x100xi32, #tpu.memory_space<vmem>> -> memref<1x2x100xi32, #tpu.memory_space<vmem>>
    %dma_start3A_1307 = tpu.memref_squeeze %dma_start3A_1306 : memref<1x2x100xi32, #tpu.memory_space<vmem>> -> memref<2x100xi32, #tpu.memory_space<vmem>>
    %dma_start3A_1308 = arith.constant 0 : i32
    %dma_start3A_1309 = tpu.memref_slice %dma_start3A_1307[%dma_start3A_1300, %dma_start3A_1308] : memref<2x100xi32, #tpu.memory_space<vmem>> -> memref<1x100xi32, #tpu.memory_space<vmem>>
    %dma_start3A_1310 = tpu.memref_squeeze %dma_start3A_1309 : memref<1x100xi32, #tpu.memory_space<vmem>> -> memref<100xi32, #tpu.memory_space<vmem>>
    %dma_start3A_1311 = arith.constant 0 : i32
    %dma_start3A_1312 = arith.constant 0 : i32
    %dma_start3A_1313 = tpu.memref_slice %arg2[%dma_start3A_1311, %dma_start3A_1312] : memref<100000x128xf32, #tpu.memory_space<hbm>> -> memref<100000x128xf32, #tpu.memory_space<hbm>>
    tpu.enqueue_indirect_dma source(%dma_start3A_1313 : memref<100000x128xf32, #tpu.memory_space<hbm>>) target(%dma_start3A_1303 : memref<100x128xf32, #tpu.memory_space<vmem>>) offsets(%dma_start3A_1310 : memref<100xi32, #tpu.memory_space<vmem>>) semaphore(%arg19 : memref<!tpu.dma_semaphore, #tpu.memory_space<semaphore_mem>>) {add = true}
    %dma_start3A_1314 = arith.constant 18 : i32
    %dma_start3A_1315 = arith.constant 1 : i32
    %dma_start3A_1316 = arith.constant 100 : i32
    %dma_start3A_1317 = arith.constant 0 : i32
    %dma_start3A_1318 = tpu.memref_slice %arg10[%dma_start3A_1316, %dma_start3A_1317] : memref<200x128xf32, #tpu.memory_space<vmem>> -> memref<100x128xf32, #tpu.memory_space<vmem>>
    %dma_start3A_1319 = arith.constant 0 : i32
    %dma_start3A_1320 = arith.constant 0 : i32
    %dma_start3A_1321 = tpu.memref_slice %arg6[%dma_start3A_1314, %dma_start3A_1319, %dma_start3A_1320] : memref<32x2x100xi32, #tpu.memory_space<vmem>> -> memref<1x2x100xi32, #tpu.memory_space<vmem>>
    %dma_start3A_1322 = tpu.memref_squeeze %dma_start3A_1321 : memref<1x2x100xi32, #tpu.memory_space<vmem>> -> memref<2x100xi32, #tpu.memory_space<vmem>>
    %dma_start3A_1323 = arith.constant 0 : i32
    %dma_start3A_1324 = tpu.memref_slice %dma_start3A_1322[%dma_start3A_1315, %dma_start3A_1323] : memref<2x100xi32, #tpu.memory_space<vmem>> -> memref<1x100xi32, #tpu.memory_space<vmem>>
    %dma_start3A_1325 = tpu.memref_squeeze %dma_start3A_1324 : memref<1x100xi32, #tpu.memory_space<vmem>> -> memref<100xi32, #tpu.memory_space<vmem>>
    %dma_start3A_1326 = arith.constant 0 : i32
    %dma_start3A_1327 = arith.constant 0 : i32
    %dma_start3A_1328 = tpu.memref_slice %arg2[%dma_start3A_1326, %dma_start3A_1327] : memref<100000x128xf32, #tpu.memory_space<hbm>> -> memref<100000x128xf32, #tpu.memory_space<hbm>>
    tpu.enqueue_indirect_dma source(%dma_start3A_1328 : memref<100000x128xf32, #tpu.memory_space<hbm>>) target(%dma_start3A_1318 : memref<100x128xf32, #tpu.memory_space<vmem>>) offsets(%dma_start3A_1325 : memref<100xi32, #tpu.memory_space<vmem>>) semaphore(%arg19 : memref<!tpu.dma_semaphore, #tpu.memory_space<semaphore_mem>>) {add = true}
    %dma_wait3A_1329 = arith.constant 0 : i32
    %dma_wait3A_1330 = tpu.memref_slice %arg5[%mul3A_1294, %dma_wait3A_1329] : memref<204800x128xf32, #tpu.memory_space<hbm>> -> memref<200x128xf32, #tpu.memory_space<hbm>>
    %dma_wait3A_1331 = arith.constant 0 : i32
    %dma_wait3A_1332 = tpu.memref_slice %arg5[%mul3A_1294, %dma_wait3A_1331] : memref<204800x128xf32, #tpu.memory_space<hbm>> -> memref<200x128xf32, #tpu.memory_space<hbm>>
    tpu.wait_dma2 semaphore(%arg21 : memref<!tpu.dma_semaphore, #tpu.memory_space<semaphore_mem>>) src(%arg8 : memref<200x128xf32, #tpu.memory_space<vmem>>) dst(%dma_wait3A_1332 : memref<200x128xf32, #tpu.memory_space<hbm>>)
    tpu.enqueue_dma source(%arg7 : memref<200x128xf32, #tpu.memory_space<vmem_shared>>) target(%arg8 : memref<200x128xf32, #tpu.memory_space<vmem>>) target_semaphore(%arg13 : memref<!tpu.dma_semaphore, #tpu.memory_space<semaphore_mem>>)
    %dma_wait3A_1333 = arith.constant 17 : i32
    %dma_wait3A_1334 = arith.constant 0 : i32
    %dma_wait3A_1335 = arith.constant 0 : i32
    %dma_wait3A_1336 = arith.constant 0 : i32
    %dma_wait3A_1337 = tpu.memref_slice %arg9[%dma_wait3A_1335, %dma_wait3A_1336] : memref<200x128xf32, #tpu.memory_space<vmem>> -> memref<100x128xf32, #tpu.memory_space<vmem>>
    %dma_wait3A_1338 = arith.constant 0 : i32
    %dma_wait3A_1339 = arith.constant 0 : i32
    %dma_wait3A_1340 = tpu.memref_slice %arg6[%dma_wait3A_1333, %dma_wait3A_1338, %dma_wait3A_1339] : memref<32x2x100xi32, #tpu.memory_space<vmem>> -> memref<1x2x100xi32, #tpu.memory_space<vmem>>
    %dma_wait3A_1341 = tpu.memref_squeeze %dma_wait3A_1340 : memref<1x2x100xi32, #tpu.memory_space<vmem>> -> memref<2x100xi32, #tpu.memory_space<vmem>>
    %dma_wait3A_1342 = arith.constant 0 : i32
    %dma_wait3A_1343 = tpu.memref_slice %dma_wait3A_1341[%dma_wait3A_1334, %dma_wait3A_1342] : memref<2x100xi32, #tpu.memory_space<vmem>> -> memref<1x100xi32, #tpu.memory_space<vmem>>
    %dma_wait3A_1344 = tpu.memref_squeeze %dma_wait3A_1343 : memref<1x100xi32, #tpu.memory_space<vmem>> -> memref<100xi32, #tpu.memory_space<vmem>>
    %dma_wait3A_1345 = arith.constant 0 : i32
    %dma_wait3A_1346 = arith.constant 0 : i32
    %dma_wait3A_1347 = tpu.memref_slice %arg2[%dma_wait3A_1345, %dma_wait3A_1346] : memref<100000x128xf32, #tpu.memory_space<hbm>> -> memref<100000x128xf32, #tpu.memory_space<hbm>>
    tpu.wait_indirect_dma semaphore(%arg18 : memref<!tpu.dma_semaphore, #tpu.memory_space<semaphore_mem>>) src(%dma_wait3A_1347 : memref<100000x128xf32, #tpu.memory_space<hbm>>) dst(%dma_wait3A_1337 : memref<100x128xf32, #tpu.memory_space<vmem>>)
    %dma_wait3A_1348 = arith.constant 17 : i32
    %dma_wait3A_1349 = arith.constant 1 : i32
    %dma_wait3A_1350 = arith.constant 100 : i32
    %dma_wait3A_1351 = arith.constant 0 : i32
    %dma_wait3A_1352 = tpu.memref_slice %arg9[%dma_wait3A_1350, %dma_wait3A_1351] : memref<200x128xf32, #tpu.memory_space<vmem>> -> memref<100x128xf32, #tpu.memory_space<vmem>>
    %dma_wait3A_1353 = arith.constant 0 : i32
    %dma_wait3A_1354 = arith.constant 0 : i32
    %dma_wait3A_1355 = tpu.memref_slice %arg6[%dma_wait3A_1348, %dma_wait3A_1353, %dma_wait3A_1354] : memref<32x2x100xi32, #tpu.memory_space<vmem>> -> memref<1x2x100xi32, #tpu.memory_space<vmem>>
    %dma_wait3A_1356 = tpu.memref_squeeze %dma_wait3A_1355 : memref<1x2x100xi32, #tpu.memory_space<vmem>> -> memref<2x100xi32, #tpu.memory_space<vmem>>
    %dma_wait3A_1357 = arith.constant 0 : i32
    %dma_wait3A_1358 = tpu.memref_slice %dma_wait3A_1356[%dma_wait3A_1349, %dma_wait3A_1357] : memref<2x100xi32, #tpu.memory_space<vmem>> -> memref<1x100xi32, #tpu.memory_space<vmem>>
    %dma_wait3A_1359 = tpu.memref_squeeze %dma_wait3A_1358 : memref<1x100xi32, #tpu.memory_space<vmem>> -> memref<100xi32, #tpu.memory_space<vmem>>
    %dma_wait3A_1360 = arith.constant 0 : i32
    %dma_wait3A_1361 = arith.constant 0 : i32
    %dma_wait3A_1362 = tpu.memref_slice %arg2[%dma_wait3A_1360, %dma_wait3A_1361] : memref<100000x128xf32, #tpu.memory_space<hbm>> -> memref<100000x128xf32, #tpu.memory_space<hbm>>
    tpu.wait_indirect_dma semaphore(%arg18 : memref<!tpu.dma_semaphore, #tpu.memory_space<semaphore_mem>>) src(%dma_wait3A_1362 : memref<100000x128xf32, #tpu.memory_space<hbm>>) dst(%dma_wait3A_1352 : memref<100x128xf32, #tpu.memory_space<vmem>>)
    %mul3A_1363 = arith.constant 32 : i32
    %mul3A_1364 = arith.muli %add3A, %mul3A_1363 : i32
    %add3A_1365 = arith.constant 17 : i32
    %add3A_1366 = arith.addi %mul3A_1364, %add3A_1365 : i32
    %mul3A_1367 = arith.constant 200 : i32
    %mul3A_1368 = arith.muli %add3A_1366, %mul3A_1367 : i32
    %dma_start3A_1369 = arith.constant 0 : i32
    %dma_start3A_1370 = tpu.memref_slice %arg5[%mul3A_1368, %dma_start3A_1369] : memref<204800x128xf32, #tpu.memory_space<hbm>> -> memref<200x128xf32, #tpu.memory_space<hbm>>
    %dma_start3A_1371 = arith.constant 0 : i32
    %dma_start3A_1372 = tpu.memref_slice %arg5[%mul3A_1368, %dma_start3A_1371] : memref<204800x128xf32, #tpu.memory_space<hbm>> -> memref<200x128xf32, #tpu.memory_space<hbm>>
    tpu.enqueue_dma source(%arg9 : memref<200x128xf32, #tpu.memory_space<vmem>>) target(%dma_start3A_1372 : memref<200x128xf32, #tpu.memory_space<hbm>>) target_semaphore(%arg22 : memref<!tpu.dma_semaphore, #tpu.memory_space<semaphore_mem>>)
    tpu.wait_dma2 semaphore(%arg16 : memref<!tpu.dma_semaphore, #tpu.memory_space<semaphore_mem>>) src(%arg7 : memref<200x128xf32, #tpu.memory_space<vmem_shared>>) dst(%arg11 : memref<200x128xf32, #tpu.memory_space<vmem>>)
    %dma_start3A_1373 = arith.constant 19 : i32
    %dma_start3A_1374 = arith.constant 0 : i32
    %dma_start3A_1375 = arith.constant 0 : i32
    %dma_start3A_1376 = arith.constant 0 : i32
    %dma_start3A_1377 = tpu.memref_slice %arg11[%dma_start3A_1375, %dma_start3A_1376] : memref<200x128xf32, #tpu.memory_space<vmem>> -> memref<100x128xf32, #tpu.memory_space<vmem>>
    %dma_start3A_1378 = arith.constant 0 : i32
    %dma_start3A_1379 = arith.constant 0 : i32
    %dma_start3A_1380 = tpu.memref_slice %arg6[%dma_start3A_1373, %dma_start3A_1378, %dma_start3A_1379] : memref<32x2x100xi32, #tpu.memory_space<vmem>> -> memref<1x2x100xi32, #tpu.memory_space<vmem>>
    %dma_start3A_1381 = tpu.memref_squeeze %dma_start3A_1380 : memref<1x2x100xi32, #tpu.memory_space<vmem>> -> memref<2x100xi32, #tpu.memory_space<vmem>>
    %dma_start3A_1382 = arith.constant 0 : i32
    %dma_start3A_1383 = tpu.memref_slice %dma_start3A_1381[%dma_start3A_1374, %dma_start3A_1382] : memref<2x100xi32, #tpu.memory_space<vmem>> -> memref<1x100xi32, #tpu.memory_space<vmem>>
    %dma_start3A_1384 = tpu.memref_squeeze %dma_start3A_1383 : memref<1x100xi32, #tpu.memory_space<vmem>> -> memref<100xi32, #tpu.memory_space<vmem>>
    %dma_start3A_1385 = arith.constant 0 : i32
    %dma_start3A_1386 = arith.constant 0 : i32
    %dma_start3A_1387 = tpu.memref_slice %arg2[%dma_start3A_1385, %dma_start3A_1386] : memref<100000x128xf32, #tpu.memory_space<hbm>> -> memref<100000x128xf32, #tpu.memory_space<hbm>>
    tpu.enqueue_indirect_dma source(%dma_start3A_1387 : memref<100000x128xf32, #tpu.memory_space<hbm>>) target(%dma_start3A_1377 : memref<100x128xf32, #tpu.memory_space<vmem>>) offsets(%dma_start3A_1384 : memref<100xi32, #tpu.memory_space<vmem>>) semaphore(%arg20 : memref<!tpu.dma_semaphore, #tpu.memory_space<semaphore_mem>>) {add = true}
    %dma_start3A_1388 = arith.constant 19 : i32
    %dma_start3A_1389 = arith.constant 1 : i32
    %dma_start3A_1390 = arith.constant 100 : i32
    %dma_start3A_1391 = arith.constant 0 : i32
    %dma_start3A_1392 = tpu.memref_slice %arg11[%dma_start3A_1390, %dma_start3A_1391] : memref<200x128xf32, #tpu.memory_space<vmem>> -> memref<100x128xf32, #tpu.memory_space<vmem>>
    %dma_start3A_1393 = arith.constant 0 : i32
    %dma_start3A_1394 = arith.constant 0 : i32
    %dma_start3A_1395 = tpu.memref_slice %arg6[%dma_start3A_1388, %dma_start3A_1393, %dma_start3A_1394] : memref<32x2x100xi32, #tpu.memory_space<vmem>> -> memref<1x2x100xi32, #tpu.memory_space<vmem>>
    %dma_start3A_1396 = tpu.memref_squeeze %dma_start3A_1395 : memref<1x2x100xi32, #tpu.memory_space<vmem>> -> memref<2x100xi32, #tpu.memory_space<vmem>>
    %dma_start3A_1397 = arith.constant 0 : i32
    %dma_start3A_1398 = tpu.memref_slice %dma_start3A_1396[%dma_start3A_1389, %dma_start3A_1397] : memref<2x100xi32, #tpu.memory_space<vmem>> -> memref<1x100xi32, #tpu.memory_space<vmem>>
    %dma_start3A_1399 = tpu.memref_squeeze %dma_start3A_1398 : memref<1x100xi32, #tpu.memory_space<vmem>> -> memref<100xi32, #tpu.memory_space<vmem>>
    %dma_start3A_1400 = arith.constant 0 : i32
    %dma_start3A_1401 = arith.constant 0 : i32
    %dma_start3A_1402 = tpu.memref_slice %arg2[%dma_start3A_1400, %dma_start3A_1401] : memref<100000x128xf32, #tpu.memory_space<hbm>> -> memref<100000x128xf32, #tpu.memory_space<hbm>>
    tpu.enqueue_indirect_dma source(%dma_start3A_1402 : memref<100000x128xf32, #tpu.memory_space<hbm>>) target(%dma_start3A_1392 : memref<100x128xf32, #tpu.memory_space<vmem>>) offsets(%dma_start3A_1399 : memref<100xi32, #tpu.memory_space<vmem>>) semaphore(%arg20 : memref<!tpu.dma_semaphore, #tpu.memory_space<semaphore_mem>>) {add = true}
    %dma_wait3A_1403 = arith.constant 0 : i32
    %dma_wait3A_1404 = tpu.memref_slice %arg5[%mul3A_1368, %dma_wait3A_1403] : memref<204800x128xf32, #tpu.memory_space<hbm>> -> memref<200x128xf32, #tpu.memory_space<hbm>>
    %dma_wait3A_1405 = arith.constant 0 : i32
    %dma_wait3A_1406 = tpu.memref_slice %arg5[%mul3A_1368, %dma_wait3A_1405] : memref<204800x128xf32, #tpu.memory_space<hbm>> -> memref<200x128xf32, #tpu.memory_space<hbm>>
    tpu.wait_dma2 semaphore(%arg22 : memref<!tpu.dma_semaphore, #tpu.memory_space<semaphore_mem>>) src(%arg9 : memref<200x128xf32, #tpu.memory_space<vmem>>) dst(%dma_wait3A_1406 : memref<200x128xf32, #tpu.memory_space<hbm>>)
    tpu.enqueue_dma source(%arg7 : memref<200x128xf32, #tpu.memory_space<vmem_shared>>) target(%arg9 : memref<200x128xf32, #tpu.memory_space<vmem>>) target_semaphore(%arg14 : memref<!tpu.dma_semaphore, #tpu.memory_space<semaphore_mem>>)
    %dma_wait3A_1407 = arith.constant 18 : i32
    %dma_wait3A_1408 = arith.constant 0 : i32
    %dma_wait3A_1409 = arith.constant 0 : i32
    %dma_wait3A_1410 = arith.constant 0 : i32
    %dma_wait3A_1411 = tpu.memref_slice %arg10[%dma_wait3A_1409, %dma_wait3A_1410] : memref<200x128xf32, #tpu.memory_space<vmem>> -> memref<100x128xf32, #tpu.memory_space<vmem>>
    %dma_wait3A_1412 = arith.constant 0 : i32
    %dma_wait3A_1413 = arith.constant 0 : i32
    %dma_wait3A_1414 = tpu.memref_slice %arg6[%dma_wait3A_1407, %dma_wait3A_1412, %dma_wait3A_1413] : memref<32x2x100xi32, #tpu.memory_space<vmem>> -> memref<1x2x100xi32, #tpu.memory_space<vmem>>
    %dma_wait3A_1415 = tpu.memref_squeeze %dma_wait3A_1414 : memref<1x2x100xi32, #tpu.memory_space<vmem>> -> memref<2x100xi32, #tpu.memory_space<vmem>>
    %dma_wait3A_1416 = arith.constant 0 : i32
    %dma_wait3A_1417 = tpu.memref_slice %dma_wait3A_1415[%dma_wait3A_1408, %dma_wait3A_1416] : memref<2x100xi32, #tpu.memory_space<vmem>> -> memref<1x100xi32, #tpu.memory_space<vmem>>
    %dma_wait3A_1418 = tpu.memref_squeeze %dma_wait3A_1417 : memref<1x100xi32, #tpu.memory_space<vmem>> -> memref<100xi32, #tpu.memory_space<vmem>>
    %dma_wait3A_1419 = arith.constant 0 : i32
    %dma_wait3A_1420 = arith.constant 0 : i32
    %dma_wait3A_1421 = tpu.memref_slice %arg2[%dma_wait3A_1419, %dma_wait3A_1420] : memref<100000x128xf32, #tpu.memory_space<hbm>> -> memref<100000x128xf32, #tpu.memory_space<hbm>>
    tpu.wait_indirect_dma semaphore(%arg19 : memref<!tpu.dma_semaphore, #tpu.memory_space<semaphore_mem>>) src(%dma_wait3A_1421 : memref<100000x128xf32, #tpu.memory_space<hbm>>) dst(%dma_wait3A_1411 : memref<100x128xf32, #tpu.memory_space<vmem>>)
    %dma_wait3A_1422 = arith.constant 18 : i32
    %dma_wait3A_1423 = arith.constant 1 : i32
    %dma_wait3A_1424 = arith.constant 100 : i32
    %dma_wait3A_1425 = arith.constant 0 : i32
    %dma_wait3A_1426 = tpu.memref_slice %arg10[%dma_wait3A_1424, %dma_wait3A_1425] : memref<200x128xf32, #tpu.memory_space<vmem>> -> memref<100x128xf32, #tpu.memory_space<vmem>>
    %dma_wait3A_1427 = arith.constant 0 : i32
    %dma_wait3A_1428 = arith.constant 0 : i32
    %dma_wait3A_1429 = tpu.memref_slice %arg6[%dma_wait3A_1422, %dma_wait3A_1427, %dma_wait3A_1428] : memref<32x2x100xi32, #tpu.memory_space<vmem>> -> memref<1x2x100xi32, #tpu.memory_space<vmem>>
    %dma_wait3A_1430 = tpu.memref_squeeze %dma_wait3A_1429 : memref<1x2x100xi32, #tpu.memory_space<vmem>> -> memref<2x100xi32, #tpu.memory_space<vmem>>
    %dma_wait3A_1431 = arith.constant 0 : i32
    %dma_wait3A_1432 = tpu.memref_slice %dma_wait3A_1430[%dma_wait3A_1423, %dma_wait3A_1431] : memref<2x100xi32, #tpu.memory_space<vmem>> -> memref<1x100xi32, #tpu.memory_space<vmem>>
    %dma_wait3A_1433 = tpu.memref_squeeze %dma_wait3A_1432 : memref<1x100xi32, #tpu.memory_space<vmem>> -> memref<100xi32, #tpu.memory_space<vmem>>
    %dma_wait3A_1434 = arith.constant 0 : i32
    %dma_wait3A_1435 = arith.constant 0 : i32
    %dma_wait3A_1436 = tpu.memref_slice %arg2[%dma_wait3A_1434, %dma_wait3A_1435] : memref<100000x128xf32, #tpu.memory_space<hbm>> -> memref<100000x128xf32, #tpu.memory_space<hbm>>
    tpu.wait_indirect_dma semaphore(%arg19 : memref<!tpu.dma_semaphore, #tpu.memory_space<semaphore_mem>>) src(%dma_wait3A_1436 : memref<100000x128xf32, #tpu.memory_space<hbm>>) dst(%dma_wait3A_1426 : memref<100x128xf32, #tpu.memory_space<vmem>>)
    %mul3A_1437 = arith.constant 32 : i32
    %mul3A_1438 = arith.muli %add3A, %mul3A_1437 : i32
    %add3A_1439 = arith.constant 18 : i32
    %add3A_1440 = arith.addi %mul3A_1438, %add3A_1439 : i32
    %mul3A_1441 = arith.constant 200 : i32
    %mul3A_1442 = arith.muli %add3A_1440, %mul3A_1441 : i32
    %dma_start3A_1443 = arith.constant 0 : i32
    %dma_start3A_1444 = tpu.memref_slice %arg5[%mul3A_1442, %dma_start3A_1443] : memref<204800x128xf32, #tpu.memory_space<hbm>> -> memref<200x128xf32, #tpu.memory_space<hbm>>
    %dma_start3A_1445 = arith.constant 0 : i32
    %dma_start3A_1446 = tpu.memref_slice %arg5[%mul3A_1442, %dma_start3A_1445] : memref<204800x128xf32, #tpu.memory_space<hbm>> -> memref<200x128xf32, #tpu.memory_space<hbm>>
    tpu.enqueue_dma source(%arg10 : memref<200x128xf32, #tpu.memory_space<vmem>>) target(%dma_start3A_1446 : memref<200x128xf32, #tpu.memory_space<hbm>>) target_semaphore(%arg23 : memref<!tpu.dma_semaphore, #tpu.memory_space<semaphore_mem>>)
    tpu.wait_dma2 semaphore(%arg13 : memref<!tpu.dma_semaphore, #tpu.memory_space<semaphore_mem>>) src(%arg7 : memref<200x128xf32, #tpu.memory_space<vmem_shared>>) dst(%arg8 : memref<200x128xf32, #tpu.memory_space<vmem>>)
    %dma_start3A_1447 = arith.constant 20 : i32
    %dma_start3A_1448 = arith.constant 0 : i32
    %dma_start3A_1449 = arith.constant 0 : i32
    %dma_start3A_1450 = arith.constant 0 : i32
    %dma_start3A_1451 = tpu.memref_slice %arg8[%dma_start3A_1449, %dma_start3A_1450] : memref<200x128xf32, #tpu.memory_space<vmem>> -> memref<100x128xf32, #tpu.memory_space<vmem>>
    %dma_start3A_1452 = arith.constant 0 : i32
    %dma_start3A_1453 = arith.constant 0 : i32
    %dma_start3A_1454 = tpu.memref_slice %arg6[%dma_start3A_1447, %dma_start3A_1452, %dma_start3A_1453] : memref<32x2x100xi32, #tpu.memory_space<vmem>> -> memref<1x2x100xi32, #tpu.memory_space<vmem>>
    %dma_start3A_1455 = tpu.memref_squeeze %dma_start3A_1454 : memref<1x2x100xi32, #tpu.memory_space<vmem>> -> memref<2x100xi32, #tpu.memory_space<vmem>>
    %dma_start3A_1456 = arith.constant 0 : i32
    %dma_start3A_1457 = tpu.memref_slice %dma_start3A_1455[%dma_start3A_1448, %dma_start3A_1456] : memref<2x100xi32, #tpu.memory_space<vmem>> -> memref<1x100xi32, #tpu.memory_space<vmem>>
    %dma_start3A_1458 = tpu.memref_squeeze %dma_start3A_1457 : memref<1x100xi32, #tpu.memory_space<vmem>> -> memref<100xi32, #tpu.memory_space<vmem>>
    %dma_start3A_1459 = arith.constant 0 : i32
    %dma_start3A_1460 = arith.constant 0 : i32
    %dma_start3A_1461 = tpu.memref_slice %arg2[%dma_start3A_1459, %dma_start3A_1460] : memref<100000x128xf32, #tpu.memory_space<hbm>> -> memref<100000x128xf32, #tpu.memory_space<hbm>>
    tpu.enqueue_indirect_dma source(%dma_start3A_1461 : memref<100000x128xf32, #tpu.memory_space<hbm>>) target(%dma_start3A_1451 : memref<100x128xf32, #tpu.memory_space<vmem>>) offsets(%dma_start3A_1458 : memref<100xi32, #tpu.memory_space<vmem>>) semaphore(%arg17 : memref<!tpu.dma_semaphore, #tpu.memory_space<semaphore_mem>>) {add = true}
    %dma_start3A_1462 = arith.constant 20 : i32
    %dma_start3A_1463 = arith.constant 1 : i32
    %dma_start3A_1464 = arith.constant 100 : i32
    %dma_start3A_1465 = arith.constant 0 : i32
    %dma_start3A_1466 = tpu.memref_slice %arg8[%dma_start3A_1464, %dma_start3A_1465] : memref<200x128xf32, #tpu.memory_space<vmem>> -> memref<100x128xf32, #tpu.memory_space<vmem>>
    %dma_start3A_1467 = arith.constant 0 : i32
    %dma_start3A_1468 = arith.constant 0 : i32
    %dma_start3A_1469 = tpu.memref_slice %arg6[%dma_start3A_1462, %dma_start3A_1467, %dma_start3A_1468] : memref<32x2x100xi32, #tpu.memory_space<vmem>> -> memref<1x2x100xi32, #tpu.memory_space<vmem>>
    %dma_start3A_1470 = tpu.memref_squeeze %dma_start3A_1469 : memref<1x2x100xi32, #tpu.memory_space<vmem>> -> memref<2x100xi32, #tpu.memory_space<vmem>>
    %dma_start3A_1471 = arith.constant 0 : i32
    %dma_start3A_1472 = tpu.memref_slice %dma_start3A_1470[%dma_start3A_1463, %dma_start3A_1471] : memref<2x100xi32, #tpu.memory_space<vmem>> -> memref<1x100xi32, #tpu.memory_space<vmem>>
    %dma_start3A_1473 = tpu.memref_squeeze %dma_start3A_1472 : memref<1x100xi32, #tpu.memory_space<vmem>> -> memref<100xi32, #tpu.memory_space<vmem>>
    %dma_start3A_1474 = arith.constant 0 : i32
    %dma_start3A_1475 = arith.constant 0 : i32
    %dma_start3A_1476 = tpu.memref_slice %arg2[%dma_start3A_1474, %dma_start3A_1475] : memref<100000x128xf32, #tpu.memory_space<hbm>> -> memref<100000x128xf32, #tpu.memory_space<hbm>>
    tpu.enqueue_indirect_dma source(%dma_start3A_1476 : memref<100000x128xf32, #tpu.memory_space<hbm>>) target(%dma_start3A_1466 : memref<100x128xf32, #tpu.memory_space<vmem>>) offsets(%dma_start3A_1473 : memref<100xi32, #tpu.memory_space<vmem>>) semaphore(%arg17 : memref<!tpu.dma_semaphore, #tpu.memory_space<semaphore_mem>>) {add = true}
    %dma_wait3A_1477 = arith.constant 0 : i32
    %dma_wait3A_1478 = tpu.memref_slice %arg5[%mul3A_1442, %dma_wait3A_1477] : memref<204800x128xf32, #tpu.memory_space<hbm>> -> memref<200x128xf32, #tpu.memory_space<hbm>>
    %dma_wait3A_1479 = arith.constant 0 : i32
    %dma_wait3A_1480 = tpu.memref_slice %arg5[%mul3A_1442, %dma_wait3A_1479] : memref<204800x128xf32, #tpu.memory_space<hbm>> -> memref<200x128xf32, #tpu.memory_space<hbm>>
    tpu.wait_dma2 semaphore(%arg23 : memref<!tpu.dma_semaphore, #tpu.memory_space<semaphore_mem>>) src(%arg10 : memref<200x128xf32, #tpu.memory_space<vmem>>) dst(%dma_wait3A_1480 : memref<200x128xf32, #tpu.memory_space<hbm>>)
    tpu.enqueue_dma source(%arg7 : memref<200x128xf32, #tpu.memory_space<vmem_shared>>) target(%arg10 : memref<200x128xf32, #tpu.memory_space<vmem>>) target_semaphore(%arg15 : memref<!tpu.dma_semaphore, #tpu.memory_space<semaphore_mem>>)
    %dma_wait3A_1481 = arith.constant 19 : i32
    %dma_wait3A_1482 = arith.constant 0 : i32
    %dma_wait3A_1483 = arith.constant 0 : i32
    %dma_wait3A_1484 = arith.constant 0 : i32
    %dma_wait3A_1485 = tpu.memref_slice %arg11[%dma_wait3A_1483, %dma_wait3A_1484] : memref<200x128xf32, #tpu.memory_space<vmem>> -> memref<100x128xf32, #tpu.memory_space<vmem>>
    %dma_wait3A_1486 = arith.constant 0 : i32
    %dma_wait3A_1487 = arith.constant 0 : i32
    %dma_wait3A_1488 = tpu.memref_slice %arg6[%dma_wait3A_1481, %dma_wait3A_1486, %dma_wait3A_1487] : memref<32x2x100xi32, #tpu.memory_space<vmem>> -> memref<1x2x100xi32, #tpu.memory_space<vmem>>
    %dma_wait3A_1489 = tpu.memref_squeeze %dma_wait3A_1488 : memref<1x2x100xi32, #tpu.memory_space<vmem>> -> memref<2x100xi32, #tpu.memory_space<vmem>>
    %dma_wait3A_1490 = arith.constant 0 : i32
    %dma_wait3A_1491 = tpu.memref_slice %dma_wait3A_1489[%dma_wait3A_1482, %dma_wait3A_1490] : memref<2x100xi32, #tpu.memory_space<vmem>> -> memref<1x100xi32, #tpu.memory_space<vmem>>
    %dma_wait3A_1492 = tpu.memref_squeeze %dma_wait3A_1491 : memref<1x100xi32, #tpu.memory_space<vmem>> -> memref<100xi32, #tpu.memory_space<vmem>>
    %dma_wait3A_1493 = arith.constant 0 : i32
    %dma_wait3A_1494 = arith.constant 0 : i32
    %dma_wait3A_1495 = tpu.memref_slice %arg2[%dma_wait3A_1493, %dma_wait3A_1494] : memref<100000x128xf32, #tpu.memory_space<hbm>> -> memref<100000x128xf32, #tpu.memory_space<hbm>>
    tpu.wait_indirect_dma semaphore(%arg20 : memref<!tpu.dma_semaphore, #tpu.memory_space<semaphore_mem>>) src(%dma_wait3A_1495 : memref<100000x128xf32, #tpu.memory_space<hbm>>) dst(%dma_wait3A_1485 : memref<100x128xf32, #tpu.memory_space<vmem>>)
    %dma_wait3A_1496 = arith.constant 19 : i32
    %dma_wait3A_1497 = arith.constant 1 : i32
    %dma_wait3A_1498 = arith.constant 100 : i32
    %dma_wait3A_1499 = arith.constant 0 : i32
    %dma_wait3A_1500 = tpu.memref_slice %arg11[%dma_wait3A_1498, %dma_wait3A_1499] : memref<200x128xf32, #tpu.memory_space<vmem>> -> memref<100x128xf32, #tpu.memory_space<vmem>>
    %dma_wait3A_1501 = arith.constant 0 : i32
    %dma_wait3A_1502 = arith.constant 0 : i32
    %dma_wait3A_1503 = tpu.memref_slice %arg6[%dma_wait3A_1496, %dma_wait3A_1501, %dma_wait3A_1502] : memref<32x2x100xi32, #tpu.memory_space<vmem>> -> memref<1x2x100xi32, #tpu.memory_space<vmem>>
    %dma_wait3A_1504 = tpu.memref_squeeze %dma_wait3A_1503 : memref<1x2x100xi32, #tpu.memory_space<vmem>> -> memref<2x100xi32, #tpu.memory_space<vmem>>
    %dma_wait3A_1505 = arith.constant 0 : i32
    %dma_wait3A_1506 = tpu.memref_slice %dma_wait3A_1504[%dma_wait3A_1497, %dma_wait3A_1505] : memref<2x100xi32, #tpu.memory_space<vmem>> -> memref<1x100xi32, #tpu.memory_space<vmem>>
    %dma_wait3A_1507 = tpu.memref_squeeze %dma_wait3A_1506 : memref<1x100xi32, #tpu.memory_space<vmem>> -> memref<100xi32, #tpu.memory_space<vmem>>
    %dma_wait3A_1508 = arith.constant 0 : i32
    %dma_wait3A_1509 = arith.constant 0 : i32
    %dma_wait3A_1510 = tpu.memref_slice %arg2[%dma_wait3A_1508, %dma_wait3A_1509] : memref<100000x128xf32, #tpu.memory_space<hbm>> -> memref<100000x128xf32, #tpu.memory_space<hbm>>
    tpu.wait_indirect_dma semaphore(%arg20 : memref<!tpu.dma_semaphore, #tpu.memory_space<semaphore_mem>>) src(%dma_wait3A_1510 : memref<100000x128xf32, #tpu.memory_space<hbm>>) dst(%dma_wait3A_1500 : memref<100x128xf32, #tpu.memory_space<vmem>>)
    %mul3A_1511 = arith.constant 32 : i32
    %mul3A_1512 = arith.muli %add3A, %mul3A_1511 : i32
    %add3A_1513 = arith.constant 19 : i32
    %add3A_1514 = arith.addi %mul3A_1512, %add3A_1513 : i32
    %mul3A_1515 = arith.constant 200 : i32
    %mul3A_1516 = arith.muli %add3A_1514, %mul3A_1515 : i32
    %dma_start3A_1517 = arith.constant 0 : i32
    %dma_start3A_1518 = tpu.memref_slice %arg5[%mul3A_1516, %dma_start3A_1517] : memref<204800x128xf32, #tpu.memory_space<hbm>> -> memref<200x128xf32, #tpu.memory_space<hbm>>
    %dma_start3A_1519 = arith.constant 0 : i32
    %dma_start3A_1520 = tpu.memref_slice %arg5[%mul3A_1516, %dma_start3A_1519] : memref<204800x128xf32, #tpu.memory_space<hbm>> -> memref<200x128xf32, #tpu.memory_space<hbm>>
    tpu.enqueue_dma source(%arg11 : memref<200x128xf32, #tpu.memory_space<vmem>>) target(%dma_start3A_1520 : memref<200x128xf32, #tpu.memory_space<hbm>>) target_semaphore(%arg24 : memref<!tpu.dma_semaphore, #tpu.memory_space<semaphore_mem>>)
    tpu.wait_dma2 semaphore(%arg14 : memref<!tpu.dma_semaphore, #tpu.memory_space<semaphore_mem>>) src(%arg7 : memref<200x128xf32, #tpu.memory_space<vmem_shared>>) dst(%arg9 : memref<200x128xf32, #tpu.memory_space<vmem>>)
    %dma_start3A_1521 = arith.constant 21 : i32
    %dma_start3A_1522 = arith.constant 0 : i32
    %dma_start3A_1523 = arith.constant 0 : i32
    %dma_start3A_1524 = arith.constant 0 : i32
    %dma_start3A_1525 = tpu.memref_slice %arg9[%dma_start3A_1523, %dma_start3A_1524] : memref<200x128xf32, #tpu.memory_space<vmem>> -> memref<100x128xf32, #tpu.memory_space<vmem>>
    %dma_start3A_1526 = arith.constant 0 : i32
    %dma_start3A_1527 = arith.constant 0 : i32
    %dma_start3A_1528 = tpu.memref_slice %arg6[%dma_start3A_1521, %dma_start3A_1526, %dma_start3A_1527] : memref<32x2x100xi32, #tpu.memory_space<vmem>> -> memref<1x2x100xi32, #tpu.memory_space<vmem>>
    %dma_start3A_1529 = tpu.memref_squeeze %dma_start3A_1528 : memref<1x2x100xi32, #tpu.memory_space<vmem>> -> memref<2x100xi32, #tpu.memory_space<vmem>>
    %dma_start3A_1530 = arith.constant 0 : i32
    %dma_start3A_1531 = tpu.memref_slice %dma_start3A_1529[%dma_start3A_1522, %dma_start3A_1530] : memref<2x100xi32, #tpu.memory_space<vmem>> -> memref<1x100xi32, #tpu.memory_space<vmem>>
    %dma_start3A_1532 = tpu.memref_squeeze %dma_start3A_1531 : memref<1x100xi32, #tpu.memory_space<vmem>> -> memref<100xi32, #tpu.memory_space<vmem>>
    %dma_start3A_1533 = arith.constant 0 : i32
    %dma_start3A_1534 = arith.constant 0 : i32
    %dma_start3A_1535 = tpu.memref_slice %arg2[%dma_start3A_1533, %dma_start3A_1534] : memref<100000x128xf32, #tpu.memory_space<hbm>> -> memref<100000x128xf32, #tpu.memory_space<hbm>>
    tpu.enqueue_indirect_dma source(%dma_start3A_1535 : memref<100000x128xf32, #tpu.memory_space<hbm>>) target(%dma_start3A_1525 : memref<100x128xf32, #tpu.memory_space<vmem>>) offsets(%dma_start3A_1532 : memref<100xi32, #tpu.memory_space<vmem>>) semaphore(%arg18 : memref<!tpu.dma_semaphore, #tpu.memory_space<semaphore_mem>>) {add = true}
    %dma_start3A_1536 = arith.constant 21 : i32
    %dma_start3A_1537 = arith.constant 1 : i32
    %dma_start3A_1538 = arith.constant 100 : i32
    %dma_start3A_1539 = arith.constant 0 : i32
    %dma_start3A_1540 = tpu.memref_slice %arg9[%dma_start3A_1538, %dma_start3A_1539] : memref<200x128xf32, #tpu.memory_space<vmem>> -> memref<100x128xf32, #tpu.memory_space<vmem>>
    %dma_start3A_1541 = arith.constant 0 : i32
    %dma_start3A_1542 = arith.constant 0 : i32
    %dma_start3A_1543 = tpu.memref_slice %arg6[%dma_start3A_1536, %dma_start3A_1541, %dma_start3A_1542] : memref<32x2x100xi32, #tpu.memory_space<vmem>> -> memref<1x2x100xi32, #tpu.memory_space<vmem>>
    %dma_start3A_1544 = tpu.memref_squeeze %dma_start3A_1543 : memref<1x2x100xi32, #tpu.memory_space<vmem>> -> memref<2x100xi32, #tpu.memory_space<vmem>>
    %dma_start3A_1545 = arith.constant 0 : i32
    %dma_start3A_1546 = tpu.memref_slice %dma_start3A_1544[%dma_start3A_1537, %dma_start3A_1545] : memref<2x100xi32, #tpu.memory_space<vmem>> -> memref<1x100xi32, #tpu.memory_space<vmem>>
    %dma_start3A_1547 = tpu.memref_squeeze %dma_start3A_1546 : memref<1x100xi32, #tpu.memory_space<vmem>> -> memref<100xi32, #tpu.memory_space<vmem>>
    %dma_start3A_1548 = arith.constant 0 : i32
    %dma_start3A_1549 = arith.constant 0 : i32
    %dma_start3A_1550 = tpu.memref_slice %arg2[%dma_start3A_1548, %dma_start3A_1549] : memref<100000x128xf32, #tpu.memory_space<hbm>> -> memref<100000x128xf32, #tpu.memory_space<hbm>>
    tpu.enqueue_indirect_dma source(%dma_start3A_1550 : memref<100000x128xf32, #tpu.memory_space<hbm>>) target(%dma_start3A_1540 : memref<100x128xf32, #tpu.memory_space<vmem>>) offsets(%dma_start3A_1547 : memref<100xi32, #tpu.memory_space<vmem>>) semaphore(%arg18 : memref<!tpu.dma_semaphore, #tpu.memory_space<semaphore_mem>>) {add = true}
    %dma_wait3A_1551 = arith.constant 0 : i32
    %dma_wait3A_1552 = tpu.memref_slice %arg5[%mul3A_1516, %dma_wait3A_1551] : memref<204800x128xf32, #tpu.memory_space<hbm>> -> memref<200x128xf32, #tpu.memory_space<hbm>>
    %dma_wait3A_1553 = arith.constant 0 : i32
    %dma_wait3A_1554 = tpu.memref_slice %arg5[%mul3A_1516, %dma_wait3A_1553] : memref<204800x128xf32, #tpu.memory_space<hbm>> -> memref<200x128xf32, #tpu.memory_space<hbm>>
    tpu.wait_dma2 semaphore(%arg24 : memref<!tpu.dma_semaphore, #tpu.memory_space<semaphore_mem>>) src(%arg11 : memref<200x128xf32, #tpu.memory_space<vmem>>) dst(%dma_wait3A_1554 : memref<200x128xf32, #tpu.memory_space<hbm>>)
    tpu.enqueue_dma source(%arg7 : memref<200x128xf32, #tpu.memory_space<vmem_shared>>) target(%arg11 : memref<200x128xf32, #tpu.memory_space<vmem>>) target_semaphore(%arg16 : memref<!tpu.dma_semaphore, #tpu.memory_space<semaphore_mem>>)
    %dma_wait3A_1555 = arith.constant 20 : i32
    %dma_wait3A_1556 = arith.constant 0 : i32
    %dma_wait3A_1557 = arith.constant 0 : i32
    %dma_wait3A_1558 = arith.constant 0 : i32
    %dma_wait3A_1559 = tpu.memref_slice %arg8[%dma_wait3A_1557, %dma_wait3A_1558] : memref<200x128xf32, #tpu.memory_space<vmem>> -> memref<100x128xf32, #tpu.memory_space<vmem>>
    %dma_wait3A_1560 = arith.constant 0 : i32
    %dma_wait3A_1561 = arith.constant 0 : i32
    %dma_wait3A_1562 = tpu.memref_slice %arg6[%dma_wait3A_1555, %dma_wait3A_1560, %dma_wait3A_1561] : memref<32x2x100xi32, #tpu.memory_space<vmem>> -> memref<1x2x100xi32, #tpu.memory_space<vmem>>
    %dma_wait3A_1563 = tpu.memref_squeeze %dma_wait3A_1562 : memref<1x2x100xi32, #tpu.memory_space<vmem>> -> memref<2x100xi32, #tpu.memory_space<vmem>>
    %dma_wait3A_1564 = arith.constant 0 : i32
    %dma_wait3A_1565 = tpu.memref_slice %dma_wait3A_1563[%dma_wait3A_1556, %dma_wait3A_1564] : memref<2x100xi32, #tpu.memory_space<vmem>> -> memref<1x100xi32, #tpu.memory_space<vmem>>
    %dma_wait3A_1566 = tpu.memref_squeeze %dma_wait3A_1565 : memref<1x100xi32, #tpu.memory_space<vmem>> -> memref<100xi32, #tpu.memory_space<vmem>>
    %dma_wait3A_1567 = arith.constant 0 : i32
    %dma_wait3A_1568 = arith.constant 0 : i32
    %dma_wait3A_1569 = tpu.memref_slice %arg2[%dma_wait3A_1567, %dma_wait3A_1568] : memref<100000x128xf32, #tpu.memory_space<hbm>> -> memref<100000x128xf32, #tpu.memory_space<hbm>>
    tpu.wait_indirect_dma semaphore(%arg17 : memref<!tpu.dma_semaphore, #tpu.memory_space<semaphore_mem>>) src(%dma_wait3A_1569 : memref<100000x128xf32, #tpu.memory_space<hbm>>) dst(%dma_wait3A_1559 : memref<100x128xf32, #tpu.memory_space<vmem>>)
    %dma_wait3A_1570 = arith.constant 20 : i32
    %dma_wait3A_1571 = arith.constant 1 : i32
    %dma_wait3A_1572 = arith.constant 100 : i32
    %dma_wait3A_1573 = arith.constant 0 : i32
    %dma_wait3A_1574 = tpu.memref_slice %arg8[%dma_wait3A_1572, %dma_wait3A_1573] : memref<200x128xf32, #tpu.memory_space<vmem>> -> memref<100x128xf32, #tpu.memory_space<vmem>>
    %dma_wait3A_1575 = arith.constant 0 : i32
    %dma_wait3A_1576 = arith.constant 0 : i32
    %dma_wait3A_1577 = tpu.memref_slice %arg6[%dma_wait3A_1570, %dma_wait3A_1575, %dma_wait3A_1576] : memref<32x2x100xi32, #tpu.memory_space<vmem>> -> memref<1x2x100xi32, #tpu.memory_space<vmem>>
    %dma_wait3A_1578 = tpu.memref_squeeze %dma_wait3A_1577 : memref<1x2x100xi32, #tpu.memory_space<vmem>> -> memref<2x100xi32, #tpu.memory_space<vmem>>
    %dma_wait3A_1579 = arith.constant 0 : i32
    %dma_wait3A_1580 = tpu.memref_slice %dma_wait3A_1578[%dma_wait3A_1571, %dma_wait3A_1579] : memref<2x100xi32, #tpu.memory_space<vmem>> -> memref<1x100xi32, #tpu.memory_space<vmem>>
    %dma_wait3A_1581 = tpu.memref_squeeze %dma_wait3A_1580 : memref<1x100xi32, #tpu.memory_space<vmem>> -> memref<100xi32, #tpu.memory_space<vmem>>
    %dma_wait3A_1582 = arith.constant 0 : i32
    %dma_wait3A_1583 = arith.constant 0 : i32
    %dma_wait3A_1584 = tpu.memref_slice %arg2[%dma_wait3A_1582, %dma_wait3A_1583] : memref<100000x128xf32, #tpu.memory_space<hbm>> -> memref<100000x128xf32, #tpu.memory_space<hbm>>
    tpu.wait_indirect_dma semaphore(%arg17 : memref<!tpu.dma_semaphore, #tpu.memory_space<semaphore_mem>>) src(%dma_wait3A_1584 : memref<100000x128xf32, #tpu.memory_space<hbm>>) dst(%dma_wait3A_1574 : memref<100x128xf32, #tpu.memory_space<vmem>>)
    %mul3A_1585 = arith.constant 32 : i32
    %mul3A_1586 = arith.muli %add3A, %mul3A_1585 : i32
    %add3A_1587 = arith.constant 20 : i32
    %add3A_1588 = arith.addi %mul3A_1586, %add3A_1587 : i32
    %mul3A_1589 = arith.constant 200 : i32
    %mul3A_1590 = arith.muli %add3A_1588, %mul3A_1589 : i32
    %dma_start3A_1591 = arith.constant 0 : i32
    %dma_start3A_1592 = tpu.memref_slice %arg5[%mul3A_1590, %dma_start3A_1591] : memref<204800x128xf32, #tpu.memory_space<hbm>> -> memref<200x128xf32, #tpu.memory_space<hbm>>
    %dma_start3A_1593 = arith.constant 0 : i32
    %dma_start3A_1594 = tpu.memref_slice %arg5[%mul3A_1590, %dma_start3A_1593] : memref<204800x128xf32, #tpu.memory_space<hbm>> -> memref<200x128xf32, #tpu.memory_space<hbm>>
    tpu.enqueue_dma source(%arg8 : memref<200x128xf32, #tpu.memory_space<vmem>>) target(%dma_start3A_1594 : memref<200x128xf32, #tpu.memory_space<hbm>>) target_semaphore(%arg21 : memref<!tpu.dma_semaphore, #tpu.memory_space<semaphore_mem>>)
    tpu.wait_dma2 semaphore(%arg15 : memref<!tpu.dma_semaphore, #tpu.memory_space<semaphore_mem>>) src(%arg7 : memref<200x128xf32, #tpu.memory_space<vmem_shared>>) dst(%arg10 : memref<200x128xf32, #tpu.memory_space<vmem>>)
    %dma_start3A_1595 = arith.constant 22 : i32
    %dma_start3A_1596 = arith.constant 0 : i32
    %dma_start3A_1597 = arith.constant 0 : i32
    %dma_start3A_1598 = arith.constant 0 : i32
    %dma_start3A_1599 = tpu.memref_slice %arg10[%dma_start3A_1597, %dma_start3A_1598] : memref<200x128xf32, #tpu.memory_space<vmem>> -> memref<100x128xf32, #tpu.memory_space<vmem>>
    %dma_start3A_1600 = arith.constant 0 : i32
    %dma_start3A_1601 = arith.constant 0 : i32
    %dma_start3A_1602 = tpu.memref_slice %arg6[%dma_start3A_1595, %dma_start3A_1600, %dma_start3A_1601] : memref<32x2x100xi32, #tpu.memory_space<vmem>> -> memref<1x2x100xi32, #tpu.memory_space<vmem>>
    %dma_start3A_1603 = tpu.memref_squeeze %dma_start3A_1602 : memref<1x2x100xi32, #tpu.memory_space<vmem>> -> memref<2x100xi32, #tpu.memory_space<vmem>>
    %dma_start3A_1604 = arith.constant 0 : i32
    %dma_start3A_1605 = tpu.memref_slice %dma_start3A_1603[%dma_start3A_1596, %dma_start3A_1604] : memref<2x100xi32, #tpu.memory_space<vmem>> -> memref<1x100xi32, #tpu.memory_space<vmem>>
    %dma_start3A_1606 = tpu.memref_squeeze %dma_start3A_1605 : memref<1x100xi32, #tpu.memory_space<vmem>> -> memref<100xi32, #tpu.memory_space<vmem>>
    %dma_start3A_1607 = arith.constant 0 : i32
    %dma_start3A_1608 = arith.constant 0 : i32
    %dma_start3A_1609 = tpu.memref_slice %arg2[%dma_start3A_1607, %dma_start3A_1608] : memref<100000x128xf32, #tpu.memory_space<hbm>> -> memref<100000x128xf32, #tpu.memory_space<hbm>>
    tpu.enqueue_indirect_dma source(%dma_start3A_1609 : memref<100000x128xf32, #tpu.memory_space<hbm>>) target(%dma_start3A_1599 : memref<100x128xf32, #tpu.memory_space<vmem>>) offsets(%dma_start3A_1606 : memref<100xi32, #tpu.memory_space<vmem>>) semaphore(%arg19 : memref<!tpu.dma_semaphore, #tpu.memory_space<semaphore_mem>>) {add = true}
    %dma_start3A_1610 = arith.constant 22 : i32
    %dma_start3A_1611 = arith.constant 1 : i32
    %dma_start3A_1612 = arith.constant 100 : i32
    %dma_start3A_1613 = arith.constant 0 : i32
    %dma_start3A_1614 = tpu.memref_slice %arg10[%dma_start3A_1612, %dma_start3A_1613] : memref<200x128xf32, #tpu.memory_space<vmem>> -> memref<100x128xf32, #tpu.memory_space<vmem>>
    %dma_start3A_1615 = arith.constant 0 : i32
    %dma_start3A_1616 = arith.constant 0 : i32
    %dma_start3A_1617 = tpu.memref_slice %arg6[%dma_start3A_1610, %dma_start3A_1615, %dma_start3A_1616] : memref<32x2x100xi32, #tpu.memory_space<vmem>> -> memref<1x2x100xi32, #tpu.memory_space<vmem>>
    %dma_start3A_1618 = tpu.memref_squeeze %dma_start3A_1617 : memref<1x2x100xi32, #tpu.memory_space<vmem>> -> memref<2x100xi32, #tpu.memory_space<vmem>>
    %dma_start3A_1619 = arith.constant 0 : i32
    %dma_start3A_1620 = tpu.memref_slice %dma_start3A_1618[%dma_start3A_1611, %dma_start3A_1619] : memref<2x100xi32, #tpu.memory_space<vmem>> -> memref<1x100xi32, #tpu.memory_space<vmem>>
    %dma_start3A_1621 = tpu.memref_squeeze %dma_start3A_1620 : memref<1x100xi32, #tpu.memory_space<vmem>> -> memref<100xi32, #tpu.memory_space<vmem>>
    %dma_start3A_1622 = arith.constant 0 : i32
    %dma_start3A_1623 = arith.constant 0 : i32
    %dma_start3A_1624 = tpu.memref_slice %arg2[%dma_start3A_1622, %dma_start3A_1623] : memref<100000x128xf32, #tpu.memory_space<hbm>> -> memref<100000x128xf32, #tpu.memory_space<hbm>>
    tpu.enqueue_indirect_dma source(%dma_start3A_1624 : memref<100000x128xf32, #tpu.memory_space<hbm>>) target(%dma_start3A_1614 : memref<100x128xf32, #tpu.memory_space<vmem>>) offsets(%dma_start3A_1621 : memref<100xi32, #tpu.memory_space<vmem>>) semaphore(%arg19 : memref<!tpu.dma_semaphore, #tpu.memory_space<semaphore_mem>>) {add = true}
    %dma_wait3A_1625 = arith.constant 0 : i32
    %dma_wait3A_1626 = tpu.memref_slice %arg5[%mul3A_1590, %dma_wait3A_1625] : memref<204800x128xf32, #tpu.memory_space<hbm>> -> memref<200x128xf32, #tpu.memory_space<hbm>>
    %dma_wait3A_1627 = arith.constant 0 : i32
    %dma_wait3A_1628 = tpu.memref_slice %arg5[%mul3A_1590, %dma_wait3A_1627] : memref<204800x128xf32, #tpu.memory_space<hbm>> -> memref<200x128xf32, #tpu.memory_space<hbm>>
    tpu.wait_dma2 semaphore(%arg21 : memref<!tpu.dma_semaphore, #tpu.memory_space<semaphore_mem>>) src(%arg8 : memref<200x128xf32, #tpu.memory_space<vmem>>) dst(%dma_wait3A_1628 : memref<200x128xf32, #tpu.memory_space<hbm>>)
    tpu.enqueue_dma source(%arg7 : memref<200x128xf32, #tpu.memory_space<vmem_shared>>) target(%arg8 : memref<200x128xf32, #tpu.memory_space<vmem>>) target_semaphore(%arg13 : memref<!tpu.dma_semaphore, #tpu.memory_space<semaphore_mem>>)
    %dma_wait3A_1629 = arith.constant 21 : i32
    %dma_wait3A_1630 = arith.constant 0 : i32
    %dma_wait3A_1631 = arith.constant 0 : i32
    %dma_wait3A_1632 = arith.constant 0 : i32
    %dma_wait3A_1633 = tpu.memref_slice %arg9[%dma_wait3A_1631, %dma_wait3A_1632] : memref<200x128xf32, #tpu.memory_space<vmem>> -> memref<100x128xf32, #tpu.memory_space<vmem>>
    %dma_wait3A_1634 = arith.constant 0 : i32
    %dma_wait3A_1635 = arith.constant 0 : i32
    %dma_wait3A_1636 = tpu.memref_slice %arg6[%dma_wait3A_1629, %dma_wait3A_1634, %dma_wait3A_1635] : memref<32x2x100xi32, #tpu.memory_space<vmem>> -> memref<1x2x100xi32, #tpu.memory_space<vmem>>
    %dma_wait3A_1637 = tpu.memref_squeeze %dma_wait3A_1636 : memref<1x2x100xi32, #tpu.memory_space<vmem>> -> memref<2x100xi32, #tpu.memory_space<vmem>>
    %dma_wait3A_1638 = arith.constant 0 : i32
    %dma_wait3A_1639 = tpu.memref_slice %dma_wait3A_1637[%dma_wait3A_1630, %dma_wait3A_1638] : memref<2x100xi32, #tpu.memory_space<vmem>> -> memref<1x100xi32, #tpu.memory_space<vmem>>
    %dma_wait3A_1640 = tpu.memref_squeeze %dma_wait3A_1639 : memref<1x100xi32, #tpu.memory_space<vmem>> -> memref<100xi32, #tpu.memory_space<vmem>>
    %dma_wait3A_1641 = arith.constant 0 : i32
    %dma_wait3A_1642 = arith.constant 0 : i32
    %dma_wait3A_1643 = tpu.memref_slice %arg2[%dma_wait3A_1641, %dma_wait3A_1642] : memref<100000x128xf32, #tpu.memory_space<hbm>> -> memref<100000x128xf32, #tpu.memory_space<hbm>>
    tpu.wait_indirect_dma semaphore(%arg18 : memref<!tpu.dma_semaphore, #tpu.memory_space<semaphore_mem>>) src(%dma_wait3A_1643 : memref<100000x128xf32, #tpu.memory_space<hbm>>) dst(%dma_wait3A_1633 : memref<100x128xf32, #tpu.memory_space<vmem>>)
    %dma_wait3A_1644 = arith.constant 21 : i32
    %dma_wait3A_1645 = arith.constant 1 : i32
    %dma_wait3A_1646 = arith.constant 100 : i32
    %dma_wait3A_1647 = arith.constant 0 : i32
    %dma_wait3A_1648 = tpu.memref_slice %arg9[%dma_wait3A_1646, %dma_wait3A_1647] : memref<200x128xf32, #tpu.memory_space<vmem>> -> memref<100x128xf32, #tpu.memory_space<vmem>>
    %dma_wait3A_1649 = arith.constant 0 : i32
    %dma_wait3A_1650 = arith.constant 0 : i32
    %dma_wait3A_1651 = tpu.memref_slice %arg6[%dma_wait3A_1644, %dma_wait3A_1649, %dma_wait3A_1650] : memref<32x2x100xi32, #tpu.memory_space<vmem>> -> memref<1x2x100xi32, #tpu.memory_space<vmem>>
    %dma_wait3A_1652 = tpu.memref_squeeze %dma_wait3A_1651 : memref<1x2x100xi32, #tpu.memory_space<vmem>> -> memref<2x100xi32, #tpu.memory_space<vmem>>
    %dma_wait3A_1653 = arith.constant 0 : i32
    %dma_wait3A_1654 = tpu.memref_slice %dma_wait3A_1652[%dma_wait3A_1645, %dma_wait3A_1653] : memref<2x100xi32, #tpu.memory_space<vmem>> -> memref<1x100xi32, #tpu.memory_space<vmem>>
    %dma_wait3A_1655 = tpu.memref_squeeze %dma_wait3A_1654 : memref<1x100xi32, #tpu.memory_space<vmem>> -> memref<100xi32, #tpu.memory_space<vmem>>
    %dma_wait3A_1656 = arith.constant 0 : i32
    %dma_wait3A_1657 = arith.constant 0 : i32
    %dma_wait3A_1658 = tpu.memref_slice %arg2[%dma_wait3A_1656, %dma_wait3A_1657] : memref<100000x128xf32, #tpu.memory_space<hbm>> -> memref<100000x128xf32, #tpu.memory_space<hbm>>
    tpu.wait_indirect_dma semaphore(%arg18 : memref<!tpu.dma_semaphore, #tpu.memory_space<semaphore_mem>>) src(%dma_wait3A_1658 : memref<100000x128xf32, #tpu.memory_space<hbm>>) dst(%dma_wait3A_1648 : memref<100x128xf32, #tpu.memory_space<vmem>>)
    %mul3A_1659 = arith.constant 32 : i32
    %mul3A_1660 = arith.muli %add3A, %mul3A_1659 : i32
    %add3A_1661 = arith.constant 21 : i32
    %add3A_1662 = arith.addi %mul3A_1660, %add3A_1661 : i32
    %mul3A_1663 = arith.constant 200 : i32
    %mul3A_1664 = arith.muli %add3A_1662, %mul3A_1663 : i32
    %dma_start3A_1665 = arith.constant 0 : i32
    %dma_start3A_1666 = tpu.memref_slice %arg5[%mul3A_1664, %dma_start3A_1665] : memref<204800x128xf32, #tpu.memory_space<hbm>> -> memref<200x128xf32, #tpu.memory_space<hbm>>
    %dma_start3A_1667 = arith.constant 0 : i32
    %dma_start3A_1668 = tpu.memref_slice %arg5[%mul3A_1664, %dma_start3A_1667] : memref<204800x128xf32, #tpu.memory_space<hbm>> -> memref<200x128xf32, #tpu.memory_space<hbm>>
    tpu.enqueue_dma source(%arg9 : memref<200x128xf32, #tpu.memory_space<vmem>>) target(%dma_start3A_1668 : memref<200x128xf32, #tpu.memory_space<hbm>>) target_semaphore(%arg22 : memref<!tpu.dma_semaphore, #tpu.memory_space<semaphore_mem>>)
    tpu.wait_dma2 semaphore(%arg16 : memref<!tpu.dma_semaphore, #tpu.memory_space<semaphore_mem>>) src(%arg7 : memref<200x128xf32, #tpu.memory_space<vmem_shared>>) dst(%arg11 : memref<200x128xf32, #tpu.memory_space<vmem>>)
    %dma_start3A_1669 = arith.constant 23 : i32
    %dma_start3A_1670 = arith.constant 0 : i32
    %dma_start3A_1671 = arith.constant 0 : i32
    %dma_start3A_1672 = arith.constant 0 : i32
    %dma_start3A_1673 = tpu.memref_slice %arg11[%dma_start3A_1671, %dma_start3A_1672] : memref<200x128xf32, #tpu.memory_space<vmem>> -> memref<100x128xf32, #tpu.memory_space<vmem>>
    %dma_start3A_1674 = arith.constant 0 : i32
    %dma_start3A_1675 = arith.constant 0 : i32
    %dma_start3A_1676 = tpu.memref_slice %arg6[%dma_start3A_1669, %dma_start3A_1674, %dma_start3A_1675] : memref<32x2x100xi32, #tpu.memory_space<vmem>> -> memref<1x2x100xi32, #tpu.memory_space<vmem>>
    %dma_start3A_1677 = tpu.memref_squeeze %dma_start3A_1676 : memref<1x2x100xi32, #tpu.memory_space<vmem>> -> memref<2x100xi32, #tpu.memory_space<vmem>>
    %dma_start3A_1678 = arith.constant 0 : i32
    %dma_start3A_1679 = tpu.memref_slice %dma_start3A_1677[%dma_start3A_1670, %dma_start3A_1678] : memref<2x100xi32, #tpu.memory_space<vmem>> -> memref<1x100xi32, #tpu.memory_space<vmem>>
    %dma_start3A_1680 = tpu.memref_squeeze %dma_start3A_1679 : memref<1x100xi32, #tpu.memory_space<vmem>> -> memref<100xi32, #tpu.memory_space<vmem>>
    %dma_start3A_1681 = arith.constant 0 : i32
    %dma_start3A_1682 = arith.constant 0 : i32
    %dma_start3A_1683 = tpu.memref_slice %arg2[%dma_start3A_1681, %dma_start3A_1682] : memref<100000x128xf32, #tpu.memory_space<hbm>> -> memref<100000x128xf32, #tpu.memory_space<hbm>>
    tpu.enqueue_indirect_dma source(%dma_start3A_1683 : memref<100000x128xf32, #tpu.memory_space<hbm>>) target(%dma_start3A_1673 : memref<100x128xf32, #tpu.memory_space<vmem>>) offsets(%dma_start3A_1680 : memref<100xi32, #tpu.memory_space<vmem>>) semaphore(%arg20 : memref<!tpu.dma_semaphore, #tpu.memory_space<semaphore_mem>>) {add = true}
    %dma_start3A_1684 = arith.constant 23 : i32
    %dma_start3A_1685 = arith.constant 1 : i32
    %dma_start3A_1686 = arith.constant 100 : i32
    %dma_start3A_1687 = arith.constant 0 : i32
    %dma_start3A_1688 = tpu.memref_slice %arg11[%dma_start3A_1686, %dma_start3A_1687] : memref<200x128xf32, #tpu.memory_space<vmem>> -> memref<100x128xf32, #tpu.memory_space<vmem>>
    %dma_start3A_1689 = arith.constant 0 : i32
    %dma_start3A_1690 = arith.constant 0 : i32
    %dma_start3A_1691 = tpu.memref_slice %arg6[%dma_start3A_1684, %dma_start3A_1689, %dma_start3A_1690] : memref<32x2x100xi32, #tpu.memory_space<vmem>> -> memref<1x2x100xi32, #tpu.memory_space<vmem>>
    %dma_start3A_1692 = tpu.memref_squeeze %dma_start3A_1691 : memref<1x2x100xi32, #tpu.memory_space<vmem>> -> memref<2x100xi32, #tpu.memory_space<vmem>>
    %dma_start3A_1693 = arith.constant 0 : i32
    %dma_start3A_1694 = tpu.memref_slice %dma_start3A_1692[%dma_start3A_1685, %dma_start3A_1693] : memref<2x100xi32, #tpu.memory_space<vmem>> -> memref<1x100xi32, #tpu.memory_space<vmem>>
    %dma_start3A_1695 = tpu.memref_squeeze %dma_start3A_1694 : memref<1x100xi32, #tpu.memory_space<vmem>> -> memref<100xi32, #tpu.memory_space<vmem>>
    %dma_start3A_1696 = arith.constant 0 : i32
    %dma_start3A_1697 = arith.constant 0 : i32
    %dma_start3A_1698 = tpu.memref_slice %arg2[%dma_start3A_1696, %dma_start3A_1697] : memref<100000x128xf32, #tpu.memory_space<hbm>> -> memref<100000x128xf32, #tpu.memory_space<hbm>>
    tpu.enqueue_indirect_dma source(%dma_start3A_1698 : memref<100000x128xf32, #tpu.memory_space<hbm>>) target(%dma_start3A_1688 : memref<100x128xf32, #tpu.memory_space<vmem>>) offsets(%dma_start3A_1695 : memref<100xi32, #tpu.memory_space<vmem>>) semaphore(%arg20 : memref<!tpu.dma_semaphore, #tpu.memory_space<semaphore_mem>>) {add = true}
    %dma_wait3A_1699 = arith.constant 0 : i32
    %dma_wait3A_1700 = tpu.memref_slice %arg5[%mul3A_1664, %dma_wait3A_1699] : memref<204800x128xf32, #tpu.memory_space<hbm>> -> memref<200x128xf32, #tpu.memory_space<hbm>>
    %dma_wait3A_1701 = arith.constant 0 : i32
    %dma_wait3A_1702 = tpu.memref_slice %arg5[%mul3A_1664, %dma_wait3A_1701] : memref<204800x128xf32, #tpu.memory_space<hbm>> -> memref<200x128xf32, #tpu.memory_space<hbm>>
    tpu.wait_dma2 semaphore(%arg22 : memref<!tpu.dma_semaphore, #tpu.memory_space<semaphore_mem>>) src(%arg9 : memref<200x128xf32, #tpu.memory_space<vmem>>) dst(%dma_wait3A_1702 : memref<200x128xf32, #tpu.memory_space<hbm>>)
    tpu.enqueue_dma source(%arg7 : memref<200x128xf32, #tpu.memory_space<vmem_shared>>) target(%arg9 : memref<200x128xf32, #tpu.memory_space<vmem>>) target_semaphore(%arg14 : memref<!tpu.dma_semaphore, #tpu.memory_space<semaphore_mem>>)
    %dma_wait3A_1703 = arith.constant 22 : i32
    %dma_wait3A_1704 = arith.constant 0 : i32
    %dma_wait3A_1705 = arith.constant 0 : i32
    %dma_wait3A_1706 = arith.constant 0 : i32
    %dma_wait3A_1707 = tpu.memref_slice %arg10[%dma_wait3A_1705, %dma_wait3A_1706] : memref<200x128xf32, #tpu.memory_space<vmem>> -> memref<100x128xf32, #tpu.memory_space<vmem>>
    %dma_wait3A_1708 = arith.constant 0 : i32
    %dma_wait3A_1709 = arith.constant 0 : i32
    %dma_wait3A_1710 = tpu.memref_slice %arg6[%dma_wait3A_1703, %dma_wait3A_1708, %dma_wait3A_1709] : memref<32x2x100xi32, #tpu.memory_space<vmem>> -> memref<1x2x100xi32, #tpu.memory_space<vmem>>
    %dma_wait3A_1711 = tpu.memref_squeeze %dma_wait3A_1710 : memref<1x2x100xi32, #tpu.memory_space<vmem>> -> memref<2x100xi32, #tpu.memory_space<vmem>>
    %dma_wait3A_1712 = arith.constant 0 : i32
    %dma_wait3A_1713 = tpu.memref_slice %dma_wait3A_1711[%dma_wait3A_1704, %dma_wait3A_1712] : memref<2x100xi32, #tpu.memory_space<vmem>> -> memref<1x100xi32, #tpu.memory_space<vmem>>
    %dma_wait3A_1714 = tpu.memref_squeeze %dma_wait3A_1713 : memref<1x100xi32, #tpu.memory_space<vmem>> -> memref<100xi32, #tpu.memory_space<vmem>>
    %dma_wait3A_1715 = arith.constant 0 : i32
    %dma_wait3A_1716 = arith.constant 0 : i32
    %dma_wait3A_1717 = tpu.memref_slice %arg2[%dma_wait3A_1715, %dma_wait3A_1716] : memref<100000x128xf32, #tpu.memory_space<hbm>> -> memref<100000x128xf32, #tpu.memory_space<hbm>>
    tpu.wait_indirect_dma semaphore(%arg19 : memref<!tpu.dma_semaphore, #tpu.memory_space<semaphore_mem>>) src(%dma_wait3A_1717 : memref<100000x128xf32, #tpu.memory_space<hbm>>) dst(%dma_wait3A_1707 : memref<100x128xf32, #tpu.memory_space<vmem>>)
    %dma_wait3A_1718 = arith.constant 22 : i32
    %dma_wait3A_1719 = arith.constant 1 : i32
    %dma_wait3A_1720 = arith.constant 100 : i32
    %dma_wait3A_1721 = arith.constant 0 : i32
    %dma_wait3A_1722 = tpu.memref_slice %arg10[%dma_wait3A_1720, %dma_wait3A_1721] : memref<200x128xf32, #tpu.memory_space<vmem>> -> memref<100x128xf32, #tpu.memory_space<vmem>>
    %dma_wait3A_1723 = arith.constant 0 : i32
    %dma_wait3A_1724 = arith.constant 0 : i32
    %dma_wait3A_1725 = tpu.memref_slice %arg6[%dma_wait3A_1718, %dma_wait3A_1723, %dma_wait3A_1724] : memref<32x2x100xi32, #tpu.memory_space<vmem>> -> memref<1x2x100xi32, #tpu.memory_space<vmem>>
    %dma_wait3A_1726 = tpu.memref_squeeze %dma_wait3A_1725 : memref<1x2x100xi32, #tpu.memory_space<vmem>> -> memref<2x100xi32, #tpu.memory_space<vmem>>
    %dma_wait3A_1727 = arith.constant 0 : i32
    %dma_wait3A_1728 = tpu.memref_slice %dma_wait3A_1726[%dma_wait3A_1719, %dma_wait3A_1727] : memref<2x100xi32, #tpu.memory_space<vmem>> -> memref<1x100xi32, #tpu.memory_space<vmem>>
    %dma_wait3A_1729 = tpu.memref_squeeze %dma_wait3A_1728 : memref<1x100xi32, #tpu.memory_space<vmem>> -> memref<100xi32, #tpu.memory_space<vmem>>
    %dma_wait3A_1730 = arith.constant 0 : i32
    %dma_wait3A_1731 = arith.constant 0 : i32
    %dma_wait3A_1732 = tpu.memref_slice %arg2[%dma_wait3A_1730, %dma_wait3A_1731] : memref<100000x128xf32, #tpu.memory_space<hbm>> -> memref<100000x128xf32, #tpu.memory_space<hbm>>
    tpu.wait_indirect_dma semaphore(%arg19 : memref<!tpu.dma_semaphore, #tpu.memory_space<semaphore_mem>>) src(%dma_wait3A_1732 : memref<100000x128xf32, #tpu.memory_space<hbm>>) dst(%dma_wait3A_1722 : memref<100x128xf32, #tpu.memory_space<vmem>>)
    %mul3A_1733 = arith.constant 32 : i32
    %mul3A_1734 = arith.muli %add3A, %mul3A_1733 : i32
    %add3A_1735 = arith.constant 22 : i32
    %add3A_1736 = arith.addi %mul3A_1734, %add3A_1735 : i32
    %mul3A_1737 = arith.constant 200 : i32
    %mul3A_1738 = arith.muli %add3A_1736, %mul3A_1737 : i32
    %dma_start3A_1739 = arith.constant 0 : i32
    %dma_start3A_1740 = tpu.memref_slice %arg5[%mul3A_1738, %dma_start3A_1739] : memref<204800x128xf32, #tpu.memory_space<hbm>> -> memref<200x128xf32, #tpu.memory_space<hbm>>
    %dma_start3A_1741 = arith.constant 0 : i32
    %dma_start3A_1742 = tpu.memref_slice %arg5[%mul3A_1738, %dma_start3A_1741] : memref<204800x128xf32, #tpu.memory_space<hbm>> -> memref<200x128xf32, #tpu.memory_space<hbm>>
    tpu.enqueue_dma source(%arg10 : memref<200x128xf32, #tpu.memory_space<vmem>>) target(%dma_start3A_1742 : memref<200x128xf32, #tpu.memory_space<hbm>>) target_semaphore(%arg23 : memref<!tpu.dma_semaphore, #tpu.memory_space<semaphore_mem>>)
    tpu.wait_dma2 semaphore(%arg13 : memref<!tpu.dma_semaphore, #tpu.memory_space<semaphore_mem>>) src(%arg7 : memref<200x128xf32, #tpu.memory_space<vmem_shared>>) dst(%arg8 : memref<200x128xf32, #tpu.memory_space<vmem>>)
    %dma_start3A_1743 = arith.constant 24 : i32
    %dma_start3A_1744 = arith.constant 0 : i32
    %dma_start3A_1745 = arith.constant 0 : i32
    %dma_start3A_1746 = arith.constant 0 : i32
    %dma_start3A_1747 = tpu.memref_slice %arg8[%dma_start3A_1745, %dma_start3A_1746] : memref<200x128xf32, #tpu.memory_space<vmem>> -> memref<100x128xf32, #tpu.memory_space<vmem>>
    %dma_start3A_1748 = arith.constant 0 : i32
    %dma_start3A_1749 = arith.constant 0 : i32
    %dma_start3A_1750 = tpu.memref_slice %arg6[%dma_start3A_1743, %dma_start3A_1748, %dma_start3A_1749] : memref<32x2x100xi32, #tpu.memory_space<vmem>> -> memref<1x2x100xi32, #tpu.memory_space<vmem>>
    %dma_start3A_1751 = tpu.memref_squeeze %dma_start3A_1750 : memref<1x2x100xi32, #tpu.memory_space<vmem>> -> memref<2x100xi32, #tpu.memory_space<vmem>>
    %dma_start3A_1752 = arith.constant 0 : i32
    %dma_start3A_1753 = tpu.memref_slice %dma_start3A_1751[%dma_start3A_1744, %dma_start3A_1752] : memref<2x100xi32, #tpu.memory_space<vmem>> -> memref<1x100xi32, #tpu.memory_space<vmem>>
    %dma_start3A_1754 = tpu.memref_squeeze %dma_start3A_1753 : memref<1x100xi32, #tpu.memory_space<vmem>> -> memref<100xi32, #tpu.memory_space<vmem>>
    %dma_start3A_1755 = arith.constant 0 : i32
    %dma_start3A_1756 = arith.constant 0 : i32
    %dma_start3A_1757 = tpu.memref_slice %arg2[%dma_start3A_1755, %dma_start3A_1756] : memref<100000x128xf32, #tpu.memory_space<hbm>> -> memref<100000x128xf32, #tpu.memory_space<hbm>>
    tpu.enqueue_indirect_dma source(%dma_start3A_1757 : memref<100000x128xf32, #tpu.memory_space<hbm>>) target(%dma_start3A_1747 : memref<100x128xf32, #tpu.memory_space<vmem>>) offsets(%dma_start3A_1754 : memref<100xi32, #tpu.memory_space<vmem>>) semaphore(%arg17 : memref<!tpu.dma_semaphore, #tpu.memory_space<semaphore_mem>>) {add = true}
    %dma_start3A_1758 = arith.constant 24 : i32
    %dma_start3A_1759 = arith.constant 1 : i32
    %dma_start3A_1760 = arith.constant 100 : i32
    %dma_start3A_1761 = arith.constant 0 : i32
    %dma_start3A_1762 = tpu.memref_slice %arg8[%dma_start3A_1760, %dma_start3A_1761] : memref<200x128xf32, #tpu.memory_space<vmem>> -> memref<100x128xf32, #tpu.memory_space<vmem>>
    %dma_start3A_1763 = arith.constant 0 : i32
    %dma_start3A_1764 = arith.constant 0 : i32
    %dma_start3A_1765 = tpu.memref_slice %arg6[%dma_start3A_1758, %dma_start3A_1763, %dma_start3A_1764] : memref<32x2x100xi32, #tpu.memory_space<vmem>> -> memref<1x2x100xi32, #tpu.memory_space<vmem>>
    %dma_start3A_1766 = tpu.memref_squeeze %dma_start3A_1765 : memref<1x2x100xi32, #tpu.memory_space<vmem>> -> memref<2x100xi32, #tpu.memory_space<vmem>>
    %dma_start3A_1767 = arith.constant 0 : i32
    %dma_start3A_1768 = tpu.memref_slice %dma_start3A_1766[%dma_start3A_1759, %dma_start3A_1767] : memref<2x100xi32, #tpu.memory_space<vmem>> -> memref<1x100xi32, #tpu.memory_space<vmem>>
    %dma_start3A_1769 = tpu.memref_squeeze %dma_start3A_1768 : memref<1x100xi32, #tpu.memory_space<vmem>> -> memref<100xi32, #tpu.memory_space<vmem>>
    %dma_start3A_1770 = arith.constant 0 : i32
    %dma_start3A_1771 = arith.constant 0 : i32
    %dma_start3A_1772 = tpu.memref_slice %arg2[%dma_start3A_1770, %dma_start3A_1771] : memref<100000x128xf32, #tpu.memory_space<hbm>> -> memref<100000x128xf32, #tpu.memory_space<hbm>>
    tpu.enqueue_indirect_dma source(%dma_start3A_1772 : memref<100000x128xf32, #tpu.memory_space<hbm>>) target(%dma_start3A_1762 : memref<100x128xf32, #tpu.memory_space<vmem>>) offsets(%dma_start3A_1769 : memref<100xi32, #tpu.memory_space<vmem>>) semaphore(%arg17 : memref<!tpu.dma_semaphore, #tpu.memory_space<semaphore_mem>>) {add = true}
    %dma_wait3A_1773 = arith.constant 0 : i32
    %dma_wait3A_1774 = tpu.memref_slice %arg5[%mul3A_1738, %dma_wait3A_1773] : memref<204800x128xf32, #tpu.memory_space<hbm>> -> memref<200x128xf32, #tpu.memory_space<hbm>>
    %dma_wait3A_1775 = arith.constant 0 : i32
    %dma_wait3A_1776 = tpu.memref_slice %arg5[%mul3A_1738, %dma_wait3A_1775] : memref<204800x128xf32, #tpu.memory_space<hbm>> -> memref<200x128xf32, #tpu.memory_space<hbm>>
    tpu.wait_dma2 semaphore(%arg23 : memref<!tpu.dma_semaphore, #tpu.memory_space<semaphore_mem>>) src(%arg10 : memref<200x128xf32, #tpu.memory_space<vmem>>) dst(%dma_wait3A_1776 : memref<200x128xf32, #tpu.memory_space<hbm>>)
    tpu.enqueue_dma source(%arg7 : memref<200x128xf32, #tpu.memory_space<vmem_shared>>) target(%arg10 : memref<200x128xf32, #tpu.memory_space<vmem>>) target_semaphore(%arg15 : memref<!tpu.dma_semaphore, #tpu.memory_space<semaphore_mem>>)
    %dma_wait3A_1777 = arith.constant 23 : i32
    %dma_wait3A_1778 = arith.constant 0 : i32
    %dma_wait3A_1779 = arith.constant 0 : i32
    %dma_wait3A_1780 = arith.constant 0 : i32
    %dma_wait3A_1781 = tpu.memref_slice %arg11[%dma_wait3A_1779, %dma_wait3A_1780] : memref<200x128xf32, #tpu.memory_space<vmem>> -> memref<100x128xf32, #tpu.memory_space<vmem>>
    %dma_wait3A_1782 = arith.constant 0 : i32
    %dma_wait3A_1783 = arith.constant 0 : i32
    %dma_wait3A_1784 = tpu.memref_slice %arg6[%dma_wait3A_1777, %dma_wait3A_1782, %dma_wait3A_1783] : memref<32x2x100xi32, #tpu.memory_space<vmem>> -> memref<1x2x100xi32, #tpu.memory_space<vmem>>
    %dma_wait3A_1785 = tpu.memref_squeeze %dma_wait3A_1784 : memref<1x2x100xi32, #tpu.memory_space<vmem>> -> memref<2x100xi32, #tpu.memory_space<vmem>>
    %dma_wait3A_1786 = arith.constant 0 : i32
    %dma_wait3A_1787 = tpu.memref_slice %dma_wait3A_1785[%dma_wait3A_1778, %dma_wait3A_1786] : memref<2x100xi32, #tpu.memory_space<vmem>> -> memref<1x100xi32, #tpu.memory_space<vmem>>
    %dma_wait3A_1788 = tpu.memref_squeeze %dma_wait3A_1787 : memref<1x100xi32, #tpu.memory_space<vmem>> -> memref<100xi32, #tpu.memory_space<vmem>>
    %dma_wait3A_1789 = arith.constant 0 : i32
    %dma_wait3A_1790 = arith.constant 0 : i32
    %dma_wait3A_1791 = tpu.memref_slice %arg2[%dma_wait3A_1789, %dma_wait3A_1790] : memref<100000x128xf32, #tpu.memory_space<hbm>> -> memref<100000x128xf32, #tpu.memory_space<hbm>>
    tpu.wait_indirect_dma semaphore(%arg20 : memref<!tpu.dma_semaphore, #tpu.memory_space<semaphore_mem>>) src(%dma_wait3A_1791 : memref<100000x128xf32, #tpu.memory_space<hbm>>) dst(%dma_wait3A_1781 : memref<100x128xf32, #tpu.memory_space<vmem>>)
    %dma_wait3A_1792 = arith.constant 23 : i32
    %dma_wait3A_1793 = arith.constant 1 : i32
    %dma_wait3A_1794 = arith.constant 100 : i32
    %dma_wait3A_1795 = arith.constant 0 : i32
    %dma_wait3A_1796 = tpu.memref_slice %arg11[%dma_wait3A_1794, %dma_wait3A_1795] : memref<200x128xf32, #tpu.memory_space<vmem>> -> memref<100x128xf32, #tpu.memory_space<vmem>>
    %dma_wait3A_1797 = arith.constant 0 : i32
    %dma_wait3A_1798 = arith.constant 0 : i32
    %dma_wait3A_1799 = tpu.memref_slice %arg6[%dma_wait3A_1792, %dma_wait3A_1797, %dma_wait3A_1798] : memref<32x2x100xi32, #tpu.memory_space<vmem>> -> memref<1x2x100xi32, #tpu.memory_space<vmem>>
    %dma_wait3A_1800 = tpu.memref_squeeze %dma_wait3A_1799 : memref<1x2x100xi32, #tpu.memory_space<vmem>> -> memref<2x100xi32, #tpu.memory_space<vmem>>
    %dma_wait3A_1801 = arith.constant 0 : i32
    %dma_wait3A_1802 = tpu.memref_slice %dma_wait3A_1800[%dma_wait3A_1793, %dma_wait3A_1801] : memref<2x100xi32, #tpu.memory_space<vmem>> -> memref<1x100xi32, #tpu.memory_space<vmem>>
    %dma_wait3A_1803 = tpu.memref_squeeze %dma_wait3A_1802 : memref<1x100xi32, #tpu.memory_space<vmem>> -> memref<100xi32, #tpu.memory_space<vmem>>
    %dma_wait3A_1804 = arith.constant 0 : i32
    %dma_wait3A_1805 = arith.constant 0 : i32
    %dma_wait3A_1806 = tpu.memref_slice %arg2[%dma_wait3A_1804, %dma_wait3A_1805] : memref<100000x128xf32, #tpu.memory_space<hbm>> -> memref<100000x128xf32, #tpu.memory_space<hbm>>
    tpu.wait_indirect_dma semaphore(%arg20 : memref<!tpu.dma_semaphore, #tpu.memory_space<semaphore_mem>>) src(%dma_wait3A_1806 : memref<100000x128xf32, #tpu.memory_space<hbm>>) dst(%dma_wait3A_1796 : memref<100x128xf32, #tpu.memory_space<vmem>>)
    %mul3A_1807 = arith.constant 32 : i32
    %mul3A_1808 = arith.muli %add3A, %mul3A_1807 : i32
    %add3A_1809 = arith.constant 23 : i32
    %add3A_1810 = arith.addi %mul3A_1808, %add3A_1809 : i32
    %mul3A_1811 = arith.constant 200 : i32
    %mul3A_1812 = arith.muli %add3A_1810, %mul3A_1811 : i32
    %dma_start3A_1813 = arith.constant 0 : i32
    %dma_start3A_1814 = tpu.memref_slice %arg5[%mul3A_1812, %dma_start3A_1813] : memref<204800x128xf32, #tpu.memory_space<hbm>> -> memref<200x128xf32, #tpu.memory_space<hbm>>
    %dma_start3A_1815 = arith.constant 0 : i32
    %dma_start3A_1816 = tpu.memref_slice %arg5[%mul3A_1812, %dma_start3A_1815] : memref<204800x128xf32, #tpu.memory_space<hbm>> -> memref<200x128xf32, #tpu.memory_space<hbm>>
    tpu.enqueue_dma source(%arg11 : memref<200x128xf32, #tpu.memory_space<vmem>>) target(%dma_start3A_1816 : memref<200x128xf32, #tpu.memory_space<hbm>>) target_semaphore(%arg24 : memref<!tpu.dma_semaphore, #tpu.memory_space<semaphore_mem>>)
    tpu.wait_dma2 semaphore(%arg14 : memref<!tpu.dma_semaphore, #tpu.memory_space<semaphore_mem>>) src(%arg7 : memref<200x128xf32, #tpu.memory_space<vmem_shared>>) dst(%arg9 : memref<200x128xf32, #tpu.memory_space<vmem>>)
    %dma_start3A_1817 = arith.constant 25 : i32
    %dma_start3A_1818 = arith.constant 0 : i32
    %dma_start3A_1819 = arith.constant 0 : i32
    %dma_start3A_1820 = arith.constant 0 : i32
    %dma_start3A_1821 = tpu.memref_slice %arg9[%dma_start3A_1819, %dma_start3A_1820] : memref<200x128xf32, #tpu.memory_space<vmem>> -> memref<100x128xf32, #tpu.memory_space<vmem>>
    %dma_start3A_1822 = arith.constant 0 : i32
    %dma_start3A_1823 = arith.constant 0 : i32
    %dma_start3A_1824 = tpu.memref_slice %arg6[%dma_start3A_1817, %dma_start3A_1822, %dma_start3A_1823] : memref<32x2x100xi32, #tpu.memory_space<vmem>> -> memref<1x2x100xi32, #tpu.memory_space<vmem>>
    %dma_start3A_1825 = tpu.memref_squeeze %dma_start3A_1824 : memref<1x2x100xi32, #tpu.memory_space<vmem>> -> memref<2x100xi32, #tpu.memory_space<vmem>>
    %dma_start3A_1826 = arith.constant 0 : i32
    %dma_start3A_1827 = tpu.memref_slice %dma_start3A_1825[%dma_start3A_1818, %dma_start3A_1826] : memref<2x100xi32, #tpu.memory_space<vmem>> -> memref<1x100xi32, #tpu.memory_space<vmem>>
    %dma_start3A_1828 = tpu.memref_squeeze %dma_start3A_1827 : memref<1x100xi32, #tpu.memory_space<vmem>> -> memref<100xi32, #tpu.memory_space<vmem>>
    %dma_start3A_1829 = arith.constant 0 : i32
    %dma_start3A_1830 = arith.constant 0 : i32
    %dma_start3A_1831 = tpu.memref_slice %arg2[%dma_start3A_1829, %dma_start3A_1830] : memref<100000x128xf32, #tpu.memory_space<hbm>> -> memref<100000x128xf32, #tpu.memory_space<hbm>>
    tpu.enqueue_indirect_dma source(%dma_start3A_1831 : memref<100000x128xf32, #tpu.memory_space<hbm>>) target(%dma_start3A_1821 : memref<100x128xf32, #tpu.memory_space<vmem>>) offsets(%dma_start3A_1828 : memref<100xi32, #tpu.memory_space<vmem>>) semaphore(%arg18 : memref<!tpu.dma_semaphore, #tpu.memory_space<semaphore_mem>>) {add = true}
    %dma_start3A_1832 = arith.constant 25 : i32
    %dma_start3A_1833 = arith.constant 1 : i32
    %dma_start3A_1834 = arith.constant 100 : i32
    %dma_start3A_1835 = arith.constant 0 : i32
    %dma_start3A_1836 = tpu.memref_slice %arg9[%dma_start3A_1834, %dma_start3A_1835] : memref<200x128xf32, #tpu.memory_space<vmem>> -> memref<100x128xf32, #tpu.memory_space<vmem>>
    %dma_start3A_1837 = arith.constant 0 : i32
    %dma_start3A_1838 = arith.constant 0 : i32
    %dma_start3A_1839 = tpu.memref_slice %arg6[%dma_start3A_1832, %dma_start3A_1837, %dma_start3A_1838] : memref<32x2x100xi32, #tpu.memory_space<vmem>> -> memref<1x2x100xi32, #tpu.memory_space<vmem>>
    %dma_start3A_1840 = tpu.memref_squeeze %dma_start3A_1839 : memref<1x2x100xi32, #tpu.memory_space<vmem>> -> memref<2x100xi32, #tpu.memory_space<vmem>>
    %dma_start3A_1841 = arith.constant 0 : i32
    %dma_start3A_1842 = tpu.memref_slice %dma_start3A_1840[%dma_start3A_1833, %dma_start3A_1841] : memref<2x100xi32, #tpu.memory_space<vmem>> -> memref<1x100xi32, #tpu.memory_space<vmem>>
    %dma_start3A_1843 = tpu.memref_squeeze %dma_start3A_1842 : memref<1x100xi32, #tpu.memory_space<vmem>> -> memref<100xi32, #tpu.memory_space<vmem>>
    %dma_start3A_1844 = arith.constant 0 : i32
    %dma_start3A_1845 = arith.constant 0 : i32
    %dma_start3A_1846 = tpu.memref_slice %arg2[%dma_start3A_1844, %dma_start3A_1845] : memref<100000x128xf32, #tpu.memory_space<hbm>> -> memref<100000x128xf32, #tpu.memory_space<hbm>>
    tpu.enqueue_indirect_dma source(%dma_start3A_1846 : memref<100000x128xf32, #tpu.memory_space<hbm>>) target(%dma_start3A_1836 : memref<100x128xf32, #tpu.memory_space<vmem>>) offsets(%dma_start3A_1843 : memref<100xi32, #tpu.memory_space<vmem>>) semaphore(%arg18 : memref<!tpu.dma_semaphore, #tpu.memory_space<semaphore_mem>>) {add = true}
    %dma_wait3A_1847 = arith.constant 0 : i32
    %dma_wait3A_1848 = tpu.memref_slice %arg5[%mul3A_1812, %dma_wait3A_1847] : memref<204800x128xf32, #tpu.memory_space<hbm>> -> memref<200x128xf32, #tpu.memory_space<hbm>>
    %dma_wait3A_1849 = arith.constant 0 : i32
    %dma_wait3A_1850 = tpu.memref_slice %arg5[%mul3A_1812, %dma_wait3A_1849] : memref<204800x128xf32, #tpu.memory_space<hbm>> -> memref<200x128xf32, #tpu.memory_space<hbm>>
    tpu.wait_dma2 semaphore(%arg24 : memref<!tpu.dma_semaphore, #tpu.memory_space<semaphore_mem>>) src(%arg11 : memref<200x128xf32, #tpu.memory_space<vmem>>) dst(%dma_wait3A_1850 : memref<200x128xf32, #tpu.memory_space<hbm>>)
    tpu.enqueue_dma source(%arg7 : memref<200x128xf32, #tpu.memory_space<vmem_shared>>) target(%arg11 : memref<200x128xf32, #tpu.memory_space<vmem>>) target_semaphore(%arg16 : memref<!tpu.dma_semaphore, #tpu.memory_space<semaphore_mem>>)
    %dma_wait3A_1851 = arith.constant 24 : i32
    %dma_wait3A_1852 = arith.constant 0 : i32
    %dma_wait3A_1853 = arith.constant 0 : i32
    %dma_wait3A_1854 = arith.constant 0 : i32
    %dma_wait3A_1855 = tpu.memref_slice %arg8[%dma_wait3A_1853, %dma_wait3A_1854] : memref<200x128xf32, #tpu.memory_space<vmem>> -> memref<100x128xf32, #tpu.memory_space<vmem>>
    %dma_wait3A_1856 = arith.constant 0 : i32
    %dma_wait3A_1857 = arith.constant 0 : i32
    %dma_wait3A_1858 = tpu.memref_slice %arg6[%dma_wait3A_1851, %dma_wait3A_1856, %dma_wait3A_1857] : memref<32x2x100xi32, #tpu.memory_space<vmem>> -> memref<1x2x100xi32, #tpu.memory_space<vmem>>
    %dma_wait3A_1859 = tpu.memref_squeeze %dma_wait3A_1858 : memref<1x2x100xi32, #tpu.memory_space<vmem>> -> memref<2x100xi32, #tpu.memory_space<vmem>>
    %dma_wait3A_1860 = arith.constant 0 : i32
    %dma_wait3A_1861 = tpu.memref_slice %dma_wait3A_1859[%dma_wait3A_1852, %dma_wait3A_1860] : memref<2x100xi32, #tpu.memory_space<vmem>> -> memref<1x100xi32, #tpu.memory_space<vmem>>
    %dma_wait3A_1862 = tpu.memref_squeeze %dma_wait3A_1861 : memref<1x100xi32, #tpu.memory_space<vmem>> -> memref<100xi32, #tpu.memory_space<vmem>>
    %dma_wait3A_1863 = arith.constant 0 : i32
    %dma_wait3A_1864 = arith.constant 0 : i32
    %dma_wait3A_1865 = tpu.memref_slice %arg2[%dma_wait3A_1863, %dma_wait3A_1864] : memref<100000x128xf32, #tpu.memory_space<hbm>> -> memref<100000x128xf32, #tpu.memory_space<hbm>>
    tpu.wait_indirect_dma semaphore(%arg17 : memref<!tpu.dma_semaphore, #tpu.memory_space<semaphore_mem>>) src(%dma_wait3A_1865 : memref<100000x128xf32, #tpu.memory_space<hbm>>) dst(%dma_wait3A_1855 : memref<100x128xf32, #tpu.memory_space<vmem>>)
    %dma_wait3A_1866 = arith.constant 24 : i32
    %dma_wait3A_1867 = arith.constant 1 : i32
    %dma_wait3A_1868 = arith.constant 100 : i32
    %dma_wait3A_1869 = arith.constant 0 : i32
    %dma_wait3A_1870 = tpu.memref_slice %arg8[%dma_wait3A_1868, %dma_wait3A_1869] : memref<200x128xf32, #tpu.memory_space<vmem>> -> memref<100x128xf32, #tpu.memory_space<vmem>>
    %dma_wait3A_1871 = arith.constant 0 : i32
    %dma_wait3A_1872 = arith.constant 0 : i32
    %dma_wait3A_1873 = tpu.memref_slice %arg6[%dma_wait3A_1866, %dma_wait3A_1871, %dma_wait3A_1872] : memref<32x2x100xi32, #tpu.memory_space<vmem>> -> memref<1x2x100xi32, #tpu.memory_space<vmem>>
    %dma_wait3A_1874 = tpu.memref_squeeze %dma_wait3A_1873 : memref<1x2x100xi32, #tpu.memory_space<vmem>> -> memref<2x100xi32, #tpu.memory_space<vmem>>
    %dma_wait3A_1875 = arith.constant 0 : i32
    %dma_wait3A_1876 = tpu.memref_slice %dma_wait3A_1874[%dma_wait3A_1867, %dma_wait3A_1875] : memref<2x100xi32, #tpu.memory_space<vmem>> -> memref<1x100xi32, #tpu.memory_space<vmem>>
    %dma_wait3A_1877 = tpu.memref_squeeze %dma_wait3A_1876 : memref<1x100xi32, #tpu.memory_space<vmem>> -> memref<100xi32, #tpu.memory_space<vmem>>
    %dma_wait3A_1878 = arith.constant 0 : i32
    %dma_wait3A_1879 = arith.constant 0 : i32
    %dma_wait3A_1880 = tpu.memref_slice %arg2[%dma_wait3A_1878, %dma_wait3A_1879] : memref<100000x128xf32, #tpu.memory_space<hbm>> -> memref<100000x128xf32, #tpu.memory_space<hbm>>
    tpu.wait_indirect_dma semaphore(%arg17 : memref<!tpu.dma_semaphore, #tpu.memory_space<semaphore_mem>>) src(%dma_wait3A_1880 : memref<100000x128xf32, #tpu.memory_space<hbm>>) dst(%dma_wait3A_1870 : memref<100x128xf32, #tpu.memory_space<vmem>>)
    %mul3A_1881 = arith.constant 32 : i32
    %mul3A_1882 = arith.muli %add3A, %mul3A_1881 : i32
    %add3A_1883 = arith.constant 24 : i32
    %add3A_1884 = arith.addi %mul3A_1882, %add3A_1883 : i32
    %mul3A_1885 = arith.constant 200 : i32
    %mul3A_1886 = arith.muli %add3A_1884, %mul3A_1885 : i32
    %dma_start3A_1887 = arith.constant 0 : i32
    %dma_start3A_1888 = tpu.memref_slice %arg5[%mul3A_1886, %dma_start3A_1887] : memref<204800x128xf32, #tpu.memory_space<hbm>> -> memref<200x128xf32, #tpu.memory_space<hbm>>
    %dma_start3A_1889 = arith.constant 0 : i32
    %dma_start3A_1890 = tpu.memref_slice %arg5[%mul3A_1886, %dma_start3A_1889] : memref<204800x128xf32, #tpu.memory_space<hbm>> -> memref<200x128xf32, #tpu.memory_space<hbm>>
    tpu.enqueue_dma source(%arg8 : memref<200x128xf32, #tpu.memory_space<vmem>>) target(%dma_start3A_1890 : memref<200x128xf32, #tpu.memory_space<hbm>>) target_semaphore(%arg21 : memref<!tpu.dma_semaphore, #tpu.memory_space<semaphore_mem>>)
    tpu.wait_dma2 semaphore(%arg15 : memref<!tpu.dma_semaphore, #tpu.memory_space<semaphore_mem>>) src(%arg7 : memref<200x128xf32, #tpu.memory_space<vmem_shared>>) dst(%arg10 : memref<200x128xf32, #tpu.memory_space<vmem>>)
    %dma_start3A_1891 = arith.constant 26 : i32
    %dma_start3A_1892 = arith.constant 0 : i32
    %dma_start3A_1893 = arith.constant 0 : i32
    %dma_start3A_1894 = arith.constant 0 : i32
    %dma_start3A_1895 = tpu.memref_slice %arg10[%dma_start3A_1893, %dma_start3A_1894] : memref<200x128xf32, #tpu.memory_space<vmem>> -> memref<100x128xf32, #tpu.memory_space<vmem>>
    %dma_start3A_1896 = arith.constant 0 : i32
    %dma_start3A_1897 = arith.constant 0 : i32
    %dma_start3A_1898 = tpu.memref_slice %arg6[%dma_start3A_1891, %dma_start3A_1896, %dma_start3A_1897] : memref<32x2x100xi32, #tpu.memory_space<vmem>> -> memref<1x2x100xi32, #tpu.memory_space<vmem>>
    %dma_start3A_1899 = tpu.memref_squeeze %dma_start3A_1898 : memref<1x2x100xi32, #tpu.memory_space<vmem>> -> memref<2x100xi32, #tpu.memory_space<vmem>>
    %dma_start3A_1900 = arith.constant 0 : i32
    %dma_start3A_1901 = tpu.memref_slice %dma_start3A_1899[%dma_start3A_1892, %dma_start3A_1900] : memref<2x100xi32, #tpu.memory_space<vmem>> -> memref<1x100xi32, #tpu.memory_space<vmem>>
    %dma_start3A_1902 = tpu.memref_squeeze %dma_start3A_1901 : memref<1x100xi32, #tpu.memory_space<vmem>> -> memref<100xi32, #tpu.memory_space<vmem>>
    %dma_start3A_1903 = arith.constant 0 : i32
    %dma_start3A_1904 = arith.constant 0 : i32
    %dma_start3A_1905 = tpu.memref_slice %arg2[%dma_start3A_1903, %dma_start3A_1904] : memref<100000x128xf32, #tpu.memory_space<hbm>> -> memref<100000x128xf32, #tpu.memory_space<hbm>>
    tpu.enqueue_indirect_dma source(%dma_start3A_1905 : memref<100000x128xf32, #tpu.memory_space<hbm>>) target(%dma_start3A_1895 : memref<100x128xf32, #tpu.memory_space<vmem>>) offsets(%dma_start3A_1902 : memref<100xi32, #tpu.memory_space<vmem>>) semaphore(%arg19 : memref<!tpu.dma_semaphore, #tpu.memory_space<semaphore_mem>>) {add = true}
    %dma_start3A_1906 = arith.constant 26 : i32
    %dma_start3A_1907 = arith.constant 1 : i32
    %dma_start3A_1908 = arith.constant 100 : i32
    %dma_start3A_1909 = arith.constant 0 : i32
    %dma_start3A_1910 = tpu.memref_slice %arg10[%dma_start3A_1908, %dma_start3A_1909] : memref<200x128xf32, #tpu.memory_space<vmem>> -> memref<100x128xf32, #tpu.memory_space<vmem>>
    %dma_start3A_1911 = arith.constant 0 : i32
    %dma_start3A_1912 = arith.constant 0 : i32
    %dma_start3A_1913 = tpu.memref_slice %arg6[%dma_start3A_1906, %dma_start3A_1911, %dma_start3A_1912] : memref<32x2x100xi32, #tpu.memory_space<vmem>> -> memref<1x2x100xi32, #tpu.memory_space<vmem>>
    %dma_start3A_1914 = tpu.memref_squeeze %dma_start3A_1913 : memref<1x2x100xi32, #tpu.memory_space<vmem>> -> memref<2x100xi32, #tpu.memory_space<vmem>>
    %dma_start3A_1915 = arith.constant 0 : i32
    %dma_start3A_1916 = tpu.memref_slice %dma_start3A_1914[%dma_start3A_1907, %dma_start3A_1915] : memref<2x100xi32, #tpu.memory_space<vmem>> -> memref<1x100xi32, #tpu.memory_space<vmem>>
    %dma_start3A_1917 = tpu.memref_squeeze %dma_start3A_1916 : memref<1x100xi32, #tpu.memory_space<vmem>> -> memref<100xi32, #tpu.memory_space<vmem>>
    %dma_start3A_1918 = arith.constant 0 : i32
    %dma_start3A_1919 = arith.constant 0 : i32
    %dma_start3A_1920 = tpu.memref_slice %arg2[%dma_start3A_1918, %dma_start3A_1919] : memref<100000x128xf32, #tpu.memory_space<hbm>> -> memref<100000x128xf32, #tpu.memory_space<hbm>>
    tpu.enqueue_indirect_dma source(%dma_start3A_1920 : memref<100000x128xf32, #tpu.memory_space<hbm>>) target(%dma_start3A_1910 : memref<100x128xf32, #tpu.memory_space<vmem>>) offsets(%dma_start3A_1917 : memref<100xi32, #tpu.memory_space<vmem>>) semaphore(%arg19 : memref<!tpu.dma_semaphore, #tpu.memory_space<semaphore_mem>>) {add = true}
    %dma_wait3A_1921 = arith.constant 0 : i32
    %dma_wait3A_1922 = tpu.memref_slice %arg5[%mul3A_1886, %dma_wait3A_1921] : memref<204800x128xf32, #tpu.memory_space<hbm>> -> memref<200x128xf32, #tpu.memory_space<hbm>>
    %dma_wait3A_1923 = arith.constant 0 : i32
    %dma_wait3A_1924 = tpu.memref_slice %arg5[%mul3A_1886, %dma_wait3A_1923] : memref<204800x128xf32, #tpu.memory_space<hbm>> -> memref<200x128xf32, #tpu.memory_space<hbm>>
    tpu.wait_dma2 semaphore(%arg21 : memref<!tpu.dma_semaphore, #tpu.memory_space<semaphore_mem>>) src(%arg8 : memref<200x128xf32, #tpu.memory_space<vmem>>) dst(%dma_wait3A_1924 : memref<200x128xf32, #tpu.memory_space<hbm>>)
    tpu.enqueue_dma source(%arg7 : memref<200x128xf32, #tpu.memory_space<vmem_shared>>) target(%arg8 : memref<200x128xf32, #tpu.memory_space<vmem>>) target_semaphore(%arg13 : memref<!tpu.dma_semaphore, #tpu.memory_space<semaphore_mem>>)
    %dma_wait3A_1925 = arith.constant 25 : i32
    %dma_wait3A_1926 = arith.constant 0 : i32
    %dma_wait3A_1927 = arith.constant 0 : i32
    %dma_wait3A_1928 = arith.constant 0 : i32
    %dma_wait3A_1929 = tpu.memref_slice %arg9[%dma_wait3A_1927, %dma_wait3A_1928] : memref<200x128xf32, #tpu.memory_space<vmem>> -> memref<100x128xf32, #tpu.memory_space<vmem>>
    %dma_wait3A_1930 = arith.constant 0 : i32
    %dma_wait3A_1931 = arith.constant 0 : i32
    %dma_wait3A_1932 = tpu.memref_slice %arg6[%dma_wait3A_1925, %dma_wait3A_1930, %dma_wait3A_1931] : memref<32x2x100xi32, #tpu.memory_space<vmem>> -> memref<1x2x100xi32, #tpu.memory_space<vmem>>
    %dma_wait3A_1933 = tpu.memref_squeeze %dma_wait3A_1932 : memref<1x2x100xi32, #tpu.memory_space<vmem>> -> memref<2x100xi32, #tpu.memory_space<vmem>>
    %dma_wait3A_1934 = arith.constant 0 : i32
    %dma_wait3A_1935 = tpu.memref_slice %dma_wait3A_1933[%dma_wait3A_1926, %dma_wait3A_1934] : memref<2x100xi32, #tpu.memory_space<vmem>> -> memref<1x100xi32, #tpu.memory_space<vmem>>
    %dma_wait3A_1936 = tpu.memref_squeeze %dma_wait3A_1935 : memref<1x100xi32, #tpu.memory_space<vmem>> -> memref<100xi32, #tpu.memory_space<vmem>>
    %dma_wait3A_1937 = arith.constant 0 : i32
    %dma_wait3A_1938 = arith.constant 0 : i32
    %dma_wait3A_1939 = tpu.memref_slice %arg2[%dma_wait3A_1937, %dma_wait3A_1938] : memref<100000x128xf32, #tpu.memory_space<hbm>> -> memref<100000x128xf32, #tpu.memory_space<hbm>>
    tpu.wait_indirect_dma semaphore(%arg18 : memref<!tpu.dma_semaphore, #tpu.memory_space<semaphore_mem>>) src(%dma_wait3A_1939 : memref<100000x128xf32, #tpu.memory_space<hbm>>) dst(%dma_wait3A_1929 : memref<100x128xf32, #tpu.memory_space<vmem>>)
    %dma_wait3A_1940 = arith.constant 25 : i32
    %dma_wait3A_1941 = arith.constant 1 : i32
    %dma_wait3A_1942 = arith.constant 100 : i32
    %dma_wait3A_1943 = arith.constant 0 : i32
    %dma_wait3A_1944 = tpu.memref_slice %arg9[%dma_wait3A_1942, %dma_wait3A_1943] : memref<200x128xf32, #tpu.memory_space<vmem>> -> memref<100x128xf32, #tpu.memory_space<vmem>>
    %dma_wait3A_1945 = arith.constant 0 : i32
    %dma_wait3A_1946 = arith.constant 0 : i32
    %dma_wait3A_1947 = tpu.memref_slice %arg6[%dma_wait3A_1940, %dma_wait3A_1945, %dma_wait3A_1946] : memref<32x2x100xi32, #tpu.memory_space<vmem>> -> memref<1x2x100xi32, #tpu.memory_space<vmem>>
    %dma_wait3A_1948 = tpu.memref_squeeze %dma_wait3A_1947 : memref<1x2x100xi32, #tpu.memory_space<vmem>> -> memref<2x100xi32, #tpu.memory_space<vmem>>
    %dma_wait3A_1949 = arith.constant 0 : i32
    %dma_wait3A_1950 = tpu.memref_slice %dma_wait3A_1948[%dma_wait3A_1941, %dma_wait3A_1949] : memref<2x100xi32, #tpu.memory_space<vmem>> -> memref<1x100xi32, #tpu.memory_space<vmem>>
    %dma_wait3A_1951 = tpu.memref_squeeze %dma_wait3A_1950 : memref<1x100xi32, #tpu.memory_space<vmem>> -> memref<100xi32, #tpu.memory_space<vmem>>
    %dma_wait3A_1952 = arith.constant 0 : i32
    %dma_wait3A_1953 = arith.constant 0 : i32
    %dma_wait3A_1954 = tpu.memref_slice %arg2[%dma_wait3A_1952, %dma_wait3A_1953] : memref<100000x128xf32, #tpu.memory_space<hbm>> -> memref<100000x128xf32, #tpu.memory_space<hbm>>
    tpu.wait_indirect_dma semaphore(%arg18 : memref<!tpu.dma_semaphore, #tpu.memory_space<semaphore_mem>>) src(%dma_wait3A_1954 : memref<100000x128xf32, #tpu.memory_space<hbm>>) dst(%dma_wait3A_1944 : memref<100x128xf32, #tpu.memory_space<vmem>>)
    %mul3A_1955 = arith.constant 32 : i32
    %mul3A_1956 = arith.muli %add3A, %mul3A_1955 : i32
    %add3A_1957 = arith.constant 25 : i32
    %add3A_1958 = arith.addi %mul3A_1956, %add3A_1957 : i32
    %mul3A_1959 = arith.constant 200 : i32
    %mul3A_1960 = arith.muli %add3A_1958, %mul3A_1959 : i32
    %dma_start3A_1961 = arith.constant 0 : i32
    %dma_start3A_1962 = tpu.memref_slice %arg5[%mul3A_1960, %dma_start3A_1961] : memref<204800x128xf32, #tpu.memory_space<hbm>> -> memref<200x128xf32, #tpu.memory_space<hbm>>
    %dma_start3A_1963 = arith.constant 0 : i32
    %dma_start3A_1964 = tpu.memref_slice %arg5[%mul3A_1960, %dma_start3A_1963] : memref<204800x128xf32, #tpu.memory_space<hbm>> -> memref<200x128xf32, #tpu.memory_space<hbm>>
    tpu.enqueue_dma source(%arg9 : memref<200x128xf32, #tpu.memory_space<vmem>>) target(%dma_start3A_1964 : memref<200x128xf32, #tpu.memory_space<hbm>>) target_semaphore(%arg22 : memref<!tpu.dma_semaphore, #tpu.memory_space<semaphore_mem>>)
    tpu.wait_dma2 semaphore(%arg16 : memref<!tpu.dma_semaphore, #tpu.memory_space<semaphore_mem>>) src(%arg7 : memref<200x128xf32, #tpu.memory_space<vmem_shared>>) dst(%arg11 : memref<200x128xf32, #tpu.memory_space<vmem>>)
    %dma_start3A_1965 = arith.constant 27 : i32
    %dma_start3A_1966 = arith.constant 0 : i32
    %dma_start3A_1967 = arith.constant 0 : i32
    %dma_start3A_1968 = arith.constant 0 : i32
    %dma_start3A_1969 = tpu.memref_slice %arg11[%dma_start3A_1967, %dma_start3A_1968] : memref<200x128xf32, #tpu.memory_space<vmem>> -> memref<100x128xf32, #tpu.memory_space<vmem>>
    %dma_start3A_1970 = arith.constant 0 : i32
    %dma_start3A_1971 = arith.constant 0 : i32
    %dma_start3A_1972 = tpu.memref_slice %arg6[%dma_start3A_1965, %dma_start3A_1970, %dma_start3A_1971] : memref<32x2x100xi32, #tpu.memory_space<vmem>> -> memref<1x2x100xi32, #tpu.memory_space<vmem>>
    %dma_start3A_1973 = tpu.memref_squeeze %dma_start3A_1972 : memref<1x2x100xi32, #tpu.memory_space<vmem>> -> memref<2x100xi32, #tpu.memory_space<vmem>>
    %dma_start3A_1974 = arith.constant 0 : i32
    %dma_start3A_1975 = tpu.memref_slice %dma_start3A_1973[%dma_start3A_1966, %dma_start3A_1974] : memref<2x100xi32, #tpu.memory_space<vmem>> -> memref<1x100xi32, #tpu.memory_space<vmem>>
    %dma_start3A_1976 = tpu.memref_squeeze %dma_start3A_1975 : memref<1x100xi32, #tpu.memory_space<vmem>> -> memref<100xi32, #tpu.memory_space<vmem>>
    %dma_start3A_1977 = arith.constant 0 : i32
    %dma_start3A_1978 = arith.constant 0 : i32
    %dma_start3A_1979 = tpu.memref_slice %arg2[%dma_start3A_1977, %dma_start3A_1978] : memref<100000x128xf32, #tpu.memory_space<hbm>> -> memref<100000x128xf32, #tpu.memory_space<hbm>>
    tpu.enqueue_indirect_dma source(%dma_start3A_1979 : memref<100000x128xf32, #tpu.memory_space<hbm>>) target(%dma_start3A_1969 : memref<100x128xf32, #tpu.memory_space<vmem>>) offsets(%dma_start3A_1976 : memref<100xi32, #tpu.memory_space<vmem>>) semaphore(%arg20 : memref<!tpu.dma_semaphore, #tpu.memory_space<semaphore_mem>>) {add = true}
    %dma_start3A_1980 = arith.constant 27 : i32
    %dma_start3A_1981 = arith.constant 1 : i32
    %dma_start3A_1982 = arith.constant 100 : i32
    %dma_start3A_1983 = arith.constant 0 : i32
    %dma_start3A_1984 = tpu.memref_slice %arg11[%dma_start3A_1982, %dma_start3A_1983] : memref<200x128xf32, #tpu.memory_space<vmem>> -> memref<100x128xf32, #tpu.memory_space<vmem>>
    %dma_start3A_1985 = arith.constant 0 : i32
    %dma_start3A_1986 = arith.constant 0 : i32
    %dma_start3A_1987 = tpu.memref_slice %arg6[%dma_start3A_1980, %dma_start3A_1985, %dma_start3A_1986] : memref<32x2x100xi32, #tpu.memory_space<vmem>> -> memref<1x2x100xi32, #tpu.memory_space<vmem>>
    %dma_start3A_1988 = tpu.memref_squeeze %dma_start3A_1987 : memref<1x2x100xi32, #tpu.memory_space<vmem>> -> memref<2x100xi32, #tpu.memory_space<vmem>>
    %dma_start3A_1989 = arith.constant 0 : i32
    %dma_start3A_1990 = tpu.memref_slice %dma_start3A_1988[%dma_start3A_1981, %dma_start3A_1989] : memref<2x100xi32, #tpu.memory_space<vmem>> -> memref<1x100xi32, #tpu.memory_space<vmem>>
    %dma_start3A_1991 = tpu.memref_squeeze %dma_start3A_1990 : memref<1x100xi32, #tpu.memory_space<vmem>> -> memref<100xi32, #tpu.memory_space<vmem>>
    %dma_start3A_1992 = arith.constant 0 : i32
    %dma_start3A_1993 = arith.constant 0 : i32
    %dma_start3A_1994 = tpu.memref_slice %arg2[%dma_start3A_1992, %dma_start3A_1993] : memref<100000x128xf32, #tpu.memory_space<hbm>> -> memref<100000x128xf32, #tpu.memory_space<hbm>>
    tpu.enqueue_indirect_dma source(%dma_start3A_1994 : memref<100000x128xf32, #tpu.memory_space<hbm>>) target(%dma_start3A_1984 : memref<100x128xf32, #tpu.memory_space<vmem>>) offsets(%dma_start3A_1991 : memref<100xi32, #tpu.memory_space<vmem>>) semaphore(%arg20 : memref<!tpu.dma_semaphore, #tpu.memory_space<semaphore_mem>>) {add = true}
    %dma_wait3A_1995 = arith.constant 0 : i32
    %dma_wait3A_1996 = tpu.memref_slice %arg5[%mul3A_1960, %dma_wait3A_1995] : memref<204800x128xf32, #tpu.memory_space<hbm>> -> memref<200x128xf32, #tpu.memory_space<hbm>>
    %dma_wait3A_1997 = arith.constant 0 : i32
    %dma_wait3A_1998 = tpu.memref_slice %arg5[%mul3A_1960, %dma_wait3A_1997] : memref<204800x128xf32, #tpu.memory_space<hbm>> -> memref<200x128xf32, #tpu.memory_space<hbm>>
    tpu.wait_dma2 semaphore(%arg22 : memref<!tpu.dma_semaphore, #tpu.memory_space<semaphore_mem>>) src(%arg9 : memref<200x128xf32, #tpu.memory_space<vmem>>) dst(%dma_wait3A_1998 : memref<200x128xf32, #tpu.memory_space<hbm>>)
    tpu.enqueue_dma source(%arg7 : memref<200x128xf32, #tpu.memory_space<vmem_shared>>) target(%arg9 : memref<200x128xf32, #tpu.memory_space<vmem>>) target_semaphore(%arg14 : memref<!tpu.dma_semaphore, #tpu.memory_space<semaphore_mem>>)
    %dma_wait3A_1999 = arith.constant 26 : i32
    %dma_wait3A_2000 = arith.constant 0 : i32
    %dma_wait3A_2001 = arith.constant 0 : i32
    %dma_wait3A_2002 = arith.constant 0 : i32
    %dma_wait3A_2003 = tpu.memref_slice %arg10[%dma_wait3A_2001, %dma_wait3A_2002] : memref<200x128xf32, #tpu.memory_space<vmem>> -> memref<100x128xf32, #tpu.memory_space<vmem>>
    %dma_wait3A_2004 = arith.constant 0 : i32
    %dma_wait3A_2005 = arith.constant 0 : i32
    %dma_wait3A_2006 = tpu.memref_slice %arg6[%dma_wait3A_1999, %dma_wait3A_2004, %dma_wait3A_2005] : memref<32x2x100xi32, #tpu.memory_space<vmem>> -> memref<1x2x100xi32, #tpu.memory_space<vmem>>
    %dma_wait3A_2007 = tpu.memref_squeeze %dma_wait3A_2006 : memref<1x2x100xi32, #tpu.memory_space<vmem>> -> memref<2x100xi32, #tpu.memory_space<vmem>>
    %dma_wait3A_2008 = arith.constant 0 : i32
    %dma_wait3A_2009 = tpu.memref_slice %dma_wait3A_2007[%dma_wait3A_2000, %dma_wait3A_2008] : memref<2x100xi32, #tpu.memory_space<vmem>> -> memref<1x100xi32, #tpu.memory_space<vmem>>
    %dma_wait3A_2010 = tpu.memref_squeeze %dma_wait3A_2009 : memref<1x100xi32, #tpu.memory_space<vmem>> -> memref<100xi32, #tpu.memory_space<vmem>>
    %dma_wait3A_2011 = arith.constant 0 : i32
    %dma_wait3A_2012 = arith.constant 0 : i32
    %dma_wait3A_2013 = tpu.memref_slice %arg2[%dma_wait3A_2011, %dma_wait3A_2012] : memref<100000x128xf32, #tpu.memory_space<hbm>> -> memref<100000x128xf32, #tpu.memory_space<hbm>>
    tpu.wait_indirect_dma semaphore(%arg19 : memref<!tpu.dma_semaphore, #tpu.memory_space<semaphore_mem>>) src(%dma_wait3A_2013 : memref<100000x128xf32, #tpu.memory_space<hbm>>) dst(%dma_wait3A_2003 : memref<100x128xf32, #tpu.memory_space<vmem>>)
    %dma_wait3A_2014 = arith.constant 26 : i32
    %dma_wait3A_2015 = arith.constant 1 : i32
    %dma_wait3A_2016 = arith.constant 100 : i32
    %dma_wait3A_2017 = arith.constant 0 : i32
    %dma_wait3A_2018 = tpu.memref_slice %arg10[%dma_wait3A_2016, %dma_wait3A_2017] : memref<200x128xf32, #tpu.memory_space<vmem>> -> memref<100x128xf32, #tpu.memory_space<vmem>>
    %dma_wait3A_2019 = arith.constant 0 : i32
    %dma_wait3A_2020 = arith.constant 0 : i32
    %dma_wait3A_2021 = tpu.memref_slice %arg6[%dma_wait3A_2014, %dma_wait3A_2019, %dma_wait3A_2020] : memref<32x2x100xi32, #tpu.memory_space<vmem>> -> memref<1x2x100xi32, #tpu.memory_space<vmem>>
    %dma_wait3A_2022 = tpu.memref_squeeze %dma_wait3A_2021 : memref<1x2x100xi32, #tpu.memory_space<vmem>> -> memref<2x100xi32, #tpu.memory_space<vmem>>
    %dma_wait3A_2023 = arith.constant 0 : i32
    %dma_wait3A_2024 = tpu.memref_slice %dma_wait3A_2022[%dma_wait3A_2015, %dma_wait3A_2023] : memref<2x100xi32, #tpu.memory_space<vmem>> -> memref<1x100xi32, #tpu.memory_space<vmem>>
    %dma_wait3A_2025 = tpu.memref_squeeze %dma_wait3A_2024 : memref<1x100xi32, #tpu.memory_space<vmem>> -> memref<100xi32, #tpu.memory_space<vmem>>
    %dma_wait3A_2026 = arith.constant 0 : i32
    %dma_wait3A_2027 = arith.constant 0 : i32
    %dma_wait3A_2028 = tpu.memref_slice %arg2[%dma_wait3A_2026, %dma_wait3A_2027] : memref<100000x128xf32, #tpu.memory_space<hbm>> -> memref<100000x128xf32, #tpu.memory_space<hbm>>
    tpu.wait_indirect_dma semaphore(%arg19 : memref<!tpu.dma_semaphore, #tpu.memory_space<semaphore_mem>>) src(%dma_wait3A_2028 : memref<100000x128xf32, #tpu.memory_space<hbm>>) dst(%dma_wait3A_2018 : memref<100x128xf32, #tpu.memory_space<vmem>>)
    %mul3A_2029 = arith.constant 32 : i32
    %mul3A_2030 = arith.muli %add3A, %mul3A_2029 : i32
    %add3A_2031 = arith.constant 26 : i32
    %add3A_2032 = arith.addi %mul3A_2030, %add3A_2031 : i32
    %mul3A_2033 = arith.constant 200 : i32
    %mul3A_2034 = arith.muli %add3A_2032, %mul3A_2033 : i32
    %dma_start3A_2035 = arith.constant 0 : i32
    %dma_start3A_2036 = tpu.memref_slice %arg5[%mul3A_2034, %dma_start3A_2035] : memref<204800x128xf32, #tpu.memory_space<hbm>> -> memref<200x128xf32, #tpu.memory_space<hbm>>
    %dma_start3A_2037 = arith.constant 0 : i32
    %dma_start3A_2038 = tpu.memref_slice %arg5[%mul3A_2034, %dma_start3A_2037] : memref<204800x128xf32, #tpu.memory_space<hbm>> -> memref<200x128xf32, #tpu.memory_space<hbm>>
    tpu.enqueue_dma source(%arg10 : memref<200x128xf32, #tpu.memory_space<vmem>>) target(%dma_start3A_2038 : memref<200x128xf32, #tpu.memory_space<hbm>>) target_semaphore(%arg23 : memref<!tpu.dma_semaphore, #tpu.memory_space<semaphore_mem>>)
    tpu.wait_dma2 semaphore(%arg13 : memref<!tpu.dma_semaphore, #tpu.memory_space<semaphore_mem>>) src(%arg7 : memref<200x128xf32, #tpu.memory_space<vmem_shared>>) dst(%arg8 : memref<200x128xf32, #tpu.memory_space<vmem>>)
    %dma_start3A_2039 = arith.constant 28 : i32
    %dma_start3A_2040 = arith.constant 0 : i32
    %dma_start3A_2041 = arith.constant 0 : i32
    %dma_start3A_2042 = arith.constant 0 : i32
    %dma_start3A_2043 = tpu.memref_slice %arg8[%dma_start3A_2041, %dma_start3A_2042] : memref<200x128xf32, #tpu.memory_space<vmem>> -> memref<100x128xf32, #tpu.memory_space<vmem>>
    %dma_start3A_2044 = arith.constant 0 : i32
    %dma_start3A_2045 = arith.constant 0 : i32
    %dma_start3A_2046 = tpu.memref_slice %arg6[%dma_start3A_2039, %dma_start3A_2044, %dma_start3A_2045] : memref<32x2x100xi32, #tpu.memory_space<vmem>> -> memref<1x2x100xi32, #tpu.memory_space<vmem>>
    %dma_start3A_2047 = tpu.memref_squeeze %dma_start3A_2046 : memref<1x2x100xi32, #tpu.memory_space<vmem>> -> memref<2x100xi32, #tpu.memory_space<vmem>>
    %dma_start3A_2048 = arith.constant 0 : i32
    %dma_start3A_2049 = tpu.memref_slice %dma_start3A_2047[%dma_start3A_2040, %dma_start3A_2048] : memref<2x100xi32, #tpu.memory_space<vmem>> -> memref<1x100xi32, #tpu.memory_space<vmem>>
    %dma_start3A_2050 = tpu.memref_squeeze %dma_start3A_2049 : memref<1x100xi32, #tpu.memory_space<vmem>> -> memref<100xi32, #tpu.memory_space<vmem>>
    %dma_start3A_2051 = arith.constant 0 : i32
    %dma_start3A_2052 = arith.constant 0 : i32
    %dma_start3A_2053 = tpu.memref_slice %arg2[%dma_start3A_2051, %dma_start3A_2052] : memref<100000x128xf32, #tpu.memory_space<hbm>> -> memref<100000x128xf32, #tpu.memory_space<hbm>>
    tpu.enqueue_indirect_dma source(%dma_start3A_2053 : memref<100000x128xf32, #tpu.memory_space<hbm>>) target(%dma_start3A_2043 : memref<100x128xf32, #tpu.memory_space<vmem>>) offsets(%dma_start3A_2050 : memref<100xi32, #tpu.memory_space<vmem>>) semaphore(%arg17 : memref<!tpu.dma_semaphore, #tpu.memory_space<semaphore_mem>>) {add = true}
    %dma_start3A_2054 = arith.constant 28 : i32
    %dma_start3A_2055 = arith.constant 1 : i32
    %dma_start3A_2056 = arith.constant 100 : i32
    %dma_start3A_2057 = arith.constant 0 : i32
    %dma_start3A_2058 = tpu.memref_slice %arg8[%dma_start3A_2056, %dma_start3A_2057] : memref<200x128xf32, #tpu.memory_space<vmem>> -> memref<100x128xf32, #tpu.memory_space<vmem>>
    %dma_start3A_2059 = arith.constant 0 : i32
    %dma_start3A_2060 = arith.constant 0 : i32
    %dma_start3A_2061 = tpu.memref_slice %arg6[%dma_start3A_2054, %dma_start3A_2059, %dma_start3A_2060] : memref<32x2x100xi32, #tpu.memory_space<vmem>> -> memref<1x2x100xi32, #tpu.memory_space<vmem>>
    %dma_start3A_2062 = tpu.memref_squeeze %dma_start3A_2061 : memref<1x2x100xi32, #tpu.memory_space<vmem>> -> memref<2x100xi32, #tpu.memory_space<vmem>>
    %dma_start3A_2063 = arith.constant 0 : i32
    %dma_start3A_2064 = tpu.memref_slice %dma_start3A_2062[%dma_start3A_2055, %dma_start3A_2063] : memref<2x100xi32, #tpu.memory_space<vmem>> -> memref<1x100xi32, #tpu.memory_space<vmem>>
    %dma_start3A_2065 = tpu.memref_squeeze %dma_start3A_2064 : memref<1x100xi32, #tpu.memory_space<vmem>> -> memref<100xi32, #tpu.memory_space<vmem>>
    %dma_start3A_2066 = arith.constant 0 : i32
    %dma_start3A_2067 = arith.constant 0 : i32
    %dma_start3A_2068 = tpu.memref_slice %arg2[%dma_start3A_2066, %dma_start3A_2067] : memref<100000x128xf32, #tpu.memory_space<hbm>> -> memref<100000x128xf32, #tpu.memory_space<hbm>>
    tpu.enqueue_indirect_dma source(%dma_start3A_2068 : memref<100000x128xf32, #tpu.memory_space<hbm>>) target(%dma_start3A_2058 : memref<100x128xf32, #tpu.memory_space<vmem>>) offsets(%dma_start3A_2065 : memref<100xi32, #tpu.memory_space<vmem>>) semaphore(%arg17 : memref<!tpu.dma_semaphore, #tpu.memory_space<semaphore_mem>>) {add = true}
    %dma_wait3A_2069 = arith.constant 0 : i32
    %dma_wait3A_2070 = tpu.memref_slice %arg5[%mul3A_2034, %dma_wait3A_2069] : memref<204800x128xf32, #tpu.memory_space<hbm>> -> memref<200x128xf32, #tpu.memory_space<hbm>>
    %dma_wait3A_2071 = arith.constant 0 : i32
    %dma_wait3A_2072 = tpu.memref_slice %arg5[%mul3A_2034, %dma_wait3A_2071] : memref<204800x128xf32, #tpu.memory_space<hbm>> -> memref<200x128xf32, #tpu.memory_space<hbm>>
    tpu.wait_dma2 semaphore(%arg23 : memref<!tpu.dma_semaphore, #tpu.memory_space<semaphore_mem>>) src(%arg10 : memref<200x128xf32, #tpu.memory_space<vmem>>) dst(%dma_wait3A_2072 : memref<200x128xf32, #tpu.memory_space<hbm>>)
    tpu.enqueue_dma source(%arg7 : memref<200x128xf32, #tpu.memory_space<vmem_shared>>) target(%arg10 : memref<200x128xf32, #tpu.memory_space<vmem>>) target_semaphore(%arg15 : memref<!tpu.dma_semaphore, #tpu.memory_space<semaphore_mem>>)
    %dma_wait3A_2073 = arith.constant 27 : i32
    %dma_wait3A_2074 = arith.constant 0 : i32
    %dma_wait3A_2075 = arith.constant 0 : i32
    %dma_wait3A_2076 = arith.constant 0 : i32
    %dma_wait3A_2077 = tpu.memref_slice %arg11[%dma_wait3A_2075, %dma_wait3A_2076] : memref<200x128xf32, #tpu.memory_space<vmem>> -> memref<100x128xf32, #tpu.memory_space<vmem>>
    %dma_wait3A_2078 = arith.constant 0 : i32
    %dma_wait3A_2079 = arith.constant 0 : i32
    %dma_wait3A_2080 = tpu.memref_slice %arg6[%dma_wait3A_2073, %dma_wait3A_2078, %dma_wait3A_2079] : memref<32x2x100xi32, #tpu.memory_space<vmem>> -> memref<1x2x100xi32, #tpu.memory_space<vmem>>
    %dma_wait3A_2081 = tpu.memref_squeeze %dma_wait3A_2080 : memref<1x2x100xi32, #tpu.memory_space<vmem>> -> memref<2x100xi32, #tpu.memory_space<vmem>>
    %dma_wait3A_2082 = arith.constant 0 : i32
    %dma_wait3A_2083 = tpu.memref_slice %dma_wait3A_2081[%dma_wait3A_2074, %dma_wait3A_2082] : memref<2x100xi32, #tpu.memory_space<vmem>> -> memref<1x100xi32, #tpu.memory_space<vmem>>
    %dma_wait3A_2084 = tpu.memref_squeeze %dma_wait3A_2083 : memref<1x100xi32, #tpu.memory_space<vmem>> -> memref<100xi32, #tpu.memory_space<vmem>>
    %dma_wait3A_2085 = arith.constant 0 : i32
    %dma_wait3A_2086 = arith.constant 0 : i32
    %dma_wait3A_2087 = tpu.memref_slice %arg2[%dma_wait3A_2085, %dma_wait3A_2086] : memref<100000x128xf32, #tpu.memory_space<hbm>> -> memref<100000x128xf32, #tpu.memory_space<hbm>>
    tpu.wait_indirect_dma semaphore(%arg20 : memref<!tpu.dma_semaphore, #tpu.memory_space<semaphore_mem>>) src(%dma_wait3A_2087 : memref<100000x128xf32, #tpu.memory_space<hbm>>) dst(%dma_wait3A_2077 : memref<100x128xf32, #tpu.memory_space<vmem>>)
    %dma_wait3A_2088 = arith.constant 27 : i32
    %dma_wait3A_2089 = arith.constant 1 : i32
    %dma_wait3A_2090 = arith.constant 100 : i32
    %dma_wait3A_2091 = arith.constant 0 : i32
    %dma_wait3A_2092 = tpu.memref_slice %arg11[%dma_wait3A_2090, %dma_wait3A_2091] : memref<200x128xf32, #tpu.memory_space<vmem>> -> memref<100x128xf32, #tpu.memory_space<vmem>>
    %dma_wait3A_2093 = arith.constant 0 : i32
    %dma_wait3A_2094 = arith.constant 0 : i32
    %dma_wait3A_2095 = tpu.memref_slice %arg6[%dma_wait3A_2088, %dma_wait3A_2093, %dma_wait3A_2094] : memref<32x2x100xi32, #tpu.memory_space<vmem>> -> memref<1x2x100xi32, #tpu.memory_space<vmem>>
    %dma_wait3A_2096 = tpu.memref_squeeze %dma_wait3A_2095 : memref<1x2x100xi32, #tpu.memory_space<vmem>> -> memref<2x100xi32, #tpu.memory_space<vmem>>
    %dma_wait3A_2097 = arith.constant 0 : i32
    %dma_wait3A_2098 = tpu.memref_slice %dma_wait3A_2096[%dma_wait3A_2089, %dma_wait3A_2097] : memref<2x100xi32, #tpu.memory_space<vmem>> -> memref<1x100xi32, #tpu.memory_space<vmem>>
    %dma_wait3A_2099 = tpu.memref_squeeze %dma_wait3A_2098 : memref<1x100xi32, #tpu.memory_space<vmem>> -> memref<100xi32, #tpu.memory_space<vmem>>
    %dma_wait3A_2100 = arith.constant 0 : i32
    %dma_wait3A_2101 = arith.constant 0 : i32
    %dma_wait3A_2102 = tpu.memref_slice %arg2[%dma_wait3A_2100, %dma_wait3A_2101] : memref<100000x128xf32, #tpu.memory_space<hbm>> -> memref<100000x128xf32, #tpu.memory_space<hbm>>
    tpu.wait_indirect_dma semaphore(%arg20 : memref<!tpu.dma_semaphore, #tpu.memory_space<semaphore_mem>>) src(%dma_wait3A_2102 : memref<100000x128xf32, #tpu.memory_space<hbm>>) dst(%dma_wait3A_2092 : memref<100x128xf32, #tpu.memory_space<vmem>>)
    %mul3A_2103 = arith.constant 32 : i32
    %mul3A_2104 = arith.muli %add3A, %mul3A_2103 : i32
    %add3A_2105 = arith.constant 27 : i32
    %add3A_2106 = arith.addi %mul3A_2104, %add3A_2105 : i32
    %mul3A_2107 = arith.constant 200 : i32
    %mul3A_2108 = arith.muli %add3A_2106, %mul3A_2107 : i32
    %dma_start3A_2109 = arith.constant 0 : i32
    %dma_start3A_2110 = tpu.memref_slice %arg5[%mul3A_2108, %dma_start3A_2109] : memref<204800x128xf32, #tpu.memory_space<hbm>> -> memref<200x128xf32, #tpu.memory_space<hbm>>
    %dma_start3A_2111 = arith.constant 0 : i32
    %dma_start3A_2112 = tpu.memref_slice %arg5[%mul3A_2108, %dma_start3A_2111] : memref<204800x128xf32, #tpu.memory_space<hbm>> -> memref<200x128xf32, #tpu.memory_space<hbm>>
    tpu.enqueue_dma source(%arg11 : memref<200x128xf32, #tpu.memory_space<vmem>>) target(%dma_start3A_2112 : memref<200x128xf32, #tpu.memory_space<hbm>>) target_semaphore(%arg24 : memref<!tpu.dma_semaphore, #tpu.memory_space<semaphore_mem>>)
    tpu.wait_dma2 semaphore(%arg14 : memref<!tpu.dma_semaphore, #tpu.memory_space<semaphore_mem>>) src(%arg7 : memref<200x128xf32, #tpu.memory_space<vmem_shared>>) dst(%arg9 : memref<200x128xf32, #tpu.memory_space<vmem>>)
    %dma_start3A_2113 = arith.constant 29 : i32
    %dma_start3A_2114 = arith.constant 0 : i32
    %dma_start3A_2115 = arith.constant 0 : i32
    %dma_start3A_2116 = arith.constant 0 : i32
    %dma_start3A_2117 = tpu.memref_slice %arg9[%dma_start3A_2115, %dma_start3A_2116] : memref<200x128xf32, #tpu.memory_space<vmem>> -> memref<100x128xf32, #tpu.memory_space<vmem>>
    %dma_start3A_2118 = arith.constant 0 : i32
    %dma_start3A_2119 = arith.constant 0 : i32
    %dma_start3A_2120 = tpu.memref_slice %arg6[%dma_start3A_2113, %dma_start3A_2118, %dma_start3A_2119] : memref<32x2x100xi32, #tpu.memory_space<vmem>> -> memref<1x2x100xi32, #tpu.memory_space<vmem>>
    %dma_start3A_2121 = tpu.memref_squeeze %dma_start3A_2120 : memref<1x2x100xi32, #tpu.memory_space<vmem>> -> memref<2x100xi32, #tpu.memory_space<vmem>>
    %dma_start3A_2122 = arith.constant 0 : i32
    %dma_start3A_2123 = tpu.memref_slice %dma_start3A_2121[%dma_start3A_2114, %dma_start3A_2122] : memref<2x100xi32, #tpu.memory_space<vmem>> -> memref<1x100xi32, #tpu.memory_space<vmem>>
    %dma_start3A_2124 = tpu.memref_squeeze %dma_start3A_2123 : memref<1x100xi32, #tpu.memory_space<vmem>> -> memref<100xi32, #tpu.memory_space<vmem>>
    %dma_start3A_2125 = arith.constant 0 : i32
    %dma_start3A_2126 = arith.constant 0 : i32
    %dma_start3A_2127 = tpu.memref_slice %arg2[%dma_start3A_2125, %dma_start3A_2126] : memref<100000x128xf32, #tpu.memory_space<hbm>> -> memref<100000x128xf32, #tpu.memory_space<hbm>>
    tpu.enqueue_indirect_dma source(%dma_start3A_2127 : memref<100000x128xf32, #tpu.memory_space<hbm>>) target(%dma_start3A_2117 : memref<100x128xf32, #tpu.memory_space<vmem>>) offsets(%dma_start3A_2124 : memref<100xi32, #tpu.memory_space<vmem>>) semaphore(%arg18 : memref<!tpu.dma_semaphore, #tpu.memory_space<semaphore_mem>>) {add = true}
    %dma_start3A_2128 = arith.constant 29 : i32
    %dma_start3A_2129 = arith.constant 1 : i32
    %dma_start3A_2130 = arith.constant 100 : i32
    %dma_start3A_2131 = arith.constant 0 : i32
    %dma_start3A_2132 = tpu.memref_slice %arg9[%dma_start3A_2130, %dma_start3A_2131] : memref<200x128xf32, #tpu.memory_space<vmem>> -> memref<100x128xf32, #tpu.memory_space<vmem>>
    %dma_start3A_2133 = arith.constant 0 : i32
    %dma_start3A_2134 = arith.constant 0 : i32
    %dma_start3A_2135 = tpu.memref_slice %arg6[%dma_start3A_2128, %dma_start3A_2133, %dma_start3A_2134] : memref<32x2x100xi32, #tpu.memory_space<vmem>> -> memref<1x2x100xi32, #tpu.memory_space<vmem>>
    %dma_start3A_2136 = tpu.memref_squeeze %dma_start3A_2135 : memref<1x2x100xi32, #tpu.memory_space<vmem>> -> memref<2x100xi32, #tpu.memory_space<vmem>>
    %dma_start3A_2137 = arith.constant 0 : i32
    %dma_start3A_2138 = tpu.memref_slice %dma_start3A_2136[%dma_start3A_2129, %dma_start3A_2137] : memref<2x100xi32, #tpu.memory_space<vmem>> -> memref<1x100xi32, #tpu.memory_space<vmem>>
    %dma_start3A_2139 = tpu.memref_squeeze %dma_start3A_2138 : memref<1x100xi32, #tpu.memory_space<vmem>> -> memref<100xi32, #tpu.memory_space<vmem>>
    %dma_start3A_2140 = arith.constant 0 : i32
    %dma_start3A_2141 = arith.constant 0 : i32
    %dma_start3A_2142 = tpu.memref_slice %arg2[%dma_start3A_2140, %dma_start3A_2141] : memref<100000x128xf32, #tpu.memory_space<hbm>> -> memref<100000x128xf32, #tpu.memory_space<hbm>>
    tpu.enqueue_indirect_dma source(%dma_start3A_2142 : memref<100000x128xf32, #tpu.memory_space<hbm>>) target(%dma_start3A_2132 : memref<100x128xf32, #tpu.memory_space<vmem>>) offsets(%dma_start3A_2139 : memref<100xi32, #tpu.memory_space<vmem>>) semaphore(%arg18 : memref<!tpu.dma_semaphore, #tpu.memory_space<semaphore_mem>>) {add = true}
    %dma_wait3A_2143 = arith.constant 0 : i32
    %dma_wait3A_2144 = tpu.memref_slice %arg5[%mul3A_2108, %dma_wait3A_2143] : memref<204800x128xf32, #tpu.memory_space<hbm>> -> memref<200x128xf32, #tpu.memory_space<hbm>>
    %dma_wait3A_2145 = arith.constant 0 : i32
    %dma_wait3A_2146 = tpu.memref_slice %arg5[%mul3A_2108, %dma_wait3A_2145] : memref<204800x128xf32, #tpu.memory_space<hbm>> -> memref<200x128xf32, #tpu.memory_space<hbm>>
    tpu.wait_dma2 semaphore(%arg24 : memref<!tpu.dma_semaphore, #tpu.memory_space<semaphore_mem>>) src(%arg11 : memref<200x128xf32, #tpu.memory_space<vmem>>) dst(%dma_wait3A_2146 : memref<200x128xf32, #tpu.memory_space<hbm>>)
    tpu.enqueue_dma source(%arg7 : memref<200x128xf32, #tpu.memory_space<vmem_shared>>) target(%arg11 : memref<200x128xf32, #tpu.memory_space<vmem>>) target_semaphore(%arg16 : memref<!tpu.dma_semaphore, #tpu.memory_space<semaphore_mem>>)
    %dma_wait3A_2147 = arith.constant 28 : i32
    %dma_wait3A_2148 = arith.constant 0 : i32
    %dma_wait3A_2149 = arith.constant 0 : i32
    %dma_wait3A_2150 = arith.constant 0 : i32
    %dma_wait3A_2151 = tpu.memref_slice %arg8[%dma_wait3A_2149, %dma_wait3A_2150] : memref<200x128xf32, #tpu.memory_space<vmem>> -> memref<100x128xf32, #tpu.memory_space<vmem>>
    %dma_wait3A_2152 = arith.constant 0 : i32
    %dma_wait3A_2153 = arith.constant 0 : i32
    %dma_wait3A_2154 = tpu.memref_slice %arg6[%dma_wait3A_2147, %dma_wait3A_2152, %dma_wait3A_2153] : memref<32x2x100xi32, #tpu.memory_space<vmem>> -> memref<1x2x100xi32, #tpu.memory_space<vmem>>
    %dma_wait3A_2155 = tpu.memref_squeeze %dma_wait3A_2154 : memref<1x2x100xi32, #tpu.memory_space<vmem>> -> memref<2x100xi32, #tpu.memory_space<vmem>>
    %dma_wait3A_2156 = arith.constant 0 : i32
    %dma_wait3A_2157 = tpu.memref_slice %dma_wait3A_2155[%dma_wait3A_2148, %dma_wait3A_2156] : memref<2x100xi32, #tpu.memory_space<vmem>> -> memref<1x100xi32, #tpu.memory_space<vmem>>
    %dma_wait3A_2158 = tpu.memref_squeeze %dma_wait3A_2157 : memref<1x100xi32, #tpu.memory_space<vmem>> -> memref<100xi32, #tpu.memory_space<vmem>>
    %dma_wait3A_2159 = arith.constant 0 : i32
    %dma_wait3A_2160 = arith.constant 0 : i32
    %dma_wait3A_2161 = tpu.memref_slice %arg2[%dma_wait3A_2159, %dma_wait3A_2160] : memref<100000x128xf32, #tpu.memory_space<hbm>> -> memref<100000x128xf32, #tpu.memory_space<hbm>>
    tpu.wait_indirect_dma semaphore(%arg17 : memref<!tpu.dma_semaphore, #tpu.memory_space<semaphore_mem>>) src(%dma_wait3A_2161 : memref<100000x128xf32, #tpu.memory_space<hbm>>) dst(%dma_wait3A_2151 : memref<100x128xf32, #tpu.memory_space<vmem>>)
    %dma_wait3A_2162 = arith.constant 28 : i32
    %dma_wait3A_2163 = arith.constant 1 : i32
    %dma_wait3A_2164 = arith.constant 100 : i32
    %dma_wait3A_2165 = arith.constant 0 : i32
    %dma_wait3A_2166 = tpu.memref_slice %arg8[%dma_wait3A_2164, %dma_wait3A_2165] : memref<200x128xf32, #tpu.memory_space<vmem>> -> memref<100x128xf32, #tpu.memory_space<vmem>>
    %dma_wait3A_2167 = arith.constant 0 : i32
    %dma_wait3A_2168 = arith.constant 0 : i32
    %dma_wait3A_2169 = tpu.memref_slice %arg6[%dma_wait3A_2162, %dma_wait3A_2167, %dma_wait3A_2168] : memref<32x2x100xi32, #tpu.memory_space<vmem>> -> memref<1x2x100xi32, #tpu.memory_space<vmem>>
    %dma_wait3A_2170 = tpu.memref_squeeze %dma_wait3A_2169 : memref<1x2x100xi32, #tpu.memory_space<vmem>> -> memref<2x100xi32, #tpu.memory_space<vmem>>
    %dma_wait3A_2171 = arith.constant 0 : i32
    %dma_wait3A_2172 = tpu.memref_slice %dma_wait3A_2170[%dma_wait3A_2163, %dma_wait3A_2171] : memref<2x100xi32, #tpu.memory_space<vmem>> -> memref<1x100xi32, #tpu.memory_space<vmem>>
    %dma_wait3A_2173 = tpu.memref_squeeze %dma_wait3A_2172 : memref<1x100xi32, #tpu.memory_space<vmem>> -> memref<100xi32, #tpu.memory_space<vmem>>
    %dma_wait3A_2174 = arith.constant 0 : i32
    %dma_wait3A_2175 = arith.constant 0 : i32
    %dma_wait3A_2176 = tpu.memref_slice %arg2[%dma_wait3A_2174, %dma_wait3A_2175] : memref<100000x128xf32, #tpu.memory_space<hbm>> -> memref<100000x128xf32, #tpu.memory_space<hbm>>
    tpu.wait_indirect_dma semaphore(%arg17 : memref<!tpu.dma_semaphore, #tpu.memory_space<semaphore_mem>>) src(%dma_wait3A_2176 : memref<100000x128xf32, #tpu.memory_space<hbm>>) dst(%dma_wait3A_2166 : memref<100x128xf32, #tpu.memory_space<vmem>>)
    %mul3A_2177 = arith.constant 32 : i32
    %mul3A_2178 = arith.muli %add3A, %mul3A_2177 : i32
    %add3A_2179 = arith.constant 28 : i32
    %add3A_2180 = arith.addi %mul3A_2178, %add3A_2179 : i32
    %mul3A_2181 = arith.constant 200 : i32
    %mul3A_2182 = arith.muli %add3A_2180, %mul3A_2181 : i32
    %dma_start3A_2183 = arith.constant 0 : i32
    %dma_start3A_2184 = tpu.memref_slice %arg5[%mul3A_2182, %dma_start3A_2183] : memref<204800x128xf32, #tpu.memory_space<hbm>> -> memref<200x128xf32, #tpu.memory_space<hbm>>
    %dma_start3A_2185 = arith.constant 0 : i32
    %dma_start3A_2186 = tpu.memref_slice %arg5[%mul3A_2182, %dma_start3A_2185] : memref<204800x128xf32, #tpu.memory_space<hbm>> -> memref<200x128xf32, #tpu.memory_space<hbm>>
    tpu.enqueue_dma source(%arg8 : memref<200x128xf32, #tpu.memory_space<vmem>>) target(%dma_start3A_2186 : memref<200x128xf32, #tpu.memory_space<hbm>>) target_semaphore(%arg21 : memref<!tpu.dma_semaphore, #tpu.memory_space<semaphore_mem>>)
    tpu.wait_dma2 semaphore(%arg15 : memref<!tpu.dma_semaphore, #tpu.memory_space<semaphore_mem>>) src(%arg7 : memref<200x128xf32, #tpu.memory_space<vmem_shared>>) dst(%arg10 : memref<200x128xf32, #tpu.memory_space<vmem>>)
    %dma_start3A_2187 = arith.constant 30 : i32
    %dma_start3A_2188 = arith.constant 0 : i32
    %dma_start3A_2189 = arith.constant 0 : i32
    %dma_start3A_2190 = arith.constant 0 : i32
    %dma_start3A_2191 = tpu.memref_slice %arg10[%dma_start3A_2189, %dma_start3A_2190] : memref<200x128xf32, #tpu.memory_space<vmem>> -> memref<100x128xf32, #tpu.memory_space<vmem>>
    %dma_start3A_2192 = arith.constant 0 : i32
    %dma_start3A_2193 = arith.constant 0 : i32
    %dma_start3A_2194 = tpu.memref_slice %arg6[%dma_start3A_2187, %dma_start3A_2192, %dma_start3A_2193] : memref<32x2x100xi32, #tpu.memory_space<vmem>> -> memref<1x2x100xi32, #tpu.memory_space<vmem>>
    %dma_start3A_2195 = tpu.memref_squeeze %dma_start3A_2194 : memref<1x2x100xi32, #tpu.memory_space<vmem>> -> memref<2x100xi32, #tpu.memory_space<vmem>>
    %dma_start3A_2196 = arith.constant 0 : i32
    %dma_start3A_2197 = tpu.memref_slice %dma_start3A_2195[%dma_start3A_2188, %dma_start3A_2196] : memref<2x100xi32, #tpu.memory_space<vmem>> -> memref<1x100xi32, #tpu.memory_space<vmem>>
    %dma_start3A_2198 = tpu.memref_squeeze %dma_start3A_2197 : memref<1x100xi32, #tpu.memory_space<vmem>> -> memref<100xi32, #tpu.memory_space<vmem>>
    %dma_start3A_2199 = arith.constant 0 : i32
    %dma_start3A_2200 = arith.constant 0 : i32
    %dma_start3A_2201 = tpu.memref_slice %arg2[%dma_start3A_2199, %dma_start3A_2200] : memref<100000x128xf32, #tpu.memory_space<hbm>> -> memref<100000x128xf32, #tpu.memory_space<hbm>>
    tpu.enqueue_indirect_dma source(%dma_start3A_2201 : memref<100000x128xf32, #tpu.memory_space<hbm>>) target(%dma_start3A_2191 : memref<100x128xf32, #tpu.memory_space<vmem>>) offsets(%dma_start3A_2198 : memref<100xi32, #tpu.memory_space<vmem>>) semaphore(%arg19 : memref<!tpu.dma_semaphore, #tpu.memory_space<semaphore_mem>>) {add = true}
    %dma_start3A_2202 = arith.constant 30 : i32
    %dma_start3A_2203 = arith.constant 1 : i32
    %dma_start3A_2204 = arith.constant 100 : i32
    %dma_start3A_2205 = arith.constant 0 : i32
    %dma_start3A_2206 = tpu.memref_slice %arg10[%dma_start3A_2204, %dma_start3A_2205] : memref<200x128xf32, #tpu.memory_space<vmem>> -> memref<100x128xf32, #tpu.memory_space<vmem>>
    %dma_start3A_2207 = arith.constant 0 : i32
    %dma_start3A_2208 = arith.constant 0 : i32
    %dma_start3A_2209 = tpu.memref_slice %arg6[%dma_start3A_2202, %dma_start3A_2207, %dma_start3A_2208] : memref<32x2x100xi32, #tpu.memory_space<vmem>> -> memref<1x2x100xi32, #tpu.memory_space<vmem>>
    %dma_start3A_2210 = tpu.memref_squeeze %dma_start3A_2209 : memref<1x2x100xi32, #tpu.memory_space<vmem>> -> memref<2x100xi32, #tpu.memory_space<vmem>>
    %dma_start3A_2211 = arith.constant 0 : i32
    %dma_start3A_2212 = tpu.memref_slice %dma_start3A_2210[%dma_start3A_2203, %dma_start3A_2211] : memref<2x100xi32, #tpu.memory_space<vmem>> -> memref<1x100xi32, #tpu.memory_space<vmem>>
    %dma_start3A_2213 = tpu.memref_squeeze %dma_start3A_2212 : memref<1x100xi32, #tpu.memory_space<vmem>> -> memref<100xi32, #tpu.memory_space<vmem>>
    %dma_start3A_2214 = arith.constant 0 : i32
    %dma_start3A_2215 = arith.constant 0 : i32
    %dma_start3A_2216 = tpu.memref_slice %arg2[%dma_start3A_2214, %dma_start3A_2215] : memref<100000x128xf32, #tpu.memory_space<hbm>> -> memref<100000x128xf32, #tpu.memory_space<hbm>>
    tpu.enqueue_indirect_dma source(%dma_start3A_2216 : memref<100000x128xf32, #tpu.memory_space<hbm>>) target(%dma_start3A_2206 : memref<100x128xf32, #tpu.memory_space<vmem>>) offsets(%dma_start3A_2213 : memref<100xi32, #tpu.memory_space<vmem>>) semaphore(%arg19 : memref<!tpu.dma_semaphore, #tpu.memory_space<semaphore_mem>>) {add = true}
    %dma_wait3A_2217 = arith.constant 29 : i32
    %dma_wait3A_2218 = arith.constant 0 : i32
    %dma_wait3A_2219 = arith.constant 0 : i32
    %dma_wait3A_2220 = arith.constant 0 : i32
    %dma_wait3A_2221 = tpu.memref_slice %arg9[%dma_wait3A_2219, %dma_wait3A_2220] : memref<200x128xf32, #tpu.memory_space<vmem>> -> memref<100x128xf32, #tpu.memory_space<vmem>>
    %dma_wait3A_2222 = arith.constant 0 : i32
    %dma_wait3A_2223 = arith.constant 0 : i32
    %dma_wait3A_2224 = tpu.memref_slice %arg6[%dma_wait3A_2217, %dma_wait3A_2222, %dma_wait3A_2223] : memref<32x2x100xi32, #tpu.memory_space<vmem>> -> memref<1x2x100xi32, #tpu.memory_space<vmem>>
    %dma_wait3A_2225 = tpu.memref_squeeze %dma_wait3A_2224 : memref<1x2x100xi32, #tpu.memory_space<vmem>> -> memref<2x100xi32, #tpu.memory_space<vmem>>
    %dma_wait3A_2226 = arith.constant 0 : i32
    %dma_wait3A_2227 = tpu.memref_slice %dma_wait3A_2225[%dma_wait3A_2218, %dma_wait3A_2226] : memref<2x100xi32, #tpu.memory_space<vmem>> -> memref<1x100xi32, #tpu.memory_space<vmem>>
    %dma_wait3A_2228 = tpu.memref_squeeze %dma_wait3A_2227 : memref<1x100xi32, #tpu.memory_space<vmem>> -> memref<100xi32, #tpu.memory_space<vmem>>
    %dma_wait3A_2229 = arith.constant 0 : i32
    %dma_wait3A_2230 = arith.constant 0 : i32
    %dma_wait3A_2231 = tpu.memref_slice %arg2[%dma_wait3A_2229, %dma_wait3A_2230] : memref<100000x128xf32, #tpu.memory_space<hbm>> -> memref<100000x128xf32, #tpu.memory_space<hbm>>
    tpu.wait_indirect_dma semaphore(%arg18 : memref<!tpu.dma_semaphore, #tpu.memory_space<semaphore_mem>>) src(%dma_wait3A_2231 : memref<100000x128xf32, #tpu.memory_space<hbm>>) dst(%dma_wait3A_2221 : memref<100x128xf32, #tpu.memory_space<vmem>>)
    %dma_wait3A_2232 = arith.constant 29 : i32
    %dma_wait3A_2233 = arith.constant 1 : i32
    %dma_wait3A_2234 = arith.constant 100 : i32
    %dma_wait3A_2235 = arith.constant 0 : i32
    %dma_wait3A_2236 = tpu.memref_slice %arg9[%dma_wait3A_2234, %dma_wait3A_2235] : memref<200x128xf32, #tpu.memory_space<vmem>> -> memref<100x128xf32, #tpu.memory_space<vmem>>
    %dma_wait3A_2237 = arith.constant 0 : i32
    %dma_wait3A_2238 = arith.constant 0 : i32
    %dma_wait3A_2239 = tpu.memref_slice %arg6[%dma_wait3A_2232, %dma_wait3A_2237, %dma_wait3A_2238] : memref<32x2x100xi32, #tpu.memory_space<vmem>> -> memref<1x2x100xi32, #tpu.memory_space<vmem>>
    %dma_wait3A_2240 = tpu.memref_squeeze %dma_wait3A_2239 : memref<1x2x100xi32, #tpu.memory_space<vmem>> -> memref<2x100xi32, #tpu.memory_space<vmem>>
    %dma_wait3A_2241 = arith.constant 0 : i32
    %dma_wait3A_2242 = tpu.memref_slice %dma_wait3A_2240[%dma_wait3A_2233, %dma_wait3A_2241] : memref<2x100xi32, #tpu.memory_space<vmem>> -> memref<1x100xi32, #tpu.memory_space<vmem>>
    %dma_wait3A_2243 = tpu.memref_squeeze %dma_wait3A_2242 : memref<1x100xi32, #tpu.memory_space<vmem>> -> memref<100xi32, #tpu.memory_space<vmem>>
    %dma_wait3A_2244 = arith.constant 0 : i32
    %dma_wait3A_2245 = arith.constant 0 : i32
    %dma_wait3A_2246 = tpu.memref_slice %arg2[%dma_wait3A_2244, %dma_wait3A_2245] : memref<100000x128xf32, #tpu.memory_space<hbm>> -> memref<100000x128xf32, #tpu.memory_space<hbm>>
    tpu.wait_indirect_dma semaphore(%arg18 : memref<!tpu.dma_semaphore, #tpu.memory_space<semaphore_mem>>) src(%dma_wait3A_2246 : memref<100000x128xf32, #tpu.memory_space<hbm>>) dst(%dma_wait3A_2236 : memref<100x128xf32, #tpu.memory_space<vmem>>)
    %mul3A_2247 = arith.constant 32 : i32
    %mul3A_2248 = arith.muli %add3A, %mul3A_2247 : i32
    %add3A_2249 = arith.constant 29 : i32
    %add3A_2250 = arith.addi %mul3A_2248, %add3A_2249 : i32
    %mul3A_2251 = arith.constant 200 : i32
    %mul3A_2252 = arith.muli %add3A_2250, %mul3A_2251 : i32
    %dma_start3A_2253 = arith.constant 0 : i32
    %dma_start3A_2254 = tpu.memref_slice %arg5[%mul3A_2252, %dma_start3A_2253] : memref<204800x128xf32, #tpu.memory_space<hbm>> -> memref<200x128xf32, #tpu.memory_space<hbm>>
    %dma_start3A_2255 = arith.constant 0 : i32
    %dma_start3A_2256 = tpu.memref_slice %arg5[%mul3A_2252, %dma_start3A_2255] : memref<204800x128xf32, #tpu.memory_space<hbm>> -> memref<200x128xf32, #tpu.memory_space<hbm>>
    tpu.enqueue_dma source(%arg9 : memref<200x128xf32, #tpu.memory_space<vmem>>) target(%dma_start3A_2256 : memref<200x128xf32, #tpu.memory_space<hbm>>) target_semaphore(%arg22 : memref<!tpu.dma_semaphore, #tpu.memory_space<semaphore_mem>>)
    tpu.wait_dma2 semaphore(%arg16 : memref<!tpu.dma_semaphore, #tpu.memory_space<semaphore_mem>>) src(%arg7 : memref<200x128xf32, #tpu.memory_space<vmem_shared>>) dst(%arg11 : memref<200x128xf32, #tpu.memory_space<vmem>>)
    %dma_start3A_2257 = arith.constant 31 : i32
    %dma_start3A_2258 = arith.constant 0 : i32
    %dma_start3A_2259 = arith.constant 0 : i32
    %dma_start3A_2260 = arith.constant 0 : i32
    %dma_start3A_2261 = tpu.memref_slice %arg11[%dma_start3A_2259, %dma_start3A_2260] : memref<200x128xf32, #tpu.memory_space<vmem>> -> memref<100x128xf32, #tpu.memory_space<vmem>>
    %dma_start3A_2262 = arith.constant 0 : i32
    %dma_start3A_2263 = arith.constant 0 : i32
    %dma_start3A_2264 = tpu.memref_slice %arg6[%dma_start3A_2257, %dma_start3A_2262, %dma_start3A_2263] : memref<32x2x100xi32, #tpu.memory_space<vmem>> -> memref<1x2x100xi32, #tpu.memory_space<vmem>>
    %dma_start3A_2265 = tpu.memref_squeeze %dma_start3A_2264 : memref<1x2x100xi32, #tpu.memory_space<vmem>> -> memref<2x100xi32, #tpu.memory_space<vmem>>
    %dma_start3A_2266 = arith.constant 0 : i32
    %dma_start3A_2267 = tpu.memref_slice %dma_start3A_2265[%dma_start3A_2258, %dma_start3A_2266] : memref<2x100xi32, #tpu.memory_space<vmem>> -> memref<1x100xi32, #tpu.memory_space<vmem>>
    %dma_start3A_2268 = tpu.memref_squeeze %dma_start3A_2267 : memref<1x100xi32, #tpu.memory_space<vmem>> -> memref<100xi32, #tpu.memory_space<vmem>>
    %dma_start3A_2269 = arith.constant 0 : i32
    %dma_start3A_2270 = arith.constant 0 : i32
    %dma_start3A_2271 = tpu.memref_slice %arg2[%dma_start3A_2269, %dma_start3A_2270] : memref<100000x128xf32, #tpu.memory_space<hbm>> -> memref<100000x128xf32, #tpu.memory_space<hbm>>
    tpu.enqueue_indirect_dma source(%dma_start3A_2271 : memref<100000x128xf32, #tpu.memory_space<hbm>>) target(%dma_start3A_2261 : memref<100x128xf32, #tpu.memory_space<vmem>>) offsets(%dma_start3A_2268 : memref<100xi32, #tpu.memory_space<vmem>>) semaphore(%arg20 : memref<!tpu.dma_semaphore, #tpu.memory_space<semaphore_mem>>) {add = true}
    %dma_start3A_2272 = arith.constant 31 : i32
    %dma_start3A_2273 = arith.constant 1 : i32
    %dma_start3A_2274 = arith.constant 100 : i32
    %dma_start3A_2275 = arith.constant 0 : i32
    %dma_start3A_2276 = tpu.memref_slice %arg11[%dma_start3A_2274, %dma_start3A_2275] : memref<200x128xf32, #tpu.memory_space<vmem>> -> memref<100x128xf32, #tpu.memory_space<vmem>>
    %dma_start3A_2277 = arith.constant 0 : i32
    %dma_start3A_2278 = arith.constant 0 : i32
    %dma_start3A_2279 = tpu.memref_slice %arg6[%dma_start3A_2272, %dma_start3A_2277, %dma_start3A_2278] : memref<32x2x100xi32, #tpu.memory_space<vmem>> -> memref<1x2x100xi32, #tpu.memory_space<vmem>>
    %dma_start3A_2280 = tpu.memref_squeeze %dma_start3A_2279 : memref<1x2x100xi32, #tpu.memory_space<vmem>> -> memref<2x100xi32, #tpu.memory_space<vmem>>
    %dma_start3A_2281 = arith.constant 0 : i32
    %dma_start3A_2282 = tpu.memref_slice %dma_start3A_2280[%dma_start3A_2273, %dma_start3A_2281] : memref<2x100xi32, #tpu.memory_space<vmem>> -> memref<1x100xi32, #tpu.memory_space<vmem>>
    %dma_start3A_2283 = tpu.memref_squeeze %dma_start3A_2282 : memref<1x100xi32, #tpu.memory_space<vmem>> -> memref<100xi32, #tpu.memory_space<vmem>>
    %dma_start3A_2284 = arith.constant 0 : i32
    %dma_start3A_2285 = arith.constant 0 : i32
    %dma_start3A_2286 = tpu.memref_slice %arg2[%dma_start3A_2284, %dma_start3A_2285] : memref<100000x128xf32, #tpu.memory_space<hbm>> -> memref<100000x128xf32, #tpu.memory_space<hbm>>
    tpu.enqueue_indirect_dma source(%dma_start3A_2286 : memref<100000x128xf32, #tpu.memory_space<hbm>>) target(%dma_start3A_2276 : memref<100x128xf32, #tpu.memory_space<vmem>>) offsets(%dma_start3A_2283 : memref<100xi32, #tpu.memory_space<vmem>>) semaphore(%arg20 : memref<!tpu.dma_semaphore, #tpu.memory_space<semaphore_mem>>) {add = true}
    %dma_wait3A_2287 = arith.constant 30 : i32
    %dma_wait3A_2288 = arith.constant 0 : i32
    %dma_wait3A_2289 = arith.constant 0 : i32
    %dma_wait3A_2290 = arith.constant 0 : i32
    %dma_wait3A_2291 = tpu.memref_slice %arg10[%dma_wait3A_2289, %dma_wait3A_2290] : memref<200x128xf32, #tpu.memory_space<vmem>> -> memref<100x128xf32, #tpu.memory_space<vmem>>
    %dma_wait3A_2292 = arith.constant 0 : i32
    %dma_wait3A_2293 = arith.constant 0 : i32
    %dma_wait3A_2294 = tpu.memref_slice %arg6[%dma_wait3A_2287, %dma_wait3A_2292, %dma_wait3A_2293] : memref<32x2x100xi32, #tpu.memory_space<vmem>> -> memref<1x2x100xi32, #tpu.memory_space<vmem>>
    %dma_wait3A_2295 = tpu.memref_squeeze %dma_wait3A_2294 : memref<1x2x100xi32, #tpu.memory_space<vmem>> -> memref<2x100xi32, #tpu.memory_space<vmem>>
    %dma_wait3A_2296 = arith.constant 0 : i32
    %dma_wait3A_2297 = tpu.memref_slice %dma_wait3A_2295[%dma_wait3A_2288, %dma_wait3A_2296] : memref<2x100xi32, #tpu.memory_space<vmem>> -> memref<1x100xi32, #tpu.memory_space<vmem>>
    %dma_wait3A_2298 = tpu.memref_squeeze %dma_wait3A_2297 : memref<1x100xi32, #tpu.memory_space<vmem>> -> memref<100xi32, #tpu.memory_space<vmem>>
    %dma_wait3A_2299 = arith.constant 0 : i32
    %dma_wait3A_2300 = arith.constant 0 : i32
    %dma_wait3A_2301 = tpu.memref_slice %arg2[%dma_wait3A_2299, %dma_wait3A_2300] : memref<100000x128xf32, #tpu.memory_space<hbm>> -> memref<100000x128xf32, #tpu.memory_space<hbm>>
    tpu.wait_indirect_dma semaphore(%arg19 : memref<!tpu.dma_semaphore, #tpu.memory_space<semaphore_mem>>) src(%dma_wait3A_2301 : memref<100000x128xf32, #tpu.memory_space<hbm>>) dst(%dma_wait3A_2291 : memref<100x128xf32, #tpu.memory_space<vmem>>)
    %dma_wait3A_2302 = arith.constant 30 : i32
    %dma_wait3A_2303 = arith.constant 1 : i32
    %dma_wait3A_2304 = arith.constant 100 : i32
    %dma_wait3A_2305 = arith.constant 0 : i32
    %dma_wait3A_2306 = tpu.memref_slice %arg10[%dma_wait3A_2304, %dma_wait3A_2305] : memref<200x128xf32, #tpu.memory_space<vmem>> -> memref<100x128xf32, #tpu.memory_space<vmem>>
    %dma_wait3A_2307 = arith.constant 0 : i32
    %dma_wait3A_2308 = arith.constant 0 : i32
    %dma_wait3A_2309 = tpu.memref_slice %arg6[%dma_wait3A_2302, %dma_wait3A_2307, %dma_wait3A_2308] : memref<32x2x100xi32, #tpu.memory_space<vmem>> -> memref<1x2x100xi32, #tpu.memory_space<vmem>>
    %dma_wait3A_2310 = tpu.memref_squeeze %dma_wait3A_2309 : memref<1x2x100xi32, #tpu.memory_space<vmem>> -> memref<2x100xi32, #tpu.memory_space<vmem>>
    %dma_wait3A_2311 = arith.constant 0 : i32
    %dma_wait3A_2312 = tpu.memref_slice %dma_wait3A_2310[%dma_wait3A_2303, %dma_wait3A_2311] : memref<2x100xi32, #tpu.memory_space<vmem>> -> memref<1x100xi32, #tpu.memory_space<vmem>>
    %dma_wait3A_2313 = tpu.memref_squeeze %dma_wait3A_2312 : memref<1x100xi32, #tpu.memory_space<vmem>> -> memref<100xi32, #tpu.memory_space<vmem>>
    %dma_wait3A_2314 = arith.constant 0 : i32
    %dma_wait3A_2315 = arith.constant 0 : i32
    %dma_wait3A_2316 = tpu.memref_slice %arg2[%dma_wait3A_2314, %dma_wait3A_2315] : memref<100000x128xf32, #tpu.memory_space<hbm>> -> memref<100000x128xf32, #tpu.memory_space<hbm>>
    tpu.wait_indirect_dma semaphore(%arg19 : memref<!tpu.dma_semaphore, #tpu.memory_space<semaphore_mem>>) src(%dma_wait3A_2316 : memref<100000x128xf32, #tpu.memory_space<hbm>>) dst(%dma_wait3A_2306 : memref<100x128xf32, #tpu.memory_space<vmem>>)
    %mul3A_2317 = arith.constant 32 : i32
    %mul3A_2318 = arith.muli %add3A, %mul3A_2317 : i32
    %add3A_2319 = arith.constant 30 : i32
    %add3A_2320 = arith.addi %mul3A_2318, %add3A_2319 : i32
    %mul3A_2321 = arith.constant 200 : i32
    %mul3A_2322 = arith.muli %add3A_2320, %mul3A_2321 : i32
    %dma_start3A_2323 = arith.constant 0 : i32
    %dma_start3A_2324 = tpu.memref_slice %arg5[%mul3A_2322, %dma_start3A_2323] : memref<204800x128xf32, #tpu.memory_space<hbm>> -> memref<200x128xf32, #tpu.memory_space<hbm>>
    %dma_start3A_2325 = arith.constant 0 : i32
    %dma_start3A_2326 = tpu.memref_slice %arg5[%mul3A_2322, %dma_start3A_2325] : memref<204800x128xf32, #tpu.memory_space<hbm>> -> memref<200x128xf32, #tpu.memory_space<hbm>>
    tpu.enqueue_dma source(%arg10 : memref<200x128xf32, #tpu.memory_space<vmem>>) target(%dma_start3A_2326 : memref<200x128xf32, #tpu.memory_space<hbm>>) target_semaphore(%arg23 : memref<!tpu.dma_semaphore, #tpu.memory_space<semaphore_mem>>)
    %dma_wait3A_2327 = arith.constant 31 : i32
    %dma_wait3A_2328 = arith.constant 0 : i32
    %dma_wait3A_2329 = arith.constant 0 : i32
    %dma_wait3A_2330 = arith.constant 0 : i32
    %dma_wait3A_2331 = tpu.memref_slice %arg11[%dma_wait3A_2329, %dma_wait3A_2330] : memref<200x128xf32, #tpu.memory_space<vmem>> -> memref<100x128xf32, #tpu.memory_space<vmem>>
    %dma_wait3A_2332 = arith.constant 0 : i32
    %dma_wait3A_2333 = arith.constant 0 : i32
    %dma_wait3A_2334 = tpu.memref_slice %arg6[%dma_wait3A_2327, %dma_wait3A_2332, %dma_wait3A_2333] : memref<32x2x100xi32, #tpu.memory_space<vmem>> -> memref<1x2x100xi32, #tpu.memory_space<vmem>>
    %dma_wait3A_2335 = tpu.memref_squeeze %dma_wait3A_2334 : memref<1x2x100xi32, #tpu.memory_space<vmem>> -> memref<2x100xi32, #tpu.memory_space<vmem>>
    %dma_wait3A_2336 = arith.constant 0 : i32
    %dma_wait3A_2337 = tpu.memref_slice %dma_wait3A_2335[%dma_wait3A_2328, %dma_wait3A_2336] : memref<2x100xi32, #tpu.memory_space<vmem>> -> memref<1x100xi32, #tpu.memory_space<vmem>>
    %dma_wait3A_2338 = tpu.memref_squeeze %dma_wait3A_2337 : memref<1x100xi32, #tpu.memory_space<vmem>> -> memref<100xi32, #tpu.memory_space<vmem>>
    %dma_wait3A_2339 = arith.constant 0 : i32
    %dma_wait3A_2340 = arith.constant 0 : i32
    %dma_wait3A_2341 = tpu.memref_slice %arg2[%dma_wait3A_2339, %dma_wait3A_2340] : memref<100000x128xf32, #tpu.memory_space<hbm>> -> memref<100000x128xf32, #tpu.memory_space<hbm>>
    tpu.wait_indirect_dma semaphore(%arg20 : memref<!tpu.dma_semaphore, #tpu.memory_space<semaphore_mem>>) src(%dma_wait3A_2341 : memref<100000x128xf32, #tpu.memory_space<hbm>>) dst(%dma_wait3A_2331 : memref<100x128xf32, #tpu.memory_space<vmem>>)
    %dma_wait3A_2342 = arith.constant 31 : i32
    %dma_wait3A_2343 = arith.constant 1 : i32
    %dma_wait3A_2344 = arith.constant 100 : i32
    %dma_wait3A_2345 = arith.constant 0 : i32
    %dma_wait3A_2346 = tpu.memref_slice %arg11[%dma_wait3A_2344, %dma_wait3A_2345] : memref<200x128xf32, #tpu.memory_space<vmem>> -> memref<100x128xf32, #tpu.memory_space<vmem>>
    %dma_wait3A_2347 = arith.constant 0 : i32
    %dma_wait3A_2348 = arith.constant 0 : i32
    %dma_wait3A_2349 = tpu.memref_slice %arg6[%dma_wait3A_2342, %dma_wait3A_2347, %dma_wait3A_2348] : memref<32x2x100xi32, #tpu.memory_space<vmem>> -> memref<1x2x100xi32, #tpu.memory_space<vmem>>
    %dma_wait3A_2350 = tpu.memref_squeeze %dma_wait3A_2349 : memref<1x2x100xi32, #tpu.memory_space<vmem>> -> memref<2x100xi32, #tpu.memory_space<vmem>>
    %dma_wait3A_2351 = arith.constant 0 : i32
    %dma_wait3A_2352 = tpu.memref_slice %dma_wait3A_2350[%dma_wait3A_2343, %dma_wait3A_2351] : memref<2x100xi32, #tpu.memory_space<vmem>> -> memref<1x100xi32, #tpu.memory_space<vmem>>
    %dma_wait3A_2353 = tpu.memref_squeeze %dma_wait3A_2352 : memref<1x100xi32, #tpu.memory_space<vmem>> -> memref<100xi32, #tpu.memory_space<vmem>>
    %dma_wait3A_2354 = arith.constant 0 : i32
    %dma_wait3A_2355 = arith.constant 0 : i32
    %dma_wait3A_2356 = tpu.memref_slice %arg2[%dma_wait3A_2354, %dma_wait3A_2355] : memref<100000x128xf32, #tpu.memory_space<hbm>> -> memref<100000x128xf32, #tpu.memory_space<hbm>>
    tpu.wait_indirect_dma semaphore(%arg20 : memref<!tpu.dma_semaphore, #tpu.memory_space<semaphore_mem>>) src(%dma_wait3A_2356 : memref<100000x128xf32, #tpu.memory_space<hbm>>) dst(%dma_wait3A_2346 : memref<100x128xf32, #tpu.memory_space<vmem>>)
    %mul3A_2357 = arith.constant 32 : i32
    %mul3A_2358 = arith.muli %add3A, %mul3A_2357 : i32
    %add3A_2359 = arith.constant 31 : i32
    %add3A_2360 = arith.addi %mul3A_2358, %add3A_2359 : i32
    %mul3A_2361 = arith.constant 200 : i32
    %mul3A_2362 = arith.muli %add3A_2360, %mul3A_2361 : i32
    %dma_start3A_2363 = arith.constant 0 : i32
    %dma_start3A_2364 = tpu.memref_slice %arg5[%mul3A_2362, %dma_start3A_2363] : memref<204800x128xf32, #tpu.memory_space<hbm>> -> memref<200x128xf32, #tpu.memory_space<hbm>>
    %dma_start3A_2365 = arith.constant 0 : i32
    %dma_start3A_2366 = tpu.memref_slice %arg5[%mul3A_2362, %dma_start3A_2365] : memref<204800x128xf32, #tpu.memory_space<hbm>> -> memref<200x128xf32, #tpu.memory_space<hbm>>
    tpu.enqueue_dma source(%arg11 : memref<200x128xf32, #tpu.memory_space<vmem>>) target(%dma_start3A_2366 : memref<200x128xf32, #tpu.memory_space<hbm>>) target_semaphore(%arg24 : memref<!tpu.dma_semaphore, #tpu.memory_space<semaphore_mem>>)
    %dma_wait3A_2367 = arith.constant 0 : i32
    %dma_wait3A_2368 = tpu.memref_slice %arg5[%mul3A_2182, %dma_wait3A_2367] : memref<204800x128xf32, #tpu.memory_space<hbm>> -> memref<200x128xf32, #tpu.memory_space<hbm>>
    %dma_wait3A_2369 = arith.constant 0 : i32
    %dma_wait3A_2370 = tpu.memref_slice %arg5[%mul3A_2182, %dma_wait3A_2369] : memref<204800x128xf32, #tpu.memory_space<hbm>> -> memref<200x128xf32, #tpu.memory_space<hbm>>
    tpu.wait_dma2 semaphore(%arg21 : memref<!tpu.dma_semaphore, #tpu.memory_space<semaphore_mem>>) src(%arg8 : memref<200x128xf32, #tpu.memory_space<vmem>>) dst(%dma_wait3A_2370 : memref<200x128xf32, #tpu.memory_space<hbm>>)
    %dma_wait3A_2371 = arith.constant 0 : i32
    %dma_wait3A_2372 = tpu.memref_slice %arg5[%mul3A_2252, %dma_wait3A_2371] : memref<204800x128xf32, #tpu.memory_space<hbm>> -> memref<200x128xf32, #tpu.memory_space<hbm>>
    %dma_wait3A_2373 = arith.constant 0 : i32
    %dma_wait3A_2374 = tpu.memref_slice %arg5[%mul3A_2252, %dma_wait3A_2373] : memref<204800x128xf32, #tpu.memory_space<hbm>> -> memref<200x128xf32, #tpu.memory_space<hbm>>
    tpu.wait_dma2 semaphore(%arg22 : memref<!tpu.dma_semaphore, #tpu.memory_space<semaphore_mem>>) src(%arg9 : memref<200x128xf32, #tpu.memory_space<vmem>>) dst(%dma_wait3A_2374 : memref<200x128xf32, #tpu.memory_space<hbm>>)
    %dma_wait3A_2375 = arith.constant 0 : i32
    %dma_wait3A_2376 = tpu.memref_slice %arg5[%mul3A_2322, %dma_wait3A_2375] : memref<204800x128xf32, #tpu.memory_space<hbm>> -> memref<200x128xf32, #tpu.memory_space<hbm>>
    %dma_wait3A_2377 = arith.constant 0 : i32
    %dma_wait3A_2378 = tpu.memref_slice %arg5[%mul3A_2322, %dma_wait3A_2377] : memref<204800x128xf32, #tpu.memory_space<hbm>> -> memref<200x128xf32, #tpu.memory_space<hbm>>
    tpu.wait_dma2 semaphore(%arg23 : memref<!tpu.dma_semaphore, #tpu.memory_space<semaphore_mem>>) src(%arg10 : memref<200x128xf32, #tpu.memory_space<vmem>>) dst(%dma_wait3A_2378 : memref<200x128xf32, #tpu.memory_space<hbm>>)
    %dma_wait3A_2379 = arith.constant 0 : i32
    %dma_wait3A_2380 = tpu.memref_slice %arg5[%mul3A_2362, %dma_wait3A_2379] : memref<204800x128xf32, #tpu.memory_space<hbm>> -> memref<200x128xf32, #tpu.memory_space<hbm>>
    %dma_wait3A_2381 = arith.constant 0 : i32
    %dma_wait3A_2382 = tpu.memref_slice %arg5[%mul3A_2362, %dma_wait3A_2381] : memref<204800x128xf32, #tpu.memory_space<hbm>> -> memref<200x128xf32, #tpu.memory_space<hbm>>
    tpu.wait_dma2 semaphore(%arg24 : memref<!tpu.dma_semaphore, #tpu.memory_space<semaphore_mem>>) src(%arg11 : memref<200x128xf32, #tpu.memory_space<vmem>>) dst(%dma_wait3A_2382 : memref<200x128xf32, #tpu.memory_space<hbm>>)
    return
  }
}

</mosaic_0001>

<sc_bundles>
// kernel: kernel.3.cloned.1.call-start
scs
__scs_entry_jumppad:
0x0: {  	(pc) =	sbr.rel $0x88, $3  }
0x1: {  	(tag) =	ssettag $0x0;
	lr =	simm.s32 $0x1  }
0x2: {  	[smem:$0x3F9E] =	sst lr;
	_ =	strace $0xD0000000  }
0x3: {  	_ = 	snop  }
0x4: {  	_ = 	snop  }
0x5: {  	_ = 	snop  }
0x6: {  	_ = 	snop  }
0x7: {  	_ = 	snop  }
__scs_overlays_trampoline_lowered:
0x8: {  	[smem:$0x3FAD] =	sst s0  }
0x9: {  	[smem:$0x3FAE] =	sst s1  }
0xa: {  	[smem:$0x3FAF] =	sst s2  }
0xb: {  	[smem:$0x3FB0] =	sst s3  }
0xc: {  	[smem:$0x3FB1] =	sst s4  }
0xd: {  	[smem:$0x3FB2] =	sst s5  }
0xe: {  	[smem:$0x3FB3] =	sst s6  }
0xf: {  	[smem:$0x3FB4] =	sst s7  }
0x10: {  	[smem:$0x3FB5] =	sst s8  }
0x11: {  	[smem:$0x3FB6] =	sst s9;
	s0 =	simm.s32 @!p0 $0x0  }
0x12: {  	s1 =	sld [smem:$0x3F9C];
	s0 =	simm.s32 @p0 $0x1  }
0x13: {  	[smem:$0x3FB7] =	sst s0;
	s0 =	simm.s32 @!p1 $0x0  }
0x14: {  	s2 =	sld [smem:$0x3F9B];
	s0 =	simm.s32 @p1 $0x1  }
0x15: {  	[smem:$0x3FB8] =	sst s0;
	s0 =	simm.s32 @!p2 $0x0  }
0x16: {  	s3 =	sld [smem:$0x3FDB];
	s0 =	simm.s32 @p2 $0x1  }
0x17: {  	s4 =	simm.s32 $0x1BF5;
	[smem:$0x3FBA] =	sst s0  }
0x18: {  	s0 =	sld [smem:$0x3F9D];
	_ =	swait.ge [sflag:s4], $0x0  }
0x19: {  	s7 =	sld [smem:$0x3F9E]  }
0x1a: {  	s8 =	sadd.s32 $0xFFFFE003, lr  }
0x1b: {  	s9 =	sadd.s32 $0xFFFFFEF7, lr;
	s5 =	simm.s32 $0xFFFFFFFF;
	p2 =	slt.u32 s8, $0xFFFFF086  }
0x1c: {  	p1 =	slt.u32 s9, $0xF7A;
	s5 =	simm.s32 @!p2 $0x0  }
0x1d: {  	s5 =	simm.s32 @p1 $0x1;
	p0 =	seq.s32 s7, s2  }
0x1e: {  	s7 =	smul.u32 @!p0 $0xF7A, s2;
	p2 =	seq.s32 @!p0 s5, $0x0  }
0x1f: {  	s9 =	smul.u32 $0xF7A, s1;
	s8 =	simm.s32 @!p0 $0x1BF5;
	p2 =	por !p2, p0  }
0x20: {  	[sflag:s8] =	ssyncset.s32 @!p0 $0xFFFFF086;
	s6 =	sadd.s32 @!p0 s3, s7;
	s7 =	simm.s32 @!p0 $0x108  }
0x21: {  	s3 =	sadd.s32 s3, s9;
	s6 =	sadd.s32 @!p0 $0x88, s6;
	s7 =	simm.s32 @p2 $0x1082  }
0x22: {  	[simem:s7], [sflag:s8] =	dma.local @!p0 [hbm:s6], $0xF7A  }
0x23: {  	s9 =	sor.u32 $0xD0000000, s2;
	s6 =	simm.s32 $0x108;
	_ =	swait.ge @!p0 [sflag:s8], $0x0  }
0x24: {  	s3 =	sadd.s32 $0x88, s3;
	s6 =	simm.s32 @!p1 $0x1082;
	[sflag:s4] =	ssyncset.s32 $0xFFFFF086  }
0x25: {  	[simem:s6], [sflag:s4] =	dma.local [hbm:s3], $0xF7A  }
0x26: {  	[smem:$0x3F9E] =	sst s1;
	(tag) =	ssettag s2;
	_ =	strace s9  }
0x27: {  	s1 =	sld [smem:$0x3FAE]  }
0x28: {  	s2 =	sld [smem:$0x3FAF]  }
0x29: {  	s4 =	sld [smem:$0x3FB1]  }
0x2a: {  	p0 =	seq.s32 s5, $0x0;
	s5 =	sld [smem:$0x3FB2]  }
0x2b: {  	s6 =	sld [smem:$0x3FB3]  }
0x2c: {  	s7 =	sld [smem:$0x3FB4]  }
0x2d: {  	s3 =	simm.s32 $0x108;
	s8 =	sld [smem:$0x3FB5]  }
0x2e: {  	s3 =	simm.s32 @!p0 $0x1082;
	s9 =	sld [smem:$0x3FB6]  }
0x2f: {  	lr =	sadd.s32 s0, s3;
	s0 =	sld [smem:$0x3FAD]  }
0x30: {  	s3 =	sld [smem:$0x3FB0]  }
0x31: {  	[smem:$0x3FB9] =	sst s10  }
0x32: {  	s10 =	sld [smem:$0x3FB7];
	_ =	sdelay $0x3  }
0x33: {  	p0 =	seq.s32 s10, $0x1;
	s10 =	sld [smem:$0x3FB9];
	_ =	sdelay $0x3  }
0x34: {  	[smem:$0x3FB9] =	sst s10  }
0x35: {  	s10 =	sld [smem:$0x3FB8];
	_ =	sdelay $0x3  }
0x36: {  	p1 =	seq.s32 s10, $0x1;
	s10 =	sld [smem:$0x3FB9];
	_ =	sdelay $0x3  }
0x37: {  	[smem:$0x3FB9] =	sst s10  }
0x38: {  	s10 =	sld [smem:$0x3FBA]  }
0x39: {  	_ = 	snop;
	(pc) =	sbr.ind lr, $3  }
0x3a: {  	_ = 	snop  }
0x3b: {  	_ = 	snop  }
0x3c: {  	p2 =	seq.s32 s10, $0x1;
	s10 =	sld [smem:$0x3FB9]  }
0x3d: {  	_ =	shalt  }
0x3e: {  	_ =	shalt  }
0x3f: {  	_ =	shalt  }
0x40: {  	_ =	shalt  }
0x41: {  	_ =	shalt  }
0x42: {  	_ =	shalt  }
0x43: {  	_ =	shalt  }
0x44: {  	_ =	shalt  }
0x45: {  	_ =	shalt  }
0x46: {  	_ =	shalt  }
0x47: {  	_ =	shalt  }
0x48: {  	_ =	shalt  }
0x49: {  	_ =	shalt  }
0x4a: {  	_ =	shalt  }
0x4b: {  	_ =	shalt  }
0x4c: {  	_ =	shalt  }
0x4d: {  	_ =	shalt  }
0x4e: {  	_ =	shalt  }
0x4f: {  	_ =	shalt  }
0x50: {  	_ =	shalt  }
0x51: {  	_ =	shalt  }
0x52: {  	_ =	shalt  }
0x53: {  	_ =	shalt  }
0x54: {  	_ =	shalt  }
0x55: {  	_ =	shalt  }
0x56: {  	_ =	shalt  }
0x57: {  	_ =	shalt  }
0x58: {  	_ =	shalt  }
0x59: {  	_ =	shalt  }
0x5a: {  	_ =	shalt  }
0x5b: {  	_ =	shalt  }
0x5c: {  	_ =	shalt  }
0x5d: {  	_ =	shalt  }
0x5e: {  	_ =	shalt  }
0x5f: {  	_ =	shalt  }
0x60: {  	_ =	shalt  }
0x61: {  	_ =	shalt  }
0x62: {  	_ =	shalt  }
0x63: {  	_ =	shalt  }
0x64: {  	_ =	shalt  }
0x65: {  	_ =	shalt  }
0x66: {  	_ =	shalt  }
0x67: {  	_ =	shalt  }
0x68: {  	_ =	shalt  }
0x69: {  	_ =	shalt  }
0x6a: {  	_ =	shalt  }
0x6b: {  	_ =	shalt  }
0x6c: {  	_ =	shalt  }
0x6d: {  	_ =	shalt  }
0x6e: {  	_ =	shalt  }
0x6f: {  	_ =	shalt  }
0x70: {  	_ =	shalt  }
0x71: {  	_ =	shalt  }
0x72: {  	_ =	shalt  }
0x73: {  	_ =	shalt  }
0x74: {  	_ =	shalt  }
0x75: {  	_ =	shalt  }
0x76: {  	_ =	shalt  }
0x77: {  	_ =	shalt  }
0x78: {  	_ =	shalt  }
0x79: {  	_ =	shalt  }
0x7a: {  	_ =	shalt  }
0x7b: {  	_ =	shalt  }
0x7c: {  	_ =	shalt  }
0x7d: {  	_ =	shalt  }
0x7e: {  	_ =	shalt  }
0x7f: {  	_ =	shalt  }
0x80: {  	_ =	shalt  }
0x81: {  	_ =	shalt  }
0x82: {  	_ =	shalt  }
0x83: {  	_ =	shalt  }
0x84: {  	_ =	shalt  }
0x85: {  	_ =	shalt  }
0x86: {  	_ =	shalt  }
0x87: {  	_ =	shalt  }
.Lfunc_end0:
.L_simem_size_0:
called_computation_lowered:
.L_overlay_start_0:
0x88: {  	s2 =	sld [smem:$0x3FD9]  }
0x89: {  	s3 =	sld [smem:$0x3FFE];
	_ =	sdelay $0x1  }
0x8a: {  	s1 =	srdreg.scid  }
0x8b: {  	s0 =	sand.u32 $0x1, s1  }
0x8c: {  	s17 =	sshll.u32 s0, $0xA;
	s2 =	sadd.s32 s3, s2  }
0x8d: {  	s2 =	sadd.s32 s2, s17  }
0x8e: {  	[smem:$0x3FC5] =	sst s2  }
0x8f: {  	_ = 	snop  }
0x90: {  	s2 =	sld [smem:$0x3FC8]  }
0x91: {  	s18 =	sld [smem:$0x3FC7]  }
0x92: {  	s4 =	sld [smem:$0x3FD0];
	(tm) =	ssettm $0x1  }
0x93: {  	s5 =	sld [smem:$0x3FFB];
	_ =	sdelay $0x3  }
0x94: {  	_ =	strace s5  }
0x95: {  	s5 =	sld [smem:$0x3FFC];
	_ =	sdelay $0x3  }
0x96: {  	_ =	strace s5  }
0x97: {  	s5 =	sld [smem:$0x3FFD];
	_ =	sdelay $0x3  }
0x98: {  	_ =	strace s5  }
0x99: {  	_ =	strace $0x8FFFFFFF  }
0x9a: {  	s19 =	sld [smem:$0x3FDB];
	_ =	sdelay $0x1  }
0x9b: {  	s6 =	simm.s32 $_scs_section_size  }
0x9c: {  	s7 =	simm.s32 $_size__tile_overlayer_lowered;
	s8 =	simm.s32 $_tile_overlayer_lowered  }
0x9d: {  	s22 =	simm.s32 $0x1BFF;
	s21 =	sshll.u32 s8, $0x1;
	s5 =	sadd.s32 s6, s19  }
0x9e: {  	s9 =	simm.s32 $0x0;
	s20 =	sshll.u32 s7, $0x1;
	s7 =	sadd.s32 s21, s5  }
0x9f: {  	[timem:s9], [sflag:s22] =	dma.local [hbm:s7], s20  }
0xa0: {  	_ =	swait.ge [sflag:s22], s20  }
0xa1: {  	s6 =	ssub.s32 $0x0, s20;
	[sflag:s22] =	ssyncset.done $0x0  }
0xa2: {  	[sflag:s22] =	ssyncadd.s32 s6;
	_ =	sdelay $0x1  }
0xa3: {  	s23 =	simm.s32 $0x1B8B  }
0xa4: {  	_ =	swait.ge [sflag:s23], $0x1  }
0xa5: {  	[sflag:s23] =	ssyncset.done $0x0  }
0xa6: {  	s25 =	simm.s32 $0x1B8E;
	s24 =	sld [smem:$0x3FFE];
	[sflag:s23] =	ssyncadd.s32 $0xFFFFFFFF  }
0xa7: {  	s26 =	simm.s32 $execute0_lowered;
	[smem:$0x3FD2] =	sst s25  }
0xa8: {  	s7 =	sshll.u32 s26, $0x1;
	_ =	strace $0x80000046;
	[dreg:$0x1] =	wrdreg $0xFFFFFFFF  }
0xa9: {  	s28 =	simm.s32 $_size_execute0_lowered;
	s5 =	sadd.s32 s5, s7;
	[dreg:$0x0] =	wrdreg $0x0  }
0xaa: {  	s7 =	sshll.u32 s28, $0x1;
	[dreg:$0x2] =	wrdreg s5  }
0xab: {  	[dreg:$0x3] =	wrdreg s7  }
0xac: {  	[dreg:$0x4] =	wrdreg $0xC0  }
0xad: {  	_ =	task [dreg:s9], $0x5FFFF  }
0xae: {  	[dreg:$0x1] =	wrdreg $0xFFFFFFFF  }
0xaf: {  	[dreg:$0x0] =	wrdreg $0x60  }
0xb0: {  	[dreg:$0x2] =	wrdreg s2  }
0xb1: {  	[dreg:$0x3] =	wrdreg s24  }
0xb2: {  	[dreg:$0x4] =	wrdreg s18  }
0xb3: {  	[dreg:$0x5] =	wrdreg s4  }
0xb4: {  	[dreg:$0x6] =	wrdreg $0x20000  }
0xb5: {  	[dreg:$0x7] =	wrdreg $0x9  }
0xb6: {  	_ =	task.clear_ibuf [dreg:s9], $0x8FFFF;
	_ =	strace $0x90000046  }
0xb7: {  	s29 =	simm.s32 $0x9;
	_ =	strace $0x80000048  }
0xb8: {  	_ =	swait.ge [sflag:s29], $0x1  }
0xb9: {  	[sflag:s29] =	ssyncadd.s32 $0xFFFFFFFF  }
0xba: {  	_ =	strace $0x90000048  }
0xbb: {  	_ =	sfence  }
0xbc: {  	s30 =	sld [smem:$0x0];
	_ =	sdelay $0x2  }
0xbd: {  	s31 =	sshll.u32 s1, $0xD;
	s1 =	sshrl.u32 s1, $0x2  }
0xbe: {  	s3 =	sand.u32 $0x4000, s31;
	s1 =	sadd.s32 s1, s30  }
0xbf: {  	s0 =	sor.u32 s3, s0;
	s1 =	sshll.u32 s1, $0x11  }
0xc0: {  	s0 =	sor.u32 s1, s0  }
0xc1: {  	s0 =	sadd.s32 $0x8F2B, s0  }
0xc2: {  	[sflag:s0] =	ssyncadd.remote.s32 $0x1  }
0xc3: {  	_ =	sfence.sel $0xFFFF  }
0xc4: {  	[dreg:$0x0] =	wrdreg $0xFFFFFFFF;
	(pc) =	sbr.abs _section_cstart, $3  }
0xc5: {  	[dreg:$0x1] =	wrdreg $0xFFFFFFFF  }
0xc6: {  	_ =	task.clear_ibuf [dreg:s9], $0x2FFFF;
	_ =	strace $0x9FFFFFFF  }
0xc7: {  	(tm) =	ssettm $0x7FFFFFFF  }
tec
execute0_lowered:
.L_overlay_start_1:
0x0: {  	(tag) =	ssettag $0x1  }
0x1: {  	s2 =	rddreg [dreg:$0x0]  }
0x2: {  	s0 =	rddreg [dreg:$0x1]  }
0x3: {  	s1 =	rddreg [dreg:$0x2];
	s5 =	srdreg.scid  }
0x4: {  	s4 =	stileid.u32;
	s6 =	rddreg [dreg:$0x3]  }
0x5: {  	s3 =	rddreg [dreg:$0x4];
	s5 =	sand.u32 $0x1, s5;
	s7 =	sshll.u32 s4, $0x1  }
0x6: {  	[dreg:$0x6] =	wrdreg s1;
	s7 =	sor.u32 s5, s7  }
0x7: {  	s1 =	simm.s32 $0x0;
	s8 =	smul.u32 $0x19000, s7;
	s9 =	sshll.u32 s7, $0xA  }
0x8: {  	[smem:$0x7FF] =	sst s1;
	s7 =	smul.u32 $0xC8000, s7;
	s0 =	sadd.s32 s9, s0  }
0x9: {  	s30 =	rddreg [dreg:$0x5];
	_ =	strace $0x80000047;
	s0 =	sadd.s32 $0x400, s0  }
0xa: {  	s25 =	sadd.s32 s6, s8;
	s7 =	sshrl.u32 s7, $0x3;
	[dreg:$0x7] =	wrdreg s0  }
0xb: {  	s8 =	sadd.s32 $0xC80, s25;
	s6 =	sadd.s32 s6, s7;
	s0 =	rddreg [dreg:$0x6]  }
0xc: {  	[dreg:$0x8] =	wrdreg s8;
	s9 =	sadd.s32 $0x1900, s6  }
0xd: {  	s10 =	sadd.s32 $0x2580, s6;
	[dreg:$0x9] =	wrdreg s9  }
0xe: {  	s11 =	sadd.s32 $0x3200, s6;
	[dreg:$0xa] =	wrdreg s10  }
0xf: {  	s12 =	sadd.s32 $0x3E80, s6;
	[dreg:$0xb] =	wrdreg s11  }
0x10: {  	s13 =	sadd.s32 $0x4B00, s6;
	[dreg:$0xc] =	wrdreg s12  }
0x11: {  	s14 =	sadd.s32 $0x5780, s6;
	[dreg:$0xd] =	wrdreg s13  }
0x12: {  	s15 =	sadd.s32 $0x6400, s6;
	[dreg:$0xe] =	wrdreg s14  }
0x13: {  	s16 =	sadd.s32 $0x7080, s6;
	[dreg:$0xf] =	wrdreg s15  }
0x14: {  	s17 =	sadd.s32 $0x7D00, s6;
	[dreg:$0x10] =	wrdreg s16  }
0x15: {  	s18 =	sadd.s32 $0x8980, s6;
	[dreg:$0x11] =	wrdreg s17  }
0x16: {  	s19 =	sadd.s32 $0x9600, s6;
	[dreg:$0x12] =	wrdreg s18  }
0x17: {  	s20 =	sadd.s32 $0xA280, s6;
	[dreg:$0x13] =	wrdreg s19  }
0x18: {  	s21 =	sadd.s32 $0xAF00, s6;
	[dreg:$0x14] =	wrdreg s20  }
0x19: {  	s22 =	sadd.s32 $0xBB80, s6;
	[dreg:$0x15] =	wrdreg s21  }
0x1a: {  	s23 =	sadd.s32 $0xC800, s6;
	[dreg:$0x16] =	wrdreg s22  }
0x1b: {  	s24 =	sadd.s32 $0xD480, s6;
	[dreg:$0x17] =	wrdreg s23  }
0x1c: {  	s26 =	sadd.s32 $0xE100, s6;
	[dreg:$0x18] =	wrdreg s24  }
0x1d: {  	s31 =	sadd.s32 $0xED80, s6;
	[dreg:$0x19] =	wrdreg s26  }
0x1e: {  	s7 =	sadd.s32 $0xFA00, s6;
	[dreg:$0x1a] =	wrdreg s31  }
0x1f: {  	s8 =	sadd.s32 $0x10680, s6;
	[dreg:$0x1b] =	wrdreg s7  }
0x20: {  	[dreg:$0x1c] =	wrdreg s8;
	s9 =	sadd.s32 $0x11300, s6  }
0x21: {  	s10 =	sadd.s32 $0x11F80, s6;
	[dreg:$0x1d] =	wrdreg s9  }
0x22: {  	s11 =	sadd.s32 $0x12C00, s6;
	[dreg:$0x1e] =	wrdreg s10  }
0x23: {  	s12 =	sadd.s32 $0x13880, s6;
	[dreg:$0x1f] =	wrdreg s11  }
0x24: {  	s13 =	sadd.s32 $0x14500, s6;
	[smem:$0x7B8] =	sst s12  }
0x25: {  	s14 =	sadd.s32 $0x15180, s6;
	[smem:$0x7B9] =	sst s13  }
0x26: {  	s15 =	sadd.s32 $0x15E00, s6;
	[smem:$0x7BA] =	sst s14  }
0x27: {  	s16 =	sadd.s32 $0x16A80, s6;
	[smem:$0x7BB] =	sst s15  }
0x28: {  	s17 =	sadd.s32 $0x17700, s6;
	[smem:$0x7BC] =	sst s16  }
0x29: {  	s18 =	sadd.s32 $0x18380, s6;
	[smem:$0x7BD] =	sst s17  }
0x2a: {  	s19 =	simm.s32 $0x80;
	[smem:$0x7BE] =	sst s18  }
0x2b: {  	s20 =	simm.s32 $0x100;
	[smem:$0x7BF] =	sst s19  }
0x2c: {  	s21 =	simm.s32 $0x180;
	[smem:$0x7C0] =	sst s20  }
0x2d: {  	s22 =	simm.s32 $0x200;
	[smem:$0x7C1] =	sst s21  }
0x2e: {  	s23 =	simm.s32 $0x280;
	[smem:$0x7C2] =	sst s22  }
0x2f: {  	s24 =	simm.s32 $0x300;
	[smem:$0x7C3] =	sst s23  }
0x30: {  	s26 =	simm.s32 $0x380;
	[smem:$0x7C4] =	sst s24  }
0x31: {  	s31 =	simm.s32 $0x400;
	[smem:$0x7C5] =	sst s26  }
0x32: {  	s6 =	simm.s32 $0x480;
	[smem:$0x7C6] =	sst s31  }
0x33: {  	s7 =	simm.s32 $0x500;
	[smem:$0x7C7] =	sst s6  }
0x34: {  	s8 =	simm.s32 $0x580;
	[smem:$0x7C8] =	sst s7  }
0x35: {  	[smem:$0x7C9] =	sst s8;
	s9 =	simm.s32 $0x600  }
0x36: {  	s10 =	simm.s32 $0x680;
	[smem:$0x7CA] =	sst s9  }
0x37: {  	s11 =	simm.s32 $0x700;
	[smem:$0x7CB] =	sst s10  }
0x38: {  	s12 =	simm.s32 $0x780;
	[smem:$0x7CC] =	sst s11  }
0x39: {  	s13 =	simm.s32 $0x800;
	[smem:$0x7CD] =	sst s12  }
0x3a: {  	s14 =	simm.s32 $0x880;
	[smem:$0x7CE] =	sst s13  }
0x3b: {  	s15 =	simm.s32 $0x900;
	[smem:$0x7CF] =	sst s14  }
0x3c: {  	s16 =	simm.s32 $0x980;
	[smem:$0x7D0] =	sst s15  }
0x3d: {  	s17 =	simm.s32 $0xA00;
	[smem:$0x7D1] =	sst s16  }
0x3e: {  	s18 =	simm.s32 $0xA80;
	[smem:$0x7D2] =	sst s17  }
0x3f: {  	s19 =	simm.s32 $0xB00;
	[smem:$0x7D3] =	sst s18  }
0x40: {  	s20 =	simm.s32 $0xB80;
	[smem:$0x7D4] =	sst s19  }
0x41: {  	s21 =	simm.s32 $0xC00;
	[smem:$0x7D5] =	sst s20  }
0x42: {  	s22 =	simm.s32 $0xC80;
	[smem:$0x7D6] =	sst s21  }
0x43: {  	s23 =	simm.s32 $0xD00;
	[smem:$0x7D7] =	sst s22  }
0x44: {  	s24 =	simm.s32 $0xD80;
	[smem:$0x7D8] =	sst s23  }
0x45: {  	s26 =	simm.s32 $0xE00;
	[smem:$0x7D9] =	sst s24  }
0x46: {  	s31 =	simm.s32 $0xE80;
	[smem:$0x7DA] =	sst s26  }
0x47: {  	s6 =	simm.s32 $0xF00;
	[smem:$0x7DB] =	sst s31  }
0x48: {  	s7 =	simm.s32 $0xF80;
	[smem:$0x7DC] =	sst s6  }
0x49: {  	s8 =	simm.s32 $0x1000;
	[smem:$0x7DD] =	sst s7  }
0x4a: {  	[smem:$0x7DE] =	sst s8;
	s9 =	simm.s32 $0x1080  }
0x4b: {  	s10 =	simm.s32 $0x1100;
	[smem:$0x7DF] =	sst s9  }
0x4c: {  	s11 =	simm.s32 $0x1180;
	[smem:$0x7E0] =	sst s10  }
0x4d: {  	s12 =	simm.s32 $0x1200;
	[smem:$0x7E1] =	sst s11  }
0x4e: {  	s13 =	simm.s32 $0x1280;
	[smem:$0x7E2] =	sst s12  }
0x4f: {  	s14 =	simm.s32 $0x1300;
	[smem:$0x7E3] =	sst s13  }
0x50: {  	s15 =	simm.s32 $0x1380;
	[smem:$0x7E4] =	sst s14  }
0x51: {  	p1 =	por $0x0, $0x0;
	s16 =	simm.s32 $0x1400;
	[smem:$0x7E5] =	sst s15  }
0x52: {  	p0 =	sne.s32 s4, $0x0;
	s18 =	simm.s32 $0x1480;
	[smem:$0x7E6] =	sst s16  }
0x53: {  	s4 =	simm.s32 $0xEE40;
	s19 =	simm.s32 $0x1500;
	[smem:$0x7E7] =	sst s18  }
0x54: {  	s5 =	ssub.s32 $0x2, s5;
	s20 =	simm.s32 $0x1580;
	[smem:$0x7E8] =	sst s19  }
0x55: {  	s28 =	sshrl.u32 @!p0 s3, $0x3;
	s21 =	simm.s32 $0x1600;
	[smem:$0x7E9] =	sst s20  }
0x56: {  	s17 =	sshrl.u32 s5, $0x1;
	s22 =	simm.s32 $0x1680;
	[smem:$0x7EA] =	sst s21  }
0x57: {  	s23 =	simm.s32 $0x1700;
	s24 =	simm.s32 $0x1780;
	[smem:$0x7EB] =	sst s22  }
0x58: {  	s26 =	simm.s32 $0x1;
	s31 =	simm.s32 $0x1800;
	[smem:$0x7EC] =	sst s23  }
0x59: {  	s6 =	simm.s32 $0x1880;
	s7 =	simm.s32 $0x64;
	[smem:$0x7ED] =	sst s24  }
0x5a: {  	s8 =	simm.s32 $0x1900;
	s5 =	ssub.s32 s5, s17;
	[smem:$0x7EE] =	sst s31  }
0x5b: {  	s9 =	simm.s32 $0x2640;
	s23 =	simm.s32 $0x2;
	[smem:$0x7EF] =	sst s6  }
0x5c: {  	s24 =	simm.s32 $0x5840;
	[smem:$0x7F0] =	sst s8;
	s10 =	simm.s32 $0x1980  }
0x5d: {  	s21 =	simm.s32 $0x3;
	s11 =	simm.s32 $0x1A00;
	s22 =	simm.s32 $0xBC40  }
0x5e: {  	s13 =	simm.s32 $0x1A80;
	s6 =	simm.s32 $0x15240;
	[smem:$0x7F1] =	sst s10  }
0x5f: {  	s14 =	simm.s32 $0x1B00;
	s20 =	simm.s32 $0x6;
	[smem:$0x7F2] =	sst s11  }
0x60: {  	s15 =	simm.s32 $0x1B80;
	s18 =	simm.s32 $0x4;
	[smem:$0x7F3] =	sst s13  }
0x61: {  	s16 =	simm.s32 $0x1C00;
	s19 =	simm.s32 $0x12040;
	[smem:$0x7F4] =	sst s14  }
0x62: {  	s17 =	simm.s32 $0x1C80;
	s8 =	simm.s32 $0xA;
	[smem:$0x7F5] =	sst s15  }
0x63: {  	s31 =	simm.s32 $0x1D00;
	s12 =	smax.u32 s5, $0x1;
	[smem:$0x7F6] =	sst s16  }
0x64: {  	s5 =	simm.s32 $0x8A40;
	[smem:$0x7F7] =	sst s17;
	s17 =	simm.s32 $0x7  }
0x65: {  	[smem:$0x7F8] =	sst s31;
	s10 =	simm.s32 $0x1D80;
	s29 =	sadd.s32 $0xFFFFFFFF, s12  }
0x66: {  	s11 =	simm.s32 $0x1E00;
	[smem:$0x7F9] =	sst s10;
	p2 =	sne.s32 s29, $0x0  }
.Ltmp0:
0x67: {  	s13 =	simm.s32 $0x1E80;
	[smem:$0x7FA] =	sst s11;
	(pc) =	sbr.rel @!p2 .LBB2_5-.Ltmp0, $4  }
0x68: {  	s15 =	simm.s32 $0x5;
	s14 =	simm.s32 $0x1F00;
	[smem:$0x7FB] =	sst s13  }
0x69: {  	s16 =	simm.s32 $0x18440;
	s31 =	simm.s32 $0x1F80;
	[smem:$0x7FC] =	sst s14  }
0x6a: {  	s10 =	simm.s32 $0xB;
	s13 =	simm.s32 $0x8;
	[smem:$0x7FD] =	sst s31  }
0x6b: {  	s11 =	simm.s32 $0xC;
	s14 =	simm.s32 $0x9;
	s12 =	simm.s32 $0xD  }
0x6c: {  	[smem:$0x7B7] =	sst s29;
	s29 =	simm.s32 @!p0 $0x1C0E;
	s30 =	simm.s32 @!p0 $0xE  }
0x6d: {  	[spmem:s28], [sflag:s29] =	dma.local @!p0 [hbm:s0], $0xC80  }
0x6e: {  	_ =	swait.ge @!p0 [sflag:s30], $0xC80  }
0x6f: {  	[sflag:s30] =	ssyncset.done @!p0 $0x0  }
0x70: {  	s29 =	rddreg [dreg:$0x7];
	[sflag:s30] =	ssyncadd.s32 @!p0 $0xFFFFF380  }
0x71: {  	[tilespmem:s1], [sflag:$0x1] =	stream.linear.gather [hbm4b:s29+s1], $0x2000, $0x38;
	[tilespmem:$0x1B640] =	vst v63  }
0x72: {  	[bflag:$0x0] =	sbarrier.arrive $0xFFFF  }
0x73: {  	[tilespmem:s9], [sflag:$0x2] =	stream.linear.gather [spmem:s3], $0x6400, $0x38;
	[tilespmem:$0x1B640] =	vst v63  }
0x74: {  	_ = 	snop  }
0x75: {  	[tilespmem:s5], [sflag:$0x3] =	stream.linear.gather [spmem:s3], $0x6400, $0x38;
	[tilespmem:$0x1B640] =	vst v63  }
0x76: {  	_ = 	snop  }
0x77: {  	[tilespmem:s4], [sflag:$0x4] =	stream.linear.gather [spmem:s3], $0x6400, $0x38;
	[tilespmem:$0x1B640] =	vst v63  }
0x78: {  	_ =	swait.ge [sflag:s26], $0x2000  }
0x79: {  	[sflag:s26] =	ssyncset.done $0x0  }
0x7a: {  	[sflag:s26] =	ssyncadd.s32 $0xFFFFE000  }
0x7b: {  	_ =	swait.ge [sflag:s23], $0x6400  }
0x7c: {  	[sflag:s23] =	ssyncset.done $0x0  }
0x7d: {  	s29 =	sld [smem:$0x7BF];
	[sflag:s23] =	ssyncadd.s32 $0xFFFF9C00  }
0x7e: {  	[tilespmem:s9], [sflag:$0x6] =	stream.indirect.gather.add.f32 [hbm:s2], $0x80, s1, s7, $0xb8;
	[tilespmem:$0x1B640] =	vst v63  }
0x7f: {  	_ = 	snop  }
0x80: {  	[tilespmem:s24], [sflag:$0x6] =	stream.indirect.gather.add.f32 [hbm:s2], $0x80, s29, s7, $0xb8;
	[tilespmem:$0x1B640] =	vst v63  }
0x81: {  	_ =	swait.ge [sflag:s21], $0x6400  }
0x82: {  	s29 =	sld [smem:$0x7C0]  }
0x83: {  	[sflag:s21] =	ssyncset.done $0x0  }
0x84: {  	s31 =	sld [smem:$0x7C1];
	[sflag:s21] =	ssyncadd.s32 $0xFFFF9C00  }
0x85: {  	[tilespmem:s5], [sflag:$0x7] =	stream.indirect.gather.add.f32 [hbm:s2], $0x80, s29, s7, $0xb8;
	[tilespmem:$0x1B640] =	vst v63  }
0x86: {  	_ = 	snop  }
0x87: {  	[tilespmem:s22], [sflag:$0x7] =	stream.indirect.gather.add.f32 [hbm:s2], $0x80, s31, s7, $0xb8;
	[tilespmem:$0x1B640] =	vst v63  }
0x88: {  	_ = 	snop  }
0x89: {  	[tilespmem:s6], [sflag:$0x5] =	stream.linear.gather [spmem:s3], $0x6400, $0x38;
	[tilespmem:$0x1B640] =	vst v63  }
0x8a: {  	_ =	swait.ge [sflag:s20], $0x3200  }
0x8b: {  	[sflag:s20] =	ssyncset.done $0x0  }
0x8c: {  	[sflag:s20] =	ssyncadd.s32 $0xFFFFCE00  }
0x8d: {  	_ =	swait.ge [sflag:s20], $0x3200  }
0x8e: {  	[sflag:s20] =	ssyncset.done $0x0  }
0x8f: {  	[sflag:s20] =	ssyncadd.s32 $0xFFFFCE00  }
0x90: {  	[hbm4b:s25+s1] =	stream.linear.scatter [tilespmem:s9], [sflag:$0xA], $0x6400, $0x38;
	[tilespmem:$0x1B640] =	vst v63  }
0x91: {  	_ =	swait.ge [sflag:s18], $0x6400  }
0x92: {  	s29 =	sld [smem:$0x7C2]  }
0x93: {  	[sflag:s18] =	ssyncset.done $0x0  }
0x94: {  	s31 =	sld [smem:$0x7C3];
	[sflag:s18] =	ssyncadd.s32 $0xFFFF9C00  }
0x95: {  	[tilespmem:s4], [sflag:$0x8] =	stream.indirect.gather.add.f32 [hbm:s2], $0x80, s29, s7, $0xb8;
	[tilespmem:$0x1B640] =	vst v63  }
0x96: {  	_ = 	snop  }
0x97: {  	[tilespmem:s19], [sflag:$0x8] =	stream.indirect.gather.add.f32 [hbm:s2], $0x80, s31, s7, $0xb8;
	[tilespmem:$0x1B640] =	vst v63  }
0x98: {  	_ =	swait.ge [sflag:s8], $0x6400  }
0x99: {  	[sflag:s8] =	ssyncset.done $0x0  }
0x9a: {  	[sflag:s8] =	ssyncadd.s32 $0xFFFF9C00  }
0x9b: {  	[tilespmem:s9], [sflag:$0x2] =	stream.linear.gather [spmem:s3], $0x6400, $0x38;
	[tilespmem:$0x1B640] =	vst v63  }
0x9c: {  	_ =	swait.ge [sflag:s17], $0x3200  }
0x9d: {  	[sflag:s17] =	ssyncset.done $0x0  }
0x9e: {  	[sflag:s17] =	ssyncadd.s32 $0xFFFFCE00  }
0x9f: {  	_ =	swait.ge [sflag:s17], $0x3200  }
0xa0: {  	[sflag:s17] =	ssyncset.done $0x0  }
0xa1: {  	s29 =	rddreg [dreg:$0x8];
	[sflag:s17] =	ssyncadd.s32 $0xFFFFCE00  }
0xa2: {  	[hbm4b:s29+s1] =	stream.linear.scatter [tilespmem:s5], [sflag:$0xB], $0x6400, $0x38;
	[tilespmem:$0x1B640] =	vst v63  }
0xa3: {  	_ =	swait.ge [sflag:s15], $0x6400  }
0xa4: {  	s29 =	sld [smem:$0x7C4]  }
0xa5: {  	[sflag:s15] =	ssyncset.done $0x0  }
0xa6: {  	s31 =	sld [smem:$0x7C5];
	[sflag:s15] =	ssyncadd.s32 $0xFFFF9C00  }
0xa7: {  	[tilespmem:s6], [sflag:$0x9] =	stream.indirect.gather.add.f32 [hbm:s2], $0x80, s29, s7, $0xb8;
	[tilespmem:$0x1B640] =	vst v63  }
0xa8: {  	_ = 	snop  }
0xa9: {  	[tilespmem:s16], [sflag:$0x9] =	stream.indirect.gather.add.f32 [hbm:s2], $0x80, s31, s7, $0xb8;
	[tilespmem:$0x1B640] =	vst v63  }
0xaa: {  	_ =	swait.ge [sflag:s10], $0x6400  }
0xab: {  	[sflag:s10] =	ssyncset.done $0x0  }
0xac: {  	[sflag:s10] =	ssyncadd.s32 $0xFFFF9C00  }
0xad: {  	[tilespmem:s5], [sflag:$0x3] =	stream.linear.gather [spmem:s3], $0x6400, $0x38;
	[tilespmem:$0x1B640] =	vst v63  }
0xae: {  	_ =	swait.ge [sflag:s13], $0x3200  }
0xaf: {  	[sflag:s13] =	ssyncset.done $0x0  }
0xb0: {  	[sflag:s13] =	ssyncadd.s32 $0xFFFFCE00  }
0xb1: {  	_ =	swait.ge [sflag:s13], $0x3200  }
0xb2: {  	[sflag:s13] =	ssyncset.done $0x0  }
0xb3: {  	s29 =	rddreg [dreg:$0x9];
	[sflag:s13] =	ssyncadd.s32 $0xFFFFCE00  }
0xb4: {  	[hbm4b:s29+s1] =	stream.linear.scatter [tilespmem:s4], [sflag:$0xC], $0x6400, $0x38;
	[tilespmem:$0x1B640] =	vst v63  }
0xb5: {  	_ =	swait.ge [sflag:s23], $0x6400  }
0xb6: {  	s29 =	sld [smem:$0x7C6]  }
0xb7: {  	[sflag:s23] =	ssyncset.done $0x0  }
0xb8: {  	s31 =	sld [smem:$0x7C7];
	[sflag:s23] =	ssyncadd.s32 $0xFFFF9C00  }
0xb9: {  	[tilespmem:s9], [sflag:$0x6] =	stream.indirect.gather.add.f32 [hbm:s2], $0x80, s29, s7, $0xb8;
	[tilespmem:$0x1B640] =	vst v63  }
0xba: {  	_ = 	snop  }
0xbb: {  	[tilespmem:s24], [sflag:$0x6] =	stream.indirect.gather.add.f32 [hbm:s2], $0x80, s31, s7, $0xb8;
	[tilespmem:$0x1B640] =	vst v63  }
0xbc: {  	_ =	swait.ge [sflag:s11], $0x6400  }
0xbd: {  	[sflag:s11] =	ssyncset.done $0x0  }
0xbe: {  	[sflag:s11] =	ssyncadd.s32 $0xFFFF9C00  }
0xbf: {  	[tilespmem:s4], [sflag:$0x4] =	stream.linear.gather [spmem:s3], $0x6400, $0x38;
	[tilespmem:$0x1B640] =	vst v63  }
0xc0: {  	_ =	swait.ge [sflag:s14], $0x3200  }
0xc1: {  	[sflag:s14] =	ssyncset.done $0x0  }
0xc2: {  	[sflag:s14] =	ssyncadd.s32 $0xFFFFCE00  }
0xc3: {  	_ =	swait.ge [sflag:s14], $0x3200  }
0xc4: {  	[sflag:s14] =	ssyncset.done $0x0  }
0xc5: {  	s29 =	rddreg [dreg:$0xa];
	[sflag:s14] =	ssyncadd.s32 $0xFFFFCE00  }
0xc6: {  	[hbm4b:s29+s1] =	stream.linear.scatter [tilespmem:s6], [sflag:$0xD], $0x6400, $0x38;
	[tilespmem:$0x1B640] =	vst v63  }
0xc7: {  	_ =	swait.ge [sflag:s21], $0x6400  }
0xc8: {  	s29 =	sld [smem:$0x7C8]  }
0xc9: {  	[sflag:s21] =	ssyncset.done $0x0  }
0xca: {  	s31 =	sld [smem:$0x7C9];
	[sflag:s21] =	ssyncadd.s32 $0xFFFF9C00  }
0xcb: {  	[tilespmem:s5], [sflag:$0x7] =	stream.indirect.gather.add.f32 [hbm:s2], $0x80, s29, s7, $0xb8;
	[tilespmem:$0x1B640] =	vst v63  }
0xcc: {  	_ = 	snop  }
0xcd: {  	[tilespmem:s22], [sflag:$0x7] =	stream.indirect.gather.add.f32 [hbm:s2], $0x80, s31, s7, $0xb8;
	[tilespmem:$0x1B640] =	vst v63  }
0xce: {  	_ =	swait.ge [sflag:s12], $0x6400  }
0xcf: {  	[sflag:s12] =	ssyncset.done $0x0  }
0xd0: {  	[sflag:s12] =	ssyncadd.s32 $0xFFFF9C00  }
0xd1: {  	[tilespmem:s6], [sflag:$0x5] =	stream.linear.gather [spmem:s3], $0x6400, $0x38;
	[tilespmem:$0x1B640] =	vst v63  }
0xd2: {  	_ =	swait.ge [sflag:s20], $0x3200  }
0xd3: {  	[sflag:s20] =	ssyncset.done $0x0  }
0xd4: {  	[sflag:s20] =	ssyncadd.s32 $0xFFFFCE00  }
0xd5: {  	_ =	swait.ge [sflag:s20], $0x3200  }
0xd6: {  	[sflag:s20] =	ssyncset.done $0x0  }
0xd7: {  	s29 =	rddreg [dreg:$0xb];
	[sflag:s20] =	ssyncadd.s32 $0xFFFFCE00  }
0xd8: {  	[hbm4b:s29+s1] =	stream.linear.scatter [tilespmem:s9], [sflag:$0xA], $0x6400, $0x38;
	[tilespmem:$0x1B640] =	vst v63  }
0xd9: {  	_ =	swait.ge [sflag:s18], $0x6400  }
0xda: {  	s29 =	sld [smem:$0x7CA]  }
0xdb: {  	[sflag:s18] =	ssyncset.done $0x0  }
0xdc: {  	s31 =	sld [smem:$0x7CB];
	[sflag:s18] =	ssyncadd.s32 $0xFFFF9C00  }
0xdd: {  	[tilespmem:s4], [sflag:$0x8] =	stream.indirect.gather.add.f32 [hbm:s2], $0x80, s29, s7, $0xb8;
	[tilespmem:$0x1B640] =	vst v63  }
0xde: {  	_ = 	snop  }
0xdf: {  	[tilespmem:s19], [sflag:$0x8] =	stream.indirect.gather.add.f32 [hbm:s2], $0x80, s31, s7, $0xb8;
	[tilespmem:$0x1B640] =	vst v63  }
0xe0: {  	_ =	swait.ge [sflag:s8], $0x6400  }
0xe1: {  	[sflag:s8] =	ssyncset.done $0x0  }
0xe2: {  	[sflag:s8] =	ssyncadd.s32 $0xFFFF9C00  }
0xe3: {  	[tilespmem:s9], [sflag:$0x2] =	stream.linear.gather [spmem:s3], $0x6400, $0x38;
	[tilespmem:$0x1B640] =	vst v63  }
0xe4: {  	_ =	swait.ge [sflag:s17], $0x3200  }
0xe5: {  	[sflag:s17] =	ssyncset.done $0x0  }
0xe6: {  	[sflag:s17] =	ssyncadd.s32 $0xFFFFCE00  }
0xe7: {  	_ =	swait.ge [sflag:s17], $0x3200  }
0xe8: {  	[sflag:s17] =	ssyncset.done $0x0  }
0xe9: {  	s29 =	rddreg [dreg:$0xc];
	[sflag:s17] =	ssyncadd.s32 $0xFFFFCE00  }
0xea: {  	[hbm4b:s29+s1] =	stream.linear.scatter [tilespmem:s5], [sflag:$0xB], $0x6400, $0x38;
	[tilespmem:$0x1B640] =	vst v63  }
0xeb: {  	_ =	swait.ge [sflag:s15], $0x6400  }
0xec: {  	s29 =	sld [smem:$0x7CC]  }
0xed: {  	[sflag:s15] =	ssyncset.done $0x0  }
0xee: {  	s31 =	sld [smem:$0x7CD];
	[sflag:s15] =	ssyncadd.s32 $0xFFFF9C00  }
0xef: {  	[tilespmem:s6], [sflag:$0x9] =	stream.indirect.gather.add.f32 [hbm:s2], $0x80, s29, s7, $0xb8;
	[tilespmem:$0x1B640] =	vst v63  }
0xf0: {  	_ = 	snop  }
0xf1: {  	[tilespmem:s16], [sflag:$0x9] =	stream.indirect.gather.add.f32 [hbm:s2], $0x80, s31, s7, $0xb8;
	[tilespmem:$0x1B640] =	vst v63  }
0xf2: {  	_ =	swait.ge [sflag:s10], $0x6400  }
0xf3: {  	[sflag:s10] =	ssyncset.done $0x0  }
0xf4: {  	[sflag:s10] =	ssyncadd.s32 $0xFFFF9C00  }
0xf5: {  	[tilespmem:s5], [sflag:$0x3] =	stream.linear.gather [spmem:s3], $0x6400, $0x38;
	[tilespmem:$0x1B640] =	vst v63  }
0xf6: {  	_ =	swait.ge [sflag:s13], $0x3200  }
0xf7: {  	[sflag:s13] =	ssyncset.done $0x0  }
0xf8: {  	[sflag:s13] =	ssyncadd.s32 $0xFFFFCE00  }
0xf9: {  	_ =	swait.ge [sflag:s13], $0x3200  }
0xfa: {  	[sflag:s13] =	ssyncset.done $0x0  }
0xfb: {  	s29 =	rddreg [dreg:$0xd];
	[sflag:s13] =	ssyncadd.s32 $0xFFFFCE00  }
0xfc: {  	[hbm4b:s29+s1] =	stream.linear.scatter [tilespmem:s4], [sflag:$0xC], $0x6400, $0x38;
	[tilespmem:$0x1B640] =	vst v63  }
0xfd: {  	_ =	swait.ge [sflag:s23], $0x6400  }
0xfe: {  	s29 =	sld [smem:$0x7CE]  }
0xff: {  	[sflag:s23] =	ssyncset.done $0x0  }
0x100: {  	s31 =	sld [smem:$0x7CF];
	[sflag:s23] =	ssyncadd.s32 $0xFFFF9C00  }
0x101: {  	[tilespmem:s9], [sflag:$0x6] =	stream.indirect.gather.add.f32 [hbm:s2], $0x80, s29, s7, $0xb8;
	[tilespmem:$0x1B640] =	vst v63  }
0x102: {  	_ = 	snop  }
0x103: {  	[tilespmem:s24], [sflag:$0x6] =	stream.indirect.gather.add.f32 [hbm:s2], $0x80, s31, s7, $0xb8;
	[tilespmem:$0x1B640] =	vst v63  }
0x104: {  	_ =	swait.ge [sflag:s11], $0x6400  }
0x105: {  	[sflag:s11] =	ssyncset.done $0x0  }
0x106: {  	[sflag:s11] =	ssyncadd.s32 $0xFFFF9C00  }
0x107: {  	[tilespmem:s4], [sflag:$0x4] =	stream.linear.gather [spmem:s3], $0x6400, $0x38;
	[tilespmem:$0x1B640] =	vst v63  }
0x108: {  	_ =	swait.ge [sflag:s14], $0x3200  }
0x109: {  	[sflag:s14] =	ssyncset.done $0x0  }
0x10a: {  	[sflag:s14] =	ssyncadd.s32 $0xFFFFCE00  }
0x10b: {  	_ =	swait.ge [sflag:s14], $0x3200  }
0x10c: {  	[sflag:s14] =	ssyncset.done $0x0  }
0x10d: {  	s29 =	rddreg [dreg:$0xe];
	[sflag:s14] =	ssyncadd.s32 $0xFFFFCE00  }
0x10e: {  	[hbm4b:s29+s1] =	stream.linear.scatter [tilespmem:s6], [sflag:$0xD], $0x6400, $0x38;
	[tilespmem:$0x1B640] =	vst v63  }
0x10f: {  	_ =	swait.ge [sflag:s21], $0x6400  }
0x110: {  	s29 =	sld [smem:$0x7D0]  }
0x111: {  	[sflag:s21] =	ssyncset.done $0x0  }
0x112: {  	s31 =	sld [smem:$0x7D1];
	[sflag:s21] =	ssyncadd.s32 $0xFFFF9C00  }
0x113: {  	[tilespmem:s5], [sflag:$0x7] =	stream.indirect.gather.add.f32 [hbm:s2], $0x80, s29, s7, $0xb8;
	[tilespmem:$0x1B640] =	vst v63  }
0x114: {  	_ = 	snop  }
0x115: {  	[tilespmem:s22], [sflag:$0x7] =	stream.indirect.gather.add.f32 [hbm:s2], $0x80, s31, s7, $0xb8;
	[tilespmem:$0x1B640] =	vst v63  }
0x116: {  	_ =	swait.ge [sflag:s12], $0x6400  }
0x117: {  	[sflag:s12] =	ssyncset.done $0x0  }
0x118: {  	[sflag:s12] =	ssyncadd.s32 $0xFFFF9C00  }
0x119: {  	[tilespmem:s6], [sflag:$0x5] =	stream.linear.gather [spmem:s3], $0x6400, $0x38;
	[tilespmem:$0x1B640] =	vst v63  }
0x11a: {  	_ =	swait.ge [sflag:s20], $0x3200  }
0x11b: {  	[sflag:s20] =	ssyncset.done $0x0  }
0x11c: {  	[sflag:s20] =	ssyncadd.s32 $0xFFFFCE00  }
0x11d: {  	_ =	swait.ge [sflag:s20], $0x3200  }
0x11e: {  	[sflag:s20] =	ssyncset.done $0x0  }
0x11f: {  	s29 =	rddreg [dreg:$0xf];
	[sflag:s20] =	ssyncadd.s32 $0xFFFFCE00  }
0x120: {  	[hbm4b:s29+s1] =	stream.linear.scatter [tilespmem:s9], [sflag:$0xA], $0x6400, $0x38;
	[tilespmem:$0x1B640] =	vst v63  }
0x121: {  	_ =	swait.ge [sflag:s18], $0x6400  }
0x122: {  	s29 =	sld [smem:$0x7D2]  }
0x123: {  	[sflag:s18] =	ssyncset.done $0x0  }
0x124: {  	s31 =	sld [smem:$0x7D3];
	[sflag:s18] =	ssyncadd.s32 $0xFFFF9C00  }
0x125: {  	[tilespmem:s4], [sflag:$0x8] =	stream.indirect.gather.add.f32 [hbm:s2], $0x80, s29, s7, $0xb8;
	[tilespmem:$0x1B640] =	vst v63  }
0x126: {  	_ = 	snop  }
0x127: {  	[tilespmem:s19], [sflag:$0x8] =	stream.indirect.gather.add.f32 [hbm:s2], $0x80, s31, s7, $0xb8;
	[tilespmem:$0x1B640] =	vst v63  }
0x128: {  	_ =	swait.ge [sflag:s8], $0x6400  }
0x129: {  	[sflag:s8] =	ssyncset.done $0x0  }
0x12a: {  	[sflag:s8] =	ssyncadd.s32 $0xFFFF9C00  }
0x12b: {  	[tilespmem:s9], [sflag:$0x2] =	stream.linear.gather [spmem:s3], $0x6400, $0x38;
	[tilespmem:$0x1B640] =	vst v63  }
0x12c: {  	_ =	swait.ge [sflag:s17], $0x3200  }
0x12d: {  	[sflag:s17] =	ssyncset.done $0x0  }
0x12e: {  	[sflag:s17] =	ssyncadd.s32 $0xFFFFCE00  }
0x12f: {  	_ =	swait.ge [sflag:s17], $0x3200  }
0x130: {  	[sflag:s17] =	ssyncset.done $0x0  }
0x131: {  	s29 =	rddreg [dreg:$0x10];
	[sflag:s17] =	ssyncadd.s32 $0xFFFFCE00  }
0x132: {  	[hbm4b:s29+s1] =	stream.linear.scatter [tilespmem:s5], [sflag:$0xB], $0x6400, $0x38;
	[tilespmem:$0x1B640] =	vst v63  }
0x133: {  	_ =	swait.ge [sflag:s15], $0x6400  }
0x134: {  	s29 =	sld [smem:$0x7D4]  }
0x135: {  	[sflag:s15] =	ssyncset.done $0x0  }
0x136: {  	s31 =	sld [smem:$0x7D5];
	[sflag:s15] =	ssyncadd.s32 $0xFFFF9C00  }
0x137: {  	[tilespmem:s6], [sflag:$0x9] =	stream.indirect.gather.add.f32 [hbm:s2], $0x80, s29, s7, $0xb8;
	[tilespmem:$0x1B640] =	vst v63  }
0x138: {  	_ = 	snop  }
0x139: {  	[tilespmem:s16], [sflag:$0x9] =	stream.indirect.gather.add.f32 [hbm:s2], $0x80, s31, s7, $0xb8;
	[tilespmem:$0x1B640] =	vst v63  }
0x13a: {  	_ =	swait.ge [sflag:s10], $0x6400  }
0x13b: {  	[sflag:s10] =	ssyncset.done $0x0  }
0x13c: {  	[sflag:s10] =	ssyncadd.s32 $0xFFFF9C00  }
0x13d: {  	[tilespmem:s5], [sflag:$0x3] =	stream.linear.gather [spmem:s3], $0x6400, $0x38;
	[tilespmem:$0x1B640] =	vst v63  }
0x13e: {  	_ =	swait.ge [sflag:s13], $0x3200  }
0x13f: {  	[sflag:s13] =	ssyncset.done $0x0  }
0x140: {  	[sflag:s13] =	ssyncadd.s32 $0xFFFFCE00  }
0x141: {  	_ =	swait.ge [sflag:s13], $0x3200  }
0x142: {  	[sflag:s13] =	ssyncset.done $0x0  }
0x143: {  	s29 =	rddreg [dreg:$0x11];
	[sflag:s13] =	ssyncadd.s32 $0xFFFFCE00  }
0x144: {  	[hbm4b:s29+s1] =	stream.linear.scatter [tilespmem:s4], [sflag:$0xC], $0x6400, $0x38;
	[tilespmem:$0x1B640] =	vst v63  }
0x145: {  	_ =	swait.ge [sflag:s23], $0x6400  }
0x146: {  	s29 =	sld [smem:$0x7D6]  }
0x147: {  	[sflag:s23] =	ssyncset.done $0x0  }
0x148: {  	s31 =	sld [smem:$0x7D7];
	[sflag:s23] =	ssyncadd.s32 $0xFFFF9C00  }
0x149: {  	[tilespmem:s9], [sflag:$0x6] =	stream.indirect.gather.add.f32 [hbm:s2], $0x80, s29, s7, $0xb8;
	[tilespmem:$0x1B640] =	vst v63  }
0x14a: {  	_ = 	snop  }
0x14b: {  	[tilespmem:s24], [sflag:$0x6] =	stream.indirect.gather.add.f32 [hbm:s2], $0x80, s31, s7, $0xb8;
	[tilespmem:$0x1B640] =	vst v63  }
0x14c: {  	_ =	swait.ge [sflag:s11], $0x6400  }
0x14d: {  	[sflag:s11] =	ssyncset.done $0x0  }
0x14e: {  	[sflag:s11] =	ssyncadd.s32 $0xFFFF9C00  }
0x14f: {  	[tilespmem:s4], [sflag:$0x4] =	stream.linear.gather [spmem:s3], $0x6400, $0x38;
	[tilespmem:$0x1B640] =	vst v63  }
0x150: {  	_ =	swait.ge [sflag:s14], $0x3200  }
0x151: {  	[sflag:s14] =	ssyncset.done $0x0  }
0x152: {  	[sflag:s14] =	ssyncadd.s32 $0xFFFFCE00  }
0x153: {  	_ =	swait.ge [sflag:s14], $0x3200  }
0x154: {  	[sflag:s14] =	ssyncset.done $0x0  }
0x155: {  	s29 =	rddreg [dreg:$0x12];
	[sflag:s14] =	ssyncadd.s32 $0xFFFFCE00  }
0x156: {  	[hbm4b:s29+s1] =	stream.linear.scatter [tilespmem:s6], [sflag:$0xD], $0x6400, $0x38;
	[tilespmem:$0x1B640] =	vst v63  }
0x157: {  	_ =	swait.ge [sflag:s21], $0x6400  }
0x158: {  	s29 =	sld [smem:$0x7D8]  }
0x159: {  	[sflag:s21] =	ssyncset.done $0x0  }
0x15a: {  	s31 =	sld [smem:$0x7D9];
	[sflag:s21] =	ssyncadd.s32 $0xFFFF9C00  }
0x15b: {  	[tilespmem:s5], [sflag:$0x7] =	stream.indirect.gather.add.f32 [hbm:s2], $0x80, s29, s7, $0xb8;
	[tilespmem:$0x1B640] =	vst v63  }
0x15c: {  	_ = 	snop  }
0x15d: {  	[tilespmem:s22], [sflag:$0x7] =	stream.indirect.gather.add.f32 [hbm:s2], $0x80, s31, s7, $0xb8;
	[tilespmem:$0x1B640] =	vst v63  }
0x15e: {  	_ =	swait.ge [sflag:s12], $0x6400  }
0x15f: {  	[sflag:s12] =	ssyncset.done $0x0  }
0x160: {  	[sflag:s12] =	ssyncadd.s32 $0xFFFF9C00  }
0x161: {  	[tilespmem:s6], [sflag:$0x5] =	stream.linear.gather [spmem:s3], $0x6400, $0x38;
	[tilespmem:$0x1B640] =	vst v63  }
0x162: {  	_ =	swait.ge [sflag:s20], $0x3200  }
0x163: {  	[sflag:s20] =	ssyncset.done $0x0  }
0x164: {  	[sflag:s20] =	ssyncadd.s32 $0xFFFFCE00  }
0x165: {  	_ =	swait.ge [sflag:s20], $0x3200  }
0x166: {  	[sflag:s20] =	ssyncset.done $0x0  }
0x167: {  	s29 =	rddreg [dreg:$0x13];
	[sflag:s20] =	ssyncadd.s32 $0xFFFFCE00  }
0x168: {  	[hbm4b:s29+s1] =	stream.linear.scatter [tilespmem:s9], [sflag:$0xA], $0x6400, $0x38;
	[tilespmem:$0x1B640] =	vst v63  }
0x169: {  	_ =	swait.ge [sflag:s18], $0x6400  }
0x16a: {  	s29 =	sld [smem:$0x7DA]  }
0x16b: {  	[sflag:s18] =	ssyncset.done $0x0  }
0x16c: {  	s31 =	sld [smem:$0x7DB];
	[sflag:s18] =	ssyncadd.s32 $0xFFFF9C00  }
0x16d: {  	[tilespmem:s4], [sflag:$0x8] =	stream.indirect.gather.add.f32 [hbm:s2], $0x80, s29, s7, $0xb8;
	[tilespmem:$0x1B640] =	vst v63  }
0x16e: {  	_ = 	snop  }
0x16f: {  	[tilespmem:s19], [sflag:$0x8] =	stream.indirect.gather.add.f32 [hbm:s2], $0x80, s31, s7, $0xb8;
	[tilespmem:$0x1B640] =	vst v63  }
0x170: {  	_ =	swait.ge [sflag:s8], $0x6400  }
0x171: {  	[sflag:s8] =	ssyncset.done $0x0  }
0x172: {  	[sflag:s8] =	ssyncadd.s32 $0xFFFF9C00  }
0x173: {  	[tilespmem:s9], [sflag:$0x2] =	stream.linear.gather [spmem:s3], $0x6400, $0x38;
	[tilespmem:$0x1B640] =	vst v63  }
0x174: {  	_ =	swait.ge [sflag:s17], $0x3200  }
0x175: {  	[sflag:s17] =	ssyncset.done $0x0  }
0x176: {  	[sflag:s17] =	ssyncadd.s32 $0xFFFFCE00  }
0x177: {  	_ =	swait.ge [sflag:s17], $0x3200  }
0x178: {  	[sflag:s17] =	ssyncset.done $0x0  }
0x179: {  	s29 =	rddreg [dreg:$0x14];
	[sflag:s17] =	ssyncadd.s32 $0xFFFFCE00  }
0x17a: {  	[hbm4b:s29+s1] =	stream.linear.scatter [tilespmem:s5], [sflag:$0xB], $0x6400, $0x38;
	[tilespmem:$0x1B640] =	vst v63  }
0x17b: {  	_ =	swait.ge [sflag:s15], $0x6400  }
0x17c: {  	s29 =	sld [smem:$0x7DC]  }
0x17d: {  	[sflag:s15] =	ssyncset.done $0x0  }
0x17e: {  	s31 =	sld [smem:$0x7DD];
	[sflag:s15] =	ssyncadd.s32 $0xFFFF9C00  }
0x17f: {  	[tilespmem:s6], [sflag:$0x9] =	stream.indirect.gather.add.f32 [hbm:s2], $0x80, s29, s7, $0xb8;
	[tilespmem:$0x1B640] =	vst v63  }
0x180: {  	_ = 	snop  }
0x181: {  	[tilespmem:s16], [sflag:$0x9] =	stream.indirect.gather.add.f32 [hbm:s2], $0x80, s31, s7, $0xb8;
	[tilespmem:$0x1B640] =	vst v63  }
0x182: {  	_ =	swait.ge [sflag:s10], $0x6400  }
0x183: {  	[sflag:s10] =	ssyncset.done $0x0  }
0x184: {  	[sflag:s10] =	ssyncadd.s32 $0xFFFF9C00  }
0x185: {  	[tilespmem:s5], [sflag:$0x3] =	stream.linear.gather [spmem:s3], $0x6400, $0x38;
	[tilespmem:$0x1B640] =	vst v63  }
0x186: {  	_ =	swait.ge [sflag:s13], $0x3200  }
0x187: {  	[sflag:s13] =	ssyncset.done $0x0  }
0x188: {  	[sflag:s13] =	ssyncadd.s32 $0xFFFFCE00  }
0x189: {  	_ =	swait.ge [sflag:s13], $0x3200  }
0x18a: {  	[sflag:s13] =	ssyncset.done $0x0  }
0x18b: {  	s29 =	rddreg [dreg:$0x15];
	[sflag:s13] =	ssyncadd.s32 $0xFFFFCE00  }
0x18c: {  	[hbm4b:s29+s1] =	stream.linear.scatter [tilespmem:s4], [sflag:$0xC], $0x6400, $0x38;
	[tilespmem:$0x1B640] =	vst v63  }
0x18d: {  	_ =	swait.ge [sflag:s23], $0x6400  }
0x18e: {  	s29 =	sld [smem:$0x7DE]  }
0x18f: {  	[sflag:s23] =	ssyncset.done $0x0  }
0x190: {  	s31 =	sld [smem:$0x7DF];
	[sflag:s23] =	ssyncadd.s32 $0xFFFF9C00  }
0x191: {  	[tilespmem:s9], [sflag:$0x6] =	stream.indirect.gather.add.f32 [hbm:s2], $0x80, s29, s7, $0xb8;
	[tilespmem:$0x1B640] =	vst v63  }
0x192: {  	_ = 	snop  }
0x193: {  	[tilespmem:s24], [sflag:$0x6] =	stream.indirect.gather.add.f32 [hbm:s2], $0x80, s31, s7, $0xb8;
	[tilespmem:$0x1B640] =	vst v63  }
0x194: {  	_ =	swait.ge [sflag:s11], $0x6400  }
0x195: {  	[sflag:s11] =	ssyncset.done $0x0  }
0x196: {  	[sflag:s11] =	ssyncadd.s32 $0xFFFF9C00  }
0x197: {  	[tilespmem:s4], [sflag:$0x4] =	stream.linear.gather [spmem:s3], $0x6400, $0x38;
	[tilespmem:$0x1B640] =	vst v63  }
0x198: {  	_ =	swait.ge [sflag:s14], $0x3200  }
0x199: {  	[sflag:s14] =	ssyncset.done $0x0  }
0x19a: {  	[sflag:s14] =	ssyncadd.s32 $0xFFFFCE00  }
0x19b: {  	_ =	swait.ge [sflag:s14], $0x3200  }
0x19c: {  	[sflag:s14] =	ssyncset.done $0x0  }
0x19d: {  	s29 =	rddreg [dreg:$0x16];
	[sflag:s14] =	ssyncadd.s32 $0xFFFFCE00  }
0x19e: {  	[hbm4b:s29+s1] =	stream.linear.scatter [tilespmem:s6], [sflag:$0xD], $0x6400, $0x38;
	[tilespmem:$0x1B640] =	vst v63  }
0x19f: {  	_ =	swait.ge [sflag:s21], $0x6400  }
0x1a0: {  	s29 =	sld [smem:$0x7E0]  }
0x1a1: {  	[sflag:s21] =	ssyncset.done $0x0  }
0x1a2: {  	s31 =	sld [smem:$0x7E1];
	[sflag:s21] =	ssyncadd.s32 $0xFFFF9C00  }
0x1a3: {  	[tilespmem:s5], [sflag:$0x7] =	stream.indirect.gather.add.f32 [hbm:s2], $0x80, s29, s7, $0xb8;
	[tilespmem:$0x1B640] =	vst v63  }
0x1a4: {  	_ = 	snop  }
0x1a5: {  	[tilespmem:s22], [sflag:$0x7] =	stream.indirect.gather.add.f32 [hbm:s2], $0x80, s31, s7, $0xb8;
	[tilespmem:$0x1B640] =	vst v63  }
0x1a6: {  	_ =	swait.ge [sflag:s12], $0x6400  }
0x1a7: {  	[sflag:s12] =	ssyncset.done $0x0  }
0x1a8: {  	[sflag:s12] =	ssyncadd.s32 $0xFFFF9C00  }
0x1a9: {  	[tilespmem:s6], [sflag:$0x5] =	stream.linear.gather [spmem:s3], $0x6400, $0x38;
	[tilespmem:$0x1B640] =	vst v63  }
0x1aa: {  	_ =	swait.ge [sflag:s20], $0x3200  }
0x1ab: {  	[sflag:s20] =	ssyncset.done $0x0  }
0x1ac: {  	[sflag:s20] =	ssyncadd.s32 $0xFFFFCE00  }
0x1ad: {  	_ =	swait.ge [sflag:s20], $0x3200  }
0x1ae: {  	[sflag:s20] =	ssyncset.done $0x0  }
0x1af: {  	s29 =	rddreg [dreg:$0x17];
	[sflag:s20] =	ssyncadd.s32 $0xFFFFCE00  }
0x1b0: {  	[hbm4b:s29+s1] =	stream.linear.scatter [tilespmem:s9], [sflag:$0xA], $0x6400, $0x38;
	[tilespmem:$0x1B640] =	vst v63  }
0x1b1: {  	_ =	swait.ge [sflag:s18], $0x6400  }
0x1b2: {  	s29 =	sld [smem:$0x7E2]  }
0x1b3: {  	[sflag:s18] =	ssyncset.done $0x0  }
0x1b4: {  	s31 =	sld [smem:$0x7E3];
	[sflag:s18] =	ssyncadd.s32 $0xFFFF9C00  }
0x1b5: {  	[tilespmem:s4], [sflag:$0x8] =	stream.indirect.gather.add.f32 [hbm:s2], $0x80, s29, s7, $0xb8;
	[tilespmem:$0x1B640] =	vst v63  }
0x1b6: {  	_ = 	snop  }
0x1b7: {  	[tilespmem:s19], [sflag:$0x8] =	stream.indirect.gather.add.f32 [hbm:s2], $0x80, s31, s7, $0xb8;
	[tilespmem:$0x1B640] =	vst v63  }
0x1b8: {  	_ =	swait.ge [sflag:s8], $0x6400  }
0x1b9: {  	[sflag:s8] =	ssyncset.done $0x0  }
0x1ba: {  	[sflag:s8] =	ssyncadd.s32 $0xFFFF9C00  }
0x1bb: {  	[tilespmem:s9], [sflag:$0x2] =	stream.linear.gather [spmem:s3], $0x6400, $0x38;
	[tilespmem:$0x1B640] =	vst v63  }
0x1bc: {  	_ =	swait.ge [sflag:s17], $0x3200  }
0x1bd: {  	[sflag:s17] =	ssyncset.done $0x0  }
0x1be: {  	[sflag:s17] =	ssyncadd.s32 $0xFFFFCE00  }
0x1bf: {  	_ =	swait.ge [sflag:s17], $0x3200  }
0x1c0: {  	[sflag:s17] =	ssyncset.done $0x0  }
0x1c1: {  	s29 =	rddreg [dreg:$0x18];
	[sflag:s17] =	ssyncadd.s32 $0xFFFFCE00  }
0x1c2: {  	[hbm4b:s29+s1] =	stream.linear.scatter [tilespmem:s5], [sflag:$0xB], $0x6400, $0x38;
	[tilespmem:$0x1B640] =	vst v63  }
0x1c3: {  	_ =	swait.ge [sflag:s15], $0x6400  }
0x1c4: {  	s29 =	sld [smem:$0x7E4]  }
0x1c5: {  	[sflag:s15] =	ssyncset.done $0x0  }
0x1c6: {  	s31 =	sld [smem:$0x7E5];
	[sflag:s15] =	ssyncadd.s32 $0xFFFF9C00  }
0x1c7: {  	[tilespmem:s6], [sflag:$0x9] =	stream.indirect.gather.add.f32 [hbm:s2], $0x80, s29, s7, $0xb8;
	[tilespmem:$0x1B640] =	vst v63  }
0x1c8: {  	_ = 	snop  }
0x1c9: {  	[tilespmem:s16], [sflag:$0x9] =	stream.indirect.gather.add.f32 [hbm:s2], $0x80, s31, s7, $0xb8;
	[tilespmem:$0x1B640] =	vst v63  }
0x1ca: {  	_ =	swait.ge [sflag:s10], $0x6400  }
0x1cb: {  	[sflag:s10] =	ssyncset.done $0x0  }
0x1cc: {  	[sflag:s10] =	ssyncadd.s32 $0xFFFF9C00  }
0x1cd: {  	[tilespmem:s5], [sflag:$0x3] =	stream.linear.gather [spmem:s3], $0x6400, $0x38;
	[tilespmem:$0x1B640] =	vst v63  }
0x1ce: {  	_ =	swait.ge [sflag:s13], $0x3200  }
0x1cf: {  	[sflag:s13] =	ssyncset.done $0x0  }
0x1d0: {  	[sflag:s13] =	ssyncadd.s32 $0xFFFFCE00  }
0x1d1: {  	_ =	swait.ge [sflag:s13], $0x3200  }
0x1d2: {  	[sflag:s13] =	ssyncset.done $0x0  }
0x1d3: {  	s29 =	rddreg [dreg:$0x19];
	[sflag:s13] =	ssyncadd.s32 $0xFFFFCE00  }
0x1d4: {  	[hbm4b:s29+s1] =	stream.linear.scatter [tilespmem:s4], [sflag:$0xC], $0x6400, $0x38;
	[tilespmem:$0x1B640] =	vst v63  }
0x1d5: {  	_ =	swait.ge [sflag:s23], $0x6400  }
0x1d6: {  	s29 =	sld [smem:$0x7E6]  }
0x1d7: {  	[sflag:s23] =	ssyncset.done $0x0  }
0x1d8: {  	s31 =	sld [smem:$0x7E7];
	[sflag:s23] =	ssyncadd.s32 $0xFFFF9C00  }
0x1d9: {  	[tilespmem:s9], [sflag:$0x6] =	stream.indirect.gather.add.f32 [hbm:s2], $0x80, s29, s7, $0xb8;
	[tilespmem:$0x1B640] =	vst v63  }
0x1da: {  	_ = 	snop  }
0x1db: {  	[tilespmem:s24], [sflag:$0x6] =	stream.indirect.gather.add.f32 [hbm:s2], $0x80, s31, s7, $0xb8;
	[tilespmem:$0x1B640] =	vst v63  }
0x1dc: {  	_ =	swait.ge [sflag:s11], $0x6400  }
0x1dd: {  	[sflag:s11] =	ssyncset.done $0x0  }
0x1de: {  	[sflag:s11] =	ssyncadd.s32 $0xFFFF9C00  }
0x1df: {  	[tilespmem:s4], [sflag:$0x4] =	stream.linear.gather [spmem:s3], $0x6400, $0x38;
	[tilespmem:$0x1B640] =	vst v63  }
0x1e0: {  	_ =	swait.ge [sflag:s14], $0x3200  }
0x1e1: {  	[sflag:s14] =	ssyncset.done $0x0  }
0x1e2: {  	[sflag:s14] =	ssyncadd.s32 $0xFFFFCE00  }
0x1e3: {  	_ =	swait.ge [sflag:s14], $0x3200  }
0x1e4: {  	[sflag:s14] =	ssyncset.done $0x0  }
0x1e5: {  	s29 =	rddreg [dreg:$0x1a];
	[sflag:s14] =	ssyncadd.s32 $0xFFFFCE00  }
0x1e6: {  	[hbm4b:s29+s1] =	stream.linear.scatter [tilespmem:s6], [sflag:$0xD], $0x6400, $0x38;
	[tilespmem:$0x1B640] =	vst v63  }
0x1e7: {  	_ =	swait.ge [sflag:s21], $0x6400  }
0x1e8: {  	s29 =	sld [smem:$0x7E8]  }
0x1e9: {  	[sflag:s21] =	ssyncset.done $0x0  }
0x1ea: {  	s31 =	sld [smem:$0x7E9];
	[sflag:s21] =	ssyncadd.s32 $0xFFFF9C00  }
0x1eb: {  	[tilespmem:s5], [sflag:$0x7] =	stream.indirect.gather.add.f32 [hbm:s2], $0x80, s29, s7, $0xb8;
	[tilespmem:$0x1B640] =	vst v63  }
0x1ec: {  	_ = 	snop  }
0x1ed: {  	[tilespmem:s22], [sflag:$0x7] =	stream.indirect.gather.add.f32 [hbm:s2], $0x80, s31, s7, $0xb8;
	[tilespmem:$0x1B640] =	vst v63  }
0x1ee: {  	_ =	swait.ge [sflag:s12], $0x6400  }
0x1ef: {  	[sflag:s12] =	ssyncset.done $0x0  }
0x1f0: {  	[sflag:s12] =	ssyncadd.s32 $0xFFFF9C00  }
0x1f1: {  	[tilespmem:s6], [sflag:$0x5] =	stream.linear.gather [spmem:s3], $0x6400, $0x38;
	[tilespmem:$0x1B640] =	vst v63  }
0x1f2: {  	_ =	swait.ge [sflag:s20], $0x3200  }
0x1f3: {  	[sflag:s20] =	ssyncset.done $0x0  }
0x1f4: {  	[sflag:s20] =	ssyncadd.s32 $0xFFFFCE00  }
0x1f5: {  	_ =	swait.ge [sflag:s20], $0x3200  }
0x1f6: {  	[sflag:s20] =	ssyncset.done $0x0  }
0x1f7: {  	s29 =	rddreg [dreg:$0x1b];
	[sflag:s20] =	ssyncadd.s32 $0xFFFFCE00  }
0x1f8: {  	[hbm4b:s29+s1] =	stream.linear.scatter [tilespmem:s9], [sflag:$0xA], $0x6400, $0x38;
	[tilespmem:$0x1B640] =	vst v63  }
0x1f9: {  	_ =	swait.ge [sflag:s18], $0x6400  }
0x1fa: {  	s29 =	sld [smem:$0x7EA]  }
0x1fb: {  	[sflag:s18] =	ssyncset.done $0x0  }
0x1fc: {  	s31 =	sld [smem:$0x7EB];
	[sflag:s18] =	ssyncadd.s32 $0xFFFF9C00  }
0x1fd: {  	[tilespmem:s4], [sflag:$0x8] =	stream.indirect.gather.add.f32 [hbm:s2], $0x80, s29, s7, $0xb8;
	[tilespmem:$0x1B640] =	vst v63  }
0x1fe: {  	_ = 	snop  }
0x1ff: {  	[tilespmem:s19], [sflag:$0x8] =	stream.indirect.gather.add.f32 [hbm:s2], $0x80, s31, s7, $0xb8;
	[tilespmem:$0x1B640] =	vst v63  }
0x200: {  	_ =	swait.ge [sflag:s8], $0x6400  }
0x201: {  	[sflag:s8] =	ssyncset.done $0x0  }
0x202: {  	[sflag:s8] =	ssyncadd.s32 $0xFFFF9C00  }
0x203: {  	[tilespmem:s9], [sflag:$0x2] =	stream.linear.gather [spmem:s3], $0x6400, $0x38;
	[tilespmem:$0x1B640] =	vst v63  }
0x204: {  	_ =	swait.ge [sflag:s17], $0x3200  }
0x205: {  	[sflag:s17] =	ssyncset.done $0x0  }
0x206: {  	[sflag:s17] =	ssyncadd.s32 $0xFFFFCE00  }
0x207: {  	_ =	swait.ge [sflag:s17], $0x3200  }
0x208: {  	[sflag:s17] =	ssyncset.done $0x0  }
0x209: {  	s29 =	rddreg [dreg:$0x1c];
	[sflag:s17] =	ssyncadd.s32 $0xFFFFCE00  }
0x20a: {  	[hbm4b:s29+s1] =	stream.linear.scatter [tilespmem:s5], [sflag:$0xB], $0x6400, $0x38;
	[tilespmem:$0x1B640] =	vst v63  }
0x20b: {  	_ =	swait.ge [sflag:s15], $0x6400  }
0x20c: {  	s29 =	sld [smem:$0x7EC]  }
0x20d: {  	[sflag:s15] =	ssyncset.done $0x0  }
0x20e: {  	s31 =	sld [smem:$0x7ED];
	[sflag:s15] =	ssyncadd.s32 $0xFFFF9C00  }
0x20f: {  	[tilespmem:s6], [sflag:$0x9] =	stream.indirect.gather.add.f32 [hbm:s2], $0x80, s29, s7, $0xb8;
	[tilespmem:$0x1B640] =	vst v63  }
0x210: {  	_ = 	snop  }
0x211: {  	[tilespmem:s16], [sflag:$0x9] =	stream.indirect.gather.add.f32 [hbm:s2], $0x80, s31, s7, $0xb8;
	[tilespmem:$0x1B640] =	vst v63  }
0x212: {  	_ =	swait.ge [sflag:s10], $0x6400  }
0x213: {  	[sflag:s10] =	ssyncset.done $0x0  }
0x214: {  	[sflag:s10] =	ssyncadd.s32 $0xFFFF9C00  }
0x215: {  	[tilespmem:s5], [sflag:$0x3] =	stream.linear.gather [spmem:s3], $0x6400, $0x38;
	[tilespmem:$0x1B640] =	vst v63  }
0x216: {  	_ =	swait.ge [sflag:s13], $0x3200  }
0x217: {  	[sflag:s13] =	ssyncset.done $0x0  }
0x218: {  	[sflag:s13] =	ssyncadd.s32 $0xFFFFCE00  }
0x219: {  	_ =	swait.ge [sflag:s13], $0x3200  }
0x21a: {  	[sflag:s13] =	ssyncset.done $0x0  }
0x21b: {  	s29 =	rddreg [dreg:$0x1d];
	[sflag:s13] =	ssyncadd.s32 $0xFFFFCE00  }
0x21c: {  	[hbm4b:s29+s1] =	stream.linear.scatter [tilespmem:s4], [sflag:$0xC], $0x6400, $0x38;
	[tilespmem:$0x1B640] =	vst v63  }
0x21d: {  	_ =	swait.ge [sflag:s23], $0x6400  }
0x21e: {  	s29 =	sld [smem:$0x7EE]  }
0x21f: {  	[sflag:s23] =	ssyncset.done $0x0  }
0x220: {  	s31 =	sld [smem:$0x7EF];
	[sflag:s23] =	ssyncadd.s32 $0xFFFF9C00  }
0x221: {  	[tilespmem:s9], [sflag:$0x6] =	stream.indirect.gather.add.f32 [hbm:s2], $0x80, s29, s7, $0xb8;
	[tilespmem:$0x1B640] =	vst v63  }
0x222: {  	_ = 	snop  }
0x223: {  	[tilespmem:s24], [sflag:$0x6] =	stream.indirect.gather.add.f32 [hbm:s2], $0x80, s31, s7, $0xb8;
	[tilespmem:$0x1B640] =	vst v63  }
0x224: {  	_ =	swait.ge [sflag:s11], $0x6400  }
0x225: {  	[sflag:s11] =	ssyncset.done $0x0  }
0x226: {  	[sflag:s11] =	ssyncadd.s32 $0xFFFF9C00  }
0x227: {  	[tilespmem:s4], [sflag:$0x4] =	stream.linear.gather [spmem:s3], $0x6400, $0x38;
	[tilespmem:$0x1B640] =	vst v63  }
0x228: {  	_ =	swait.ge [sflag:s14], $0x3200  }
0x229: {  	[sflag:s14] =	ssyncset.done $0x0  }
0x22a: {  	[sflag:s14] =	ssyncadd.s32 $0xFFFFCE00  }
0x22b: {  	_ =	swait.ge [sflag:s14], $0x3200  }
0x22c: {  	[sflag:s14] =	ssyncset.done $0x0  }
0x22d: {  	s29 =	rddreg [dreg:$0x1e];
	[sflag:s14] =	ssyncadd.s32 $0xFFFFCE00  }
0x22e: {  	[hbm4b:s29+s1] =	stream.linear.scatter [tilespmem:s6], [sflag:$0xD], $0x6400, $0x38;
	[tilespmem:$0x1B640] =	vst v63  }
0x22f: {  	_ =	swait.ge [sflag:s21], $0x6400  }
0x230: {  	s29 =	sld [smem:$0x7F0]  }
0x231: {  	[sflag:s21] =	ssyncset.done $0x0  }
0x232: {  	s31 =	sld [smem:$0x7F1];
	[sflag:s21] =	ssyncadd.s32 $0xFFFF9C00  }
0x233: {  	[tilespmem:s5], [sflag:$0x7] =	stream.indirect.gather.add.f32 [hbm:s2], $0x80, s29, s7, $0xb8;
	[tilespmem:$0x1B640] =	vst v63  }
0x234: {  	_ = 	snop  }
0x235: {  	[tilespmem:s22], [sflag:$0x7] =	stream.indirect.gather.add.f32 [hbm:s2], $0x80, s31, s7, $0xb8;
	[tilespmem:$0x1B640] =	vst v63  }
0x236: {  	_ =	swait.ge [sflag:s12], $0x6400  }
0x237: {  	[sflag:s12] =	ssyncset.done $0x0  }
0x238: {  	[sflag:s12] =	ssyncadd.s32 $0xFFFF9C00  }
0x239: {  	[tilespmem:s6], [sflag:$0x5] =	stream.linear.gather [spmem:s3], $0x6400, $0x38;
	[tilespmem:$0x1B640] =	vst v63  }
0x23a: {  	_ =	swait.ge [sflag:s20], $0x3200  }
0x23b: {  	[sflag:s20] =	ssyncset.done $0x0  }
0x23c: {  	[sflag:s20] =	ssyncadd.s32 $0xFFFFCE00  }
0x23d: {  	_ =	swait.ge [sflag:s20], $0x3200  }
0x23e: {  	[sflag:s20] =	ssyncset.done $0x0  }
0x23f: {  	s29 =	rddreg [dreg:$0x1f];
	[sflag:s20] =	ssyncadd.s32 $0xFFFFCE00  }
0x240: {  	[hbm4b:s29+s1] =	stream.linear.scatter [tilespmem:s9], [sflag:$0xA], $0x6400, $0x38;
	[tilespmem:$0x1B640] =	vst v63  }
0x241: {  	_ =	swait.ge [sflag:s18], $0x6400  }
0x242: {  	s29 =	sld [smem:$0x7F2]  }
0x243: {  	[sflag:s18] =	ssyncset.done $0x0  }
0x244: {  	s31 =	sld [smem:$0x7F3];
	[sflag:s18] =	ssyncadd.s32 $0xFFFF9C00  }
0x245: {  	[tilespmem:s4], [sflag:$0x8] =	stream.indirect.gather.add.f32 [hbm:s2], $0x80, s29, s7, $0xb8;
	[tilespmem:$0x1B640] =	vst v63  }
0x246: {  	_ = 	snop  }
0x247: {  	[tilespmem:s19], [sflag:$0x8] =	stream.indirect.gather.add.f32 [hbm:s2], $0x80, s31, s7, $0xb8;
	[tilespmem:$0x1B640] =	vst v63  }
0x248: {  	_ =	swait.ge [sflag:s8], $0x6400  }
0x249: {  	[sflag:s8] =	ssyncset.done $0x0  }
0x24a: {  	[sflag:s8] =	ssyncadd.s32 $0xFFFF9C00  }
0x24b: {  	[tilespmem:s9], [sflag:$0x2] =	stream.linear.gather [spmem:s3], $0x6400, $0x38;
	[tilespmem:$0x1B640] =	vst v63  }
0x24c: {  	_ =	swait.ge [sflag:s17], $0x3200  }
0x24d: {  	[sflag:s17] =	ssyncset.done $0x0  }
0x24e: {  	[sflag:s17] =	ssyncadd.s32 $0xFFFFCE00  }
0x24f: {  	_ =	swait.ge [sflag:s17], $0x3200  }
0x250: {  	s29 =	sld [smem:$0x7B8]  }
0x251: {  	[sflag:s17] =	ssyncset.done $0x0  }
0x252: {  	[sflag:s17] =	ssyncadd.s32 $0xFFFFCE00  }
0x253: {  	[hbm4b:s29+s1] =	stream.linear.scatter [tilespmem:s5], [sflag:$0xB], $0x6400, $0x38;
	[tilespmem:$0x1B640] =	vst v63  }
0x254: {  	_ =	swait.ge [sflag:s15], $0x6400  }
0x255: {  	s29 =	sld [smem:$0x7F4]  }
0x256: {  	[sflag:s15] =	ssyncset.done $0x0  }
0x257: {  	s31 =	sld [smem:$0x7F5];
	[sflag:s15] =	ssyncadd.s32 $0xFFFF9C00  }
0x258: {  	[tilespmem:s6], [sflag:$0x9] =	stream.indirect.gather.add.f32 [hbm:s2], $0x80, s29, s7, $0xb8;
	[tilespmem:$0x1B640] =	vst v63  }
0x259: {  	_ = 	snop  }
0x25a: {  	[tilespmem:s16], [sflag:$0x9] =	stream.indirect.gather.add.f32 [hbm:s2], $0x80, s31, s7, $0xb8;
	[tilespmem:$0x1B640] =	vst v63  }
0x25b: {  	_ =	swait.ge [sflag:s10], $0x6400  }
0x25c: {  	[sflag:s10] =	ssyncset.done $0x0  }
0x25d: {  	[sflag:s10] =	ssyncadd.s32 $0xFFFF9C00  }
0x25e: {  	[tilespmem:s5], [sflag:$0x3] =	stream.linear.gather [spmem:s3], $0x6400, $0x38;
	[tilespmem:$0x1B640] =	vst v63  }
0x25f: {  	_ =	swait.ge [sflag:s13], $0x3200  }
0x260: {  	[sflag:s13] =	ssyncset.done $0x0  }
0x261: {  	[sflag:s13] =	ssyncadd.s32 $0xFFFFCE00  }
0x262: {  	_ =	swait.ge [sflag:s13], $0x3200  }
0x263: {  	s29 =	sld [smem:$0x7B9]  }
0x264: {  	[sflag:s13] =	ssyncset.done $0x0  }
0x265: {  	[sflag:s13] =	ssyncadd.s32 $0xFFFFCE00  }
0x266: {  	[hbm4b:s29+s1] =	stream.linear.scatter [tilespmem:s4], [sflag:$0xC], $0x6400, $0x38;
	[tilespmem:$0x1B640] =	vst v63  }
0x267: {  	_ =	swait.ge [sflag:s23], $0x6400  }
0x268: {  	s29 =	sld [smem:$0x7F6]  }
0x269: {  	[sflag:s23] =	ssyncset.done $0x0  }
0x26a: {  	s31 =	sld [smem:$0x7F7];
	[sflag:s23] =	ssyncadd.s32 $0xFFFF9C00  }
0x26b: {  	[tilespmem:s9], [sflag:$0x6] =	stream.indirect.gather.add.f32 [hbm:s2], $0x80, s29, s7, $0xb8;
	[tilespmem:$0x1B640] =	vst v63  }
0x26c: {  	_ = 	snop  }
0x26d: {  	[tilespmem:s24], [sflag:$0x6] =	stream.indirect.gather.add.f32 [hbm:s2], $0x80, s31, s7, $0xb8;
	[tilespmem:$0x1B640] =	vst v63  }
0x26e: {  	_ =	swait.ge [sflag:s11], $0x6400  }
0x26f: {  	[sflag:s11] =	ssyncset.done $0x0  }
0x270: {  	[sflag:s11] =	ssyncadd.s32 $0xFFFF9C00  }
0x271: {  	[tilespmem:s4], [sflag:$0x4] =	stream.linear.gather [spmem:s3], $0x6400, $0x38;
	[tilespmem:$0x1B640] =	vst v63  }
0x272: {  	_ =	swait.ge [sflag:s14], $0x3200  }
0x273: {  	[sflag:s14] =	ssyncset.done $0x0  }
0x274: {  	[sflag:s14] =	ssyncadd.s32 $0xFFFFCE00  }
0x275: {  	_ =	swait.ge [sflag:s14], $0x3200  }
0x276: {  	s29 =	sld [smem:$0x7BA]  }
0x277: {  	[sflag:s14] =	ssyncset.done $0x0  }
0x278: {  	[sflag:s14] =	ssyncadd.s32 $0xFFFFCE00  }
0x279: {  	[hbm4b:s29+s1] =	stream.linear.scatter [tilespmem:s6], [sflag:$0xD], $0x6400, $0x38;
	[tilespmem:$0x1B640] =	vst v63  }
0x27a: {  	_ =	swait.ge [sflag:s21], $0x6400  }
0x27b: {  	s29 =	sld [smem:$0x7F8]  }
0x27c: {  	[sflag:s21] =	ssyncset.done $0x0  }
0x27d: {  	s31 =	sld [smem:$0x7F9];
	[sflag:s21] =	ssyncadd.s32 $0xFFFF9C00  }
0x27e: {  	[tilespmem:s5], [sflag:$0x7] =	stream.indirect.gather.add.f32 [hbm:s2], $0x80, s29, s7, $0xb8;
	[tilespmem:$0x1B640] =	vst v63  }
0x27f: {  	_ = 	snop  }
0x280: {  	[tilespmem:s22], [sflag:$0x7] =	stream.indirect.gather.add.f32 [hbm:s2], $0x80, s31, s7, $0xb8;
	[tilespmem:$0x1B640] =	vst v63  }
0x281: {  	_ =	swait.ge [sflag:s12], $0x6400  }
0x282: {  	[sflag:s12] =	ssyncset.done $0x0  }
0x283: {  	[sflag:s12] =	ssyncadd.s32 $0xFFFF9C00  }
0x284: {  	[tilespmem:s6], [sflag:$0x5] =	stream.linear.gather [spmem:s3], $0x6400, $0x38;
	[tilespmem:$0x1B640] =	vst v63  }
0x285: {  	_ =	swait.ge [sflag:s20], $0x3200  }
0x286: {  	[sflag:s20] =	ssyncset.done $0x0  }
0x287: {  	[sflag:s20] =	ssyncadd.s32 $0xFFFFCE00  }
0x288: {  	_ =	swait.ge [sflag:s20], $0x3200  }
0x289: {  	s29 =	sld [smem:$0x7BB]  }
0x28a: {  	[sflag:s20] =	ssyncset.done $0x0  }
0x28b: {  	[sflag:s20] =	ssyncadd.s32 $0xFFFFCE00  }
0x28c: {  	[hbm4b:s29+s1] =	stream.linear.scatter [tilespmem:s9], [sflag:$0xA], $0x6400, $0x38;
	[tilespmem:$0x1B640] =	vst v63  }
0x28d: {  	_ =	swait.ge [sflag:s18], $0x6400  }
0x28e: {  	s29 =	sld [smem:$0x7FA]  }
0x28f: {  	[sflag:s18] =	ssyncset.done $0x0  }
0x290: {  	s31 =	sld [smem:$0x7FB];
	[sflag:s18] =	ssyncadd.s32 $0xFFFF9C00  }
0x291: {  	[tilespmem:s4], [sflag:$0x8] =	stream.indirect.gather.add.f32 [hbm:s2], $0x80, s29, s7, $0xb8;
	[tilespmem:$0x1B640] =	vst v63  }
0x292: {  	_ = 	snop  }
0x293: {  	[tilespmem:s19], [sflag:$0x8] =	stream.indirect.gather.add.f32 [hbm:s2], $0x80, s31, s7, $0xb8;
	[tilespmem:$0x1B640] =	vst v63  }
0x294: {  	_ =	swait.ge [sflag:s17], $0x3200  }
0x295: {  	[sflag:s17] =	ssyncset.done $0x0  }
0x296: {  	[sflag:s17] =	ssyncadd.s32 $0xFFFFCE00  }
0x297: {  	_ =	swait.ge [sflag:s17], $0x3200  }
0x298: {  	s29 =	sld [smem:$0x7BC]  }
0x299: {  	[sflag:s17] =	ssyncset.done $0x0  }
0x29a: {  	[sflag:s17] =	ssyncadd.s32 $0xFFFFCE00  }
0x29b: {  	[hbm4b:s29+s1] =	stream.linear.scatter [tilespmem:s5], [sflag:$0xB], $0x6400, $0x38;
	[tilespmem:$0x1B640] =	vst v63  }
0x29c: {  	_ =	swait.ge [sflag:s15], $0x6400  }
0x29d: {  	s29 =	sld [smem:$0x7FC]  }
0x29e: {  	[sflag:s15] =	ssyncset.done $0x0  }
0x29f: {  	s31 =	sld [smem:$0x7FD];
	[sflag:s15] =	ssyncadd.s32 $0xFFFF9C00  }
0x2a0: {  	[tilespmem:s6], [sflag:$0x9] =	stream.indirect.gather.add.f32 [hbm:s2], $0x80, s29, s7, $0xb8;
	[tilespmem:$0x1B640] =	vst v63  }
0x2a1: {  	_ = 	snop  }
0x2a2: {  	[tilespmem:s16], [sflag:$0x9] =	stream.indirect.gather.add.f32 [hbm:s2], $0x80, s31, s7, $0xb8;
	[tilespmem:$0x1B640] =	vst v63  }
0x2a3: {  	_ =	swait.ge [sflag:s13], $0x3200  }
0x2a4: {  	[sflag:s13] =	ssyncset.done $0x0  }
0x2a5: {  	[sflag:s13] =	ssyncadd.s32 $0xFFFFCE00  }
0x2a6: {  	_ =	swait.ge [sflag:s13], $0x3200  }
0x2a7: {  	s29 =	sld [smem:$0x7BD]  }
0x2a8: {  	[sflag:s13] =	ssyncset.done $0x0  }
0x2a9: {  	[sflag:s13] =	ssyncadd.s32 $0xFFFFCE00  }
0x2aa: {  	[hbm4b:s29+s1] =	stream.linear.scatter [tilespmem:s4], [sflag:$0xC], $0x6400, $0x38;
	[tilespmem:$0x1B640] =	vst v63  }
0x2ab: {  	_ =	swait.ge [sflag:s14], $0x3200  }
0x2ac: {  	[sflag:s14] =	ssyncset.done $0x0  }
0x2ad: {  	[sflag:s14] =	ssyncadd.s32 $0xFFFFCE00  }
0x2ae: {  	_ =	swait.ge [sflag:s14], $0x3200  }
0x2af: {  	s29 =	sld [smem:$0x7BE]  }
0x2b0: {  	[sflag:s14] =	ssyncset.done $0x0  }
0x2b1: {  	[sflag:s14] =	ssyncadd.s32 $0xFFFFCE00  }
0x2b2: {  	[hbm4b:s29+s1] =	stream.linear.scatter [tilespmem:s6], [sflag:$0xD], $0x6400, $0x38;
	[tilespmem:$0x1B640] =	vst v63  }
0x2b3: {  	_ =	swait.ge [sflag:s8], $0x6400  }
0x2b4: {  	[sflag:s8] =	ssyncset.done $0x0  }
0x2b5: {  	[sflag:s8] =	ssyncadd.s32 $0xFFFF9C00  }
0x2b6: {  	_ =	swait.ge [sflag:s10], $0x6400  }
0x2b7: {  	[sflag:s10] =	ssyncset.done $0x0  }
0x2b8: {  	[sflag:s10] =	ssyncadd.s32 $0xFFFF9C00  }
0x2b9: {  	_ =	swait.ge [sflag:s11], $0x6400  }
0x2ba: {  	s29 =	sld [smem:$0x7B7];
	_ =	sdelay $0x2  }
0x2bb: {  	s31 =	sadd.s32 $0xFFFFFFFF, s29  }
0x2bc: {  	p2 =	sne.s32 s31, $0x0  }
.Ltmp1:
0x2bd: {  	_ = 	snop;
	(pc) =	sbr.rel @!p2 .LBB2_2-.Ltmp1, $4  }
0x2be: {  	[sflag:s11] =	ssyncset.done $0x0  }
0x2bf: {  	[sflag:s11] =	ssyncadd.s32 $0xFFFF9C00  }
0x2c0: {  	_ =	swait.ge [sflag:s12], $0x6400  }
0x2c1: {  	p1 =	por $0x1, $0x1;
	s0 =	rddreg [dreg:$0x6];
	[sflag:s12] =	ssyncset.done $0x0  }
.LBB2_3:
0x2c2: {  	[sflag:s12] =	ssyncadd.s32 $0xFFFF9C00;
	s29 =	simm.s32 @!p0 $0x1C0E  }
0x2c3: {  	[spmem:s28], [sflag:s29] =	dma.local @!p0 [hbm:s0], $0xC80  }
0x2c4: {  	_ =	swait.ge @!p0 [sflag:s30], $0xC80  }
0x2c5: {  	[sflag:s30] =	ssyncset.done @!p0 $0x0  }
0x2c6: {  	s29 =	rddreg [dreg:$0x7];
	[sflag:s30] =	ssyncadd.s32 @!p0 $0xFFFFF380  }
0x2c7: {  	[tilespmem:s1], [sflag:$0x1] =	stream.linear.gather [hbm4b:s29+s1], $0x2000, $0x38;
	[tilespmem:$0x1B640] =	vst v63  }
0x2c8: {  	[bflag:$0x0] =	sbarrier.arrive $0xFFFF  }
0x2c9: {  	[tilespmem:s9], [sflag:$0x2] =	stream.linear.gather [spmem:s3], $0x6400, $0x38;
	[tilespmem:$0x1B640] =	vst v63  }
0x2ca: {  	_ = 	snop  }
0x2cb: {  	[tilespmem:s5], [sflag:$0x3] =	stream.linear.gather [spmem:s3], $0x6400, $0x38;
	[tilespmem:$0x1B640] =	vst v63  }
0x2cc: {  	_ = 	snop  }
0x2cd: {  	[tilespmem:s4], [sflag:$0x4] =	stream.linear.gather [spmem:s3], $0x6400, $0x38;
	[tilespmem:$0x1B640] =	vst v63  }
0x2ce: {  	_ =	swait.ge [sflag:s26], $0x2000  }
0x2cf: {  	[sflag:s26] =	ssyncset.done $0x0  }
0x2d0: {  	[sflag:s26] =	ssyncadd.s32 $0xFFFFE000  }
0x2d1: {  	_ =	swait.ge [sflag:s23], $0x6400  }
0x2d2: {  	[sflag:s23] =	ssyncset.done $0x0  }
0x2d3: {  	s29 =	sld [smem:$0x7BF];
	[sflag:s23] =	ssyncadd.s32 $0xFFFF9C00  }
0x2d4: {  	[tilespmem:s9], [sflag:$0x6] =	stream.indirect.gather.add.f32 [hbm:s2], $0x80, s1, s7, $0xb8;
	[tilespmem:$0x1B640] =	vst v63  }
0x2d5: {  	_ = 	snop  }
0x2d6: {  	[tilespmem:s24], [sflag:$0x6] =	stream.indirect.gather.add.f32 [hbm:s2], $0x80, s29, s7, $0xb8;
	[tilespmem:$0x1B640] =	vst v63  }
0x2d7: {  	_ =	swait.ge [sflag:s21], $0x6400  }
0x2d8: {  	s0 =	sld [smem:$0x7C0]  }
0x2d9: {  	[sflag:s21] =	ssyncset.done $0x0  }
0x2da: {  	s29 =	sld [smem:$0x7C1];
	[sflag:s21] =	ssyncadd.s32 $0xFFFF9C00  }
0x2db: {  	[tilespmem:s5], [sflag:$0x7] =	stream.indirect.gather.add.f32 [hbm:s2], $0x80, s0, s7, $0xb8;
	[tilespmem:$0x1B640] =	vst v63  }
0x2dc: {  	_ = 	snop  }
0x2dd: {  	[tilespmem:s22], [sflag:$0x7] =	stream.indirect.gather.add.f32 [hbm:s2], $0x80, s29, s7, $0xb8;
	[tilespmem:$0x1B640] =	vst v63  }
0x2de: {  	_ = 	snop  }
0x2df: {  	[tilespmem:s6], [sflag:$0x5] =	stream.linear.gather [spmem:s3], $0x6400, $0x38;
	[tilespmem:$0x1B640] =	vst v63  }
0x2e0: {  	_ =	swait.ge [sflag:s20], $0x3200  }
0x2e1: {  	[sflag:s20] =	ssyncset.done $0x0  }
0x2e2: {  	[sflag:s20] =	ssyncadd.s32 $0xFFFFCE00  }
0x2e3: {  	_ =	swait.ge [sflag:s20], $0x3200  }
0x2e4: {  	[sflag:s20] =	ssyncset.done $0x0  }
0x2e5: {  	[sflag:s20] =	ssyncadd.s32 $0xFFFFCE00  }
0x2e6: {  	[hbm4b:s25+s1] =	stream.linear.scatter [tilespmem:s9], [sflag:$0xA], $0x6400, $0x38;
	[tilespmem:$0x1B640] =	vst v63  }
0x2e7: {  	_ =	swait.ge [sflag:s18], $0x6400  }
0x2e8: {  	s0 =	sld [smem:$0x7C2]  }
0x2e9: {  	[sflag:s18] =	ssyncset.done $0x0  }
0x2ea: {  	s29 =	sld [smem:$0x7C3];
	[sflag:s18] =	ssyncadd.s32 $0xFFFF9C00  }
0x2eb: {  	[tilespmem:s4], [sflag:$0x8] =	stream.indirect.gather.add.f32 [hbm:s2], $0x80, s0, s7, $0xb8;
	[tilespmem:$0x1B640] =	vst v63  }
0x2ec: {  	_ = 	snop  }
0x2ed: {  	[tilespmem:s19], [sflag:$0x8] =	stream.indirect.gather.add.f32 [hbm:s2], $0x80, s29, s7, $0xb8;
	[tilespmem:$0x1B640] =	vst v63  }
0x2ee: {  	_ =	swait.ge [sflag:s8], $0x6400  }
0x2ef: {  	[sflag:s8] =	ssyncset.done $0x0  }
0x2f0: {  	[sflag:s8] =	ssyncadd.s32 $0xFFFF9C00  }
0x2f1: {  	[tilespmem:s9], [sflag:$0x2] =	stream.linear.gather [spmem:s3], $0x6400, $0x38;
	[tilespmem:$0x1B640] =	vst v63  }
0x2f2: {  	_ =	swait.ge [sflag:s17], $0x3200  }
0x2f3: {  	[sflag:s17] =	ssyncset.done $0x0  }
0x2f4: {  	[sflag:s17] =	ssyncadd.s32 $0xFFFFCE00  }
0x2f5: {  	_ =	swait.ge [sflag:s17], $0x3200  }
0x2f6: {  	[sflag:s17] =	ssyncset.done $0x0  }
0x2f7: {  	s29 =	rddreg [dreg:$0x8];
	[sflag:s17] =	ssyncadd.s32 $0xFFFFCE00  }
0x2f8: {  	[hbm4b:s29+s1] =	stream.linear.scatter [tilespmem:s5], [sflag:$0xB], $0x6400, $0x38;
	[tilespmem:$0x1B640] =	vst v63  }
0x2f9: {  	_ =	swait.ge [sflag:s15], $0x6400  }
0x2fa: {  	s0 =	sld [smem:$0x7C4]  }
0x2fb: {  	[sflag:s15] =	ssyncset.done $0x0  }
0x2fc: {  	s29 =	sld [smem:$0x7C5];
	[sflag:s15] =	ssyncadd.s32 $0xFFFF9C00  }
0x2fd: {  	[tilespmem:s6], [sflag:$0x9] =	stream.indirect.gather.add.f32 [hbm:s2], $0x80, s0, s7, $0xb8;
	[tilespmem:$0x1B640] =	vst v63  }
0x2fe: {  	_ = 	snop  }
0x2ff: {  	[tilespmem:s16], [sflag:$0x9] =	stream.indirect.gather.add.f32 [hbm:s2], $0x80, s29, s7, $0xb8;
	[tilespmem:$0x1B640] =	vst v63  }
0x300: {  	_ =	swait.ge [sflag:s10], $0x6400  }
0x301: {  	[sflag:s10] =	ssyncset.done $0x0  }
0x302: {  	[sflag:s10] =	ssyncadd.s32 $0xFFFF9C00  }
0x303: {  	[tilespmem:s5], [sflag:$0x3] =	stream.linear.gather [spmem:s3], $0x6400, $0x38;
	[tilespmem:$0x1B640] =	vst v63  }
0x304: {  	_ =	swait.ge [sflag:s13], $0x3200  }
0x305: {  	[sflag:s13] =	ssyncset.done $0x0  }
0x306: {  	[sflag:s13] =	ssyncadd.s32 $0xFFFFCE00  }
0x307: {  	_ =	swait.ge [sflag:s13], $0x3200  }
0x308: {  	[sflag:s13] =	ssyncset.done $0x0  }
0x309: {  	s29 =	rddreg [dreg:$0x9];
	[sflag:s13] =	ssyncadd.s32 $0xFFFFCE00  }
0x30a: {  	[hbm4b:s29+s1] =	stream.linear.scatter [tilespmem:s4], [sflag:$0xC], $0x6400, $0x38;
	[tilespmem:$0x1B640] =	vst v63  }
0x30b: {  	_ =	swait.ge [sflag:s23], $0x6400  }
0x30c: {  	s0 =	sld [smem:$0x7C6]  }
0x30d: {  	[sflag:s23] =	ssyncset.done $0x0  }
0x30e: {  	s29 =	sld [smem:$0x7C7];
	[sflag:s23] =	ssyncadd.s32 $0xFFFF9C00  }
0x30f: {  	[tilespmem:s9], [sflag:$0x6] =	stream.indirect.gather.add.f32 [hbm:s2], $0x80, s0, s7, $0xb8;
	[tilespmem:$0x1B640] =	vst v63  }
0x310: {  	_ = 	snop  }
0x311: {  	[tilespmem:s24], [sflag:$0x6] =	stream.indirect.gather.add.f32 [hbm:s2], $0x80, s29, s7, $0xb8;
	[tilespmem:$0x1B640] =	vst v63  }
0x312: {  	_ =	swait.ge [sflag:s11], $0x6400  }
0x313: {  	[sflag:s11] =	ssyncset.done $0x0  }
0x314: {  	[sflag:s11] =	ssyncadd.s32 $0xFFFF9C00  }
0x315: {  	[tilespmem:s4], [sflag:$0x4] =	stream.linear.gather [spmem:s3], $0x6400, $0x38;
	[tilespmem:$0x1B640] =	vst v63  }
0x316: {  	_ =	swait.ge [sflag:s14], $0x3200  }
0x317: {  	[sflag:s14] =	ssyncset.done $0x0  }
0x318: {  	[sflag:s14] =	ssyncadd.s32 $0xFFFFCE00  }
0x319: {  	_ =	swait.ge [sflag:s14], $0x3200  }
0x31a: {  	[sflag:s14] =	ssyncset.done $0x0  }
0x31b: {  	s29 =	rddreg [dreg:$0xa];
	[sflag:s14] =	ssyncadd.s32 $0xFFFFCE00  }
0x31c: {  	[hbm4b:s29+s1] =	stream.linear.scatter [tilespmem:s6], [sflag:$0xD], $0x6400, $0x38;
	[tilespmem:$0x1B640] =	vst v63  }
0x31d: {  	_ =	swait.ge [sflag:s21], $0x6400  }
0x31e: {  	s0 =	sld [smem:$0x7C8]  }
0x31f: {  	[sflag:s21] =	ssyncset.done $0x0  }
0x320: {  	s29 =	sld [smem:$0x7C9];
	[sflag:s21] =	ssyncadd.s32 $0xFFFF9C00  }
0x321: {  	[tilespmem:s5], [sflag:$0x7] =	stream.indirect.gather.add.f32 [hbm:s2], $0x80, s0, s7, $0xb8;
	[tilespmem:$0x1B640] =	vst v63  }
0x322: {  	_ = 	snop  }
0x323: {  	[tilespmem:s22], [sflag:$0x7] =	stream.indirect.gather.add.f32 [hbm:s2], $0x80, s29, s7, $0xb8;
	[tilespmem:$0x1B640] =	vst v63  }
0x324: {  	_ =	swait.ge [sflag:s12], $0x6400  }
0x325: {  	[sflag:s12] =	ssyncset.done $0x0  }
0x326: {  	[sflag:s12] =	ssyncadd.s32 $0xFFFF9C00  }
0x327: {  	[tilespmem:s6], [sflag:$0x5] =	stream.linear.gather [spmem:s3], $0x6400, $0x38;
	[tilespmem:$0x1B640] =	vst v63  }
0x328: {  	_ =	swait.ge [sflag:s20], $0x3200  }
0x329: {  	[sflag:s20] =	ssyncset.done $0x0  }
0x32a: {  	[sflag:s20] =	ssyncadd.s32 $0xFFFFCE00  }
0x32b: {  	_ =	swait.ge [sflag:s20], $0x3200  }
0x32c: {  	[sflag:s20] =	ssyncset.done $0x0  }
0x32d: {  	s29 =	rddreg [dreg:$0xb];
	[sflag:s20] =	ssyncadd.s32 $0xFFFFCE00  }
0x32e: {  	[hbm4b:s29+s1] =	stream.linear.scatter [tilespmem:s9], [sflag:$0xA], $0x6400, $0x38;
	[tilespmem:$0x1B640] =	vst v63  }
0x32f: {  	_ =	swait.ge [sflag:s18], $0x6400  }
0x330: {  	s0 =	sld [smem:$0x7CA]  }
0x331: {  	[sflag:s18] =	ssyncset.done $0x0  }
0x332: {  	s29 =	sld [smem:$0x7CB];
	[sflag:s18] =	ssyncadd.s32 $0xFFFF9C00  }
0x333: {  	[tilespmem:s4], [sflag:$0x8] =	stream.indirect.gather.add.f32 [hbm:s2], $0x80, s0, s7, $0xb8;
	[tilespmem:$0x1B640] =	vst v63  }
0x334: {  	_ = 	snop  }
0x335: {  	[tilespmem:s19], [sflag:$0x8] =	stream.indirect.gather.add.f32 [hbm:s2], $0x80, s29, s7, $0xb8;
	[tilespmem:$0x1B640] =	vst v63  }
0x336: {  	_ =	swait.ge [sflag:s8], $0x6400  }
0x337: {  	[sflag:s8] =	ssyncset.done $0x0  }
0x338: {  	[sflag:s8] =	ssyncadd.s32 $0xFFFF9C00  }
0x339: {  	[tilespmem:s9], [sflag:$0x2] =	stream.linear.gather [spmem:s3], $0x6400, $0x38;
	[tilespmem:$0x1B640] =	vst v63  }
0x33a: {  	_ =	swait.ge [sflag:s17], $0x3200  }
0x33b: {  	[sflag:s17] =	ssyncset.done $0x0  }
0x33c: {  	[sflag:s17] =	ssyncadd.s32 $0xFFFFCE00  }
0x33d: {  	_ =	swait.ge [sflag:s17], $0x3200  }
0x33e: {  	[sflag:s17] =	ssyncset.done $0x0  }
0x33f: {  	s29 =	rddreg [dreg:$0xc];
	[sflag:s17] =	ssyncadd.s32 $0xFFFFCE00  }
0x340: {  	[hbm4b:s29+s1] =	stream.linear.scatter [tilespmem:s5], [sflag:$0xB], $0x6400, $0x38;
	[tilespmem:$0x1B640] =	vst v63  }
0x341: {  	_ =	swait.ge [sflag:s15], $0x6400  }
0x342: {  	s0 =	sld [smem:$0x7CC]  }
0x343: {  	[sflag:s15] =	ssyncset.done $0x0  }
0x344: {  	s29 =	sld [smem:$0x7CD];
	[sflag:s15] =	ssyncadd.s32 $0xFFFF9C00  }
0x345: {  	[tilespmem:s6], [sflag:$0x9] =	stream.indirect.gather.add.f32 [hbm:s2], $0x80, s0, s7, $0xb8;
	[tilespmem:$0x1B640] =	vst v63  }
0x346: {  	_ = 	snop  }
0x347: {  	[tilespmem:s16], [sflag:$0x9] =	stream.indirect.gather.add.f32 [hbm:s2], $0x80, s29, s7, $0xb8;
	[tilespmem:$0x1B640] =	vst v63  }
0x348: {  	_ =	swait.ge [sflag:s10], $0x6400  }
0x349: {  	[sflag:s10] =	ssyncset.done $0x0  }
0x34a: {  	[sflag:s10] =	ssyncadd.s32 $0xFFFF9C00  }
0x34b: {  	[tilespmem:s5], [sflag:$0x3] =	stream.linear.gather [spmem:s3], $0x6400, $0x38;
	[tilespmem:$0x1B640] =	vst v63  }
0x34c: {  	_ =	swait.ge [sflag:s13], $0x3200  }
0x34d: {  	[sflag:s13] =	ssyncset.done $0x0  }
0x34e: {  	[sflag:s13] =	ssyncadd.s32 $0xFFFFCE00  }
0x34f: {  	_ =	swait.ge [sflag:s13], $0x3200  }
0x350: {  	[sflag:s13] =	ssyncset.done $0x0  }
0x351: {  	s29 =	rddreg [dreg:$0xd];
	[sflag:s13] =	ssyncadd.s32 $0xFFFFCE00  }
0x352: {  	[hbm4b:s29+s1] =	stream.linear.scatter [tilespmem:s4], [sflag:$0xC], $0x6400, $0x38;
	[tilespmem:$0x1B640] =	vst v63  }
0x353: {  	_ =	swait.ge [sflag:s23], $0x6400  }
0x354: {  	s0 =	sld [smem:$0x7CE]  }
0x355: {  	[sflag:s23] =	ssyncset.done $0x0  }
0x356: {  	s29 =	sld [smem:$0x7CF];
	[sflag:s23] =	ssyncadd.s32 $0xFFFF9C00  }
0x357: {  	[tilespmem:s9], [sflag:$0x6] =	stream.indirect.gather.add.f32 [hbm:s2], $0x80, s0, s7, $0xb8;
	[tilespmem:$0x1B640] =	vst v63  }
0x358: {  	_ = 	snop  }
0x359: {  	[tilespmem:s24], [sflag:$0x6] =	stream.indirect.gather.add.f32 [hbm:s2], $0x80, s29, s7, $0xb8;
	[tilespmem:$0x1B640] =	vst v63  }
0x35a: {  	_ =	swait.ge [sflag:s11], $0x6400  }
0x35b: {  	[sflag:s11] =	ssyncset.done $0x0  }
0x35c: {  	[sflag:s11] =	ssyncadd.s32 $0xFFFF9C00  }
0x35d: {  	[tilespmem:s4], [sflag:$0x4] =	stream.linear.gather [spmem:s3], $0x6400, $0x38;
	[tilespmem:$0x1B640] =	vst v63  }
0x35e: {  	_ =	swait.ge [sflag:s14], $0x3200  }
0x35f: {  	[sflag:s14] =	ssyncset.done $0x0  }
0x360: {  	[sflag:s14] =	ssyncadd.s32 $0xFFFFCE00  }
0x361: {  	_ =	swait.ge [sflag:s14], $0x3200  }
0x362: {  	[sflag:s14] =	ssyncset.done $0x0  }
0x363: {  	s29 =	rddreg [dreg:$0xe];
	[sflag:s14] =	ssyncadd.s32 $0xFFFFCE00  }
0x364: {  	[hbm4b:s29+s1] =	stream.linear.scatter [tilespmem:s6], [sflag:$0xD], $0x6400, $0x38;
	[tilespmem:$0x1B640] =	vst v63  }
0x365: {  	_ =	swait.ge [sflag:s21], $0x6400  }
0x366: {  	s0 =	sld [smem:$0x7D0]  }
0x367: {  	[sflag:s21] =	ssyncset.done $0x0  }
0x368: {  	s29 =	sld [smem:$0x7D1];
	[sflag:s21] =	ssyncadd.s32 $0xFFFF9C00  }
0x369: {  	[tilespmem:s5], [sflag:$0x7] =	stream.indirect.gather.add.f32 [hbm:s2], $0x80, s0, s7, $0xb8;
	[tilespmem:$0x1B640] =	vst v63  }
0x36a: {  	_ = 	snop  }
0x36b: {  	[tilespmem:s22], [sflag:$0x7] =	stream.indirect.gather.add.f32 [hbm:s2], $0x80, s29, s7, $0xb8;
	[tilespmem:$0x1B640] =	vst v63  }
0x36c: {  	_ =	swait.ge [sflag:s12], $0x6400  }
0x36d: {  	[sflag:s12] =	ssyncset.done $0x0  }
0x36e: {  	[sflag:s12] =	ssyncadd.s32 $0xFFFF9C00  }
0x36f: {  	[tilespmem:s6], [sflag:$0x5] =	stream.linear.gather [spmem:s3], $0x6400, $0x38;
	[tilespmem:$0x1B640] =	vst v63  }
0x370: {  	_ =	swait.ge [sflag:s20], $0x3200  }
0x371: {  	[sflag:s20] =	ssyncset.done $0x0  }
0x372: {  	[sflag:s20] =	ssyncadd.s32 $0xFFFFCE00  }
0x373: {  	_ =	swait.ge [sflag:s20], $0x3200  }
0x374: {  	[sflag:s20] =	ssyncset.done $0x0  }
0x375: {  	s29 =	rddreg [dreg:$0xf];
	[sflag:s20] =	ssyncadd.s32 $0xFFFFCE00  }
0x376: {  	[hbm4b:s29+s1] =	stream.linear.scatter [tilespmem:s9], [sflag:$0xA], $0x6400, $0x38;
	[tilespmem:$0x1B640] =	vst v63  }
0x377: {  	_ =	swait.ge [sflag:s18], $0x6400  }
0x378: {  	s0 =	sld [smem:$0x7D2]  }
0x379: {  	[sflag:s18] =	ssyncset.done $0x0  }
0x37a: {  	s29 =	sld [smem:$0x7D3];
	[sflag:s18] =	ssyncadd.s32 $0xFFFF9C00  }
0x37b: {  	[tilespmem:s4], [sflag:$0x8] =	stream.indirect.gather.add.f32 [hbm:s2], $0x80, s0, s7, $0xb8;
	[tilespmem:$0x1B640] =	vst v63  }
0x37c: {  	_ = 	snop  }
0x37d: {  	[tilespmem:s19], [sflag:$0x8] =	stream.indirect.gather.add.f32 [hbm:s2], $0x80, s29, s7, $0xb8;
	[tilespmem:$0x1B640] =	vst v63  }
0x37e: {  	_ =	swait.ge [sflag:s8], $0x6400  }
0x37f: {  	[sflag:s8] =	ssyncset.done $0x0  }
0x380: {  	[sflag:s8] =	ssyncadd.s32 $0xFFFF9C00  }
0x381: {  	[tilespmem:s9], [sflag:$0x2] =	stream.linear.gather [spmem:s3], $0x6400, $0x38;
	[tilespmem:$0x1B640] =	vst v63  }
0x382: {  	_ =	swait.ge [sflag:s17], $0x3200  }
0x383: {  	[sflag:s17] =	ssyncset.done $0x0  }
0x384: {  	[sflag:s17] =	ssyncadd.s32 $0xFFFFCE00  }
0x385: {  	_ =	swait.ge [sflag:s17], $0x3200  }
0x386: {  	[sflag:s17] =	ssyncset.done $0x0  }
0x387: {  	s29 =	rddreg [dreg:$0x10];
	[sflag:s17] =	ssyncadd.s32 $0xFFFFCE00  }
0x388: {  	[hbm4b:s29+s1] =	stream.linear.scatter [tilespmem:s5], [sflag:$0xB], $0x6400, $0x38;
	[tilespmem:$0x1B640] =	vst v63  }
0x389: {  	_ =	swait.ge [sflag:s15], $0x6400  }
0x38a: {  	s0 =	sld [smem:$0x7D4]  }
0x38b: {  	[sflag:s15] =	ssyncset.done $0x0  }
0x38c: {  	s29 =	sld [smem:$0x7D5];
	[sflag:s15] =	ssyncadd.s32 $0xFFFF9C00  }
0x38d: {  	[tilespmem:s6], [sflag:$0x9] =	stream.indirect.gather.add.f32 [hbm:s2], $0x80, s0, s7, $0xb8;
	[tilespmem:$0x1B640] =	vst v63  }
0x38e: {  	_ = 	snop  }
0x38f: {  	[tilespmem:s16], [sflag:$0x9] =	stream.indirect.gather.add.f32 [hbm:s2], $0x80, s29, s7, $0xb8;
	[tilespmem:$0x1B640] =	vst v63  }
0x390: {  	_ =	swait.ge [sflag:s10], $0x6400  }
0x391: {  	[sflag:s10] =	ssyncset.done $0x0  }
0x392: {  	[sflag:s10] =	ssyncadd.s32 $0xFFFF9C00  }
0x393: {  	[tilespmem:s5], [sflag:$0x3] =	stream.linear.gather [spmem:s3], $0x6400, $0x38;
	[tilespmem:$0x1B640] =	vst v63  }
0x394: {  	_ =	swait.ge [sflag:s13], $0x3200  }
0x395: {  	[sflag:s13] =	ssyncset.done $0x0  }
0x396: {  	[sflag:s13] =	ssyncadd.s32 $0xFFFFCE00  }
0x397: {  	_ =	swait.ge [sflag:s13], $0x3200  }
0x398: {  	[sflag:s13] =	ssyncset.done $0x0  }
0x399: {  	s29 =	rddreg [dreg:$0x11];
	[sflag:s13] =	ssyncadd.s32 $0xFFFFCE00  }
0x39a: {  	[hbm4b:s29+s1] =	stream.linear.scatter [tilespmem:s4], [sflag:$0xC], $0x6400, $0x38;
	[tilespmem:$0x1B640] =	vst v63  }
0x39b: {  	_ =	swait.ge [sflag:s23], $0x6400  }
0x39c: {  	s0 =	sld [smem:$0x7D6]  }
0x39d: {  	[sflag:s23] =	ssyncset.done $0x0  }
0x39e: {  	s29 =	sld [smem:$0x7D7];
	[sflag:s23] =	ssyncadd.s32 $0xFFFF9C00  }
0x39f: {  	[tilespmem:s9], [sflag:$0x6] =	stream.indirect.gather.add.f32 [hbm:s2], $0x80, s0, s7, $0xb8;
	[tilespmem:$0x1B640] =	vst v63  }
0x3a0: {  	_ = 	snop  }
0x3a1: {  	[tilespmem:s24], [sflag:$0x6] =	stream.indirect.gather.add.f32 [hbm:s2], $0x80, s29, s7, $0xb8;
	[tilespmem:$0x1B640] =	vst v63  }
0x3a2: {  	_ =	swait.ge [sflag:s11], $0x6400  }
0x3a3: {  	[sflag:s11] =	ssyncset.done $0x0  }
0x3a4: {  	[sflag:s11] =	ssyncadd.s32 $0xFFFF9C00  }
0x3a5: {  	[tilespmem:s4], [sflag:$0x4] =	stream.linear.gather [spmem:s3], $0x6400, $0x38;
	[tilespmem:$0x1B640] =	vst v63  }
0x3a6: {  	_ =	swait.ge [sflag:s14], $0x3200  }
0x3a7: {  	[sflag:s14] =	ssyncset.done $0x0  }
0x3a8: {  	[sflag:s14] =	ssyncadd.s32 $0xFFFFCE00  }
0x3a9: {  	_ =	swait.ge [sflag:s14], $0x3200  }
0x3aa: {  	[sflag:s14] =	ssyncset.done $0x0  }
0x3ab: {  	s29 =	rddreg [dreg:$0x12];
	[sflag:s14] =	ssyncadd.s32 $0xFFFFCE00  }
0x3ac: {  	[hbm4b:s29+s1] =	stream.linear.scatter [tilespmem:s6], [sflag:$0xD], $0x6400, $0x38;
	[tilespmem:$0x1B640] =	vst v63  }
0x3ad: {  	_ =	swait.ge [sflag:s21], $0x6400  }
0x3ae: {  	s0 =	sld [smem:$0x7D8]  }
0x3af: {  	[sflag:s21] =	ssyncset.done $0x0  }
0x3b0: {  	s29 =	sld [smem:$0x7D9];
	[sflag:s21] =	ssyncadd.s32 $0xFFFF9C00  }
0x3b1: {  	[tilespmem:s5], [sflag:$0x7] =	stream.indirect.gather.add.f32 [hbm:s2], $0x80, s0, s7, $0xb8;
	[tilespmem:$0x1B640] =	vst v63  }
0x3b2: {  	_ = 	snop  }
0x3b3: {  	[tilespmem:s22], [sflag:$0x7] =	stream.indirect.gather.add.f32 [hbm:s2], $0x80, s29, s7, $0xb8;
	[tilespmem:$0x1B640] =	vst v63  }
0x3b4: {  	_ =	swait.ge [sflag:s12], $0x6400  }
0x3b5: {  	[sflag:s12] =	ssyncset.done $0x0  }
0x3b6: {  	[sflag:s12] =	ssyncadd.s32 $0xFFFF9C00  }
0x3b7: {  	[tilespmem:s6], [sflag:$0x5] =	stream.linear.gather [spmem:s3], $0x6400, $0x38;
	[tilespmem:$0x1B640] =	vst v63  }
0x3b8: {  	_ =	swait.ge [sflag:s20], $0x3200  }
0x3b9: {  	[sflag:s20] =	ssyncset.done $0x0  }
0x3ba: {  	[sflag:s20] =	ssyncadd.s32 $0xFFFFCE00  }
0x3bb: {  	_ =	swait.ge [sflag:s20], $0x3200  }
0x3bc: {  	[sflag:s20] =	ssyncset.done $0x0  }
0x3bd: {  	s29 =	rddreg [dreg:$0x13];
	[sflag:s20] =	ssyncadd.s32 $0xFFFFCE00  }
0x3be: {  	[hbm4b:s29+s1] =	stream.linear.scatter [tilespmem:s9], [sflag:$0xA], $0x6400, $0x38;
	[tilespmem:$0x1B640] =	vst v63  }
0x3bf: {  	_ =	swait.ge [sflag:s18], $0x6400  }
0x3c0: {  	s0 =	sld [smem:$0x7DA]  }
0x3c1: {  	[sflag:s18] =	ssyncset.done $0x0  }
0x3c2: {  	s29 =	sld [smem:$0x7DB];
	[sflag:s18] =	ssyncadd.s32 $0xFFFF9C00  }
0x3c3: {  	[tilespmem:s4], [sflag:$0x8] =	stream.indirect.gather.add.f32 [hbm:s2], $0x80, s0, s7, $0xb8;
	[tilespmem:$0x1B640] =	vst v63  }
0x3c4: {  	_ = 	snop  }
0x3c5: {  	[tilespmem:s19], [sflag:$0x8] =	stream.indirect.gather.add.f32 [hbm:s2], $0x80, s29, s7, $0xb8;
	[tilespmem:$0x1B640] =	vst v63  }
0x3c6: {  	_ =	swait.ge [sflag:s8], $0x6400  }
0x3c7: {  	[sflag:s8] =	ssyncset.done $0x0  }
0x3c8: {  	[sflag:s8] =	ssyncadd.s32 $0xFFFF9C00  }
0x3c9: {  	[tilespmem:s9], [sflag:$0x2] =	stream.linear.gather [spmem:s3], $0x6400, $0x38;
	[tilespmem:$0x1B640] =	vst v63  }
0x3ca: {  	_ =	swait.ge [sflag:s17], $0x3200  }
0x3cb: {  	[sflag:s17] =	ssyncset.done $0x0  }
0x3cc: {  	[sflag:s17] =	ssyncadd.s32 $0xFFFFCE00  }
0x3cd: {  	_ =	swait.ge [sflag:s17], $0x3200  }
0x3ce: {  	[sflag:s17] =	ssyncset.done $0x0  }
0x3cf: {  	s29 =	rddreg [dreg:$0x14];
	[sflag:s17] =	ssyncadd.s32 $0xFFFFCE00  }
0x3d0: {  	[hbm4b:s29+s1] =	stream.linear.scatter [tilespmem:s5], [sflag:$0xB], $0x6400, $0x38;
	[tilespmem:$0x1B640] =	vst v63  }
0x3d1: {  	_ =	swait.ge [sflag:s15], $0x6400  }
0x3d2: {  	s0 =	sld [smem:$0x7DC]  }
0x3d3: {  	[sflag:s15] =	ssyncset.done $0x0  }
0x3d4: {  	s29 =	sld [smem:$0x7DD];
	[sflag:s15] =	ssyncadd.s32 $0xFFFF9C00  }
0x3d5: {  	[tilespmem:s6], [sflag:$0x9] =	stream.indirect.gather.add.f32 [hbm:s2], $0x80, s0, s7, $0xb8;
	[tilespmem:$0x1B640] =	vst v63  }
0x3d6: {  	_ = 	snop  }
0x3d7: {  	[tilespmem:s16], [sflag:$0x9] =	stream.indirect.gather.add.f32 [hbm:s2], $0x80, s29, s7, $0xb8;
	[tilespmem:$0x1B640] =	vst v63  }
0x3d8: {  	_ =	swait.ge [sflag:s10], $0x6400  }
0x3d9: {  	[sflag:s10] =	ssyncset.done $0x0  }
0x3da: {  	[sflag:s10] =	ssyncadd.s32 $0xFFFF9C00  }
0x3db: {  	[tilespmem:s5], [sflag:$0x3] =	stream.linear.gather [spmem:s3], $0x6400, $0x38;
	[tilespmem:$0x1B640] =	vst v63  }
0x3dc: {  	_ =	swait.ge [sflag:s13], $0x3200  }
0x3dd: {  	[sflag:s13] =	ssyncset.done $0x0  }
0x3de: {  	[sflag:s13] =	ssyncadd.s32 $0xFFFFCE00  }
0x3df: {  	_ =	swait.ge [sflag:s13], $0x3200  }
0x3e0: {  	[sflag:s13] =	ssyncset.done $0x0  }
0x3e1: {  	s29 =	rddreg [dreg:$0x15];
	[sflag:s13] =	ssyncadd.s32 $0xFFFFCE00  }
0x3e2: {  	[hbm4b:s29+s1] =	stream.linear.scatter [tilespmem:s4], [sflag:$0xC], $0x6400, $0x38;
	[tilespmem:$0x1B640] =	vst v63  }
0x3e3: {  	_ =	swait.ge [sflag:s23], $0x6400  }
0x3e4: {  	s0 =	sld [smem:$0x7DE]  }
0x3e5: {  	[sflag:s23] =	ssyncset.done $0x0  }
0x3e6: {  	s29 =	sld [smem:$0x7DF];
	[sflag:s23] =	ssyncadd.s32 $0xFFFF9C00  }
0x3e7: {  	[tilespmem:s9], [sflag:$0x6] =	stream.indirect.gather.add.f32 [hbm:s2], $0x80, s0, s7, $0xb8;
	[tilespmem:$0x1B640] =	vst v63  }
0x3e8: {  	_ = 	snop  }
0x3e9: {  	[tilespmem:s24], [sflag:$0x6] =	stream.indirect.gather.add.f32 [hbm:s2], $0x80, s29, s7, $0xb8;
	[tilespmem:$0x1B640] =	vst v63  }
0x3ea: {  	_ =	swait.ge [sflag:s11], $0x6400  }
0x3eb: {  	[sflag:s11] =	ssyncset.done $0x0  }
0x3ec: {  	[sflag:s11] =	ssyncadd.s32 $0xFFFF9C00  }
0x3ed: {  	[tilespmem:s4], [sflag:$0x4] =	stream.linear.gather [spmem:s3], $0x6400, $0x38;
	[tilespmem:$0x1B640] =	vst v63  }
0x3ee: {  	_ =	swait.ge [sflag:s14], $0x3200  }
0x3ef: {  	[sflag:s14] =	ssyncset.done $0x0  }
0x3f0: {  	[sflag:s14] =	ssyncadd.s32 $0xFFFFCE00  }
0x3f1: {  	_ =	swait.ge [sflag:s14], $0x3200  }
0x3f2: {  	[sflag:s14] =	ssyncset.done $0x0  }
0x3f3: {  	s29 =	rddreg [dreg:$0x16];
	[sflag:s14] =	ssyncadd.s32 $0xFFFFCE00  }
0x3f4: {  	[hbm4b:s29+s1] =	stream.linear.scatter [tilespmem:s6], [sflag:$0xD], $0x6400, $0x38;
	[tilespmem:$0x1B640] =	vst v63  }
0x3f5: {  	_ =	swait.ge [sflag:s21], $0x6400  }
0x3f6: {  	s0 =	sld [smem:$0x7E0]  }
0x3f7: {  	[sflag:s21] =	ssyncset.done $0x0  }
0x3f8: {  	s29 =	sld [smem:$0x7E1];
	[sflag:s21] =	ssyncadd.s32 $0xFFFF9C00  }
0x3f9: {  	[tilespmem:s5], [sflag:$0x7] =	stream.indirect.gather.add.f32 [hbm:s2], $0x80, s0, s7, $0xb8;
	[tilespmem:$0x1B640] =	vst v63  }
0x3fa: {  	_ = 	snop  }
0x3fb: {  	[tilespmem:s22], [sflag:$0x7] =	stream.indirect.gather.add.f32 [hbm:s2], $0x80, s29, s7, $0xb8;
	[tilespmem:$0x1B640] =	vst v63  }
0x3fc: {  	_ =	swait.ge [sflag:s12], $0x6400  }
0x3fd: {  	[sflag:s12] =	ssyncset.done $0x0  }
0x3fe: {  	[sflag:s12] =	ssyncadd.s32 $0xFFFF9C00  }
0x3ff: {  	[tilespmem:s6], [sflag:$0x5] =	stream.linear.gather [spmem:s3], $0x6400, $0x38;
	[tilespmem:$0x1B640] =	vst v63  }
0x400: {  	_ =	swait.ge [sflag:s20], $0x3200  }
0x401: {  	[sflag:s20] =	ssyncset.done $0x0  }
0x402: {  	[sflag:s20] =	ssyncadd.s32 $0xFFFFCE00  }
0x403: {  	_ =	swait.ge [sflag:s20], $0x3200  }
0x404: {  	[sflag:s20] =	ssyncset.done $0x0  }
0x405: {  	s29 =	rddreg [dreg:$0x17];
	[sflag:s20] =	ssyncadd.s32 $0xFFFFCE00  }
0x406: {  	[hbm4b:s29+s1] =	stream.linear.scatter [tilespmem:s9], [sflag:$0xA], $0x6400, $0x38;
	[tilespmem:$0x1B640] =	vst v63  }
0x407: {  	_ =	swait.ge [sflag:s18], $0x6400  }
0x408: {  	s0 =	sld [smem:$0x7E2]  }
0x409: {  	[sflag:s18] =	ssyncset.done $0x0  }
0x40a: {  	s29 =	sld [smem:$0x7E3];
	[sflag:s18] =	ssyncadd.s32 $0xFFFF9C00  }
0x40b: {  	[tilespmem:s4], [sflag:$0x8] =	stream.indirect.gather.add.f32 [hbm:s2], $0x80, s0, s7, $0xb8;
	[tilespmem:$0x1B640] =	vst v63  }
0x40c: {  	_ = 	snop  }
0x40d: {  	[tilespmem:s19], [sflag:$0x8] =	stream.indirect.gather.add.f32 [hbm:s2], $0x80, s29, s7, $0xb8;
	[tilespmem:$0x1B640] =	vst v63  }
0x40e: {  	_ =	swait.ge [sflag:s8], $0x6400  }
0x40f: {  	[sflag:s8] =	ssyncset.done $0x0  }
0x410: {  	[sflag:s8] =	ssyncadd.s32 $0xFFFF9C00  }
0x411: {  	[tilespmem:s9], [sflag:$0x2] =	stream.linear.gather [spmem:s3], $0x6400, $0x38;
	[tilespmem:$0x1B640] =	vst v63  }
0x412: {  	_ =	swait.ge [sflag:s17], $0x3200  }
0x413: {  	[sflag:s17] =	ssyncset.done $0x0  }
0x414: {  	[sflag:s17] =	ssyncadd.s32 $0xFFFFCE00  }
0x415: {  	_ =	swait.ge [sflag:s17], $0x3200  }
0x416: {  	[sflag:s17] =	ssyncset.done $0x0  }
0x417: {  	s29 =	rddreg [dreg:$0x18];
	[sflag:s17] =	ssyncadd.s32 $0xFFFFCE00  }
0x418: {  	[hbm4b:s29+s1] =	stream.linear.scatter [tilespmem:s5], [sflag:$0xB], $0x6400, $0x38;
	[tilespmem:$0x1B640] =	vst v63  }
0x419: {  	_ =	swait.ge [sflag:s15], $0x6400  }
0x41a: {  	s0 =	sld [smem:$0x7E4]  }
0x41b: {  	[sflag:s15] =	ssyncset.done $0x0  }
0x41c: {  	s29 =	sld [smem:$0x7E5];
	[sflag:s15] =	ssyncadd.s32 $0xFFFF9C00  }
0x41d: {  	[tilespmem:s6], [sflag:$0x9] =	stream.indirect.gather.add.f32 [hbm:s2], $0x80, s0, s7, $0xb8;
	[tilespmem:$0x1B640] =	vst v63  }
0x41e: {  	_ = 	snop  }
0x41f: {  	[tilespmem:s16], [sflag:$0x9] =	stream.indirect.gather.add.f32 [hbm:s2], $0x80, s29, s7, $0xb8;
	[tilespmem:$0x1B640] =	vst v63  }
0x420: {  	_ =	swait.ge [sflag:s10], $0x6400  }
0x421: {  	[sflag:s10] =	ssyncset.done $0x0  }
0x422: {  	[sflag:s10] =	ssyncadd.s32 $0xFFFF9C00  }
0x423: {  	[tilespmem:s5], [sflag:$0x3] =	stream.linear.gather [spmem:s3], $0x6400, $0x38;
	[tilespmem:$0x1B640] =	vst v63  }
0x424: {  	_ =	swait.ge [sflag:s13], $0x3200  }
0x425: {  	[sflag:s13] =	ssyncset.done $0x0  }
0x426: {  	[sflag:s13] =	ssyncadd.s32 $0xFFFFCE00  }
0x427: {  	_ =	swait.ge [sflag:s13], $0x3200  }
0x428: {  	[sflag:s13] =	ssyncset.done $0x0  }
0x429: {  	s29 =	rddreg [dreg:$0x19];
	[sflag:s13] =	ssyncadd.s32 $0xFFFFCE00  }
0x42a: {  	[hbm4b:s29+s1] =	stream.linear.scatter [tilespmem:s4], [sflag:$0xC], $0x6400, $0x38;
	[tilespmem:$0x1B640] =	vst v63  }
0x42b: {  	_ =	swait.ge [sflag:s23], $0x6400  }
0x42c: {  	s0 =	sld [smem:$0x7E6]  }
0x42d: {  	[sflag:s23] =	ssyncset.done $0x0  }
0x42e: {  	s29 =	sld [smem:$0x7E7];
	[sflag:s23] =	ssyncadd.s32 $0xFFFF9C00  }
0x42f: {  	[tilespmem:s9], [sflag:$0x6] =	stream.indirect.gather.add.f32 [hbm:s2], $0x80, s0, s7, $0xb8;
	[tilespmem:$0x1B640] =	vst v63  }
0x430: {  	_ = 	snop  }
0x431: {  	[tilespmem:s24], [sflag:$0x6] =	stream.indirect.gather.add.f32 [hbm:s2], $0x80, s29, s7, $0xb8;
	[tilespmem:$0x1B640] =	vst v63  }
0x432: {  	_ =	swait.ge [sflag:s11], $0x6400  }
0x433: {  	[sflag:s11] =	ssyncset.done $0x0  }
0x434: {  	[sflag:s11] =	ssyncadd.s32 $0xFFFF9C00  }
0x435: {  	[tilespmem:s4], [sflag:$0x4] =	stream.linear.gather [spmem:s3], $0x6400, $0x38;
	[tilespmem:$0x1B640] =	vst v63  }
0x436: {  	_ =	swait.ge [sflag:s14], $0x3200  }
0x437: {  	[sflag:s14] =	ssyncset.done $0x0  }
0x438: {  	[sflag:s14] =	ssyncadd.s32 $0xFFFFCE00  }
0x439: {  	_ =	swait.ge [sflag:s14], $0x3200  }
0x43a: {  	[sflag:s14] =	ssyncset.done $0x0  }
0x43b: {  	s29 =	rddreg [dreg:$0x1a];
	[sflag:s14] =	ssyncadd.s32 $0xFFFFCE00  }
0x43c: {  	[hbm4b:s29+s1] =	stream.linear.scatter [tilespmem:s6], [sflag:$0xD], $0x6400, $0x38;
	[tilespmem:$0x1B640] =	vst v63  }
0x43d: {  	_ =	swait.ge [sflag:s21], $0x6400  }
0x43e: {  	s0 =	sld [smem:$0x7E8]  }
0x43f: {  	[sflag:s21] =	ssyncset.done $0x0  }
0x440: {  	s29 =	sld [smem:$0x7E9];
	[sflag:s21] =	ssyncadd.s32 $0xFFFF9C00  }
0x441: {  	[tilespmem:s5], [sflag:$0x7] =	stream.indirect.gather.add.f32 [hbm:s2], $0x80, s0, s7, $0xb8;
	[tilespmem:$0x1B640] =	vst v63  }
0x442: {  	_ = 	snop  }
0x443: {  	[tilespmem:s22], [sflag:$0x7] =	stream.indirect.gather.add.f32 [hbm:s2], $0x80, s29, s7, $0xb8;
	[tilespmem:$0x1B640] =	vst v63  }
0x444: {  	_ =	swait.ge [sflag:s12], $0x6400  }
0x445: {  	[sflag:s12] =	ssyncset.done $0x0  }
0x446: {  	[sflag:s12] =	ssyncadd.s32 $0xFFFF9C00  }
0x447: {  	[tilespmem:s6], [sflag:$0x5] =	stream.linear.gather [spmem:s3], $0x6400, $0x38;
	[tilespmem:$0x1B640] =	vst v63  }
0x448: {  	_ =	swait.ge [sflag:s20], $0x3200  }
0x449: {  	[sflag:s20] =	ssyncset.done $0x0  }
0x44a: {  	[sflag:s20] =	ssyncadd.s32 $0xFFFFCE00  }
0x44b: {  	_ =	swait.ge [sflag:s20], $0x3200  }
0x44c: {  	[sflag:s20] =	ssyncset.done $0x0  }
0x44d: {  	s29 =	rddreg [dreg:$0x1b];
	[sflag:s20] =	ssyncadd.s32 $0xFFFFCE00  }
0x44e: {  	[hbm4b:s29+s1] =	stream.linear.scatter [tilespmem:s9], [sflag:$0xA], $0x6400, $0x38;
	[tilespmem:$0x1B640] =	vst v63  }
0x44f: {  	_ =	swait.ge [sflag:s18], $0x6400  }
0x450: {  	s0 =	sld [smem:$0x7EA]  }
0x451: {  	[sflag:s18] =	ssyncset.done $0x0  }
0x452: {  	s29 =	sld [smem:$0x7EB];
	[sflag:s18] =	ssyncadd.s32 $0xFFFF9C00  }
0x453: {  	[tilespmem:s4], [sflag:$0x8] =	stream.indirect.gather.add.f32 [hbm:s2], $0x80, s0, s7, $0xb8;
	[tilespmem:$0x1B640] =	vst v63  }
0x454: {  	_ = 	snop  }
0x455: {  	[tilespmem:s19], [sflag:$0x8] =	stream.indirect.gather.add.f32 [hbm:s2], $0x80, s29, s7, $0xb8;
	[tilespmem:$0x1B640] =	vst v63  }
0x456: {  	_ =	swait.ge [sflag:s8], $0x6400  }
0x457: {  	[sflag:s8] =	ssyncset.done $0x0  }
0x458: {  	[sflag:s8] =	ssyncadd.s32 $0xFFFF9C00  }
0x459: {  	[tilespmem:s9], [sflag:$0x2] =	stream.linear.gather [spmem:s3], $0x6400, $0x38;
	[tilespmem:$0x1B640] =	vst v63  }
0x45a: {  	_ =	swait.ge [sflag:s17], $0x3200  }
0x45b: {  	[sflag:s17] =	ssyncset.done $0x0  }
0x45c: {  	[sflag:s17] =	ssyncadd.s32 $0xFFFFCE00  }
0x45d: {  	_ =	swait.ge [sflag:s17], $0x3200  }
0x45e: {  	[sflag:s17] =	ssyncset.done $0x0  }
0x45f: {  	s29 =	rddreg [dreg:$0x1c];
	[sflag:s17] =	ssyncadd.s32 $0xFFFFCE00  }
0x460: {  	[hbm4b:s29+s1] =	stream.linear.scatter [tilespmem:s5], [sflag:$0xB], $0x6400, $0x38;
	[tilespmem:$0x1B640] =	vst v63  }
0x461: {  	_ =	swait.ge [sflag:s15], $0x6400  }
0x462: {  	s0 =	sld [smem:$0x7EC]  }
0x463: {  	[sflag:s15] =	ssyncset.done $0x0  }
0x464: {  	s29 =	sld [smem:$0x7ED];
	[sflag:s15] =	ssyncadd.s32 $0xFFFF9C00  }
0x465: {  	[tilespmem:s6], [sflag:$0x9] =	stream.indirect.gather.add.f32 [hbm:s2], $0x80, s0, s7, $0xb8;
	[tilespmem:$0x1B640] =	vst v63  }
0x466: {  	_ = 	snop  }
0x467: {  	[tilespmem:s16], [sflag:$0x9] =	stream.indirect.gather.add.f32 [hbm:s2], $0x80, s29, s7, $0xb8;
	[tilespmem:$0x1B640] =	vst v63  }
0x468: {  	_ =	swait.ge [sflag:s10], $0x6400  }
0x469: {  	[sflag:s10] =	ssyncset.done $0x0  }
0x46a: {  	[sflag:s10] =	ssyncadd.s32 $0xFFFF9C00  }
0x46b: {  	[tilespmem:s5], [sflag:$0x3] =	stream.linear.gather [spmem:s3], $0x6400, $0x38;
	[tilespmem:$0x1B640] =	vst v63  }
0x46c: {  	_ =	swait.ge [sflag:s13], $0x3200  }
0x46d: {  	[sflag:s13] =	ssyncset.done $0x0  }
0x46e: {  	[sflag:s13] =	ssyncadd.s32 $0xFFFFCE00  }
0x46f: {  	_ =	swait.ge [sflag:s13], $0x3200  }
0x470: {  	[sflag:s13] =	ssyncset.done $0x0  }
0x471: {  	s29 =	rddreg [dreg:$0x1d];
	[sflag:s13] =	ssyncadd.s32 $0xFFFFCE00  }
0x472: {  	[hbm4b:s29+s1] =	stream.linear.scatter [tilespmem:s4], [sflag:$0xC], $0x6400, $0x38;
	[tilespmem:$0x1B640] =	vst v63  }
0x473: {  	_ =	swait.ge [sflag:s23], $0x6400  }
0x474: {  	s0 =	sld [smem:$0x7EE]  }
0x475: {  	[sflag:s23] =	ssyncset.done $0x0  }
0x476: {  	s29 =	sld [smem:$0x7EF];
	[sflag:s23] =	ssyncadd.s32 $0xFFFF9C00  }
0x477: {  	[tilespmem:s9], [sflag:$0x6] =	stream.indirect.gather.add.f32 [hbm:s2], $0x80, s0, s7, $0xb8;
	[tilespmem:$0x1B640] =	vst v63  }
0x478: {  	_ = 	snop  }
0x479: {  	[tilespmem:s24], [sflag:$0x6] =	stream.indirect.gather.add.f32 [hbm:s2], $0x80, s29, s7, $0xb8;
	[tilespmem:$0x1B640] =	vst v63  }
0x47a: {  	_ =	swait.ge [sflag:s11], $0x6400  }
0x47b: {  	[sflag:s11] =	ssyncset.done $0x0  }
0x47c: {  	[sflag:s11] =	ssyncadd.s32 $0xFFFF9C00  }
0x47d: {  	[tilespmem:s4], [sflag:$0x4] =	stream.linear.gather [spmem:s3], $0x6400, $0x38;
	[tilespmem:$0x1B640] =	vst v63  }
0x47e: {  	_ =	swait.ge [sflag:s14], $0x3200  }
0x47f: {  	[sflag:s14] =	ssyncset.done $0x0  }
0x480: {  	[sflag:s14] =	ssyncadd.s32 $0xFFFFCE00  }
0x481: {  	_ =	swait.ge [sflag:s14], $0x3200  }
0x482: {  	[sflag:s14] =	ssyncset.done $0x0  }
0x483: {  	s29 =	rddreg [dreg:$0x1e];
	[sflag:s14] =	ssyncadd.s32 $0xFFFFCE00  }
0x484: {  	[hbm4b:s29+s1] =	stream.linear.scatter [tilespmem:s6], [sflag:$0xD], $0x6400, $0x38;
	[tilespmem:$0x1B640] =	vst v63  }
0x485: {  	_ =	swait.ge [sflag:s21], $0x6400  }
0x486: {  	s0 =	sld [smem:$0x7F0]  }
0x487: {  	[sflag:s21] =	ssyncset.done $0x0  }
0x488: {  	s29 =	sld [smem:$0x7F1];
	[sflag:s21] =	ssyncadd.s32 $0xFFFF9C00  }
0x489: {  	[tilespmem:s5], [sflag:$0x7] =	stream.indirect.gather.add.f32 [hbm:s2], $0x80, s0, s7, $0xb8;
	[tilespmem:$0x1B640] =	vst v63  }
0x48a: {  	_ = 	snop  }
0x48b: {  	[tilespmem:s22], [sflag:$0x7] =	stream.indirect.gather.add.f32 [hbm:s2], $0x80, s29, s7, $0xb8;
	[tilespmem:$0x1B640] =	vst v63  }
0x48c: {  	_ =	swait.ge [sflag:s12], $0x6400  }
0x48d: {  	[sflag:s12] =	ssyncset.done $0x0  }
0x48e: {  	[sflag:s12] =	ssyncadd.s32 $0xFFFF9C00  }
0x48f: {  	[tilespmem:s6], [sflag:$0x5] =	stream.linear.gather [spmem:s3], $0x6400, $0x38;
	[tilespmem:$0x1B640] =	vst v63  }
0x490: {  	_ =	swait.ge [sflag:s20], $0x3200  }
0x491: {  	[sflag:s20] =	ssyncset.done $0x0  }
0x492: {  	[sflag:s20] =	ssyncadd.s32 $0xFFFFCE00  }
0x493: {  	_ =	swait.ge [sflag:s20], $0x3200  }
0x494: {  	[sflag:s20] =	ssyncset.done $0x0  }
0x495: {  	s29 =	rddreg [dreg:$0x1f];
	[sflag:s20] =	ssyncadd.s32 $0xFFFFCE00  }
0x496: {  	[hbm4b:s29+s1] =	stream.linear.scatter [tilespmem:s9], [sflag:$0xA], $0x6400, $0x38;
	[tilespmem:$0x1B640] =	vst v63  }
0x497: {  	_ =	swait.ge [sflag:s18], $0x6400  }
0x498: {  	s0 =	sld [smem:$0x7F2]  }
0x499: {  	[sflag:s18] =	ssyncset.done $0x0  }
0x49a: {  	s29 =	sld [smem:$0x7F3];
	[sflag:s18] =	ssyncadd.s32 $0xFFFF9C00  }
0x49b: {  	[tilespmem:s4], [sflag:$0x8] =	stream.indirect.gather.add.f32 [hbm:s2], $0x80, s0, s7, $0xb8;
	[tilespmem:$0x1B640] =	vst v63  }
0x49c: {  	_ = 	snop  }
0x49d: {  	[tilespmem:s19], [sflag:$0x8] =	stream.indirect.gather.add.f32 [hbm:s2], $0x80, s29, s7, $0xb8;
	[tilespmem:$0x1B640] =	vst v63  }
0x49e: {  	_ =	swait.ge [sflag:s8], $0x6400  }
0x49f: {  	[sflag:s8] =	ssyncset.done $0x0  }
0x4a0: {  	[sflag:s8] =	ssyncadd.s32 $0xFFFF9C00  }
0x4a1: {  	[tilespmem:s9], [sflag:$0x2] =	stream.linear.gather [spmem:s3], $0x6400, $0x38;
	[tilespmem:$0x1B640] =	vst v63  }
0x4a2: {  	_ =	swait.ge [sflag:s17], $0x3200  }
0x4a3: {  	[sflag:s17] =	ssyncset.done $0x0  }
0x4a4: {  	[sflag:s17] =	ssyncadd.s32 $0xFFFFCE00  }
0x4a5: {  	_ =	swait.ge [sflag:s17], $0x3200  }
0x4a6: {  	s29 =	sld [smem:$0x7B8]  }
0x4a7: {  	[sflag:s17] =	ssyncset.done $0x0  }
0x4a8: {  	[sflag:s17] =	ssyncadd.s32 $0xFFFFCE00  }
0x4a9: {  	[hbm4b:s29+s1] =	stream.linear.scatter [tilespmem:s5], [sflag:$0xB], $0x6400, $0x38;
	[tilespmem:$0x1B640] =	vst v63  }
0x4aa: {  	_ =	swait.ge [sflag:s15], $0x6400  }
0x4ab: {  	s0 =	sld [smem:$0x7F4]  }
0x4ac: {  	[sflag:s15] =	ssyncset.done $0x0  }
0x4ad: {  	s29 =	sld [smem:$0x7F5];
	[sflag:s15] =	ssyncadd.s32 $0xFFFF9C00  }
0x4ae: {  	[tilespmem:s6], [sflag:$0x9] =	stream.indirect.gather.add.f32 [hbm:s2], $0x80, s0, s7, $0xb8;
	[tilespmem:$0x1B640] =	vst v63  }
0x4af: {  	_ = 	snop  }
0x4b0: {  	[tilespmem:s16], [sflag:$0x9] =	stream.indirect.gather.add.f32 [hbm:s2], $0x80, s29, s7, $0xb8;
	[tilespmem:$0x1B640] =	vst v63  }
0x4b1: {  	_ =	swait.ge [sflag:s10], $0x6400  }
0x4b2: {  	[sflag:s10] =	ssyncset.done $0x0  }
0x4b3: {  	[sflag:s10] =	ssyncadd.s32 $0xFFFF9C00  }
0x4b4: {  	[tilespmem:s5], [sflag:$0x3] =	stream.linear.gather [spmem:s3], $0x6400, $0x38;
	[tilespmem:$0x1B640] =	vst v63  }
0x4b5: {  	_ =	swait.ge [sflag:s13], $0x3200  }
0x4b6: {  	[sflag:s13] =	ssyncset.done $0x0  }
0x4b7: {  	[sflag:s13] =	ssyncadd.s32 $0xFFFFCE00  }
0x4b8: {  	_ =	swait.ge [sflag:s13], $0x3200  }
0x4b9: {  	s29 =	sld [smem:$0x7B9]  }
0x4ba: {  	[sflag:s13] =	ssyncset.done $0x0  }
0x4bb: {  	[sflag:s13] =	ssyncadd.s32 $0xFFFFCE00  }
0x4bc: {  	[hbm4b:s29+s1] =	stream.linear.scatter [tilespmem:s4], [sflag:$0xC], $0x6400, $0x38;
	[tilespmem:$0x1B640] =	vst v63  }
0x4bd: {  	_ =	swait.ge [sflag:s23], $0x6400  }
0x4be: {  	s0 =	sld [smem:$0x7F6]  }
0x4bf: {  	[sflag:s23] =	ssyncset.done $0x0  }
0x4c0: {  	s29 =	sld [smem:$0x7F7];
	[sflag:s23] =	ssyncadd.s32 $0xFFFF9C00  }
0x4c1: {  	[tilespmem:s9], [sflag:$0x6] =	stream.indirect.gather.add.f32 [hbm:s2], $0x80, s0, s7, $0xb8;
	[tilespmem:$0x1B640] =	vst v63  }
0x4c2: {  	_ = 	snop  }
0x4c3: {  	[tilespmem:s24], [sflag:$0x6] =	stream.indirect.gather.add.f32 [hbm:s2], $0x80, s29, s7, $0xb8;
	[tilespmem:$0x1B640] =	vst v63  }
0x4c4: {  	_ =	swait.ge [sflag:s11], $0x6400  }
0x4c5: {  	[sflag:s11] =	ssyncset.done $0x0  }
0x4c6: {  	[sflag:s11] =	ssyncadd.s32 $0xFFFF9C00  }
0x4c7: {  	[tilespmem:s4], [sflag:$0x4] =	stream.linear.gather [spmem:s3], $0x6400, $0x38;
	[tilespmem:$0x1B640] =	vst v63  }
0x4c8: {  	_ =	swait.ge [sflag:s14], $0x3200  }
0x4c9: {  	[sflag:s14] =	ssyncset.done $0x0  }
0x4ca: {  	[sflag:s14] =	ssyncadd.s32 $0xFFFFCE00  }
0x4cb: {  	_ =	swait.ge [sflag:s14], $0x3200  }
0x4cc: {  	s29 =	sld [smem:$0x7BA]  }
0x4cd: {  	[sflag:s14] =	ssyncset.done $0x0  }
0x4ce: {  	[sflag:s14] =	ssyncadd.s32 $0xFFFFCE00  }
0x4cf: {  	[hbm4b:s29+s1] =	stream.linear.scatter [tilespmem:s6], [sflag:$0xD], $0x6400, $0x38;
	[tilespmem:$0x1B640] =	vst v63  }
0x4d0: {  	_ =	swait.ge [sflag:s21], $0x6400  }
0x4d1: {  	s0 =	sld [smem:$0x7F8]  }
0x4d2: {  	[sflag:s21] =	ssyncset.done $0x0  }
0x4d3: {  	s29 =	sld [smem:$0x7F9];
	[sflag:s21] =	ssyncadd.s32 $0xFFFF9C00  }
0x4d4: {  	[tilespmem:s5], [sflag:$0x7] =	stream.indirect.gather.add.f32 [hbm:s2], $0x80, s0, s7, $0xb8;
	[tilespmem:$0x1B640] =	vst v63  }
0x4d5: {  	_ = 	snop  }
0x4d6: {  	[tilespmem:s22], [sflag:$0x7] =	stream.indirect.gather.add.f32 [hbm:s2], $0x80, s29, s7, $0xb8;
	[tilespmem:$0x1B640] =	vst v63  }
0x4d7: {  	_ =	swait.ge [sflag:s12], $0x6400  }
0x4d8: {  	[sflag:s12] =	ssyncset.done $0x0  }
0x4d9: {  	[sflag:s12] =	ssyncadd.s32 $0xFFFF9C00  }
0x4da: {  	[tilespmem:s6], [sflag:$0x5] =	stream.linear.gather [spmem:s3], $0x6400, $0x38;
	[tilespmem:$0x1B640] =	vst v63  }
0x4db: {  	_ =	swait.ge [sflag:s20], $0x3200  }
0x4dc: {  	[sflag:s20] =	ssyncset.done $0x0  }
0x4dd: {  	[sflag:s20] =	ssyncadd.s32 $0xFFFFCE00  }
0x4de: {  	_ =	swait.ge [sflag:s20], $0x3200  }
0x4df: {  	s29 =	sld [smem:$0x7BB]  }
0x4e0: {  	[sflag:s20] =	ssyncset.done $0x0  }
0x4e1: {  	[sflag:s20] =	ssyncadd.s32 $0xFFFFCE00  }
0x4e2: {  	[hbm4b:s29+s1] =	stream.linear.scatter [tilespmem:s9], [sflag:$0xA], $0x6400, $0x38;
	[tilespmem:$0x1B640] =	vst v63  }
0x4e3: {  	_ =	swait.ge [sflag:s18], $0x6400  }
0x4e4: {  	s0 =	sld [smem:$0x7FA]  }
0x4e5: {  	[sflag:s18] =	ssyncset.done $0x0  }
0x4e6: {  	s29 =	sld [smem:$0x7FB];
	[sflag:s18] =	ssyncadd.s32 $0xFFFF9C00  }
0x4e7: {  	[tilespmem:s4], [sflag:$0x8] =	stream.indirect.gather.add.f32 [hbm:s2], $0x80, s0, s7, $0xb8;
	[tilespmem:$0x1B640] =	vst v63  }
0x4e8: {  	_ = 	snop  }
0x4e9: {  	[tilespmem:s19], [sflag:$0x8] =	stream.indirect.gather.add.f32 [hbm:s2], $0x80, s29, s7, $0xb8;
	[tilespmem:$0x1B640] =	vst v63  }
0x4ea: {  	_ =	swait.ge [sflag:s17], $0x3200  }
0x4eb: {  	[sflag:s17] =	ssyncset.done $0x0  }
0x4ec: {  	[sflag:s17] =	ssyncadd.s32 $0xFFFFCE00  }
0x4ed: {  	_ =	swait.ge [sflag:s17], $0x3200  }
0x4ee: {  	s29 =	sld [smem:$0x7BC]  }
0x4ef: {  	[sflag:s17] =	ssyncset.done $0x0  }
0x4f0: {  	[sflag:s17] =	ssyncadd.s32 $0xFFFFCE00  }
0x4f1: {  	[hbm4b:s29+s1] =	stream.linear.scatter [tilespmem:s5], [sflag:$0xB], $0x6400, $0x38;
	[tilespmem:$0x1B640] =	vst v63  }
0x4f2: {  	_ =	swait.ge [sflag:s15], $0x6400  }
0x4f3: {  	s0 =	sld [smem:$0x7FC]  }
0x4f4: {  	[sflag:s15] =	ssyncset.done $0x0  }
0x4f5: {  	s29 =	sld [smem:$0x7FD];
	[sflag:s15] =	ssyncadd.s32 $0xFFFF9C00  }
0x4f6: {  	[tilespmem:s6], [sflag:$0x9] =	stream.indirect.gather.add.f32 [hbm:s2], $0x80, s0, s7, $0xb8;
	[tilespmem:$0x1B640] =	vst v63  }
0x4f7: {  	_ = 	snop  }
0x4f8: {  	[tilespmem:s16], [sflag:$0x9] =	stream.indirect.gather.add.f32 [hbm:s2], $0x80, s29, s7, $0xb8;
	[tilespmem:$0x1B640] =	vst v63  }
0x4f9: {  	_ =	swait.ge [sflag:s13], $0x3200  }
0x4fa: {  	[sflag:s13] =	ssyncset.done $0x0  }
0x4fb: {  	[sflag:s13] =	ssyncadd.s32 $0xFFFFCE00  }
0x4fc: {  	_ =	swait.ge [sflag:s13], $0x3200  }
0x4fd: {  	s29 =	sld [smem:$0x7BD]  }
0x4fe: {  	[sflag:s13] =	ssyncset.done $0x0  }
0x4ff: {  	[sflag:s13] =	ssyncadd.s32 $0xFFFFCE00  }
0x500: {  	[hbm4b:s29+s1] =	stream.linear.scatter [tilespmem:s4], [sflag:$0xC], $0x6400, $0x38;
	[tilespmem:$0x1B640] =	vst v63  }
0x501: {  	_ =	swait.ge [sflag:s14], $0x3200  }
0x502: {  	[sflag:s14] =	ssyncset.done $0x0  }
0x503: {  	[sflag:s14] =	ssyncadd.s32 $0xFFFFCE00  }
0x504: {  	_ =	swait.ge [sflag:s14], $0x3200  }
0x505: {  	s29 =	sld [smem:$0x7BE]  }
0x506: {  	[sflag:s14] =	ssyncset.done $0x0  }
0x507: {  	[sflag:s14] =	ssyncadd.s32 $0xFFFFCE00  }
0x508: {  	[hbm4b:s29+s1] =	stream.linear.scatter [tilespmem:s6], [sflag:$0xD], $0x6400, $0x38;
	[tilespmem:$0x1B640] =	vst v63  }
0x509: {  	_ =	swait.ge [sflag:s8], $0x6400  }
0x50a: {  	[sflag:s8] =	ssyncset.done $0x0  }
0x50b: {  	[sflag:s8] =	ssyncadd.s32 $0xFFFF9C00  }
0x50c: {  	_ =	swait.ge [sflag:s10], $0x6400  }
0x50d: {  	s31 =	sadd.s32 $0xFFFFFFFF, s31;
	[sflag:s10] =	ssyncset.done $0x0  }
0x50e: {  	p2 =	sne.s32 s31, $0x0;
	[sflag:s10] =	ssyncadd.s32 $0xFFFF9C00  }
.Ltmp2:
0x50f: {  	_ =	swait.ge [sflag:s11], $0x6400;
	(pc) =	sbr.rel @p2 .LBB2_3-.Ltmp2, $4  }
0x510: {  	[sflag:s11] =	ssyncset.done $0x0  }
0x511: {  	[sflag:s11] =	ssyncadd.s32 $0xFFFF9C00  }
0x512: {  	_ =	swait.ge [sflag:s12], $0x6400  }
0x513: {  	s0 =	rddreg [dreg:$0x6];
	[sflag:s12] =	ssyncset.done $0x0  }
0x514: {  	s30 =	rddreg [dreg:$0x5]  }
.LBB2_5:
0x515: {  	[sflag:s12] =	ssyncadd.s32 @p1 $0xFFFF9C00;
	s29 =	simm.s32 @!p0 $0x1C0E  }
0x516: {  	[spmem:s28], [sflag:s29] =	dma.local @!p0 [hbm:s0], $0xC80  }
0x517: {  	s0 =	simm.s32 @!p0 $0xE  }
0x518: {  	_ =	swait.ge @!p0 [sflag:s0], $0xC80  }
0x519: {  	[sflag:s0] =	ssyncset.done @!p0 $0x0  }
0x51a: {  	s29 =	rddreg [dreg:$0x7];
	[sflag:s0] =	ssyncadd.s32 @!p0 $0xFFFFF380  }
0x51b: {  	[tilespmem:s1], [sflag:$0x1] =	stream.linear.gather [hbm4b:s29+s1], $0x2000, $0x38;
	[tilespmem:$0x1B640] =	vst v63  }
0x51c: {  	[bflag:$0x0] =	sbarrier.arrive $0xFFFF  }
0x51d: {  	[tilespmem:s9], [sflag:$0x2] =	stream.linear.gather [spmem:s3], $0x6400, $0x38;
	[tilespmem:$0x1B640] =	vst v63  }
0x51e: {  	_ = 	snop  }
0x51f: {  	[tilespmem:s5], [sflag:$0x3] =	stream.linear.gather [spmem:s3], $0x6400, $0x38;
	[tilespmem:$0x1B640] =	vst v63  }
0x520: {  	_ = 	snop  }
0x521: {  	[tilespmem:s4], [sflag:$0x4] =	stream.linear.gather [spmem:s3], $0x6400, $0x38;
	[tilespmem:$0x1B640] =	vst v63  }
0x522: {  	_ =	swait.ge [sflag:s26], $0x2000  }
0x523: {  	[sflag:s26] =	ssyncset.done $0x0  }
0x524: {  	[sflag:s26] =	ssyncadd.s32 $0xFFFFE000  }
0x525: {  	_ =	swait.ge [sflag:s23], $0x6400  }
0x526: {  	[sflag:s23] =	ssyncset.done $0x0  }
0x527: {  	s31 =	sld [smem:$0x7BF];
	[sflag:s23] =	ssyncadd.s32 $0xFFFF9C00  }
0x528: {  	[tilespmem:s9], [sflag:$0x6] =	stream.indirect.gather.add.f32 [hbm:s2], $0x80, s1, s7, $0xb8;
	[tilespmem:$0x1B640] =	vst v63  }
0x529: {  	_ = 	snop  }
0x52a: {  	[tilespmem:s24], [sflag:$0x6] =	stream.indirect.gather.add.f32 [hbm:s2], $0x80, s31, s7, $0xb8;
	[tilespmem:$0x1B640] =	vst v63  }
0x52b: {  	_ =	swait.ge [sflag:s21], $0x6400  }
0x52c: {  	s26 =	sld [smem:$0x7C0]  }
0x52d: {  	[sflag:s21] =	ssyncset.done $0x0  }
0x52e: {  	s28 =	sld [smem:$0x7C1];
	[sflag:s21] =	ssyncadd.s32 $0xFFFF9C00  }
0x52f: {  	[tilespmem:s5], [sflag:$0x7] =	stream.indirect.gather.add.f32 [hbm:s2], $0x80, s26, s7, $0xb8;
	[tilespmem:$0x1B640] =	vst v63  }
0x530: {  	_ = 	snop  }
0x531: {  	[tilespmem:s22], [sflag:$0x7] =	stream.indirect.gather.add.f32 [hbm:s2], $0x80, s28, s7, $0xb8;
	[tilespmem:$0x1B640] =	vst v63  }
0x532: {  	_ = 	snop  }
0x533: {  	[tilespmem:s6], [sflag:$0x5] =	stream.linear.gather [spmem:s3], $0x6400, $0x38;
	[tilespmem:$0x1B640] =	vst v63  }
0x534: {  	_ =	swait.ge [sflag:s20], $0x3200  }
0x535: {  	[sflag:s20] =	ssyncset.done $0x0  }
0x536: {  	[sflag:s20] =	ssyncadd.s32 $0xFFFFCE00  }
0x537: {  	_ =	swait.ge [sflag:s20], $0x3200  }
0x538: {  	[sflag:s20] =	ssyncset.done $0x0  }
0x539: {  	[sflag:s20] =	ssyncadd.s32 $0xFFFFCE00  }
0x53a: {  	[hbm4b:s25+s1] =	stream.linear.scatter [tilespmem:s9], [sflag:$0xA], $0x6400, $0x38;
	[tilespmem:$0x1B640] =	vst v63  }
0x53b: {  	_ =	swait.ge [sflag:s18], $0x6400  }
0x53c: {  	s29 =	sld [smem:$0x7C2]  }
0x53d: {  	[sflag:s18] =	ssyncset.done $0x0  }
0x53e: {  	s31 =	sld [smem:$0x7C3];
	[sflag:s18] =	ssyncadd.s32 $0xFFFF9C00  }
0x53f: {  	[tilespmem:s4], [sflag:$0x8] =	stream.indirect.gather.add.f32 [hbm:s2], $0x80, s29, s7, $0xb8;
	[tilespmem:$0x1B640] =	vst v63  }
0x540: {  	_ = 	snop  }
0x541: {  	[tilespmem:s19], [sflag:$0x8] =	stream.indirect.gather.add.f32 [hbm:s2], $0x80, s31, s7, $0xb8;
	[tilespmem:$0x1B640] =	vst v63  }
0x542: {  	_ =	swait.ge [sflag:s8], $0x6400  }
0x543: {  	[sflag:s8] =	ssyncset.done $0x0  }
0x544: {  	[sflag:s8] =	ssyncadd.s32 $0xFFFF9C00  }
0x545: {  	[tilespmem:s9], [sflag:$0x2] =	stream.linear.gather [spmem:s3], $0x6400, $0x38;
	[tilespmem:$0x1B640] =	vst v63  }
0x546: {  	_ =	swait.ge [sflag:s17], $0x3200  }
0x547: {  	[sflag:s17] =	ssyncset.done $0x0  }
0x548: {  	[sflag:s17] =	ssyncadd.s32 $0xFFFFCE00  }
0x549: {  	_ =	swait.ge [sflag:s17], $0x3200  }
0x54a: {  	[sflag:s17] =	ssyncset.done $0x0  }
0x54b: {  	s26 =	rddreg [dreg:$0x8];
	[sflag:s17] =	ssyncadd.s32 $0xFFFFCE00  }
0x54c: {  	[hbm4b:s26+s1] =	stream.linear.scatter [tilespmem:s5], [sflag:$0xB], $0x6400, $0x38;
	[tilespmem:$0x1B640] =	vst v63  }
0x54d: {  	_ =	swait.ge [sflag:s15], $0x6400  }
0x54e: {  	s28 =	sld [smem:$0x7C4]  }
0x54f: {  	[sflag:s15] =	ssyncset.done $0x0  }
0x550: {  	s29 =	sld [smem:$0x7C5];
	[sflag:s15] =	ssyncadd.s32 $0xFFFF9C00  }
0x551: {  	[tilespmem:s6], [sflag:$0x9] =	stream.indirect.gather.add.f32 [hbm:s2], $0x80, s28, s7, $0xb8;
	[tilespmem:$0x1B640] =	vst v63  }
0x552: {  	_ = 	snop  }
0x553: {  	[tilespmem:s16], [sflag:$0x9] =	stream.indirect.gather.add.f32 [hbm:s2], $0x80, s29, s7, $0xb8;
	[tilespmem:$0x1B640] =	vst v63  }
0x554: {  	_ =	swait.ge [sflag:s10], $0x6400  }
0x555: {  	[sflag:s10] =	ssyncset.done $0x0  }
0x556: {  	[sflag:s10] =	ssyncadd.s32 $0xFFFF9C00  }
0x557: {  	[tilespmem:s5], [sflag:$0x3] =	stream.linear.gather [spmem:s3], $0x6400, $0x38;
	[tilespmem:$0x1B640] =	vst v63  }
0x558: {  	_ =	swait.ge [sflag:s13], $0x3200  }
0x559: {  	[sflag:s13] =	ssyncset.done $0x0  }
0x55a: {  	[sflag:s13] =	ssyncadd.s32 $0xFFFFCE00  }
0x55b: {  	_ =	swait.ge [sflag:s13], $0x3200  }
0x55c: {  	[sflag:s13] =	ssyncset.done $0x0  }
0x55d: {  	s31 =	rddreg [dreg:$0x9];
	[sflag:s13] =	ssyncadd.s32 $0xFFFFCE00  }
0x55e: {  	[hbm4b:s31+s1] =	stream.linear.scatter [tilespmem:s4], [sflag:$0xC], $0x6400, $0x38;
	[tilespmem:$0x1B640] =	vst v63  }
0x55f: {  	_ =	swait.ge [sflag:s23], $0x6400  }
0x560: {  	s25 =	sld [smem:$0x7C6]  }
0x561: {  	[sflag:s23] =	ssyncset.done $0x0  }
0x562: {  	s26 =	sld [smem:$0x7C7];
	[sflag:s23] =	ssyncadd.s32 $0xFFFF9C00  }
0x563: {  	[tilespmem:s9], [sflag:$0x6] =	stream.indirect.gather.add.f32 [hbm:s2], $0x80, s25, s7, $0xb8;
	[tilespmem:$0x1B640] =	vst v63  }
0x564: {  	_ = 	snop  }
0x565: {  	[tilespmem:s24], [sflag:$0x6] =	stream.indirect.gather.add.f32 [hbm:s2], $0x80, s26, s7, $0xb8;
	[tilespmem:$0x1B640] =	vst v63  }
0x566: {  	_ =	swait.ge [sflag:s11], $0x6400  }
0x567: {  	[sflag:s11] =	ssyncset.done $0x0  }
0x568: {  	[sflag:s11] =	ssyncadd.s32 $0xFFFF9C00  }
0x569: {  	[tilespmem:s4], [sflag:$0x4] =	stream.linear.gather [spmem:s3], $0x6400, $0x38;
	[tilespmem:$0x1B640] =	vst v63  }
0x56a: {  	_ =	swait.ge [sflag:s14], $0x3200  }
0x56b: {  	[sflag:s14] =	ssyncset.done $0x0  }
0x56c: {  	[sflag:s14] =	ssyncadd.s32 $0xFFFFCE00  }
0x56d: {  	_ =	swait.ge [sflag:s14], $0x3200  }
0x56e: {  	[sflag:s14] =	ssyncset.done $0x0  }
0x56f: {  	s28 =	rddreg [dreg:$0xa];
	[sflag:s14] =	ssyncadd.s32 $0xFFFFCE00  }
0x570: {  	[hbm4b:s28+s1] =	stream.linear.scatter [tilespmem:s6], [sflag:$0xD], $0x6400, $0x38;
	[tilespmem:$0x1B640] =	vst v63  }
0x571: {  	_ =	swait.ge [sflag:s21], $0x6400  }
0x572: {  	s29 =	sld [smem:$0x7C8]  }
0x573: {  	[sflag:s21] =	ssyncset.done $0x0  }
0x574: {  	s31 =	sld [smem:$0x7C9];
	[sflag:s21] =	ssyncadd.s32 $0xFFFF9C00  }
0x575: {  	[tilespmem:s5], [sflag:$0x7] =	stream.indirect.gather.add.f32 [hbm:s2], $0x80, s29, s7, $0xb8;
	[tilespmem:$0x1B640] =	vst v63  }
0x576: {  	_ = 	snop  }
0x577: {  	[tilespmem:s22], [sflag:$0x7] =	stream.indirect.gather.add.f32 [hbm:s2], $0x80, s31, s7, $0xb8;
	[tilespmem:$0x1B640] =	vst v63  }
0x578: {  	_ =	swait.ge [sflag:s12], $0x6400  }
0x579: {  	[sflag:s12] =	ssyncset.done $0x0  }
0x57a: {  	[sflag:s12] =	ssyncadd.s32 $0xFFFF9C00  }
0x57b: {  	[tilespmem:s6], [sflag:$0x5] =	stream.linear.gather [spmem:s3], $0x6400, $0x38;
	[tilespmem:$0x1B640] =	vst v63  }
0x57c: {  	_ =	swait.ge [sflag:s20], $0x3200  }
0x57d: {  	[sflag:s20] =	ssyncset.done $0x0  }
0x57e: {  	[sflag:s20] =	ssyncadd.s32 $0xFFFFCE00  }
0x57f: {  	_ =	swait.ge [sflag:s20], $0x3200  }
0x580: {  	[sflag:s20] =	ssyncset.done $0x0  }
0x581: {  	s26 =	rddreg [dreg:$0xb];
	[sflag:s20] =	ssyncadd.s32 $0xFFFFCE00  }
0x582: {  	[hbm4b:s26+s1] =	stream.linear.scatter [tilespmem:s9], [sflag:$0xA], $0x6400, $0x38;
	[tilespmem:$0x1B640] =	vst v63  }
0x583: {  	_ =	swait.ge [sflag:s18], $0x6400  }
0x584: {  	s28 =	sld [smem:$0x7CA]  }
0x585: {  	[sflag:s18] =	ssyncset.done $0x0  }
0x586: {  	s29 =	sld [smem:$0x7CB];
	[sflag:s18] =	ssyncadd.s32 $0xFFFF9C00  }
0x587: {  	[tilespmem:s4], [sflag:$0x8] =	stream.indirect.gather.add.f32 [hbm:s2], $0x80, s28, s7, $0xb8;
	[tilespmem:$0x1B640] =	vst v63  }
0x588: {  	_ = 	snop  }
0x589: {  	[tilespmem:s19], [sflag:$0x8] =	stream.indirect.gather.add.f32 [hbm:s2], $0x80, s29, s7, $0xb8;
	[tilespmem:$0x1B640] =	vst v63  }
0x58a: {  	_ =	swait.ge [sflag:s8], $0x6400  }
0x58b: {  	[sflag:s8] =	ssyncset.done $0x0  }
0x58c: {  	[sflag:s8] =	ssyncadd.s32 $0xFFFF9C00  }
0x58d: {  	[tilespmem:s9], [sflag:$0x2] =	stream.linear.gather [spmem:s3], $0x6400, $0x38;
	[tilespmem:$0x1B640] =	vst v63  }
0x58e: {  	_ =	swait.ge [sflag:s17], $0x3200  }
0x58f: {  	[sflag:s17] =	ssyncset.done $0x0  }
0x590: {  	[sflag:s17] =	ssyncadd.s32 $0xFFFFCE00  }
0x591: {  	_ =	swait.ge [sflag:s17], $0x3200  }
0x592: {  	[sflag:s17] =	ssyncset.done $0x0  }
0x593: {  	s31 =	rddreg [dreg:$0xc];
	[sflag:s17] =	ssyncadd.s32 $0xFFFFCE00  }
0x594: {  	[hbm4b:s31+s1] =	stream.linear.scatter [tilespmem:s5], [sflag:$0xB], $0x6400, $0x38;
	[tilespmem:$0x1B640] =	vst v63  }
0x595: {  	_ =	swait.ge [sflag:s15], $0x6400  }
0x596: {  	s25 =	sld [smem:$0x7CC]  }
0x597: {  	[sflag:s15] =	ssyncset.done $0x0  }
0x598: {  	s26 =	sld [smem:$0x7CD];
	[sflag:s15] =	ssyncadd.s32 $0xFFFF9C00  }
0x599: {  	[tilespmem:s6], [sflag:$0x9] =	stream.indirect.gather.add.f32 [hbm:s2], $0x80, s25, s7, $0xb8;
	[tilespmem:$0x1B640] =	vst v63  }
0x59a: {  	_ = 	snop  }
0x59b: {  	[tilespmem:s16], [sflag:$0x9] =	stream.indirect.gather.add.f32 [hbm:s2], $0x80, s26, s7, $0xb8;
	[tilespmem:$0x1B640] =	vst v63  }
0x59c: {  	_ =	swait.ge [sflag:s10], $0x6400  }
0x59d: {  	[sflag:s10] =	ssyncset.done $0x0  }
0x59e: {  	[sflag:s10] =	ssyncadd.s32 $0xFFFF9C00  }
0x59f: {  	[tilespmem:s5], [sflag:$0x3] =	stream.linear.gather [spmem:s3], $0x6400, $0x38;
	[tilespmem:$0x1B640] =	vst v63  }
0x5a0: {  	_ =	swait.ge [sflag:s13], $0x3200  }
0x5a1: {  	[sflag:s13] =	ssyncset.done $0x0  }
0x5a2: {  	[sflag:s13] =	ssyncadd.s32 $0xFFFFCE00  }
0x5a3: {  	_ =	swait.ge [sflag:s13], $0x3200  }
0x5a4: {  	[sflag:s13] =	ssyncset.done $0x0  }
0x5a5: {  	s28 =	rddreg [dreg:$0xd];
	[sflag:s13] =	ssyncadd.s32 $0xFFFFCE00  }
0x5a6: {  	[hbm4b:s28+s1] =	stream.linear.scatter [tilespmem:s4], [sflag:$0xC], $0x6400, $0x38;
	[tilespmem:$0x1B640] =	vst v63  }
0x5a7: {  	_ =	swait.ge [sflag:s23], $0x6400  }
0x5a8: {  	s29 =	sld [smem:$0x7CE]  }
0x5a9: {  	[sflag:s23] =	ssyncset.done $0x0  }
0x5aa: {  	s31 =	sld [smem:$0x7CF];
	[sflag:s23] =	ssyncadd.s32 $0xFFFF9C00  }
0x5ab: {  	[tilespmem:s9], [sflag:$0x6] =	stream.indirect.gather.add.f32 [hbm:s2], $0x80, s29, s7, $0xb8;
	[tilespmem:$0x1B640] =	vst v63  }
0x5ac: {  	_ = 	snop  }
0x5ad: {  	[tilespmem:s24], [sflag:$0x6] =	stream.indirect.gather.add.f32 [hbm:s2], $0x80, s31, s7, $0xb8;
	[tilespmem:$0x1B640] =	vst v63  }
0x5ae: {  	_ =	swait.ge [sflag:s11], $0x6400  }
0x5af: {  	[sflag:s11] =	ssyncset.done $0x0  }
0x5b0: {  	[sflag:s11] =	ssyncadd.s32 $0xFFFF9C00  }
0x5b1: {  	[tilespmem:s4], [sflag:$0x4] =	stream.linear.gather [spmem:s3], $0x6400, $0x38;
	[tilespmem:$0x1B640] =	vst v63  }
0x5b2: {  	_ =	swait.ge [sflag:s14], $0x3200  }
0x5b3: {  	[sflag:s14] =	ssyncset.done $0x0  }
0x5b4: {  	[sflag:s14] =	ssyncadd.s32 $0xFFFFCE00  }
0x5b5: {  	_ =	swait.ge [sflag:s14], $0x3200  }
0x5b6: {  	[sflag:s14] =	ssyncset.done $0x0  }
0x5b7: {  	s26 =	rddreg [dreg:$0xe];
	[sflag:s14] =	ssyncadd.s32 $0xFFFFCE00  }
0x5b8: {  	[hbm4b:s26+s1] =	stream.linear.scatter [tilespmem:s6], [sflag:$0xD], $0x6400, $0x38;
	[tilespmem:$0x1B640] =	vst v63  }
0x5b9: {  	_ =	swait.ge [sflag:s21], $0x6400  }
0x5ba: {  	s28 =	sld [smem:$0x7D0]  }
0x5bb: {  	[sflag:s21] =	ssyncset.done $0x0  }
0x5bc: {  	s29 =	sld [smem:$0x7D1];
	[sflag:s21] =	ssyncadd.s32 $0xFFFF9C00  }
0x5bd: {  	[tilespmem:s5], [sflag:$0x7] =	stream.indirect.gather.add.f32 [hbm:s2], $0x80, s28, s7, $0xb8;
	[tilespmem:$0x1B640] =	vst v63  }
0x5be: {  	_ = 	snop  }
0x5bf: {  	[tilespmem:s22], [sflag:$0x7] =	stream.indirect.gather.add.f32 [hbm:s2], $0x80, s29, s7, $0xb8;
	[tilespmem:$0x1B640] =	vst v63  }
0x5c0: {  	_ =	swait.ge [sflag:s12], $0x6400  }
0x5c1: {  	[sflag:s12] =	ssyncset.done $0x0  }
0x5c2: {  	[sflag:s12] =	ssyncadd.s32 $0xFFFF9C00  }
0x5c3: {  	[tilespmem:s6], [sflag:$0x5] =	stream.linear.gather [spmem:s3], $0x6400, $0x38;
	[tilespmem:$0x1B640] =	vst v63  }
0x5c4: {  	_ =	swait.ge [sflag:s20], $0x3200  }
0x5c5: {  	[sflag:s20] =	ssyncset.done $0x0  }
0x5c6: {  	[sflag:s20] =	ssyncadd.s32 $0xFFFFCE00  }
0x5c7: {  	_ =	swait.ge [sflag:s20], $0x3200  }
0x5c8: {  	[sflag:s20] =	ssyncset.done $0x0  }
0x5c9: {  	s31 =	rddreg [dreg:$0xf];
	[sflag:s20] =	ssyncadd.s32 $0xFFFFCE00  }
0x5ca: {  	[hbm4b:s31+s1] =	stream.linear.scatter [tilespmem:s9], [sflag:$0xA], $0x6400, $0x38;
	[tilespmem:$0x1B640] =	vst v63  }
0x5cb: {  	_ =	swait.ge [sflag:s18], $0x6400  }
0x5cc: {  	s25 =	sld [smem:$0x7D2]  }
0x5cd: {  	[sflag:s18] =	ssyncset.done $0x0  }
0x5ce: {  	s26 =	sld [smem:$0x7D3];
	[sflag:s18] =	ssyncadd.s32 $0xFFFF9C00  }
0x5cf: {  	[tilespmem:s4], [sflag:$0x8] =	stream.indirect.gather.add.f32 [hbm:s2], $0x80, s25, s7, $0xb8;
	[tilespmem:$0x1B640] =	vst v63  }
0x5d0: {  	_ = 	snop  }
0x5d1: {  	[tilespmem:s19], [sflag:$0x8] =	stream.indirect.gather.add.f32 [hbm:s2], $0x80, s26, s7, $0xb8;
	[tilespmem:$0x1B640] =	vst v63  }
0x5d2: {  	_ =	swait.ge [sflag:s8], $0x6400  }
0x5d3: {  	[sflag:s8] =	ssyncset.done $0x0  }
0x5d4: {  	[sflag:s8] =	ssyncadd.s32 $0xFFFF9C00  }
0x5d5: {  	[tilespmem:s9], [sflag:$0x2] =	stream.linear.gather [spmem:s3], $0x6400, $0x38;
	[tilespmem:$0x1B640] =	vst v63  }
0x5d6: {  	_ =	swait.ge [sflag:s17], $0x3200  }
0x5d7: {  	[sflag:s17] =	ssyncset.done $0x0  }
0x5d8: {  	[sflag:s17] =	ssyncadd.s32 $0xFFFFCE00  }
0x5d9: {  	_ =	swait.ge [sflag:s17], $0x3200  }
0x5da: {  	[sflag:s17] =	ssyncset.done $0x0  }
0x5db: {  	s28 =	rddreg [dreg:$0x10];
	[sflag:s17] =	ssyncadd.s32 $0xFFFFCE00  }
0x5dc: {  	[hbm4b:s28+s1] =	stream.linear.scatter [tilespmem:s5], [sflag:$0xB], $0x6400, $0x38;
	[tilespmem:$0x1B640] =	vst v63  }
0x5dd: {  	_ =	swait.ge [sflag:s15], $0x6400  }
0x5de: {  	s29 =	sld [smem:$0x7D4]  }
0x5df: {  	[sflag:s15] =	ssyncset.done $0x0  }
0x5e0: {  	s31 =	sld [smem:$0x7D5];
	[sflag:s15] =	ssyncadd.s32 $0xFFFF9C00  }
0x5e1: {  	[tilespmem:s6], [sflag:$0x9] =	stream.indirect.gather.add.f32 [hbm:s2], $0x80, s29, s7, $0xb8;
	[tilespmem:$0x1B640] =	vst v63  }
0x5e2: {  	_ = 	snop  }
0x5e3: {  	[tilespmem:s16], [sflag:$0x9] =	stream.indirect.gather.add.f32 [hbm:s2], $0x80, s31, s7, $0xb8;
	[tilespmem:$0x1B640] =	vst v63  }
0x5e4: {  	_ =	swait.ge [sflag:s10], $0x6400  }
0x5e5: {  	[sflag:s10] =	ssyncset.done $0x0  }
0x5e6: {  	[sflag:s10] =	ssyncadd.s32 $0xFFFF9C00  }
0x5e7: {  	[tilespmem:s5], [sflag:$0x3] =	stream.linear.gather [spmem:s3], $0x6400, $0x38;
	[tilespmem:$0x1B640] =	vst v63  }
0x5e8: {  	_ =	swait.ge [sflag:s13], $0x3200  }
0x5e9: {  	[sflag:s13] =	ssyncset.done $0x0  }
0x5ea: {  	[sflag:s13] =	ssyncadd.s32 $0xFFFFCE00  }
0x5eb: {  	_ =	swait.ge [sflag:s13], $0x3200  }
0x5ec: {  	[sflag:s13] =	ssyncset.done $0x0  }
0x5ed: {  	s26 =	rddreg [dreg:$0x11];
	[sflag:s13] =	ssyncadd.s32 $0xFFFFCE00  }
0x5ee: {  	[hbm4b:s26+s1] =	stream.linear.scatter [tilespmem:s4], [sflag:$0xC], $0x6400, $0x38;
	[tilespmem:$0x1B640] =	vst v63  }
0x5ef: {  	_ =	swait.ge [sflag:s23], $0x6400  }
0x5f0: {  	s28 =	sld [smem:$0x7D6]  }
0x5f1: {  	[sflag:s23] =	ssyncset.done $0x0  }
0x5f2: {  	s29 =	sld [smem:$0x7D7];
	[sflag:s23] =	ssyncadd.s32 $0xFFFF9C00  }
0x5f3: {  	[tilespmem:s9], [sflag:$0x6] =	stream.indirect.gather.add.f32 [hbm:s2], $0x80, s28, s7, $0xb8;
	[tilespmem:$0x1B640] =	vst v63  }
0x5f4: {  	_ = 	snop  }
0x5f5: {  	[tilespmem:s24], [sflag:$0x6] =	stream.indirect.gather.add.f32 [hbm:s2], $0x80, s29, s7, $0xb8;
	[tilespmem:$0x1B640] =	vst v63  }
0x5f6: {  	_ =	swait.ge [sflag:s11], $0x6400  }
0x5f7: {  	[sflag:s11] =	ssyncset.done $0x0  }
0x5f8: {  	[sflag:s11] =	ssyncadd.s32 $0xFFFF9C00  }
0x5f9: {  	[tilespmem:s4], [sflag:$0x4] =	stream.linear.gather [spmem:s3], $0x6400, $0x38;
	[tilespmem:$0x1B640] =	vst v63  }
0x5fa: {  	_ =	swait.ge [sflag:s14], $0x3200  }
0x5fb: {  	[sflag:s14] =	ssyncset.done $0x0  }
0x5fc: {  	[sflag:s14] =	ssyncadd.s32 $0xFFFFCE00  }
0x5fd: {  	_ =	swait.ge [sflag:s14], $0x3200  }
0x5fe: {  	[sflag:s14] =	ssyncset.done $0x0  }
0x5ff: {  	s31 =	rddreg [dreg:$0x12];
	[sflag:s14] =	ssyncadd.s32 $0xFFFFCE00  }
0x600: {  	[hbm4b:s31+s1] =	stream.linear.scatter [tilespmem:s6], [sflag:$0xD], $0x6400, $0x38;
	[tilespmem:$0x1B640] =	vst v63  }
0x601: {  	_ =	swait.ge [sflag:s21], $0x6400  }
0x602: {  	s25 =	sld [smem:$0x7D8]  }
0x603: {  	[sflag:s21] =	ssyncset.done $0x0  }
0x604: {  	s26 =	sld [smem:$0x7D9];
	[sflag:s21] =	ssyncadd.s32 $0xFFFF9C00  }
0x605: {  	[tilespmem:s5], [sflag:$0x7] =	stream.indirect.gather.add.f32 [hbm:s2], $0x80, s25, s7, $0xb8;
	[tilespmem:$0x1B640] =	vst v63  }
0x606: {  	_ = 	snop  }
0x607: {  	[tilespmem:s22], [sflag:$0x7] =	stream.indirect.gather.add.f32 [hbm:s2], $0x80, s26, s7, $0xb8;
	[tilespmem:$0x1B640] =	vst v63  }
0x608: {  	_ =	swait.ge [sflag:s12], $0x6400  }
0x609: {  	[sflag:s12] =	ssyncset.done $0x0  }
0x60a: {  	[sflag:s12] =	ssyncadd.s32 $0xFFFF9C00  }
0x60b: {  	[tilespmem:s6], [sflag:$0x5] =	stream.linear.gather [spmem:s3], $0x6400, $0x38;
	[tilespmem:$0x1B640] =	vst v63  }
0x60c: {  	_ =	swait.ge [sflag:s20], $0x3200  }
0x60d: {  	[sflag:s20] =	ssyncset.done $0x0  }
0x60e: {  	[sflag:s20] =	ssyncadd.s32 $0xFFFFCE00  }
0x60f: {  	_ =	swait.ge [sflag:s20], $0x3200  }
0x610: {  	[sflag:s20] =	ssyncset.done $0x0  }
0x611: {  	s28 =	rddreg [dreg:$0x13];
	[sflag:s20] =	ssyncadd.s32 $0xFFFFCE00  }
0x612: {  	[hbm4b:s28+s1] =	stream.linear.scatter [tilespmem:s9], [sflag:$0xA], $0x6400, $0x38;
	[tilespmem:$0x1B640] =	vst v63  }
0x613: {  	_ =	swait.ge [sflag:s18], $0x6400  }
0x614: {  	s29 =	sld [smem:$0x7DA]  }
0x615: {  	[sflag:s18] =	ssyncset.done $0x0  }
0x616: {  	s31 =	sld [smem:$0x7DB];
	[sflag:s18] =	ssyncadd.s32 $0xFFFF9C00  }
0x617: {  	[tilespmem:s4], [sflag:$0x8] =	stream.indirect.gather.add.f32 [hbm:s2], $0x80, s29, s7, $0xb8;
	[tilespmem:$0x1B640] =	vst v63  }
0x618: {  	_ = 	snop  }
0x619: {  	[tilespmem:s19], [sflag:$0x8] =	stream.indirect.gather.add.f32 [hbm:s2], $0x80, s31, s7, $0xb8;
	[tilespmem:$0x1B640] =	vst v63  }
0x61a: {  	_ =	swait.ge [sflag:s8], $0x6400  }
0x61b: {  	[sflag:s8] =	ssyncset.done $0x0  }
0x61c: {  	[sflag:s8] =	ssyncadd.s32 $0xFFFF9C00  }
0x61d: {  	[tilespmem:s9], [sflag:$0x2] =	stream.linear.gather [spmem:s3], $0x6400, $0x38;
	[tilespmem:$0x1B640] =	vst v63  }
0x61e: {  	_ =	swait.ge [sflag:s17], $0x3200  }
0x61f: {  	[sflag:s17] =	ssyncset.done $0x0  }
0x620: {  	[sflag:s17] =	ssyncadd.s32 $0xFFFFCE00  }
0x621: {  	_ =	swait.ge [sflag:s17], $0x3200  }
0x622: {  	[sflag:s17] =	ssyncset.done $0x0  }
0x623: {  	s26 =	rddreg [dreg:$0x14];
	[sflag:s17] =	ssyncadd.s32 $0xFFFFCE00  }
0x624: {  	[hbm4b:s26+s1] =	stream.linear.scatter [tilespmem:s5], [sflag:$0xB], $0x6400, $0x38;
	[tilespmem:$0x1B640] =	vst v63  }
0x625: {  	_ =	swait.ge [sflag:s15], $0x6400  }
0x626: {  	s28 =	sld [smem:$0x7DC]  }
0x627: {  	[sflag:s15] =	ssyncset.done $0x0  }
0x628: {  	s29 =	sld [smem:$0x7DD];
	[sflag:s15] =	ssyncadd.s32 $0xFFFF9C00  }
0x629: {  	[tilespmem:s6], [sflag:$0x9] =	stream.indirect.gather.add.f32 [hbm:s2], $0x80, s28, s7, $0xb8;
	[tilespmem:$0x1B640] =	vst v63  }
0x62a: {  	_ = 	snop  }
0x62b: {  	[tilespmem:s16], [sflag:$0x9] =	stream.indirect.gather.add.f32 [hbm:s2], $0x80, s29, s7, $0xb8;
	[tilespmem:$0x1B640] =	vst v63  }
0x62c: {  	_ =	swait.ge [sflag:s10], $0x6400  }
0x62d: {  	[sflag:s10] =	ssyncset.done $0x0  }
0x62e: {  	[sflag:s10] =	ssyncadd.s32 $0xFFFF9C00  }
0x62f: {  	[tilespmem:s5], [sflag:$0x3] =	stream.linear.gather [spmem:s3], $0x6400, $0x38;
	[tilespmem:$0x1B640] =	vst v63  }
0x630: {  	_ =	swait.ge [sflag:s13], $0x3200  }
0x631: {  	[sflag:s13] =	ssyncset.done $0x0  }
0x632: {  	[sflag:s13] =	ssyncadd.s32 $0xFFFFCE00  }
0x633: {  	_ =	swait.ge [sflag:s13], $0x3200  }
0x634: {  	[sflag:s13] =	ssyncset.done $0x0  }
0x635: {  	s31 =	rddreg [dreg:$0x15];
	[sflag:s13] =	ssyncadd.s32 $0xFFFFCE00  }
0x636: {  	[hbm4b:s31+s1] =	stream.linear.scatter [tilespmem:s4], [sflag:$0xC], $0x6400, $0x38;
	[tilespmem:$0x1B640] =	vst v63  }
0x637: {  	_ =	swait.ge [sflag:s23], $0x6400  }
0x638: {  	s25 =	sld [smem:$0x7DE]  }
0x639: {  	[sflag:s23] =	ssyncset.done $0x0  }
0x63a: {  	s26 =	sld [smem:$0x7DF];
	[sflag:s23] =	ssyncadd.s32 $0xFFFF9C00  }
0x63b: {  	[tilespmem:s9], [sflag:$0x6] =	stream.indirect.gather.add.f32 [hbm:s2], $0x80, s25, s7, $0xb8;
	[tilespmem:$0x1B640] =	vst v63  }
0x63c: {  	_ = 	snop  }
0x63d: {  	[tilespmem:s24], [sflag:$0x6] =	stream.indirect.gather.add.f32 [hbm:s2], $0x80, s26, s7, $0xb8;
	[tilespmem:$0x1B640] =	vst v63  }
0x63e: {  	_ =	swait.ge [sflag:s11], $0x6400  }
0x63f: {  	[sflag:s11] =	ssyncset.done $0x0  }
0x640: {  	[sflag:s11] =	ssyncadd.s32 $0xFFFF9C00  }
0x641: {  	[tilespmem:s4], [sflag:$0x4] =	stream.linear.gather [spmem:s3], $0x6400, $0x38;
	[tilespmem:$0x1B640] =	vst v63  }
0x642: {  	_ =	swait.ge [sflag:s14], $0x3200  }
0x643: {  	[sflag:s14] =	ssyncset.done $0x0  }
0x644: {  	[sflag:s14] =	ssyncadd.s32 $0xFFFFCE00  }
0x645: {  	_ =	swait.ge [sflag:s14], $0x3200  }
0x646: {  	[sflag:s14] =	ssyncset.done $0x0  }
0x647: {  	s28 =	rddreg [dreg:$0x16];
	[sflag:s14] =	ssyncadd.s32 $0xFFFFCE00  }
0x648: {  	[hbm4b:s28+s1] =	stream.linear.scatter [tilespmem:s6], [sflag:$0xD], $0x6400, $0x38;
	[tilespmem:$0x1B640] =	vst v63  }
0x649: {  	_ =	swait.ge [sflag:s21], $0x6400  }
0x64a: {  	s29 =	sld [smem:$0x7E0]  }
0x64b: {  	[sflag:s21] =	ssyncset.done $0x0  }
0x64c: {  	s31 =	sld [smem:$0x7E1];
	[sflag:s21] =	ssyncadd.s32 $0xFFFF9C00  }
0x64d: {  	[tilespmem:s5], [sflag:$0x7] =	stream.indirect.gather.add.f32 [hbm:s2], $0x80, s29, s7, $0xb8;
	[tilespmem:$0x1B640] =	vst v63  }
0x64e: {  	_ = 	snop  }
0x64f: {  	[tilespmem:s22], [sflag:$0x7] =	stream.indirect.gather.add.f32 [hbm:s2], $0x80, s31, s7, $0xb8;
	[tilespmem:$0x1B640] =	vst v63  }
0x650: {  	_ =	swait.ge [sflag:s12], $0x6400  }
0x651: {  	[sflag:s12] =	ssyncset.done $0x0  }
0x652: {  	[sflag:s12] =	ssyncadd.s32 $0xFFFF9C00  }
0x653: {  	[tilespmem:s6], [sflag:$0x5] =	stream.linear.gather [spmem:s3], $0x6400, $0x38;
	[tilespmem:$0x1B640] =	vst v63  }
0x654: {  	_ =	swait.ge [sflag:s20], $0x3200  }
0x655: {  	[sflag:s20] =	ssyncset.done $0x0  }
0x656: {  	[sflag:s20] =	ssyncadd.s32 $0xFFFFCE00  }
0x657: {  	_ =	swait.ge [sflag:s20], $0x3200  }
0x658: {  	[sflag:s20] =	ssyncset.done $0x0  }
0x659: {  	s26 =	rddreg [dreg:$0x17];
	[sflag:s20] =	ssyncadd.s32 $0xFFFFCE00  }
0x65a: {  	[hbm4b:s26+s1] =	stream.linear.scatter [tilespmem:s9], [sflag:$0xA], $0x6400, $0x38;
	[tilespmem:$0x1B640] =	vst v63  }
0x65b: {  	_ =	swait.ge [sflag:s18], $0x6400  }
0x65c: {  	s28 =	sld [smem:$0x7E2]  }
0x65d: {  	[sflag:s18] =	ssyncset.done $0x0  }
0x65e: {  	s29 =	sld [smem:$0x7E3];
	[sflag:s18] =	ssyncadd.s32 $0xFFFF9C00  }
0x65f: {  	[tilespmem:s4], [sflag:$0x8] =	stream.indirect.gather.add.f32 [hbm:s2], $0x80, s28, s7, $0xb8;
	[tilespmem:$0x1B640] =	vst v63  }
0x660: {  	_ = 	snop  }
0x661: {  	[tilespmem:s19], [sflag:$0x8] =	stream.indirect.gather.add.f32 [hbm:s2], $0x80, s29, s7, $0xb8;
	[tilespmem:$0x1B640] =	vst v63  }
0x662: {  	_ =	swait.ge [sflag:s8], $0x6400  }
0x663: {  	[sflag:s8] =	ssyncset.done $0x0  }
0x664: {  	[sflag:s8] =	ssyncadd.s32 $0xFFFF9C00  }
0x665: {  	[tilespmem:s9], [sflag:$0x2] =	stream.linear.gather [spmem:s3], $0x6400, $0x38;
	[tilespmem:$0x1B640] =	vst v63  }
0x666: {  	_ =	swait.ge [sflag:s17], $0x3200  }
0x667: {  	[sflag:s17] =	ssyncset.done $0x0  }
0x668: {  	[sflag:s17] =	ssyncadd.s32 $0xFFFFCE00  }
0x669: {  	_ =	swait.ge [sflag:s17], $0x3200  }
0x66a: {  	[sflag:s17] =	ssyncset.done $0x0  }
0x66b: {  	s31 =	rddreg [dreg:$0x18];
	[sflag:s17] =	ssyncadd.s32 $0xFFFFCE00  }
0x66c: {  	[hbm4b:s31+s1] =	stream.linear.scatter [tilespmem:s5], [sflag:$0xB], $0x6400, $0x38;
	[tilespmem:$0x1B640] =	vst v63  }
0x66d: {  	_ =	swait.ge [sflag:s15], $0x6400  }
0x66e: {  	s25 =	sld [smem:$0x7E4]  }
0x66f: {  	[sflag:s15] =	ssyncset.done $0x0  }
0x670: {  	s26 =	sld [smem:$0x7E5];
	[sflag:s15] =	ssyncadd.s32 $0xFFFF9C00  }
0x671: {  	[tilespmem:s6], [sflag:$0x9] =	stream.indirect.gather.add.f32 [hbm:s2], $0x80, s25, s7, $0xb8;
	[tilespmem:$0x1B640] =	vst v63  }
0x672: {  	_ = 	snop  }
0x673: {  	[tilespmem:s16], [sflag:$0x9] =	stream.indirect.gather.add.f32 [hbm:s2], $0x80, s26, s7, $0xb8;
	[tilespmem:$0x1B640] =	vst v63  }
0x674: {  	_ =	swait.ge [sflag:s10], $0x6400  }
0x675: {  	[sflag:s10] =	ssyncset.done $0x0  }
0x676: {  	[sflag:s10] =	ssyncadd.s32 $0xFFFF9C00  }
0x677: {  	[tilespmem:s5], [sflag:$0x3] =	stream.linear.gather [spmem:s3], $0x6400, $0x38;
	[tilespmem:$0x1B640] =	vst v63  }
0x678: {  	_ =	swait.ge [sflag:s13], $0x3200  }
0x679: {  	[sflag:s13] =	ssyncset.done $0x0  }
0x67a: {  	[sflag:s13] =	ssyncadd.s32 $0xFFFFCE00  }
0x67b: {  	_ =	swait.ge [sflag:s13], $0x3200  }
0x67c: {  	[sflag:s13] =	ssyncset.done $0x0  }
0x67d: {  	s28 =	rddreg [dreg:$0x19];
	[sflag:s13] =	ssyncadd.s32 $0xFFFFCE00  }
0x67e: {  	[hbm4b:s28+s1] =	stream.linear.scatter [tilespmem:s4], [sflag:$0xC], $0x6400, $0x38;
	[tilespmem:$0x1B640] =	vst v63  }
0x67f: {  	_ =	swait.ge [sflag:s23], $0x6400  }
0x680: {  	s29 =	sld [smem:$0x7E6]  }
0x681: {  	[sflag:s23] =	ssyncset.done $0x0  }
0x682: {  	s31 =	sld [smem:$0x7E7];
	[sflag:s23] =	ssyncadd.s32 $0xFFFF9C00  }
0x683: {  	[tilespmem:s9], [sflag:$0x6] =	stream.indirect.gather.add.f32 [hbm:s2], $0x80, s29, s7, $0xb8;
	[tilespmem:$0x1B640] =	vst v63  }
0x684: {  	_ = 	snop  }
0x685: {  	[tilespmem:s24], [sflag:$0x6] =	stream.indirect.gather.add.f32 [hbm:s2], $0x80, s31, s7, $0xb8;
	[tilespmem:$0x1B640] =	vst v63  }
0x686: {  	_ =	swait.ge [sflag:s11], $0x6400  }
0x687: {  	[sflag:s11] =	ssyncset.done $0x0  }
0x688: {  	[sflag:s11] =	ssyncadd.s32 $0xFFFF9C00  }
0x689: {  	[tilespmem:s4], [sflag:$0x4] =	stream.linear.gather [spmem:s3], $0x6400, $0x38;
	[tilespmem:$0x1B640] =	vst v63  }
0x68a: {  	_ =	swait.ge [sflag:s14], $0x3200  }
0x68b: {  	[sflag:s14] =	ssyncset.done $0x0  }
0x68c: {  	[sflag:s14] =	ssyncadd.s32 $0xFFFFCE00  }
0x68d: {  	_ =	swait.ge [sflag:s14], $0x3200  }
0x68e: {  	[sflag:s14] =	ssyncset.done $0x0  }
0x68f: {  	s26 =	rddreg [dreg:$0x1a];
	[sflag:s14] =	ssyncadd.s32 $0xFFFFCE00  }
0x690: {  	[hbm4b:s26+s1] =	stream.linear.scatter [tilespmem:s6], [sflag:$0xD], $0x6400, $0x38;
	[tilespmem:$0x1B640] =	vst v63  }
0x691: {  	_ =	swait.ge [sflag:s21], $0x6400  }
0x692: {  	s28 =	sld [smem:$0x7E8]  }
0x693: {  	[sflag:s21] =	ssyncset.done $0x0  }
0x694: {  	s29 =	sld [smem:$0x7E9];
	[sflag:s21] =	ssyncadd.s32 $0xFFFF9C00  }
0x695: {  	[tilespmem:s5], [sflag:$0x7] =	stream.indirect.gather.add.f32 [hbm:s2], $0x80, s28, s7, $0xb8;
	[tilespmem:$0x1B640] =	vst v63  }
0x696: {  	_ = 	snop  }
0x697: {  	[tilespmem:s22], [sflag:$0x7] =	stream.indirect.gather.add.f32 [hbm:s2], $0x80, s29, s7, $0xb8;
	[tilespmem:$0x1B640] =	vst v63  }
0x698: {  	_ =	swait.ge [sflag:s12], $0x6400  }
0x699: {  	[sflag:s12] =	ssyncset.done $0x0  }
0x69a: {  	[sflag:s12] =	ssyncadd.s32 $0xFFFF9C00  }
0x69b: {  	[tilespmem:s6], [sflag:$0x5] =	stream.linear.gather [spmem:s3], $0x6400, $0x38;
	[tilespmem:$0x1B640] =	vst v63  }
0x69c: {  	_ =	swait.ge [sflag:s20], $0x3200  }
0x69d: {  	[sflag:s20] =	ssyncset.done $0x0  }
0x69e: {  	[sflag:s20] =	ssyncadd.s32 $0xFFFFCE00  }
0x69f: {  	_ =	swait.ge [sflag:s20], $0x3200  }
0x6a0: {  	[sflag:s20] =	ssyncset.done $0x0  }
0x6a1: {  	s31 =	rddreg [dreg:$0x1b];
	[sflag:s20] =	ssyncadd.s32 $0xFFFFCE00  }
0x6a2: {  	[hbm4b:s31+s1] =	stream.linear.scatter [tilespmem:s9], [sflag:$0xA], $0x6400, $0x38;
	[tilespmem:$0x1B640] =	vst v63  }
0x6a3: {  	_ =	swait.ge [sflag:s18], $0x6400  }
0x6a4: {  	s25 =	sld [smem:$0x7EA]  }
0x6a5: {  	[sflag:s18] =	ssyncset.done $0x0  }
0x6a6: {  	s26 =	sld [smem:$0x7EB];
	[sflag:s18] =	ssyncadd.s32 $0xFFFF9C00  }
0x6a7: {  	[tilespmem:s4], [sflag:$0x8] =	stream.indirect.gather.add.f32 [hbm:s2], $0x80, s25, s7, $0xb8;
	[tilespmem:$0x1B640] =	vst v63  }
0x6a8: {  	_ = 	snop  }
0x6a9: {  	[tilespmem:s19], [sflag:$0x8] =	stream.indirect.gather.add.f32 [hbm:s2], $0x80, s26, s7, $0xb8;
	[tilespmem:$0x1B640] =	vst v63  }
0x6aa: {  	_ =	swait.ge [sflag:s8], $0x6400  }
0x6ab: {  	[sflag:s8] =	ssyncset.done $0x0  }
0x6ac: {  	[sflag:s8] =	ssyncadd.s32 $0xFFFF9C00  }
0x6ad: {  	[tilespmem:s9], [sflag:$0x2] =	stream.linear.gather [spmem:s3], $0x6400, $0x38;
	[tilespmem:$0x1B640] =	vst v63  }
0x6ae: {  	_ =	swait.ge [sflag:s17], $0x3200  }
0x6af: {  	[sflag:s17] =	ssyncset.done $0x0  }
0x6b0: {  	[sflag:s17] =	ssyncadd.s32 $0xFFFFCE00  }
0x6b1: {  	_ =	swait.ge [sflag:s17], $0x3200  }
0x6b2: {  	[sflag:s17] =	ssyncset.done $0x0  }
0x6b3: {  	s28 =	rddreg [dreg:$0x1c];
	[sflag:s17] =	ssyncadd.s32 $0xFFFFCE00  }
0x6b4: {  	[hbm4b:s28+s1] =	stream.linear.scatter [tilespmem:s5], [sflag:$0xB], $0x6400, $0x38;
	[tilespmem:$0x1B640] =	vst v63  }
0x6b5: {  	_ =	swait.ge [sflag:s15], $0x6400  }
0x6b6: {  	s29 =	sld [smem:$0x7EC]  }
0x6b7: {  	[sflag:s15] =	ssyncset.done $0x0  }
0x6b8: {  	s31 =	sld [smem:$0x7ED];
	[sflag:s15] =	ssyncadd.s32 $0xFFFF9C00  }
0x6b9: {  	[tilespmem:s6], [sflag:$0x9] =	stream.indirect.gather.add.f32 [hbm:s2], $0x80, s29, s7, $0xb8;
	[tilespmem:$0x1B640] =	vst v63  }
0x6ba: {  	_ = 	snop  }
0x6bb: {  	[tilespmem:s16], [sflag:$0x9] =	stream.indirect.gather.add.f32 [hbm:s2], $0x80, s31, s7, $0xb8;
	[tilespmem:$0x1B640] =	vst v63  }
0x6bc: {  	_ =	swait.ge [sflag:s10], $0x6400  }
0x6bd: {  	[sflag:s10] =	ssyncset.done $0x0  }
0x6be: {  	[sflag:s10] =	ssyncadd.s32 $0xFFFF9C00  }
0x6bf: {  	[tilespmem:s5], [sflag:$0x3] =	stream.linear.gather [spmem:s3], $0x6400, $0x38;
	[tilespmem:$0x1B640] =	vst v63  }
0x6c0: {  	_ =	swait.ge [sflag:s13], $0x3200  }
0x6c1: {  	[sflag:s13] =	ssyncset.done $0x0  }
0x6c2: {  	[sflag:s13] =	ssyncadd.s32 $0xFFFFCE00  }
0x6c3: {  	_ =	swait.ge [sflag:s13], $0x3200  }
0x6c4: {  	[sflag:s13] =	ssyncset.done $0x0  }
0x6c5: {  	s26 =	rddreg [dreg:$0x1d];
	[sflag:s13] =	ssyncadd.s32 $0xFFFFCE00  }
0x6c6: {  	[hbm4b:s26+s1] =	stream.linear.scatter [tilespmem:s4], [sflag:$0xC], $0x6400, $0x38;
	[tilespmem:$0x1B640] =	vst v63  }
0x6c7: {  	_ =	swait.ge [sflag:s23], $0x6400  }
0x6c8: {  	s28 =	sld [smem:$0x7EE]  }
0x6c9: {  	[sflag:s23] =	ssyncset.done $0x0  }
0x6ca: {  	s29 =	sld [smem:$0x7EF];
	[sflag:s23] =	ssyncadd.s32 $0xFFFF9C00  }
0x6cb: {  	[tilespmem:s9], [sflag:$0x6] =	stream.indirect.gather.add.f32 [hbm:s2], $0x80, s28, s7, $0xb8;
	[tilespmem:$0x1B640] =	vst v63  }
0x6cc: {  	_ = 	snop  }
0x6cd: {  	[tilespmem:s24], [sflag:$0x6] =	stream.indirect.gather.add.f32 [hbm:s2], $0x80, s29, s7, $0xb8;
	[tilespmem:$0x1B640] =	vst v63  }
0x6ce: {  	_ =	swait.ge [sflag:s11], $0x6400  }
0x6cf: {  	[sflag:s11] =	ssyncset.done $0x0  }
0x6d0: {  	[sflag:s11] =	ssyncadd.s32 $0xFFFF9C00  }
0x6d1: {  	[tilespmem:s4], [sflag:$0x4] =	stream.linear.gather [spmem:s3], $0x6400, $0x38;
	[tilespmem:$0x1B640] =	vst v63  }
0x6d2: {  	_ =	swait.ge [sflag:s14], $0x3200  }
0x6d3: {  	[sflag:s14] =	ssyncset.done $0x0  }
0x6d4: {  	[sflag:s14] =	ssyncadd.s32 $0xFFFFCE00  }
0x6d5: {  	_ =	swait.ge [sflag:s14], $0x3200  }
0x6d6: {  	[sflag:s14] =	ssyncset.done $0x0  }
0x6d7: {  	s31 =	rddreg [dreg:$0x1e];
	[sflag:s14] =	ssyncadd.s32 $0xFFFFCE00  }
0x6d8: {  	[hbm4b:s31+s1] =	stream.linear.scatter [tilespmem:s6], [sflag:$0xD], $0x6400, $0x38;
	[tilespmem:$0x1B640] =	vst v63  }
0x6d9: {  	_ =	swait.ge [sflag:s21], $0x6400  }
0x6da: {  	s25 =	sld [smem:$0x7F0]  }
0x6db: {  	[sflag:s21] =	ssyncset.done $0x0  }
0x6dc: {  	s26 =	sld [smem:$0x7F1];
	[sflag:s21] =	ssyncadd.s32 $0xFFFF9C00  }
0x6dd: {  	[tilespmem:s5], [sflag:$0x7] =	stream.indirect.gather.add.f32 [hbm:s2], $0x80, s25, s7, $0xb8;
	[tilespmem:$0x1B640] =	vst v63  }
0x6de: {  	_ = 	snop  }
0x6df: {  	[tilespmem:s22], [sflag:$0x7] =	stream.indirect.gather.add.f32 [hbm:s2], $0x80, s26, s7, $0xb8;
	[tilespmem:$0x1B640] =	vst v63  }
0x6e0: {  	_ =	swait.ge [sflag:s12], $0x6400  }
0x6e1: {  	[sflag:s12] =	ssyncset.done $0x0  }
0x6e2: {  	[sflag:s12] =	ssyncadd.s32 $0xFFFF9C00  }
0x6e3: {  	[tilespmem:s6], [sflag:$0x5] =	stream.linear.gather [spmem:s3], $0x6400, $0x38;
	[tilespmem:$0x1B640] =	vst v63  }
0x6e4: {  	_ =	swait.ge [sflag:s20], $0x3200  }
0x6e5: {  	[sflag:s20] =	ssyncset.done $0x0  }
0x6e6: {  	[sflag:s20] =	ssyncadd.s32 $0xFFFFCE00  }
0x6e7: {  	_ =	swait.ge [sflag:s20], $0x3200  }
0x6e8: {  	[sflag:s20] =	ssyncset.done $0x0  }
0x6e9: {  	s28 =	rddreg [dreg:$0x1f];
	[sflag:s20] =	ssyncadd.s32 $0xFFFFCE00  }
0x6ea: {  	[hbm4b:s28+s1] =	stream.linear.scatter [tilespmem:s9], [sflag:$0xA], $0x6400, $0x38;
	[tilespmem:$0x1B640] =	vst v63  }
0x6eb: {  	_ =	swait.ge [sflag:s18], $0x6400  }
0x6ec: {  	s29 =	sld [smem:$0x7F2]  }
0x6ed: {  	[sflag:s18] =	ssyncset.done $0x0  }
0x6ee: {  	s31 =	sld [smem:$0x7F3];
	[sflag:s18] =	ssyncadd.s32 $0xFFFF9C00  }
0x6ef: {  	[tilespmem:s4], [sflag:$0x8] =	stream.indirect.gather.add.f32 [hbm:s2], $0x80, s29, s7, $0xb8;
	[tilespmem:$0x1B640] =	vst v63  }
0x6f0: {  	_ = 	snop  }
0x6f1: {  	[tilespmem:s19], [sflag:$0x8] =	stream.indirect.gather.add.f32 [hbm:s2], $0x80, s31, s7, $0xb8;
	[tilespmem:$0x1B640] =	vst v63  }
0x6f2: {  	_ =	swait.ge [sflag:s8], $0x6400  }
0x6f3: {  	[sflag:s8] =	ssyncset.done $0x0  }
0x6f4: {  	[sflag:s8] =	ssyncadd.s32 $0xFFFF9C00  }
0x6f5: {  	[tilespmem:s9], [sflag:$0x2] =	stream.linear.gather [spmem:s3], $0x6400, $0x38;
	[tilespmem:$0x1B640] =	vst v63  }
0x6f6: {  	_ =	swait.ge [sflag:s17], $0x3200  }
0x6f7: {  	[sflag:s17] =	ssyncset.done $0x0  }
0x6f8: {  	[sflag:s17] =	ssyncadd.s32 $0xFFFFCE00  }
0x6f9: {  	_ =	swait.ge [sflag:s17], $0x3200  }
0x6fa: {  	s26 =	sld [smem:$0x7B8]  }
0x6fb: {  	[sflag:s17] =	ssyncset.done $0x0  }
0x6fc: {  	[sflag:s17] =	ssyncadd.s32 $0xFFFFCE00  }
0x6fd: {  	[hbm4b:s26+s1] =	stream.linear.scatter [tilespmem:s5], [sflag:$0xB], $0x6400, $0x38;
	[tilespmem:$0x1B640] =	vst v63  }
0x6fe: {  	_ =	swait.ge [sflag:s15], $0x6400  }
0x6ff: {  	s28 =	sld [smem:$0x7F4]  }
0x700: {  	[sflag:s15] =	ssyncset.done $0x0  }
0x701: {  	s29 =	sld [smem:$0x7F5];
	[sflag:s15] =	ssyncadd.s32 $0xFFFF9C00  }
0x702: {  	[tilespmem:s6], [sflag:$0x9] =	stream.indirect.gather.add.f32 [hbm:s2], $0x80, s28, s7, $0xb8;
	[tilespmem:$0x1B640] =	vst v63  }
0x703: {  	_ = 	snop  }
0x704: {  	[tilespmem:s16], [sflag:$0x9] =	stream.indirect.gather.add.f32 [hbm:s2], $0x80, s29, s7, $0xb8;
	[tilespmem:$0x1B640] =	vst v63  }
0x705: {  	_ =	swait.ge [sflag:s10], $0x6400  }
0x706: {  	[sflag:s10] =	ssyncset.done $0x0  }
0x707: {  	[sflag:s10] =	ssyncadd.s32 $0xFFFF9C00  }
0x708: {  	[tilespmem:s5], [sflag:$0x3] =	stream.linear.gather [spmem:s3], $0x6400, $0x38;
	[tilespmem:$0x1B640] =	vst v63  }
0x709: {  	_ =	swait.ge [sflag:s13], $0x3200  }
0x70a: {  	[sflag:s13] =	ssyncset.done $0x0  }
0x70b: {  	[sflag:s13] =	ssyncadd.s32 $0xFFFFCE00  }
0x70c: {  	_ =	swait.ge [sflag:s13], $0x3200  }
0x70d: {  	s31 =	sld [smem:$0x7B9]  }
0x70e: {  	[sflag:s13] =	ssyncset.done $0x0  }
0x70f: {  	[sflag:s13] =	ssyncadd.s32 $0xFFFFCE00  }
0x710: {  	[hbm4b:s31+s1] =	stream.linear.scatter [tilespmem:s4], [sflag:$0xC], $0x6400, $0x38;
	[tilespmem:$0x1B640] =	vst v63  }
0x711: {  	_ =	swait.ge [sflag:s23], $0x6400  }
0x712: {  	s25 =	sld [smem:$0x7F6]  }
0x713: {  	[sflag:s23] =	ssyncset.done $0x0  }
0x714: {  	s26 =	sld [smem:$0x7F7];
	[sflag:s23] =	ssyncadd.s32 $0xFFFF9C00  }
0x715: {  	[tilespmem:s9], [sflag:$0x6] =	stream.indirect.gather.add.f32 [hbm:s2], $0x80, s25, s7, $0xb8;
	[tilespmem:$0x1B640] =	vst v63  }
0x716: {  	_ = 	snop  }
0x717: {  	[tilespmem:s24], [sflag:$0x6] =	stream.indirect.gather.add.f32 [hbm:s2], $0x80, s26, s7, $0xb8;
	[tilespmem:$0x1B640] =	vst v63  }
0x718: {  	_ =	swait.ge [sflag:s11], $0x6400  }
0x719: {  	[sflag:s11] =	ssyncset.done $0x0  }
0x71a: {  	[sflag:s11] =	ssyncadd.s32 $0xFFFF9C00  }
0x71b: {  	[tilespmem:s4], [sflag:$0x4] =	stream.linear.gather [spmem:s3], $0x6400, $0x38;
	[tilespmem:$0x1B640] =	vst v63  }
0x71c: {  	_ =	swait.ge [sflag:s14], $0x3200  }
0x71d: {  	[sflag:s14] =	ssyncset.done $0x0  }
0x71e: {  	[sflag:s14] =	ssyncadd.s32 $0xFFFFCE00  }
0x71f: {  	_ =	swait.ge [sflag:s14], $0x3200  }
0x720: {  	s28 =	sld [smem:$0x7BA]  }
0x721: {  	[sflag:s14] =	ssyncset.done $0x0  }
0x722: {  	[sflag:s14] =	ssyncadd.s32 $0xFFFFCE00  }
0x723: {  	[hbm4b:s28+s1] =	stream.linear.scatter [tilespmem:s6], [sflag:$0xD], $0x6400, $0x38;
	[tilespmem:$0x1B640] =	vst v63  }
0x724: {  	_ =	swait.ge [sflag:s21], $0x6400  }
0x725: {  	s29 =	sld [smem:$0x7F8]  }
0x726: {  	[sflag:s21] =	ssyncset.done $0x0  }
0x727: {  	s31 =	sld [smem:$0x7F9];
	[sflag:s21] =	ssyncadd.s32 $0xFFFF9C00  }
0x728: {  	[tilespmem:s5], [sflag:$0x7] =	stream.indirect.gather.add.f32 [hbm:s2], $0x80, s29, s7, $0xb8;
	[tilespmem:$0x1B640] =	vst v63  }
0x729: {  	_ = 	snop  }
0x72a: {  	[tilespmem:s22], [sflag:$0x7] =	stream.indirect.gather.add.f32 [hbm:s2], $0x80, s31, s7, $0xb8;
	[tilespmem:$0x1B640] =	vst v63  }
0x72b: {  	_ =	swait.ge [sflag:s12], $0x6400  }
0x72c: {  	[sflag:s12] =	ssyncset.done $0x0  }
0x72d: {  	[sflag:s12] =	ssyncadd.s32 $0xFFFF9C00  }
0x72e: {  	[tilespmem:s6], [sflag:$0x5] =	stream.linear.gather [spmem:s3], $0x6400, $0x38;
	[tilespmem:$0x1B640] =	vst v63  }
0x72f: {  	_ =	swait.ge [sflag:s20], $0x3200  }
0x730: {  	[sflag:s20] =	ssyncset.done $0x0  }
0x731: {  	[sflag:s20] =	ssyncadd.s32 $0xFFFFCE00  }
0x732: {  	_ =	swait.ge [sflag:s20], $0x3200  }
0x733: {  	s22 =	sld [smem:$0x7BB]  }
0x734: {  	[sflag:s20] =	ssyncset.done $0x0  }
0x735: {  	[sflag:s20] =	ssyncadd.s32 $0xFFFFCE00  }
0x736: {  	[hbm4b:s22+s1] =	stream.linear.scatter [tilespmem:s9], [sflag:$0xA], $0x6400, $0x38;
	[tilespmem:$0x1B640] =	vst v63  }
0x737: {  	_ =	swait.ge [sflag:s18], $0x6400  }
0x738: {  	s23 =	sld [smem:$0x7FA]  }
0x739: {  	[sflag:s18] =	ssyncset.done $0x0  }
0x73a: {  	s24 =	sld [smem:$0x7FB];
	[sflag:s18] =	ssyncadd.s32 $0xFFFF9C00  }
0x73b: {  	[tilespmem:s4], [sflag:$0x8] =	stream.indirect.gather.add.f32 [hbm:s2], $0x80, s23, s7, $0xb8;
	[tilespmem:$0x1B640] =	vst v63  }
0x73c: {  	_ = 	snop  }
0x73d: {  	[tilespmem:s19], [sflag:$0x8] =	stream.indirect.gather.add.f32 [hbm:s2], $0x80, s24, s7, $0xb8;
	[tilespmem:$0x1B640] =	vst v63  }
0x73e: {  	_ =	swait.ge [sflag:s17], $0x3200  }
0x73f: {  	[sflag:s17] =	ssyncset.done $0x0  }
0x740: {  	[sflag:s17] =	ssyncadd.s32 $0xFFFFCE00  }
0x741: {  	_ =	swait.ge [sflag:s17], $0x3200  }
0x742: {  	s25 =	sld [smem:$0x7BC]  }
0x743: {  	[sflag:s17] =	ssyncset.done $0x0  }
0x744: {  	[sflag:s17] =	ssyncadd.s32 $0xFFFFCE00  }
0x745: {  	[hbm4b:s25+s1] =	stream.linear.scatter [tilespmem:s5], [sflag:$0xB], $0x6400, $0x38;
	[tilespmem:$0x1B640] =	vst v63  }
0x746: {  	_ =	swait.ge [sflag:s15], $0x6400  }
0x747: {  	s26 =	sld [smem:$0x7FC]  }
0x748: {  	[sflag:s15] =	ssyncset.done $0x0  }
0x749: {  	s28 =	sld [smem:$0x7FD];
	[sflag:s15] =	ssyncadd.s32 $0xFFFF9C00  }
0x74a: {  	[tilespmem:s6], [sflag:$0x9] =	stream.indirect.gather.add.f32 [hbm:s2], $0x80, s26, s7, $0xb8;
	[tilespmem:$0x1B640] =	vst v63  }
0x74b: {  	_ = 	snop  }
0x74c: {  	[tilespmem:s16], [sflag:$0x9] =	stream.indirect.gather.add.f32 [hbm:s2], $0x80, s28, s7, $0xb8;
	[tilespmem:$0x1B640] =	vst v63  }
0x74d: {  	_ =	swait.ge [sflag:s13], $0x3200  }
0x74e: {  	[sflag:s13] =	ssyncset.done $0x0  }
0x74f: {  	[sflag:s13] =	ssyncadd.s32 $0xFFFFCE00  }
0x750: {  	_ =	swait.ge [sflag:s13], $0x3200  }
0x751: {  	s29 =	sld [smem:$0x7BD]  }
0x752: {  	[sflag:s13] =	ssyncset.done $0x0  }
0x753: {  	[sflag:s13] =	ssyncadd.s32 $0xFFFFCE00  }
0x754: {  	[hbm4b:s29+s1] =	stream.linear.scatter [tilespmem:s4], [sflag:$0xC], $0x6400, $0x38;
	[tilespmem:$0x1B640] =	vst v63  }
0x755: {  	_ =	swait.ge [sflag:s14], $0x3200  }
0x756: {  	[sflag:s14] =	ssyncset.done $0x0  }
0x757: {  	[sflag:s14] =	ssyncadd.s32 $0xFFFFCE00  }
0x758: {  	_ =	swait.ge [sflag:s14], $0x3200  }
0x759: {  	s31 =	sld [smem:$0x7BE]  }
0x75a: {  	[sflag:s14] =	ssyncset.done $0x0  }
0x75b: {  	[sflag:s14] =	ssyncadd.s32 $0xFFFFCE00  }
0x75c: {  	[hbm4b:s31+s1] =	stream.linear.scatter [tilespmem:s6], [sflag:$0xD], $0x6400, $0x38;
	[tilespmem:$0x1B640] =	vst v63  }
0x75d: {  	_ =	swait.ge [sflag:s8], $0x6400  }
0x75e: {  	[sflag:s8] =	ssyncset.done $0x0  }
0x75f: {  	[sflag:s8] =	ssyncadd.s32 $0xFFFF9C00  }
0x760: {  	_ =	swait.ge [sflag:s10], $0x6400  }
0x761: {  	[sflag:s10] =	ssyncset.done $0x0  }
0x762: {  	[sflag:s10] =	ssyncadd.s32 $0xFFFF9C00  }
0x763: {  	_ =	swait.ge [sflag:s11], $0x6400  }
0x764: {  	[sflag:s11] =	ssyncset.done $0x0  }
0x765: {  	[sflag:s11] =	ssyncadd.s32 $0xFFFF9C00  }
0x766: {  	_ =	swait.ge [sflag:s12], $0x6400  }
0x767: {  	[sflag:s12] =	ssyncset.done $0x0  }
0x768: {  	[sflag:s12] =	ssyncadd.s32 $0xFFFF9C00  }
0x769: {  	_ =	sfence.sel $0x180000  }
0x76a: {  	[bflag:$0x0] =	sbarrier.arrive $0xFFFF  }
0x76b: {  	_ =	strace $0x90000047  }
0x76c: {  	s0 =	sadd.s32 @!p0 $0x100000, s30;
	[bflag:$0x2] =	sbarrier.arrive $0xFFFF  }
0x76d: {  	[sflag:s0] =	ssyncadd.tile.s32 @!p0 $0x1;
	_ =	shalt  }
.LBB2_2:
.Ltmp3:
0x76e: {  	(pc) =	sbr.rel .LBB2_5-.Ltmp3, $2  }
0x76f: {  	_ =	sdelay $0x2  }
0x770: {  	s30 =	rddreg [dreg:$0x5]  }
.Lfunc_end2:
_tile_overlayer_lowered:
.L_overlay_start_2:
0x771: {  	(tag) =	ssettag $0x2  }
0x772: {  	s0 =	rddreg [dreg:$0x0];
	s2 =	stileid.u32  }
0x773: {  	s1 =	rddreg [dreg:$0x1];
	p0 =	sne.s32 s2, $0x0  }
0x774: {  	s3 =	rddreg [dreg:$0x2];
	[bflag:$0x3] =	sbarrier.arrive $0xFFFF;
	s2 =	simm.s32 @!p0 $0x1C0E  }
0x775: {  	[timem:s3], [sflag:s2] =	dma.local @!p0 [hbm:s0], s1  }
0x776: {  	s0 =	simm.s32 @!p0 $0xE  }
0x777: {  	_ =	swait.ge @!p0 [sflag:s0], s1  }
0x778: {  	s1 =	ssub.s32 @!p0 $0x0, s1;
	[sflag:s0] =	ssyncset.done @!p0 $0x0  }
0x779: {  	[sflag:s0] =	ssyncadd.s32 @!p0 s1  }
0x77a: {  	[bflag:$0x3] =	sbarrier.arrive $0xFFFF  }
0x77b: {  	_ =	shalt  }

</sc_bundles>
